<compile_context>
chip_gen: v7x
topology: tpu7x:2x2x1
jax: 0.10.2.dev20260603
libtpu: 0.0.44.dev20260713+nightly
codegen_flags: <defaults>
</compile_context>

<pallas_src>
import functools

import jax
import jax.numpy as jnp
from jax import lax
from jax.experimental import pallas as pl
from jax.experimental.pallas import tpu as pltpu
from jax.experimental.pallas import tpu_sc as plsc

N = 10000
HID = 256

NPAD = 10240
BM = 1024
NB = NPAD // BM
K = 128
NH = NPAD // 2
DROW = NH
SROWS = NH + 8
RPC = NH // 16



def _tc_dense_kernel(layer2, x0_ref, x1_ref, w0_ref, w1_ref, m_ref,
                     b_ref, h0_ref, h1_ref, a_ref):
    x0 = x0_ref[...] + b_ref[0:1, :]
    x1 = x1_ref[...] + b_ref[1:2, :]
    if layer2:
        x0 = jnp.where(x0 > 0, x0, jnp.exp(x0) - 1.0)
        x1 = jnp.where(x1 > 0, x1, jnp.exp(x1) - 1.0)
    h = (jnp.dot(x0, w0_ref[...], preferred_element_type=jnp.float32)
         + jnp.dot(x1, w1_ref[...], preferred_element_type=jnp.float32))
    h0_ref[...] = h[:, :128]
    h1_ref[...] = h[:, 128:]
    a_ref[...] = jnp.dot(h, m_ref[...], preferred_element_type=jnp.float32)


def _tc_dense(x0, x1, w, m, b, layer2):
    if layer2:
        kx = 128
        xs1 = pl.BlockSpec((BM, kx), lambda i: (i, 0))
    else:
        kx = 256
        xs1 = pl.BlockSpec((BM, kx), lambda i: (i, 1))
    return pl.pallas_call(
        functools.partial(_tc_dense_kernel, layer2),
        grid=(NB,),
        in_specs=[
            pl.BlockSpec((BM, kx), lambda i: (i, 0)), xs1,
            pl.BlockSpec((kx, HID), lambda i: (0, 0)),
            pl.BlockSpec((kx, HID), lambda i: (1, 0)),
            pl.BlockSpec((HID, 16), lambda i: (0, 0)),
            pl.BlockSpec((2, kx), lambda i: (0, 0)),
        ],
        out_specs=[
            pl.BlockSpec((BM, 128), lambda i: (i, 0)),
            pl.BlockSpec((BM, 128), lambda i: (i, 0)),
            pl.BlockSpec((BM, 16), lambda i: (i, 0)),
        ],
        out_shape=[
            jax.ShapeDtypeStruct((NPAD, 128), jnp.float32),
            jax.ShapeDtypeStruct((NPAD, 128), jnp.float32),
            jax.ShapeDtypeStruct((NPAD, 16), jnp.float32),
        ],
    )(x0, x1, w, w, m, b)




def _edge_phase(h0, h1, a, src, dst, bias):
    h = jnp.concatenate([h0, h1], axis=1)
    alpha = a[src][:, :8] + a[dst][:, 8:]
    alpha = jnp.where(alpha > 0, alpha, 0.2 * alpha)
    e = jnp.exp(alpha)
    denom = jax.ops.segment_sum(e, dst, num_segments=NPAD)
    msg = h[src] * jnp.repeat(e, 32, axis=1)
    out = jax.ops.segment_sum(msg, dst, num_segments=NPAD)
    out = out / (jnp.repeat(denom, 32, axis=1) + 1e-16) + bias
    return out[:, :128], out[:, 128:]


def _build_m(att_src, att_dst):
    heads = att_src.shape[1]
    if heads == 8:
        eye = jnp.eye(8, dtype=jnp.float32)
        msrc = (eye[:, None, :] * att_src[0][:, :, None]).reshape(HID, 8)
        mdst = (eye[:, None, :] * att_dst[0][:, :, None]).reshape(HID, 8)
    else:
        msrc = jnp.tile(att_src[0, 0][:, None], (1, 8))
        mdst = jnp.tile(att_dst[0, 0][:, None], (1, 8))
    return jnp.concatenate([msrc, mdst], axis=1)


def kernel(edge_feature, edge_index, W1, att_src1, att_dst1, b1,
           W2, att_src2, att_dst2, b2):
    x = jnp.pad(edge_feature, ((0, NPAD - N), (0, 0)))
    loops = jnp.arange(N, dtype=jnp.int32)
    src = jnp.concatenate([edge_index[0], loops])
    dst = jnp.concatenate([edge_index[1], loops])

    m1 = _build_m(att_src1, att_dst1)
    m2 = _build_m(att_src2, att_dst2)

    g0, g1, a1 = _tc_dense(x, x, W1, m1, jnp.zeros((2, 256), jnp.float32),
                           False)
    o1a, o1b = _edge_phase(g0, g1, a1, src, dst,
                           jnp.zeros((HID,), jnp.float32))
    f0, f1, a2 = _tc_dense(o1a, o1b, W2, m2, b1.reshape(2, 128), True)
    o2a, o2b = _edge_phase(f0, f1, a2, src, dst, b2)
    return jnp.concatenate([o2a[:N], o2b[:N]], axis=1)

# --- scband reference (transcript-rebuilt; emitter-appended) ---
"""Pipeline reference for scband-gatedge-net-m-25262997635275 (READ-ONLY COPY).

The authoritative reference and input builder live on the scoring server;
editing this copy changes nothing except your own understanding.
"""

import jax, jax.numpy as jnp
import numpy as np

N = 10000
E = 160000
IN_DIM = 512
HID = 256
HEADS = 8
C1 = HID // HEADS  # 32


def gat_conv(x, src, dst, W, att_src, att_dst, bias, heads, out_ch, concat, num_nodes):
    # PyG-style GATConv (v1), eval mode (dropout disabled), self-loops already added
    h = (x @ W).reshape(num_nodes, heads, out_ch)          # [N, H, C]
    a_src = (h * att_src).sum(-1)                          # [N, H]
    a_dst = (h * att_dst).sum(-1)                          # [N, H]
    alpha = a_src[src] + a_dst[dst]                        # [Etot, H] gather
    alpha = jax.nn.leaky_relu(alpha, 0.2)
    amax = jax.lax.stop_gradient(jax.ops.segment_max(alpha, dst, num_segments=num_nodes))
    alpha = jnp.exp(alpha - amax[dst])
    denom = jax.ops.segment_sum(alpha, dst, num_segments=num_nodes)
    alpha = alpha / (denom[dst] + 1e-16)                   # softmax over incoming edges
    msg = h[src] * alpha[:, :, None]                       # gather + weight
    out = jax.ops.segment_sum(msg, dst, num_segments=num_nodes)  # scatter-add
    if concat:
        out = out.reshape(num_nodes, heads * out_ch)
    else:
        out = out.mean(axis=1)
    return out + bias


def setup_inputs(seed: int = 0) -> dict:
    key = jax.random.key(seed)
    ks = jax.random.split(key, 12)
    edge_feature = jax.random.normal(ks[0], (N, IN_DIM), dtype=jnp.float32)
    edge_index = jax.random.randint(ks[1], (2, E), 0, N, dtype=jnp.int32)
    W1 = jax.random.normal(ks[2], (IN_DIM, HEADS * C1), dtype=jnp.float32) * (1.0 / np.sqrt(IN_DIM))
    att_src1 = jax.random.normal(ks[3], (1, HEADS, C1), dtype=jnp.float32) * 0.1
    att_dst1 = jax.random.normal(ks[4], (1, HEADS, C1), dtype=jnp.float32) * 0.1
    b1 = jnp.zeros((HEADS * C1,), dtype=jnp.float32)
    W2 = jax.random.normal(ks[5], (HID, HID), dtype=jnp.float32) * (1.0 / np.sqrt(HID))
    att_src2 = jax.random.normal(ks[6], (1, 1, HID), dtype=jnp.float32) * 0.1
    att_dst2 = jax.random.normal(ks[7], (1, 1, HID), dtype=jnp.float32) * 0.1
    b2 = jnp.zeros((HID,), dtype=jnp.float32)
    return {"edge_feature": edge_feature, "edge_index": edge_index,
            "W1": W1, "att_src1": att_src1, "att_dst1": att_dst1, "b1": b1,
            "W2": W2, "att_src2": att_src2, "att_dst2": att_dst2, "b2": b2}


def reference(edge_feature, edge_index, W1, att_src1, att_dst1, b1, W2, att_src2, att_dst2, b2):
    src = edge_index[0]
    dst = edge_index[1]
    loops = jnp.arange(N, dtype=src.dtype)
    src = jnp.concatenate([src, loops])
    dst = jnp.concatenate([dst, loops])
    h1 = gat_conv(edge_feature, src, dst, W1, att_src1, att_dst1, b1, HEADS, C1, True, N)
    f1 = jax.nn.elu(h1)
    out = gat_conv(f1, src, dst, W2, att_src2, att_dst2, b2, 1, HID, False, N)
    return out

if __name__ == "__main__":
    import jax
    _d = setup_inputs()
    print(jax.jit(kernel)(*tuple(_d.values())))

</pallas_src>

<mosaic_0001>
module attributes {stable_mosaic.version = 14 : i64} {
  func.func @_tc_dense_kernel(%arg0: i32, %arg1: memref<1024x256xf32, #tpu.memory_space<vmem>>, %arg2: memref<1024x256xf32, #tpu.memory_space<vmem>>, %arg3: memref<256x256xf32, #tpu.memory_space<vmem>>, %arg4: memref<256x256xf32, #tpu.memory_space<vmem>>, %arg5: memref<256x16xf32, #tpu.memory_space<vmem>>, %arg6: memref<2x256xf32, #tpu.memory_space<vmem>>, %arg7: memref<1024x128xf32, #tpu.memory_space<vmem>>, %arg8: memref<1024x128xf32, #tpu.memory_space<vmem>>, %arg9: memref<1024x16xf32, #tpu.memory_space<vmem>>) attributes {dimension_semantics = [#tpu.dimension_semantics<arbitrary>], iteration_bounds = array<i64: 10>, scalar_prefetch = 0 : i64, scratch_operands = 0 : i64, tpu.core_type = #tpu.core_type<tc>, window_params = [{transform_indices = @transform_0, window_bounds = array<i64: 1024, 256>}, {transform_indices = @transform_1, window_bounds = array<i64: 1024, 256>}, {transform_indices = @transform_2, window_bounds = array<i64: 256, 256>}, {transform_indices = @transform_3, window_bounds = array<i64: 256, 256>}, {pipeline_mode = #tpu.pipeline_mode<synchronous>, transform_indices = @transform_4, window_bounds = array<i64: 256, 16>}, {pipeline_mode = #tpu.pipeline_mode<synchronous>, transform_indices = @transform_5, window_bounds = array<i64: 2, 256>}, {transform_indices = @transform_6, window_bounds = array<i64: 1024, 128>}, {transform_indices = @transform_7, window_bounds = array<i64: 1024, 128>}, {transform_indices = @transform_8, window_bounds = array<i64: 1024, 16>}]} {
    %get3A = arith.constant 0 : index
    %get3A_0 = arith.constant 0 : index
    %get3A_1 = vector.load %arg1[%get3A, %get3A_0] : memref<1024x256xf32, #tpu.memory_space<vmem>>, vector<1024x256xf32>
    %get3A_2 = arith.constant 0 : index
    %get3A_3 = arith.constant 0 : index
    %get3A_4 = vector.load %arg6[%get3A_2, %get3A_3] : memref<2x256xf32, #tpu.memory_space<vmem>>, vector<1x256xf32>
    %add3A = vector.broadcast %get3A_4 : vector<1x256xf32> to vector<1024x256xf32>
    %add3A_5 = arith.addf %get3A_1, %add3A : vector<1024x256xf32>
    %get3A_6 = arith.constant 0 : index
    %get3A_7 = arith.constant 0 : index
    %get3A_8 = vector.load %arg2[%get3A_6, %get3A_7] : memref<1024x256xf32, #tpu.memory_space<vmem>>, vector<1024x256xf32>
    %get3A_9 = arith.constant 1 : index
    %get3A_10 = arith.constant 0 : index
    %get3A_11 = vector.load %arg6[%get3A_9, %get3A_10] : memref<2x256xf32, #tpu.memory_space<vmem>>, vector<1x256xf32>
    %add3A_12 = vector.broadcast %get3A_11 : vector<1x256xf32> to vector<1024x256xf32>
    %add3A_13 = arith.addf %get3A_8, %add3A_12 : vector<1024x256xf32>
    %get3A_14 = arith.constant 0 : index
    %get3A_15 = arith.constant 0 : index
    %get3A_16 = vector.load %arg3[%get3A_14, %get3A_15] : memref<256x256xf32, #tpu.memory_space<vmem>>, vector<256x256xf32>
    %dot_general3A = arith.constant dense<0.000000e+00> : vector<1024x256xf32>
    %dot_general3A_17 = tpu.matmul %add3A_5, %get3A_16, %dot_general3A {dimension_numbers = #tpu.dot_dimension_numbers<[1], [0], [0], [1], [0, 0, 1, 1], [], []>, transpose_lhs_hint = false} : vector<1024x256xf32>, vector<256x256xf32>, vector<1024x256xf32> -> vector<1024x256xf32>
    %get3A_18 = arith.constant 0 : index
    %get3A_19 = arith.constant 0 : index
    %get3A_20 = vector.load %arg4[%get3A_18, %get3A_19] : memref<256x256xf32, #tpu.memory_space<vmem>>, vector<256x256xf32>
    %dot_general3A_21 = arith.constant dense<0.000000e+00> : vector<1024x256xf32>
    %dot_general3A_22 = tpu.matmul %add3A_13, %get3A_20, %dot_general3A_21 {dimension_numbers = #tpu.dot_dimension_numbers<[1], [0], [0], [1], [0, 0, 1, 1], [], []>, transpose_lhs_hint = false} : vector<1024x256xf32>, vector<256x256xf32>, vector<1024x256xf32> -> vector<1024x256xf32>
    %add3A_23 = arith.addf %dot_general3A_17, %dot_general3A_22 : vector<1024x256xf32>
    %slice3A = vector.extract_strided_slice %add3A_23 {offsets = [0, 0], sizes = [1024, 128], strides = [1, 1]} : vector<1024x256xf32> to vector<1024x128xf32>
    %swap3A = arith.constant 0 : index
    %swap3A_24 = arith.constant 0 : index
    %swap3A_25 = vector.load %arg7[%swap3A, %swap3A_24] : memref<1024x128xf32, #tpu.memory_space<vmem>>, vector<1024x128xf32>
    tpu.vector_store %arg7[%swap3A, %swap3A_24], %slice3A {strides = array<i32>} : memref<1024x128xf32, #tpu.memory_space<vmem>>, vector<1024x128xf32>,
    %slice3A_26 = vector.extract_strided_slice %add3A_23 {offsets = [0, 128], sizes = [1024, 128], strides = [1, 1]} : vector<1024x256xf32> to vector<1024x128xf32>
    %swap3A_27 = arith.constant 0 : index
    %swap3A_28 = arith.constant 0 : index
    %swap3A_29 = vector.load %arg8[%swap3A_27, %swap3A_28] : memref<1024x128xf32, #tpu.memory_space<vmem>>, vector<1024x128xf32>
    tpu.vector_store %arg8[%swap3A_27, %swap3A_28], %slice3A_26 {strides = array<i32>} : memref<1024x128xf32, #tpu.memory_space<vmem>>, vector<1024x128xf32>,
    %get3A_30 = arith.constant 0 : index
    %get3A_31 = arith.constant 0 : index
    %get3A_32 = vector.load %arg5[%get3A_30, %get3A_31] : memref<256x16xf32, #tpu.memory_space<vmem>>, vector<256x16xf32>
    %dot_general3A_33 = arith.constant dense<0.000000e+00> : vector<1024x16xf32>
    %dot_general3A_34 = tpu.matmul %add3A_23, %get3A_32, %dot_general3A_33 {dimension_numbers = #tpu.dot_dimension_numbers<[1], [0], [0], [1], [0, 0, 1, 1], [], []>, transpose_lhs_hint = false} : vector<1024x256xf32>, vector<256x16xf32>, vector<1024x16xf32> -> vector<1024x16xf32>
    %swap3A_35 = arith.constant 0 : index
    %swap3A_36 = arith.constant 0 : index
    %swap3A_37 = vector.load %arg9[%swap3A_35, %swap3A_36] : memref<1024x16xf32, #tpu.memory_space<vmem>>, vector<1024x16xf32>
    tpu.vector_store %arg9[%swap3A_35, %swap3A_36], %dot_general3A_34 {strides = array<i32>} : memref<1024x16xf32, #tpu.memory_space<vmem>>, vector<1024x16xf32>,
    return
  }
  func.func @transform_0(%arg0: i32) -> (i32, i32) {
    %c0_i32 = arith.constant 0 : i32
    %c0_i32_0 = arith.constant 0 : i32
    return %arg0, %c0_i32 : i32, i32
  }
  func.func @transform_1(%arg0: i32) -> (i32, i32) {
    %c1_i32 = arith.constant 1 : i32
    %c0_i32 = arith.constant 0 : i32
    return %arg0, %c1_i32 : i32, i32
  }
  func.func @transform_2(%arg0: i32) -> (i32, i32) {
    %c0_i32 = arith.constant 0 : i32
    %c0_i32_0 = arith.constant 0 : i32
    %c0_i32_1 = arith.constant 0 : i32
    return %c0_i32, %c0_i32_0 : i32, i32
  }
  func.func @transform_3(%arg0: i32) -> (i32, i32) {
    %c1_i32 = arith.constant 1 : i32
    %c0_i32 = arith.constant 0 : i32
    %c0_i32_0 = arith.constant 0 : i32
    return %c1_i32, %c0_i32 : i32, i32
  }
  func.func @transform_4(%arg0: i32) -> (i32, i32) {
    %c0_i32 = arith.constant 0 : i32
    %c0_i32_0 = arith.constant 0 : i32
    %c0_i32_1 = arith.constant 0 : i32
    return %c0_i32, %c0_i32_0 : i32, i32
  }
  func.func @transform_5(%arg0: i32) -> (i32, i32) {
    %c0_i32 = arith.constant 0 : i32
    %c0_i32_0 = arith.constant 0 : i32
    %c0_i32_1 = arith.constant 0 : i32
    return %c0_i32, %c0_i32_0 : i32, i32
  }
  func.func @transform_6(%arg0: i32) -> (i32, i32) {
    %c0_i32 = arith.constant 0 : i32
    %c0_i32_0 = arith.constant 0 : i32
    return %arg0, %c0_i32 : i32, i32
  }
  func.func @transform_7(%arg0: i32) -> (i32, i32) {
    %c0_i32 = arith.constant 0 : i32
    %c0_i32_0 = arith.constant 0 : i32
    return %arg0, %c0_i32 : i32, i32
  }
  func.func @transform_8(%arg0: i32) -> (i32, i32) {
    %c0_i32 = arith.constant 0 : i32
    %c0_i32_0 = arith.constant 0 : i32
    return %arg0, %c0_i32 : i32, i32
  }
}

module attributes {stable_mosaic.version = 14 : i64} {
  func.func @_tc_dense_kernel(%arg0: i32, %arg1: memref<1024x128xf32, #tpu.memory_space<vmem>>, %arg2: memref<1024x128xf32, #tpu.memory_space<vmem>>, %arg3: memref<128x256xf32, #tpu.memory_space<vmem>>, %arg4: memref<128x256xf32, #tpu.memory_space<vmem>>, %arg5: memref<256x16xf32, #tpu.memory_space<vmem>>, %arg6: memref<2x128xf32, #tpu.memory_space<vmem>>, %arg7: memref<1024x128xf32, #tpu.memory_space<vmem>>, %arg8: memref<1024x128xf32, #tpu.memory_space<vmem>>, %arg9: memref<1024x16xf32, #tpu.memory_space<vmem>>) attributes {dimension_semantics = [#tpu.dimension_semantics<arbitrary>], iteration_bounds = array<i64: 10>, scalar_prefetch = 0 : i64, scratch_operands = 0 : i64, tpu.core_type = #tpu.core_type<tc>, window_params = [{transform_indices = @transform_0, window_bounds = array<i64: 1024, 128>}, {transform_indices = @transform_1, window_bounds = array<i64: 1024, 128>}, {transform_indices = @transform_2, window_bounds = array<i64: 128, 256>}, {transform_indices = @transform_3, window_bounds = array<i64: 128, 256>}, {pipeline_mode = #tpu.pipeline_mode<synchronous>, transform_indices = @transform_4, window_bounds = array<i64: 256, 16>}, {pipeline_mode = #tpu.pipeline_mode<synchronous>, transform_indices = @transform_5, window_bounds = array<i64: 2, 128>}, {transform_indices = @transform_6, window_bounds = array<i64: 1024, 128>}, {transform_indices = @transform_7, window_bounds = array<i64: 1024, 128>}, {transform_indices = @transform_8, window_bounds = array<i64: 1024, 16>}]} {
    %get3A = arith.constant 0 : index
    %get3A_0 = arith.constant 0 : index
    %get3A_1 = vector.load %arg1[%get3A, %get3A_0] : memref<1024x128xf32, #tpu.memory_space<vmem>>, vector<1024x128xf32>
    %get3A_2 = arith.constant 0 : index
    %get3A_3 = arith.constant 0 : index
    %get3A_4 = vector.load %arg6[%get3A_2, %get3A_3] : memref<2x128xf32, #tpu.memory_space<vmem>>, vector<1x128xf32>
    %add3A = vector.broadcast %get3A_4 : vector<1x128xf32> to vector<1024x128xf32>
    %add3A_5 = arith.addf %get3A_1, %add3A : vector<1024x128xf32>
    %get3A_6 = arith.constant 0 : index
    %get3A_7 = arith.constant 0 : index
    %get3A_8 = vector.load %arg2[%get3A_6, %get3A_7] : memref<1024x128xf32, #tpu.memory_space<vmem>>, vector<1024x128xf32>
    %get3A_9 = arith.constant 1 : index
    %get3A_10 = arith.constant 0 : index
    %get3A_11 = vector.load %arg6[%get3A_9, %get3A_10] : memref<2x128xf32, #tpu.memory_space<vmem>>, vector<1x128xf32>
    %add3A_12 = vector.broadcast %get3A_11 : vector<1x128xf32> to vector<1024x128xf32>
    %add3A_13 = arith.addf %get3A_8, %add3A_12 : vector<1024x128xf32>
    %gt3A = arith.constant 0.000000e+00 : f32
    %gt3A_14 = vector.broadcast %gt3A : f32 to vector<1024x128xf32>
    %gt3A_15 = arith.cmpf ogt, %add3A_5, %gt3A_14 : vector<1024x128xf32>
    %exp3A = math.exp %add3A_5 : vector<1024x128xf32>
    %sub3A = arith.constant 1.000000e+00 : f32
    %sub3A_16 = vector.broadcast %sub3A : f32 to vector<1024x128xf32>
    %sub3A_17 = arith.subf %exp3A, %sub3A_16 : vector<1024x128xf32>
    %select_n3A = arith.select %gt3A_15, %add3A_5, %sub3A_17 : vector<1024x128xi1>, vector<1024x128xf32>
    %gt3A_18 = arith.constant 0.000000e+00 : f32
    %gt3A_19 = vector.broadcast %gt3A_18 : f32 to vector<1024x128xf32>
    %gt3A_20 = arith.cmpf ogt, %add3A_13, %gt3A_19 : vector<1024x128xf32>
    %exp3A_21 = math.exp %add3A_13 : vector<1024x128xf32>
    %sub3A_22 = arith.constant 1.000000e+00 : f32
    %sub3A_23 = vector.broadcast %sub3A_22 : f32 to vector<1024x128xf32>
    %sub3A_24 = arith.subf %exp3A_21, %sub3A_23 : vector<1024x128xf32>
    %select_n3A_25 = arith.select %gt3A_20, %add3A_13, %sub3A_24 : vector<1024x128xi1>, vector<1024x128xf32>
    %get3A_26 = arith.constant 0 : index
    %get3A_27 = arith.constant 0 : index
    %get3A_28 = vector.load %arg3[%get3A_26, %get3A_27] : memref<128x256xf32, #tpu.memory_space<vmem>>, vector<128x256xf32>
    %dot_general3A = arith.constant dense<0.000000e+00> : vector<1024x256xf32>
    %dot_general3A_29 = tpu.matmul %select_n3A, %get3A_28, %dot_general3A {dimension_numbers = #tpu.dot_dimension_numbers<[1], [0], [0], [1], [0, 0, 1, 1], [], []>, transpose_lhs_hint = false} : vector<1024x128xf32>, vector<128x256xf32>, vector<1024x256xf32> -> vector<1024x256xf32>
    %get3A_30 = arith.constant 0 : index
    %get3A_31 = arith.constant 0 : index
    %get3A_32 = vector.load %arg4[%get3A_30, %get3A_31] : memref<128x256xf32, #tpu.memory_space<vmem>>, vector<128x256xf32>
    %dot_general3A_33 = arith.constant dense<0.000000e+00> : vector<1024x256xf32>
    %dot_general3A_34 = tpu.matmul %select_n3A_25, %get3A_32, %dot_general3A_33 {dimension_numbers = #tpu.dot_dimension_numbers<[1], [0], [0], [1], [0, 0, 1, 1], [], []>, transpose_lhs_hint = false} : vector<1024x128xf32>, vector<128x256xf32>, vector<1024x256xf32> -> vector<1024x256xf32>
    %add3A_35 = arith.addf %dot_general3A_29, %dot_general3A_34 : vector<1024x256xf32>
    %slice3A = vector.extract_strided_slice %add3A_35 {offsets = [0, 0], sizes = [1024, 128], strides = [1, 1]} : vector<1024x256xf32> to vector<1024x128xf32>
    %swap3A = arith.constant 0 : index
    %swap3A_36 = arith.constant 0 : index
    %swap3A_37 = vector.load %arg7[%swap3A, %swap3A_36] : memref<1024x128xf32, #tpu.memory_space<vmem>>, vector<1024x128xf32>
    tpu.vector_store %arg7[%swap3A, %swap3A_36], %slice3A {strides = array<i32>} : memref<1024x128xf32, #tpu.memory_space<vmem>>, vector<1024x128xf32>,
    %slice3A_38 = vector.extract_strided_slice %add3A_35 {offsets = [0, 128], sizes = [1024, 128], strides = [1, 1]} : vector<1024x256xf32> to vector<1024x128xf32>
    %swap3A_39 = arith.constant 0 : index
    %swap3A_40 = arith.constant 0 : index
    %swap3A_41 = vector.load %arg8[%swap3A_39, %swap3A_40] : memref<1024x128xf32, #tpu.memory_space<vmem>>, vector<1024x128xf32>
    tpu.vector_store %arg8[%swap3A_39, %swap3A_40], %slice3A_38 {strides = array<i32>} : memref<1024x128xf32, #tpu.memory_space<vmem>>, vector<1024x128xf32>,
    %get3A_42 = arith.constant 0 : index
    %get3A_43 = arith.constant 0 : index
    %get3A_44 = vector.load %arg5[%get3A_42, %get3A_43] : memref<256x16xf32, #tpu.memory_space<vmem>>, vector<256x16xf32>
    %dot_general3A_45 = arith.constant dense<0.000000e+00> : vector<1024x16xf32>
    %dot_general3A_46 = tpu.matmul %add3A_35, %get3A_44, %dot_general3A_45 {dimension_numbers = #tpu.dot_dimension_numbers<[1], [0], [0], [1], [0, 0, 1, 1], [], []>, transpose_lhs_hint = false} : vector<1024x256xf32>, vector<256x16xf32>, vector<1024x16xf32> -> vector<1024x16xf32>
    %swap3A_47 = arith.constant 0 : index
    %swap3A_48 = arith.constant 0 : index
    %swap3A_49 = vector.load %arg9[%swap3A_47, %swap3A_48] : memref<1024x16xf32, #tpu.memory_space<vmem>>, vector<1024x16xf32>
    tpu.vector_store %arg9[%swap3A_47, %swap3A_48], %dot_general3A_46 {strides = array<i32>} : memref<1024x16xf32, #tpu.memory_space<vmem>>, vector<1024x16xf32>,
    return
  }
  func.func @transform_0(%arg0: i32) -> (i32, i32) {
    %c0_i32 = arith.constant 0 : i32
    %c0_i32_0 = arith.constant 0 : i32
    return %arg0, %c0_i32 : i32, i32
  }
  func.func @transform_1(%arg0: i32) -> (i32, i32) {
    %c0_i32 = arith.constant 0 : i32
    %c0_i32_0 = arith.constant 0 : i32
    return %arg0, %c0_i32 : i32, i32
  }
  func.func @transform_2(%arg0: i32) -> (i32, i32) {
    %c0_i32 = arith.constant 0 : i32
    %c0_i32_0 = arith.constant 0 : i32
    %c0_i32_1 = arith.constant 0 : i32
    return %c0_i32, %c0_i32_0 : i32, i32
  }
  func.func @transform_3(%arg0: i32) -> (i32, i32) {
    %c1_i32 = arith.constant 1 : i32
    %c0_i32 = arith.constant 0 : i32
    %c0_i32_0 = arith.constant 0 : i32
    return %c1_i32, %c0_i32 : i32, i32
  }
  func.func @transform_4(%arg0: i32) -> (i32, i32) {
    %c0_i32 = arith.constant 0 : i32
    %c0_i32_0 = arith.constant 0 : i32
    %c0_i32_1 = arith.constant 0 : i32
    return %c0_i32, %c0_i32_0 : i32, i32
  }
  func.func @transform_5(%arg0: i32) -> (i32, i32) {
    %c0_i32 = arith.constant 0 : i32
    %c0_i32_0 = arith.constant 0 : i32
    %c0_i32_1 = arith.constant 0 : i32
    return %c0_i32, %c0_i32_0 : i32, i32
  }
  func.func @transform_6(%arg0: i32) -> (i32, i32) {
    %c0_i32 = arith.constant 0 : i32
    %c0_i32_0 = arith.constant 0 : i32
    return %arg0, %c0_i32 : i32, i32
  }
  func.func @transform_7(%arg0: i32) -> (i32, i32) {
    %c0_i32 = arith.constant 0 : i32
    %c0_i32_0 = arith.constant 0 : i32
    return %arg0, %c0_i32 : i32, i32
  }
  func.func @transform_8(%arg0: i32) -> (i32, i32) {
    %c0_i32 = arith.constant 0 : i32
    %c0_i32_0 = arith.constant 0 : i32
    return %arg0, %c0_i32 : i32, i32
  }
}

</mosaic_0001>

<sc_bundles>
// kernel: scatter_offload_async_start.1
scs
__scs_entry_jumppad:
0x0: {  	(pc) =	sbr.rel $0x88, $3  }
0x1: {  	(tag) =	ssettag $0x0;
	lr =	simm.s32 $0x1  }
0x2: {  	[smem:$0x3F97] =	sst lr;
	_ =	strace $0xD0000000  }
0x3: {  	_ = 	snop  }
0x4: {  	_ = 	snop  }
0x5: {  	_ = 	snop  }
0x6: {  	_ = 	snop  }
0x7: {  	_ = 	snop  }
__scs_overlays_trampoline_lowered:
0x8: {  	[smem:$0x3FA6] =	sst s0  }
0x9: {  	[smem:$0x3FA7] =	sst s1  }
0xa: {  	[smem:$0x3FA8] =	sst s2  }
0xb: {  	[smem:$0x3FA9] =	sst s3  }
0xc: {  	[smem:$0x3FAA] =	sst s4  }
0xd: {  	[smem:$0x3FAB] =	sst s5  }
0xe: {  	[smem:$0x3FAC] =	sst s6  }
0xf: {  	[smem:$0x3FAD] =	sst s7  }
0x10: {  	[smem:$0x3FAE] =	sst s8  }
0x11: {  	[smem:$0x3FAF] =	sst s9;
	s0 =	simm.s32 @!p0 $0x0  }
0x12: {  	s1 =	sld [smem:$0x3F95];
	s0 =	simm.s32 @p0 $0x1  }
0x13: {  	[smem:$0x3FB0] =	sst s0;
	s0 =	simm.s32 @!p1 $0x0  }
0x14: {  	s2 =	sld [smem:$0x3F94];
	s0 =	simm.s32 @p1 $0x1  }
0x15: {  	[smem:$0x3FB1] =	sst s0;
	s0 =	simm.s32 @!p2 $0x0  }
0x16: {  	s3 =	sld [smem:$0x3FDB];
	s0 =	simm.s32 @p2 $0x1  }
0x17: {  	s4 =	simm.s32 $0x1BF5;
	[smem:$0x3FB3] =	sst s0  }
0x18: {  	s0 =	sld [smem:$0x3F96];
	_ =	swait.ge [sflag:s4], $0x0  }
0x19: {  	s7 =	sld [smem:$0x3F97]  }
0x1a: {  	s8 =	sadd.s32 $0xFFFFE003, lr  }
0x1b: {  	s9 =	sadd.s32 $0xFFFFFEF7, lr;
	s5 =	simm.s32 $0xFFFFFFFF;
	p2 =	slt.u32 s8, $0xFFFFF086  }
0x1c: {  	p1 =	slt.u32 s9, $0xF7A;
	s5 =	simm.s32 @!p2 $0x0  }
0x1d: {  	s5 =	simm.s32 @p1 $0x1;
	p0 =	seq.s32 s7, s2  }
0x1e: {  	s7 =	smul.u32 @!p0 $0xF7A, s2;
	p2 =	seq.s32 @!p0 s5, $0x0  }
0x1f: {  	s9 =	smul.u32 $0xF7A, s1;
	s8 =	simm.s32 @!p0 $0x1BF5;
	p2 =	por !p2, p0  }
0x20: {  	[sflag:s8] =	ssyncset.s32 @!p0 $0xFFFFF086;
	s6 =	sadd.s32 @!p0 s3, s7;
	s7 =	simm.s32 @!p0 $0x108  }
0x21: {  	s3 =	sadd.s32 s3, s9;
	s6 =	sadd.s32 @!p0 $0x88, s6;
	s7 =	simm.s32 @p2 $0x1082  }
0x22: {  	[simem:s7], [sflag:s8] =	dma.local @!p0 [hbm:s6], $0xF7A  }
0x23: {  	s9 =	sor.u32 $0xD0000000, s2;
	s6 =	simm.s32 $0x108;
	_ =	swait.ge @!p0 [sflag:s8], $0x0  }
0x24: {  	s3 =	sadd.s32 $0x88, s3;
	s6 =	simm.s32 @!p1 $0x1082;
	[sflag:s4] =	ssyncset.s32 $0xFFFFF086  }
0x25: {  	[simem:s6], [sflag:s4] =	dma.local [hbm:s3], $0xF7A  }
0x26: {  	[smem:$0x3F97] =	sst s1;
	(tag) =	ssettag s2;
	_ =	strace s9  }
0x27: {  	s1 =	sld [smem:$0x3FA7]  }
0x28: {  	s2 =	sld [smem:$0x3FA8]  }
0x29: {  	s4 =	sld [smem:$0x3FAA]  }
0x2a: {  	p0 =	seq.s32 s5, $0x0;
	s5 =	sld [smem:$0x3FAB]  }
0x2b: {  	s6 =	sld [smem:$0x3FAC]  }
0x2c: {  	s7 =	sld [smem:$0x3FAD]  }
0x2d: {  	s3 =	simm.s32 $0x108;
	s8 =	sld [smem:$0x3FAE]  }
0x2e: {  	s3 =	simm.s32 @!p0 $0x1082;
	s9 =	sld [smem:$0x3FAF]  }
0x2f: {  	lr =	sadd.s32 s0, s3;
	s0 =	sld [smem:$0x3FA6]  }
0x30: {  	s3 =	sld [smem:$0x3FA9]  }
0x31: {  	[smem:$0x3FB2] =	sst s10  }
0x32: {  	s10 =	sld [smem:$0x3FB0];
	_ =	sdelay $0x3  }
0x33: {  	p0 =	seq.s32 s10, $0x1;
	s10 =	sld [smem:$0x3FB2];
	_ =	sdelay $0x3  }
0x34: {  	[smem:$0x3FB2] =	sst s10  }
0x35: {  	s10 =	sld [smem:$0x3FB1];
	_ =	sdelay $0x3  }
0x36: {  	p1 =	seq.s32 s10, $0x1;
	s10 =	sld [smem:$0x3FB2];
	_ =	sdelay $0x3  }
0x37: {  	[smem:$0x3FB2] =	sst s10  }
0x38: {  	s10 =	sld [smem:$0x3FB3]  }
0x39: {  	_ = 	snop;
	(pc) =	sbr.ind lr, $3  }
0x3a: {  	_ = 	snop  }
0x3b: {  	_ = 	snop  }
0x3c: {  	p2 =	seq.s32 s10, $0x1;
	s10 =	sld [smem:$0x3FB2]  }
0x3d: {  	_ =	shalt  }
0x3e: {  	_ =	shalt  }
0x3f: {  	_ =	shalt  }
0x40: {  	_ =	shalt  }
0x41: {  	_ =	shalt  }
0x42: {  	_ =	shalt  }
0x43: {  	_ =	shalt  }
0x44: {  	_ =	shalt  }
0x45: {  	_ =	shalt  }
0x46: {  	_ =	shalt  }
0x47: {  	_ =	shalt  }
0x48: {  	_ =	shalt  }
0x49: {  	_ =	shalt  }
0x4a: {  	_ =	shalt  }
0x4b: {  	_ =	shalt  }
0x4c: {  	_ =	shalt  }
0x4d: {  	_ =	shalt  }
0x4e: {  	_ =	shalt  }
0x4f: {  	_ =	shalt  }
0x50: {  	_ =	shalt  }
0x51: {  	_ =	shalt  }
0x52: {  	_ =	shalt  }
0x53: {  	_ =	shalt  }
0x54: {  	_ =	shalt  }
0x55: {  	_ =	shalt  }
0x56: {  	_ =	shalt  }
0x57: {  	_ =	shalt  }
0x58: {  	_ =	shalt  }
0x59: {  	_ =	shalt  }
0x5a: {  	_ =	shalt  }
0x5b: {  	_ =	shalt  }
0x5c: {  	_ =	shalt  }
0x5d: {  	_ =	shalt  }
0x5e: {  	_ =	shalt  }
0x5f: {  	_ =	shalt  }
0x60: {  	_ =	shalt  }
0x61: {  	_ =	shalt  }
0x62: {  	_ =	shalt  }
0x63: {  	_ =	shalt  }
0x64: {  	_ =	shalt  }
0x65: {  	_ =	shalt  }
0x66: {  	_ =	shalt  }
0x67: {  	_ =	shalt  }
0x68: {  	_ =	shalt  }
0x69: {  	_ =	shalt  }
0x6a: {  	_ =	shalt  }
0x6b: {  	_ =	shalt  }
0x6c: {  	_ =	shalt  }
0x6d: {  	_ =	shalt  }
0x6e: {  	_ =	shalt  }
0x6f: {  	_ =	shalt  }
0x70: {  	_ =	shalt  }
0x71: {  	_ =	shalt  }
0x72: {  	_ =	shalt  }
0x73: {  	_ =	shalt  }
0x74: {  	_ =	shalt  }
0x75: {  	_ =	shalt  }
0x76: {  	_ =	shalt  }
0x77: {  	_ =	shalt  }
0x78: {  	_ =	shalt  }
0x79: {  	_ =	shalt  }
0x7a: {  	_ =	shalt  }
0x7b: {  	_ =	shalt  }
0x7c: {  	_ =	shalt  }
0x7d: {  	_ =	shalt  }
0x7e: {  	_ =	shalt  }
0x7f: {  	_ =	shalt  }
0x80: {  	_ =	shalt  }
0x81: {  	_ =	shalt  }
0x82: {  	_ =	shalt  }
0x83: {  	_ =	shalt  }
0x84: {  	_ =	shalt  }
0x85: {  	_ =	shalt  }
0x86: {  	_ =	shalt  }
0x87: {  	_ =	shalt  }
.Lfunc_end0:
.L_simem_size_0:
called_computation.1_lowered:
.L_overlay_start_0:
0x88: {  	s0 =	sld [smem:$0x3FD9]  }
0x89: {  	s1 =	sld [smem:$0x3FFE];
	_ =	sdelay $0x3  }
0x8a: {  	s0 =	sadd.s32 s1, s0  }
0x8b: {  	[smem:$0x3FBE] =	sst s0  }
0x8c: {  	_ = 	snop  }
0x8d: {  	(tm) =	ssettm $0x1  }
0x8e: {  	s14 =	sld [smem:$0x3FFB];
	_ =	sdelay $0x3  }
0x8f: {  	_ =	strace s14  }
0x90: {  	s0 =	sld [smem:$0x3FFC];
	_ =	sdelay $0x3  }
0x91: {  	_ =	strace s0  }
0x92: {  	s0 =	sld [smem:$0x3FFD];
	_ =	sdelay $0x3  }
0x93: {  	_ =	strace s0  }
0x94: {  	_ =	strace $0x8FFFFFFF  }
0x95: {  	s15 =	sld [smem:$0x3FDB];
	_ =	sdelay $0x1  }
0x96: {  	s16 =	simm.s32 $_scs_section_size  }
0x97: {  	s2 =	simm.s32 $_size__tile_overlayer_lowered;
	s3 =	simm.s32 $_tile_overlayer_lowered  }
0x98: {  	s4 =	simm.s32 $0x1BFF;
	s17 =	sshll.u32 s3, $0x1;
	s1 =	sadd.s32 s16, s15  }
0x99: {  	s18 =	simm.s32 $0x0;
	s2 =	sshll.u32 s2, $0x1;
	s3 =	sadd.s32 s17, s1  }
0x9a: {  	[timem:s18], [sflag:s4] =	dma.local [hbm:s3], s2  }
0x9b: {  	_ =	swait.ge [sflag:s4], s2  }
0x9c: {  	s2 =	ssub.s32 $0x0, s2;
	[sflag:s4] =	ssyncset.done $0x0  }
0x9d: {  	[sflag:s4] =	ssyncadd.s32 s2;
	_ =	sdelay $0x1  }
0x9e: {  	s19 =	simm.s32 $0x1B8B  }
0x9f: {  	_ =	swait.ge [sflag:s19], $0x1  }
0xa0: {  	[sflag:s19] =	ssyncset.done $0x0  }
0xa1: {  	s21 =	simm.s32 $0x1B8E;
	s20 =	sld [smem:$0x3FFE];
	[sflag:s19] =	ssyncadd.s32 $0xFFFFFFFF  }
0xa2: {  	s22 =	simm.s32 $execute0_lowered;
	[smem:$0x3FD2] =	sst s21  }
0xa3: {  	s3 =	sshll.u32 s22, $0x1;
	_ =	strace $0x8000004F;
	[dreg:$0x1] =	wrdreg $0xFFFFFFFF  }
0xa4: {  	s23 =	simm.s32 $_size_execute0_lowered;
	s3 =	sadd.s32 s1, s3;
	[dreg:$0x0] =	wrdreg $0x0  }
0xa5: {  	s4 =	sshll.u32 s23, $0x1;
	[dreg:$0x2] =	wrdreg s3  }
0xa6: {  	[dreg:$0x3] =	wrdreg s4  }
0xa7: {  	[dreg:$0x4] =	wrdreg $0xC0  }
0xa8: {  	s24 =	simm.s32 $execute1_lowered;
	_ =	task [dreg:s18], $0x5FFFF  }
0xa9: {  	s3 =	sshll.u32 s24, $0x1;
	[dreg:$0x1] =	wrdreg $0xFFFFFFFF  }
0xaa: {  	s1 =	sadd.s32 s1, s3;
	[dreg:$0x0] =	wrdreg $0x60  }
0xab: {  	[dreg:$0x2] =	wrdreg s1  }
0xac: {  	[dreg:$0x3] =	wrdreg s20  }
0xad: {  	[dreg:$0x4] =	wrdreg $0xB  }
0xae: {  	_ =	task.clear_ibuf [dreg:s18], $0x5FFFF;
	_ =	strace $0x9000004F  }
0xaf: {  	s25 =	simm.s32 $0xB;
	_ =	strace $0x80000051  }
0xb0: {  	_ =	swait.ge [sflag:s25], $0x1  }
0xb1: {  	[sflag:s25] =	ssyncadd.s32 $0xFFFFFFFF  }
0xb2: {  	_ =	strace $0x90000051  }
0xb3: {  	_ =	strace $0x80000052;
	[dreg:$0x1] =	wrdreg $0xFFFFFFFF  }
0xb4: {  	[dreg:$0x0] =	wrdreg $0x2030  }
0xb5: {  	[dreg:$0x2] =	wrdreg s20  }
0xb6: {  	[dreg:$0x3] =	wrdreg $0xC  }
0xb7: {  	_ =	task.clear_ibuf [dreg:s18], $0x4FFFF;
	_ =	strace $0x90000052  }
0xb8: {  	s26 =	simm.s32 $0xC;
	_ =	strace $0x80000054  }
0xb9: {  	_ =	swait.ge [sflag:s26], $0x1  }
0xba: {  	[sflag:s26] =	ssyncadd.s32 $0xFFFFFFFF  }
0xbb: {  	_ =	strace $0x90000054  }
0xbc: {  	_ =	sfence  }
0xbd: {  	s28 =	sld [smem:$0x0];
	_ =	sdelay $0x1  }
0xbe: {  	s29 =	srdreg.scid  }
0xbf: {  	s30 =	sshll.u32 s29, $0xD;
	s31 =	sshrl.u32 s29, $0x2  }
0xc0: {  	s2 =	sand.u32 $0x1, s29;
	s3 =	sand.u32 $0x4000, s30;
	s1 =	sadd.s32 s31, s28  }
0xc1: {  	s2 =	sor.u32 s3, s2;
	s1 =	sshll.u32 s1, $0x11  }
0xc2: {  	s1 =	sor.u32 s1, s2  }
0xc3: {  	s1 =	sadd.s32 $0x8F2B, s1  }
0xc4: {  	[sflag:s1] =	ssyncadd.remote.s32 $0x1  }
0xc5: {  	_ =	sfence.sel $0xFFFF  }
0xc6: {  	[dreg:$0x0] =	wrdreg $0xFFFFFFFF;
	(pc) =	sbr.abs _section_cstart, $3  }
0xc7: {  	[dreg:$0x1] =	wrdreg $0xFFFFFFFF  }
0xc8: {  	_ =	task.clear_ibuf [dreg:s18], $0x2FFFF;
	_ =	strace $0x9FFFFFFF  }
0xc9: {  	(tm) =	ssettm $0x7FFFFFFF  }
tec
execute0_lowered:
.L_overlay_start_1:
0x0: {  	(tag) =	ssettag $0x1  }
0x1: {  	s2 =	rddreg [dreg:$0x0]  }
0x2: {  	s6 =	rddreg [dreg:$0x1];
	s3 =	stileid.u32;
	s1 =	simm.s32 $_size_execute1_lowered  }
0x3: {  	[bflag:$0x3] =	sbarrier.arrive $0xFFFF;
	p0 =	sne.s32 s3, $0x0;
	s0 =	sshll.u32 s1, $0x1  }
0x4: {  	s4 =	simm.s32 @!p0 $0x1C3F;
	s5 =	simm.s32 @!p0 $0x4060;
	[dreg:$0x3] =	wrdreg s0  }
0x5: {  	[timem:s5], [sflag:s4] =	dma.local @!p0 [hbm:s2], s0  }
0x6: {  	s7 =	simm.s32 $0x1;
	s2 =	sshll.u32 s3, $0x6  }
0x7: {  	s8 =	simm.s32 $0x2;
	s11 =	simm.s32 $0x0;
	s30 =	ssub.s32 $0x2800, s2  }
.Ltmp0:
0x8: {  	s10 =	simm.s32 $0x0;
	s31 =	sand.u32 $0x3C0, s30;
	(pc) =	sbr.rel .LBB2_1-.Ltmp0, $4  }
0x9: {  	s3 =	sadd.s32 $0x824800, s6;
	s4 =	simm.s32 $0x1;
	p1 =	sne.s32 s31, $0x0  }
0xa: {  	_ =	strace $0x80000050;
	s5 =	sshrl.u32 s30, $0xA;
	s7 =	simm.s32 @!p1 $0x0  }
0xb: {  	s6 =	sadd.s32 $0x874800, s6;
	[sflag:s4] =	ssyncpa.u1 $0x0;
	s5 =	sadd.s32 s7, s5  }
0xc: {  	s9 =	smov.u32 s2;
	[sflag:s8] =	ssyncpa.u1 $0x0;
	s7 =	sadd.s32 $0x1, s5  }
.LBB2_4:
0xd: {  	_ =	sdelay $0x3  }
0xe: {  	[tilespmem:v1+s22+$0x0 ss:$0x1] =	vst.idx.msk $0xffff, v7  }
0xf: {  	s0 =	sor.u32 s24, s23;
	v46 =	vld.idx.msk [tilespmem:v0+s14+$0x0 ss:$0x1], $0xffff;
	[tilespmem:v1+s20+$0x0 ss:$0x1] =	vst.idx.msk $0xffff, v6  }
0x10: {  	v47 =	vld.idx.msk [tilespmem:v0+s13+$0x0 ss:$0x1], $0xffff;
	[tilespmem:v1+s15+$0x0 ss:$0x1] =	vst.idx.msk $0xffff, v4;
	s20 =	sor.u32 $0x410, s0  }
0x11: {  	s1 =	sand.u32 $0x80, s18;
	[tilespmem:v1+s19+$0x0 ss:$0x1] =	vst.idx.msk $0xffff, v3;
	s8 =	sand.u32 $0x3B00, s0;
	s28 =	sor.u32 $0x420, s0;
	v48 =	vld.idx.msk [tilespmem:v0+s20+$0x0 ss:$0x1], $0xffff  }
0x12: {  	[tilespmem:v1+s17+$0x0 ss:$0x1] =	vst.idx.msk $0xffff, v2;
	s1 =	sor.u32 s1, s8;
	v58 =	vld.idx.msk [tilespmem:v0+s28+$0x0 ss:$0x1], $0xffff  }
0x13: {  	[tilespmem:v1+s16+$0x0 ss:$0x1] =	vst.idx.msk $0xffff, v5;
	v49 =	vld.idx.msk [tilespmem:v0+s1+$0x0 ss:$0x1], $0xffff;
	s21 =	sor.u32 $0x10, s1  }
0x14: {  	s22 =	sor.u32 $0x20, s1;
	v51 =	vld.idx.msk [tilespmem:v0+s21+$0x0 ss:$0x1], $0xffff;
	[tilespmem:v1+s14+$0x0 ss:$0x1] =	vst.idx.msk $0xffff, v46  }
0x15: {  	s23 =	sor.u32 $0x30, s1;
	v52 =	vld.idx.msk [tilespmem:v0+s22+$0x0 ss:$0x1], $0xffff;
	[tilespmem:v1+s13+$0x0 ss:$0x1] =	vst.idx.msk $0xffff, v47  }
0x16: {  	s24 =	sor.u32 $0x40, s1;
	v53 =	vld.idx.msk [tilespmem:v0+s23+$0x0 ss:$0x1], $0xffff;
	[tilespmem:v1+s20+$0x0 ss:$0x1] =	vst.idx.msk $0xffff, v48  }
0x17: {  	s25 =	sor.u32 $0x50, s1;
	v54 =	vld.idx.msk [tilespmem:v0+s24+$0x0 ss:$0x1], $0xffff;
	[tilespmem:v1+s28+$0x0 ss:$0x1] =	vst.idx.msk $0xffff, v58  }
0x18: {  	s26 =	sor.u32 $0x60, s1;
	v55 =	vld.idx.msk [tilespmem:v0+s25+$0x0 ss:$0x1], $0xffff;
	[tilespmem:v1+s1+$0x0 ss:$0x1] =	vst.idx.msk $0xffff, v49  }
0x19: {  	s31 =	sor.u32 $0x430, s0;
	v56 =	vld.idx.msk [tilespmem:v0+s26+$0x0 ss:$0x1], $0xffff;
	[tilespmem:v1+s21+$0x0 ss:$0x1] =	vst.idx.msk $0xffff, v51  }
0x1a: {  	s29 =	sshll.u32 s11, $0x8;
	s30 =	sshll.u32 s11, $0x7;
	v59 =	vld.idx.msk [tilespmem:v0+s31+$0x0 ss:$0x1], $0xffff;
	s8 =	sor.u32 $0x400, s1;
	[tilespmem:v1+s22+$0x0 ss:$0x1] =	vst.idx.msk $0xffff, v52  }
0x1b: {  	v50 =	vld.idx.msk [tilespmem:v0+s8+$0x0 ss:$0x1], $0xffff;
	s20 =	sand.u32 $0xFFFFF800, s29;
	s1 =	sor.u32 $0x70, s1;
	[tilespmem:v1+s23+$0x0 ss:$0x1] =	vst.idx.msk $0xffff, v53;
	s21 =	sand.u32 $0x300, s30  }
0x1c: {  	v57 =	vld.idx.msk [tilespmem:v0+s1+$0x0 ss:$0x1], $0xffff;
	s22 =	sor.u32 $0x440, s0;
	[tilespmem:v1+s24+$0x0 ss:$0x1] =	vst.idx.msk $0xffff, v54;
	s23 =	sor.u32 s21, s20  }
0x1d: {  	s24 =	sor.u32 $0x450, s0;
	[tilespmem:v1+s25+$0x0 ss:$0x1] =	vst.idx.msk $0xffff, v55;
	v60 =	vld.idx.msk [tilespmem:v0+s22+$0x0 ss:$0x1], $0xffff;
	s13 =	sshrl.u32 s23, $0x8  }
0x1e: {  	s25 =	sor.u32 $0x460, s0;
	[tilespmem:v1+s26+$0x0 ss:$0x1] =	vst.idx.msk $0xffff, v56;
	v61 =	vld.idx.msk [tilespmem:v0+s24+$0x0 ss:$0x1], $0xffff;
	s26 =	smulhi.u32 $0xCCCCCD, s13  }
0x1f: {  	[tilespmem:v1+s31+$0x0 ss:$0x1] =	vst.idx.msk $0xffff, v59;
	s0 =	sor.u32 $0x470, s0;
	v62 =	vld.idx.msk [tilespmem:v0+s25+$0x0 ss:$0x1], $0xffff  }
0x20: {  	[tilespmem:v1+s8+$0x0 ss:$0x1] =	vst.idx.msk $0xffff, v50;
	v63 =	vld.idx.msk [tilespmem:v0+s0+$0x0 ss:$0x1], $0xffff;
	s28 =	sshrl.u32 s26, $0x5  }
0x21: {  	[tilespmem:v1+s1+$0x0 ss:$0x1] =	vst.idx.msk $0xffff, v57;
	s1 =	smul.u32 $0x2800, s28  }
0x22: {  	s29 =	sshll.u32 s11, $0x4;
	[tilespmem:v1+s22+$0x0 ss:$0x1] =	vst.idx.msk $0xffff, v60  }
0x23: {  	s8 =	sand.u32 $0x10, s29;
	[tilespmem:v1+s24+$0x0 ss:$0x1] =	vst.idx.msk $0xffff, v61;
	s1 =	ssub.s32 s13, s1  }
0x24: {  	s8 =	sadd.s32 s6, s8;
	[tilespmem:v1+s25+$0x0 ss:$0x1] =	vst.idx.msk $0xffff, v62;
	s1 =	sshll.u32 s1, $0x5  }
0x25: {  	s31 =	simm.s32 $0x0;
	[tilespmem:v1+s0+$0x0 ss:$0x1] =	vst.idx.msk $0xffff, v63;
	s30 =	sadd.s32 s1, s8  }
0x26: {  	[hbm4b:s30+s31] =	stream.linear.scatter [tilespmem:s12], [sflag:$0x2], $0x4000, $0x38;
	[tilespmem:$0x10000] =	vst v63  }
.LBB2_5:
0x27: {  	s1 =	sadd.s32 $0x400, s9  }
0x28: {  	p2 =	sgt.s32 s1, $0x27FF  }
0x29: {  	s1 =	smov.u32 @p2 s2;
	p2 =	sne.s32 s10, s7  }
.Ltmp1:
0x2a: {  	p1 =	slt.u32 s10, $0x2;
	(pc) =	sbr.rel @!p2 .LBB2_6-.Ltmp1, $4  }
0x2b: {  	s0 =	simm.s32 @!p1 $0x2  }
0x2c: {  	_ =	swait.ge @!p1 [sflag:s0], $0x4000  }
0x2d: {  	s8 =	sadd.s32 $0x1, s10;
	s11 =	smov.u32 s9;
	[sflag:s0] =	ssyncset.done @!p1 $0x0  }
0x2e: {  	s10 =	smov.u32 s8;
	s9 =	smov.u32 s1;
	[sflag:s0] =	ssyncadd.s32 @!p1 $0xFFFFC000  }
.LBB2_1:
0x2f: {  	p1 =	sge.u32 s10, s5  }
0x30: {  	s12 =	sshll.u32 @!p1 s9, $0x8;
	s13 =	sshll.u32 @!p1 s9, $0x7  }
0x31: {  	s12 =	sand.u32 @!p1 $0xFFFFF800, s12;
	s13 =	sand.u32 @!p1 $0x300, s13  }
0x32: {  	s12 =	sor.u32 @!p1 s13, s12  }
0x33: {  	s12 =	sshrl.u32 @!p1 s12, $0x8  }
0x34: {  	s13 =	smulhi.u32 @!p1 $0xCCCCCD, s12;
	_ =	sdelay $0x1  }
0x35: {  	s13 =	sshrl.u32 @!p1 s13, $0x5  }
0x36: {  	s13 =	smul.u32 @!p1 $0x2800, s13  }
0x37: {  	s31 =	sadd.s32 $0xFFFFFFFF, s10;
	s14 =	sshll.u32 @!p1 s9, $0x4  }
0x38: {  	s14 =	sand.u32 @!p1 $0x10, s14;
	s12 =	ssub.s32 @!p1 s12, s13;
	s13 =	sxor.u32 @!p1 $0xFFFFFFFF, s10  }
0x39: {  	s14 =	sadd.s32 @!p1 s3, s14;
	s13 =	sshll.u32 @!p1 s13, $0xE;
	s12 =	sshll.u32 @!p1 s12, $0x5  }
0x3a: {  	s13 =	sand.u32 @!p1 $0x4000, s13;
	s12 =	sadd.s32 @!p1 s12, s14;
	s14 =	simm.s32 @!p1 $0x0  }
0x3b: {  	[tilespmem:s13], [sflag:$0x1] =	stream.linear.gather @!p1 [hbm4b:s12+s14], $0x4000, $0x38;
	[tilespmem:$0x10000] =	vst v63  }
0x3c: {  	p1 =	sge.u32 s31, s5  }
.Ltmp2:
0x3d: {  	_ = 	snop;
	(pc) =	sbr.rel @p1 .LBB2_5-.Ltmp2, $1  }
0x3e: {  	_ =	sdelay $0x3  }
0x3f: {  	s12 =	sshll.u32 s10, $0xE  }
0x40: {  	s12 =	sand.u32 $0x4000, s12  }
0x41: {  	v0 =	vmov s12  }
0x42: {  	s13 =	simm.s32 $0x0  }
0x43: {  	_ =	swait.ge [sflag:s4], $0x4000;
	s14 =	sand.u32 $0x3800, s13;
	s15 =	sand.u32 $0x380, s13  }
0x44: {  	[sflag:s4] =	ssyncset.done $0x0;
	s13 =	sand.u32 $0x80, s13;
	s18 =	sor.u32 s15, s14  }
0x45: {  	[sflag:s4] =	ssyncadd.s32 $0xFFFFC000;
	s14 =	sand.u32 $0x3B00, s18;
	s15 =	sor.u32 $0x410, s18  }
0x46: {  	s12 =	sor.u32 $0x8000, s12;
	s13 =	sor.u32 s13, s14;
	v2 =	vld.idx.msk [tilespmem:v0+s15+$0x0 ss:$0x1], $0xffff  }
0x47: {  	v1 =	vmov s12;
	s14 =	sor.u32 $0x400, s13;
	v3 =	vld.idx.msk [tilespmem:v0+s13+$0x0 ss:$0x1], $0xffff  }
0x48: {  	s16 =	sor.u32 $0x10, s13;
	v4 =	vld.idx.msk [tilespmem:v0+s14+$0x0 ss:$0x1], $0xffff  }
0x49: {  	s17 =	sor.u32 $0x20, s13;
	v5 =	vld.idx.msk [tilespmem:v0+s16+$0x0 ss:$0x1], $0xffff  }
0x4a: {  	s21 =	sor.u32 $0x30, s13;
	v8 =	vld.idx.msk [tilespmem:v0+s17+$0x0 ss:$0x1], $0xffff  }
0x4b: {  	s23 =	sor.u32 $0x40, s13;
	v9 =	vld.idx.msk [tilespmem:v0+s21+$0x0 ss:$0x1], $0xffff  }
0x4c: {  	s25 =	sor.u32 $0x50, s13;
	v10 =	vld.idx.msk [tilespmem:v0+s23+$0x0 ss:$0x1], $0xffff;
	[tilespmem:v1+s15+$0x0 ss:$0x1] =	vst.idx.msk $0xffff, v2  }
0x4d: {  	s22 =	sor.u32 $0x60, s13;
	v11 =	vld.idx.msk [tilespmem:v0+s25+$0x0 ss:$0x1], $0xffff;
	[tilespmem:v1+s13+$0x0 ss:$0x1] =	vst.idx.msk $0xffff, v3  }
0x4e: {  	s20 =	sor.u32 $0x70, s13;
	v7 =	vld.idx.msk [tilespmem:v0+s22+$0x0 ss:$0x1], $0xffff;
	[tilespmem:v1+s14+$0x0 ss:$0x1] =	vst.idx.msk $0xffff, v4  }
0x4f: {  	s19 =	sor.u32 $0x430, s18;
	v6 =	vld.idx.msk [tilespmem:v0+s20+$0x0 ss:$0x1], $0xffff;
	[tilespmem:v1+s16+$0x0 ss:$0x1] =	vst.idx.msk $0xffff, v5  }
0x50: {  	s15 =	sor.u32 $0x420, s18;
	[tilespmem:v1+s17+$0x0 ss:$0x1] =	vst.idx.msk $0xffff, v8;
	v3 =	vld.idx.msk [tilespmem:v0+s19+$0x0 ss:$0x1], $0xffff  }
0x51: {  	s24 =	simm.s32 $0x100;
	s17 =	sor.u32 $0x440, s18;
	s16 =	sor.u32 $0x450, s18;
	[tilespmem:v1+s21+$0x0 ss:$0x1] =	vst.idx.msk $0xffff, v9;
	v4 =	vld.idx.msk [tilespmem:v0+s15+$0x0 ss:$0x1], $0xffff  }
0x52: {  	s14 =	sor.u32 $0x460, s18;
	s13 =	sor.u32 $0x470, s18;
	[tilespmem:v1+s23+$0x0 ss:$0x1] =	vst.idx.msk $0xffff, v10;
	s18 =	simm.s32 $0x80;
	v2 =	vld.idx.msk [tilespmem:v0+s17+$0x0 ss:$0x1], $0xffff  }
0x53: {  	s23 =	sand.u32 $0x3800, s24;
	s21 =	simm.s32 $0x200;
	[tilespmem:v1+s25+$0x0 ss:$0x1] =	vst.idx.msk $0xffff, v11;
	s24 =	sand.u32 $0x380, s18;
	v5 =	vld.idx.msk [tilespmem:v0+s16+$0x0 ss:$0x1], $0xffff  }
.LBB2_3:
0x54: {  	p1 =	sne.s32 s21, $0x3F00;
	s23 =	sor.u32 s24, s23;
	[tilespmem:v1+s22+$0x0 ss:$0x1] =	vst.idx.msk $0xffff, v7;
	v7 =	vld.idx.msk [tilespmem:v0+s14+$0x0 ss:$0x1], $0xffff  }
0x55: {  	s22 =	sand.u32 $0x80, s18;
	s24 =	sand.u32 $0x3B00, s23;
	s25 =	sor.u32 $0x410, s23;
	[tilespmem:v1+s20+$0x0 ss:$0x1] =	vst.idx.msk $0xffff, v6;
	v6 =	vld.idx.msk [tilespmem:v0+s13+$0x0 ss:$0x1], $0xffff  }
0x56: {  	s26 =	sor.u32 $0x430, s23;
	s24 =	sor.u32 s22, s24;
	v8 =	vld.idx.msk [tilespmem:v0+s25+$0x0 ss:$0x1], $0xffff;
	[tilespmem:v1+s15+$0x0 ss:$0x1] =	vst.idx.msk $0xffff, v4;
	s15 =	sor.u32 $0x420, s23  }
0x57: {  	v4 =	vld.idx.msk [tilespmem:v0+s24+$0x0 ss:$0x1], $0xffff;
	s28 =	sor.u32 $0x10, s24;
	s29 =	sor.u32 $0x20, s24;
	s30 =	sor.u32 $0x400, s24;
	[tilespmem:v1+s19+$0x0 ss:$0x1] =	vst.idx.msk $0xffff, v3  }
0x58: {  	s31 =	sor.u32 $0x30, s24;
	s0 =	sor.u32 $0x40, s24;
	s1 =	sor.u32 $0x50, s24;
	v3 =	vld.idx.msk [tilespmem:v0+s30+$0x0 ss:$0x1], $0xffff;
	[tilespmem:v1+s17+$0x0 ss:$0x1] =	vst.idx.msk $0xffff, v2  }
0x59: {  	s22 =	sor.u32 $0x60, s24;
	s20 =	sor.u32 $0x70, s24;
	s17 =	sor.u32 $0x440, s23;
	v2 =	vld.idx.msk [tilespmem:v0+s28+$0x0 ss:$0x1], $0xffff;
	[tilespmem:v1+s16+$0x0 ss:$0x1] =	vst.idx.msk $0xffff, v5  }
0x5a: {  	s8 =	sor.u32 $0x470, s23;
	s16 =	sor.u32 $0x450, s23;
	v5 =	vld.idx.msk [tilespmem:v0+s29+$0x0 ss:$0x1], $0xffff;
	[tilespmem:v1+s14+$0x0 ss:$0x1] =	vst.idx.msk $0xffff, v7;
	s14 =	sor.u32 $0x460, s23  }
0x5b: {  	s19 =	smov.u32 s26;
	v9 =	vld.idx.msk [tilespmem:v0+s31+$0x0 ss:$0x1], $0xffff;
	[tilespmem:v1+s13+$0x0 ss:$0x1] =	vst.idx.msk $0xffff, v6;
	s13 =	smov.u32 s8  }
0x5c: {  	v10 =	vld.idx.msk [tilespmem:v0+s0+$0x0 ss:$0x1], $0xffff;
	[tilespmem:v1+s25+$0x0 ss:$0x1] =	vst.idx.msk $0xffff, v8  }
0x5d: {  	[tilespmem:v1+s24+$0x0 ss:$0x1] =	vst.idx.msk $0xffff, v4;
	v8 =	vld.idx.msk [tilespmem:v0+s1+$0x0 ss:$0x1], $0xffff  }
0x5e: {  	v7 =	vld.idx.msk [tilespmem:v0+s22+$0x0 ss:$0x1], $0xffff;
	[tilespmem:v1+s30+$0x0 ss:$0x1] =	vst.idx.msk $0xffff, v3  }
.Ltmp3:
0x5f: {  	[tilespmem:v1+s28+$0x0 ss:$0x1] =	vst.idx.msk $0xffff, v2;
	v6 =	vld.idx.msk [tilespmem:v0+s20+$0x0 ss:$0x1], $0xffff;
	(pc) =	sbr.rel @p1 .LBB2_3-.Ltmp3, $4  }
0x60: {  	[tilespmem:v1+s29+$0x0 ss:$0x1] =	vst.idx.msk $0xffff, v5;
	v4 =	vld.idx.msk [tilespmem:v0+s15+$0x0 ss:$0x1], $0xffff  }
0x61: {  	[tilespmem:v1+s31+$0x0 ss:$0x1] =	vst.idx.msk $0xffff, v9;
	v3 =	vld.idx.msk [tilespmem:v0+s19+$0x0 ss:$0x1], $0xffff  }
0x62: {  	s18 =	sadd.s32 $0x80, s18;
	[tilespmem:v1+s0+$0x0 ss:$0x1] =	vst.idx.msk $0xffff, v10;
	v2 =	vld.idx.msk [tilespmem:v0+s17+$0x0 ss:$0x1], $0xffff  }
0x63: {  	s23 =	sand.u32 $0x3800, s21;
	s21 =	sadd.s32 $0x100, s21;
	s24 =	sand.u32 $0x380, s18;
	[tilespmem:v1+s1+$0x0 ss:$0x1] =	vst.idx.msk $0xffff, v8;
	v5 =	vld.idx.msk [tilespmem:v0+s16+$0x0 ss:$0x1], $0xffff  }
.Ltmp4:
0x64: {  	_ = 	snop;
	(pc) =	sbr.rel .LBB2_4-.Ltmp4, $1  }
0x65: {  	_ =	sdelay $0x3  }
.LBB2_6:
0x66: {  	_ =	sfence.sel $0x180000  }
0x67: {  	s0 =	simm.s32 $0x1;
	[bflag:$0x0] =	sbarrier.arrive $0xFFFF  }
0x68: {  	s31 =	simm.s32 $0x2;
	[sflag:s0] =	ssyncpa.u1 $0x1  }
0x69: {  	[sflag:s31] =	ssyncpa.u1 $0x1  }
0x6a: {  	_ =	strace $0x90000050  }
0x6b: {  	[bflag:$0x2] =	sbarrier.arrive $0xFFFF  }
0x6c: {  	s0 =	rddreg [dreg:$0x2]  }
0x6d: {  	s0 =	sadd.s32 @!p0 $0x100000, s0  }
0x6e: {  	s1 =	rddreg [dreg:$0x3];
	[sflag:s0] =	ssyncadd.tile.s32 @!p0 $0x1;
	s0 =	simm.s32 @!p0 $0x3F  }
0x6f: {  	_ =	swait.ge @!p0 [sflag:s0], s1  }
0x70: {  	s1 =	ssub.s32 @!p0 $0x0, s1;
	[sflag:s0] =	ssyncset.done @!p0 $0x0  }
0x71: {  	[sflag:s0] =	ssyncadd.s32 @!p0 s1  }
0x72: {  	[bflag:$0x3] =	sbarrier.arrive $0xFFFF  }
0x73: {  	_ =	shalt  }
.Lfunc_end2:
execute1_lowered:
.L_overlay_start_2:
0x74: {  	(tag) =	ssettag $0x2  }
0x75: {  	s0 =	rddreg [dreg:$0x0];
	_ =	strace $0x80000053;
	s1 =	simm.s32 $0x1  }
0x76: {  	s8 =	simm.s32 $0x208;
	v0 =	vimm.s32 $0x0;
	[sflag:s1] =	ssyncpa.u1 $0x0  }
0x77: {  	[tilespmem:s8+$0x70] =	vst v0  }
0x78: {  	[tilespmem:s8+$0x60] =	vst v0  }
0x79: {  	[tilespmem:s8+$0x50] =	vst v0  }
0x7a: {  	[tilespmem:s8+$0x40] =	vst v0  }
0x7b: {  	[tilespmem:s8+$0x30] =	vst v0  }
0x7c: {  	s1 =	sadd.s32 $0x874800, s0;
	s10 =	sadd.s32 $0xD55800, s0;
	[tilespmem:s8+$0x20] =	vst v0  }
0x7d: {  	s4 =	sadd.s32 $0xD88000, s0;
	s5 =	sadd.s32 $0xD5AC00, s0;
	s0 =	simm.s32 $0x40;
	[tilespmem:s8+$0x10] =	vst v0  }
.LBB3_1:
0x7e: {  	s0 =	sadd.s32 $0x40, s0;
	[tilespmem:s8+$0x0] =	vst v0;
	s8 =	sadd.s32 $0x80, s8  }
0x7f: {  	p0 =	slt.u32 s0, $0x3880;
	[tilespmem:s8+$0x70] =	vst v0  }
0x80: {  	[tilespmem:s8+$0x60] =	vst v0  }
.Ltmp5:
0x81: {  	[tilespmem:s8+$0x50] =	vst v0;
	(pc) =	sbr.rel @p0 .LBB3_1-.Ltmp5, $4  }
0x82: {  	[tilespmem:s8+$0x40] =	vst v0  }
0x83: {  	[tilespmem:s8+$0x30] =	vst v0  }
0x84: {  	[tilespmem:s8+$0x20] =	vst v0  }
0x85: {  	[tilespmem:s8+$0x10] =	vst v0  }
0x86: {  	s3 =	stileid.u32  }
0x87: {  	s0 =	smul.u32 $0x5E, s3  }
0x88: {  	s2 =	smin.u32 s3, $0xE  }
0x89: {  	s0 =	sadd.s32 s2, s0  }
0x8a: {  	p0 =	slt.u32 s3, $0xE;
	s6 =	smul.u32 $0x70, s0;
	s0 =	simm.s32 $0x2990  }
0x8b: {  	s0 =	simm.s32 @!p0 $0x2920  }
0x8c: {  	s0 =	sadd.s32 s0, s6  }
0x8d: {  	s7 =	smin.u32 s0, $0x29810  }
0x8e: {  	s0 =	ssub.s32 s7, s6  }
0x8f: {  	p0 =	sgt.s32 s0, $0x0  }
0x90: {  	s26 =	simm.s32 $0x2;
	s0 =	simm.s32 @!p0 $0x0  }
0x91: {  	s29 =	simm.s32 $0x7;
	s30 =	simm.s32 $0x8;
	s28 =	smulhi.u32 $0x92492493, s0  }
0x92: {  	s31 =	simm.s32 $0x9;
	s11 =	simm.s32 $0x1;
	s21 =	simm.s32 $0x0  }
0x93: {  	p1 =	por $0x0, $0x0;
	s15 =	simm.s32 $0x80;
	s2 =	sshrl.u32 s28, $0x6  }
0x94: {  	s16 =	simm.s32 $0x400;
	s17 =	simm.s32 $0xA;
	s9 =	smul.u32 $0x70, s2  }
.Ltmp6:
0x95: {  	[tilespmem:s8+$0x0] =	vst v0;
	v0 =	vimm.s32 $0xFFFFFFFF;
	s18 =	simm.s32 $0x0;
	[sflag:s26] =	ssyncpa.u1 $0x0;
	(pc) =	sbr.rel .LBB3_3-.Ltmp6, $4  }
0x96: {  	[tilespmem:$0xE408] =	vst v0;
	[sflag:s29] =	ssyncpa.u1 $0x0;
	p0 =	sne.s32 s0, s9;
	s0 =	simm.s32 $0x1  }
0x97: {  	s20 =	simm.s32 $0x0;
	[sflag:s30] =	ssyncpa.u1 $0x0;
	s0 =	simm.s32 @!p0 $0x0  }
0x98: {  	s13 =	sshll.u32 s3, $0x9;
	[sflag:s31] =	ssyncpa.u1 $0x0;
	s12 =	sadd.s32 s0, s2  }
0x99: {  	v0 =	vlaneseq.u32;
	s19 =	smov.u32 s6;
	p0 =	por $0x1, $0x1;
	s14 =	sadd.s32 $0x1, s12  }
.LBB3_24:
0x9a: {  	s0 =	sshrl.u32 s30, $0x2  }
.LBB3_26:
0x9b: {  	_ =	swait.ge [sflag:s17], s0  }
0x9c: {  	s31 =	ssub.s32 $0x0, s0;
	v1 =	vmov s23;
	vm0 =	veq.s32 v0, $0x0;
	[sflag:s17] =	ssyncset.done $0x0  }
0x9d: {  	vm15 =	veq.s32 v0, $0x2;
	v1 =	vsel vm0, s29, v1;
	[sflag:s17] =	ssyncadd.s32 s31  }
0x9e: {  	v1 =	vsel vm15, s21, v1;
	[sflag:s17] =	ssyncpa.u1 $0x1  }
0x9f: {  	[tilespmem:$0xE408] =	vst v1  }
.LBB3_27:
0xa0: {  	s0 =	sadd.s32 $0x70, s19  }
0xa1: {  	s2 =	smov.u32 s6;
	p2 =	slt.s32 s0, s7  }
0xa2: {  	s2 =	smov.u32 @p2 s0;
	p2 =	sne.s32 s20, s14  }
.Ltmp7:
0xa3: {  	_ = 	snop;
	(pc) =	sbr.rel @!p2 .LBB3_28-.Ltmp7, $4  }
0xa4: {  	_ = 	snop  }
0xa5: {  	s21 =	smov.u32 s18  }
0xa6: {  	s31 =	sadd.s32 $0x1, s20;
	s18 =	smov.u32 s19;
	p0 =	por !p0, !p0  }
0xa7: {  	p1 =	por !p1, !p1;
	s20 =	smov.u32 s31;
	s19 =	smov.u32 s2  }
.LBB3_3:
0xa8: {  	p2 =	sge.u32 s20, s12  }
0xa9: {  	s0 =	smulhi.u32 @!p2 $0xAAAAAAAB, s20  }
0xaa: {  	s2 =	smov.u32 s19;
	p3 =	sgt.s32 @!p2 s19, $0x297A0  }
0xab: {  	s8 =	sshra.s32 @!p2 s19, $0x1F;
	p3 =	por !p3, p2;
	s0 =	sshrl.u32 @!p2 s0, $0x1  }
0xac: {  	s8 =	sand.u32 @!p2 s8, s19;
	s2 =	simm.s32 @p3 $0x297A0;
	s0 =	smul.u32 @!p2 $0x3, s0  }
0xad: {  	s2 =	ssub.s32 @!p2 s2, s8  }
0xae: {  	s2 =	sadd.s32 @!p2 $0xFFFD6860, s2;
	s0 =	ssub.s32 @!p2 s20, s0  }
0xaf: {  	s8 =	sshll.u32 @!p2 s2, $0x2;
	p3 =	sgt.s32 @!p2 s2, $0x6F;
	s0 =	smul.u32 @!p2 $0x1C0, s0  }
0xb0: {  	s9 =	sand.u32 @!p2 $0x7, s19;
	s2 =	ssub.s32 @!p2 $0x1C0, s8;
	p3 =	por !p3, p2  }
0xb1: {  	s8 =	sshrl.u32 @!p2 s19, $0x3;
	s2 =	sshrl.u32 @!p2 s2, $0x2;
	s0 =	sshrl.u32 @!p2 s0, $0x2  }
0xb2: {  	s8 =	sadd.s32 @!p2 s5, s8;
	s2 =	simm.s32 @!p3 $0x0;
	s0 =	sadd.s32 @!p2 $0x10438, s0  }
0xb3: {  	[tilespmem:s0], [sflag:$0x8] =	stream.linear.gather @!p2 [hbm4b:s8+s9], s2, $0x38;
	[tilespmem:$0x1E668] =	vst v63  }
0xb4: {  	s0 =	sadd.s32 $0xFFFFFFFF, s20  }
0xb5: {  	p2 =	sge.u32 s0, s12  }
0xb6: {  	p3 =	sgt.s32 @!p2 s18, $0x297A0  }
0xb7: {  	s2 =	smov.u32 s18;
	s8 =	sshra.s32 @!p2 s18, $0x1F;
	p3 =	por !p3, p2  }
0xb8: {  	s8 =	sand.u32 @!p2 s8, s18;
	s2 =	simm.s32 @p3 $0x297A0  }
0xb9: {  	s2 =	ssub.s32 @!p2 s2, s8  }
0xba: {  	s2 =	sadd.s32 @!p2 $0xFFFD6860, s2  }
0xbb: {  	s8 =	sshll.u32 @!p2 s2, $0x2  }
0xbc: {  	p3 =	sgt.s32 @!p2 s2, $0x6F;
	s2 =	ssub.s32 @!p2 $0x1C0, s8  }
0xbd: {  	p3 =	por !p3, p2;
	s2 =	sshrl.u32 @!p2 s2, $0x2  }
0xbe: {  	s9 =	simm.s32 @!p2 $0x8;
	s8 =	sand.u32 @!p2 $0x1, s0;
	s2 =	simm.s32 @!p3 $0x0  }
0xbf: {  	s8 =	smul.u32 @!p2 $0x1C0, s8;
	_ =	swait.ge @!p2 [sflag:s9], s2  }
0xc0: {  	s22 =	ssub.s32 @!p2 $0x0, s2;
	[sflag:s9] =	ssyncset.done @!p2 $0x0  }
0xc1: {  	s8 =	sshrl.u32 @!p2 s8, $0x2;
	[sflag:s9] =	ssyncadd.s32 @!p2 s22;
	s9 =	sshrl.u32 @!p2 s18, $0x3  }
0xc2: {  	s8 =	sor.u32 @!p2 $0x10588, s8;
	s22 =	sand.u32 @!p2 $0x7, s18;
	s9 =	sadd.s32 @!p2 s10, s9  }
0xc3: {  	[tilespmem:s8], [sflag:$0x9] =	stream.linear.gather @!p2 [hbm4b:s9+s22], s2, $0x38;
	[tilespmem:$0x1E668] =	vst v63  }
0xc4: {  	s22 =	ssub.s32 @!p2 $0x29810, s18  }
0xc5: {  	p3 =	slt.s32 @!p2 s22, $0x1  }
0xc6: {  	p3 =	por p2, p3  }
.Ltmp8:
0xc7: {  	_ = 	snop;
	(pc) =	sbr.rel @p3 .LBB3_9-.Ltmp8, $1  }
0xc8: {  	_ =	sdelay $0x3  }
0xc9: {  	s2 =	smulhi.u32 $0xAAAAAAAB, s0;
	_ =	sdelay $0x1  }
0xca: {  	s2 =	sshrl.u32 s2, $0x1  }
0xcb: {  	s2 =	smul.u32 $0x3, s2;
	_ =	sdelay $0x1  }
0xcc: {  	s29 =	ssub.s32 s0, s2  }
0xcd: {  	s8 =	simm.s32 $0x1;
	s0 =	smul.u32 $0x1C0, s29  }
.Ltmp9:
0xce: {  	s8 =	simm.s32 @!p0 $0x0;
	(pc) =	sbr.rel .LBB3_6-.Ltmp9, $4  }
0xcf: {  	s30 =	smul.u32 $0x1C000, s8  }
0xd0: {  	p3 =	slt.s32 @!p2 s22, $0x70;
	s0 =	sshrl.u32 s0, $0x2  }
0xd1: {  	p2 =	por !p3, p2;
	s2 =	sshrl.u32 s30, $0x2;
	s31 =	sadd.s32 $0x10438, s0  }
0xd2: {  	s22 =	simm.s32 @p2 $0x70;
	s23 =	sor.u32 $0x10668, s2;
	s0 =	simm.s32 $0x0;
	v1 =	vmov s31  }
.LBB3_5:
0xd3: {  	p2 =	sge.s32 s0, s22  }
.Ltmp10:
0xd4: {  	_ = 	snop;
	(pc) =	sbr.rel @p2 .LBB3_9-.Ltmp10, $2  }
0xd5: {  	_ =	sdelay $0x2  }
0xd6: {  	s23 =	sadd.s32 $0x1000, s23  }
.LBB3_6:
0xd7: {  	p2 =	sle.s32 s22, s0  }
.Ltmp11:
0xd8: {  	_ = 	snop;
	(pc) =	sbr.rel @p2 .LBB3_5-.Ltmp11, $2  }
0xd9: {  	_ =	sdelay $0x2  }
0xda: {  	s24 =	smov.u32 s0;
	s0 =	sadd.s32 $0x10, s0  }
0xdb: {  	s2 =	ssub.s32 s22, s24  }
0xdc: {  	p2 =	slt.s32 s2, $0x10  }
0xdd: {  	s2 =	simm.s32 @!p2 $0x10  }
0xde: {  	v2 =	vmov s2  }
0xdf: {  	vm0 =	vgt.s32 v2, v0;
	_ =	sdelay $0x5  }
0xe0: {  	v2 =	vld.idx.msk [tilespmem:v1+s24+$0x0 ss:$0x1], vm0;
	_ =	sdelay $0x2  }
0xe1: {  	p2 =	slt.s32 s0, s22;
	s2 =	smov.u32 s22  }
0xe2: {  	s8 =	smov.u32 s23;
	s25 =	simm.s32 $0x0;
	s2 =	smov.u32 @p2 s0  }
.LBB3_8:
0xe3: {  	(v2sf) =	vpush v2, s25;
	_ =	sdelay $0xe  }
0xe4: {  	s25 =	sadd.s32 $0x1, s25;
	s9 =	spop (v2sf)  }
0xe5: {  	s31 =	sadd.s32 s25, s24;
	s26 =	sshll.u32 s9, $0x8;
	s9 =	sshll.u32 s9, $0x7  }
0xe6: {  	p2 =	slt.s32 s31, s2;
	s26 =	sand.u32 $0xFFFFF800, s26;
	s9 =	sand.u32 $0x380, s9  }
.Ltmp12:
0xe7: {  	s9 =	sor.u32 s9, s26;
	(pc) =	sbr.rel @p2 .LBB3_8-.Ltmp12, $4  }
0xe8: {  	s9 =	sshrl.u32 s9, $0x3  }
0xe9: {  	s9 =	sadd.s32 s4, s9  }
0xea: {  	[tilespmem:s8], [sflag:$0x7] =	stream.strided.gather [hbm4b:s9+s15], $0x100, s16, s15, $0x38;
	[tilespmem:$0x1E668] =	vst v63  }
0xeb: {  	s8 =	sadd.s32 $0x100, s8  }
.Ltmp13:
0xec: {  	_ = 	snop;
	(pc) =	sbr.rel .LBB3_5-.Ltmp13, $1  }
0xed: {  	_ =	sdelay $0x3  }
.LBB3_9:
0xee: {  	p2 =	slt.u32 s20, $0x2  }
.Ltmp14:
0xef: {  	_ = 	snop;
	(pc) =	sbr.rel @p2 .LBB3_27-.Ltmp14, $1  }
0xf0: {  	_ =	sdelay $0x3  }
0xf1: {  	p2 =	sgt.s32 s21, $0x297A0;
	s0 =	smov.u32 s21  }
0xf2: {  	s2 =	sshra.s32 s21, $0x1F;
	s8 =	ssub.s32 $0x29810, s21;
	s0 =	simm.s32 @!p2 $0x297A0  }
0xf3: {  	s2 =	sand.u32 s2, s21;
	p2 =	slt.s32 s8, $0x70;
	s9 =	smov.u32 s8  }
0xf4: {  	s0 =	ssub.s32 s0, s2;
	s9 =	simm.s32 @!p2 $0x70  }
0xf5: {  	s0 =	sadd.s32 $0xFFFD6860, s0;
	s25 =	sshll.u32 s9, $0x8  }
0xf6: {  	s3 =	simm.s32 $0x7;
	s26 =	sshll.u32 s0, $0x2;
	s2 =	sand.u32 $0x3FFFFF00, s25  }
0xf7: {  	p2 =	sgt.s32 s0, $0x6F;
	s28 =	ssub.s32 $0x1C0, s26;
	_ =	swait.ge [sflag:s3], s2  }
0xf8: {  	s2 =	ssub.s32 $0x0, s2;
	[sflag:s3] =	ssyncset.done $0x0;
	s0 =	sshrl.u32 s28, $0x2  }
0xf9: {  	s30 =	simm.s32 $0x9;
	[sflag:s3] =	ssyncadd.s32 s2;
	s0 =	simm.s32 @p2 $0x0  }
0xfa: {  	_ =	swait.ge [sflag:s30], s0  }
0xfb: {  	s0 =	ssub.s32 $0x0, s0;
	[sflag:s30] =	ssyncset.done $0x0  }
0xfc: {  	[sflag:s30] =	ssyncadd.s32 s0  }
0xfd: {  	v1 =	vld [tilespmem:$0xE408];
	_ =	sdelay $0x4  }
0xfe: {  	(v2sf) =	vpush v1, $0x0  }
0xff: {  	(v2sf) =	vpush v1, $0x1  }
0x100: {  	(v2sf) =	vpush v1, $0x2;
	_ =	sdelay $0x3  }
0x101: {  	s0 =	sadd.s32 $0x70, s21  }
0x102: {  	p2 =	slt.s32 s7, s0  }
0x103: {  	s0 =	smov.u32 @p2 s7;
	p2 =	sgt.s32 s8, $0x0  }
0x104: {  	s25 =	ssub.s32 s0, s21;
	s8 =	simm.s32 @!p2 $0x0  }
0x105: {  	p2 =	slt.s32 s8, s25  }
0x106: {  	s25 =	smov.u32 @p2 s8  }
0x107: {  	s24 =	simm.s32 $0x1;
	p2 =	slt.s32 s25, $0x1  }
.Ltmp15:
0x108: {  	s24 =	simm.s32 @!p1 $0x0;
	(pc) =	sbr.rel @p2 .LBB3_14-.Ltmp15, $4  }
0x109: {  	s31 =	smul.u32 $0x1C0, s24  }
0x10a: {  	s26 =	spop (v2sf)  }
0x10b: {  	s0 =	sshrl.u32 s31, $0x2;
	s29 =	spop (v2sf)  }
0x10c: {  	s22 =	sor.u32 $0x10588, s0;
	s21 =	spop (v2sf)  }
0x10d: {  	s0 =	smin.u32 s25, $0x10  }
0x10e: {  	v1 =	vmov s0  }
0x10f: {  	vm1 =	vgt.u32 v1, v0  }
0x110: {  	p3 =	sgt.s32 s25, $0x10  }
.Ltmp16:
0x111: {  	_ = 	snop;
	(pc) =	sbr.rel @!p3 .LBB3_13-.Ltmp16, $2  }
0x112: {  	_ =	sdelay $0x2  }
0x113: {  	s23 =	simm.s32 $0x10;
	s28 =	sadd.s32 $0xFFFFFFF0, s25;
	s0 =	smov.u32 s22;
	vm0 =	vmmov vm1;
	v1 =	vld.msk [tilespmem:s22+$0x0 ss:$0x1], vm1  }
.LBB3_12:
0x114: {  	s2 =	smin.u32 s28, $0x10;
	s23 =	sadd.s32 $0x10, s23  }
0x115: {  	v2 =	vmov s2;
	p3 =	slt.s32 s23, s25  }
0x116: {  	vm1 =	vgt.u32 v2, v0;
	_ =	sdelay $0x1  }
0x117: {  	v2 =	vshll.u32 v1, $0x5;
	v1 =	vshll.u32 v1, $0x4  }
.Ltmp17:
0x118: {  	v2 =	vand.u32 $0xFFFFFF00, v2;
	v1 =	vand.u32 $0x70, v1;
	(pc) =	sbr.rel @p3 .LBB3_12-.Ltmp17, $4  }
0x119: {  	v1 =	vor.u32 v1, v2  }
0x11a: {  	[tilespmem:s0+$0x0] =	vst.msk vm0, v1;
	s0 =	sadd.s32 $0x10, s0;
	vm0 =	vmmov vm1  }
0x11b: {  	v1 =	vld.msk [tilespmem:s0+$0x0 ss:$0x1], vm1  }
0x11c: {  	s28 =	sadd.s32 $0xFFFFFFF0, s28  }
.LBB3_13:
0x11d: {  	_ =	sdelay $0x3  }
0x11e: {  	v2 =	vshll.u32 v1, $0x5;
	v1 =	vshll.u32 v1, $0x4  }
0x11f: {  	v2 =	vand.u32 $0xFFFFFF00, v2;
	v1 =	vand.u32 $0x70, v1  }
0x120: {  	v1 =	vor.u32 v1, v2  }
0x121: {  	[tilespmem:s0+$0x0] =	vst.msk vm0, v1  }
.LBB3_14:
0x122: {  	s0 =	sand.u32 $0x1, s20  }
0x123: {  	s0 =	smul.u32 $0x70, s0  }
0x124: {  	p3 =	sne.s32 s29, $0xFFFFFFFF  }
0x125: {  	v1 =	vld.msk @!p3 [tilespmem:s0+$0x10588], $0x1;
	_ =	sdelay $0x4  }
0x126: {  	(v2sf) =	vpush @!p3 v1, $0x0;
	_ =	sdelay $0xc  }
.Ltmp18:
0x127: {  	_ = 	snop;
	(pc) =	sbr.rel @p2 .LBB3_25-.Ltmp18, $4  }
0x128: {  	_ = 	snop  }
0x129: {  	s28 =	spop @!p3 (v2sf)  }
0x12a: {  	s21 =	simm.s32 @!p3 $0x0;
	s23 =	smov.u32 s28  }
0x12b: {  	[sflag:s17] =	ssyncpa.u1 $0x0;
	s28 =	smov.u32 @p3 s26;
	s23 =	smov.u32 @p3 s29  }
0x12c: {  	v1 =	vld.msk [tilespmem:s22+$0x0], $0x1;
	_ =	sdelay $0x4  }
0x12d: {  	(v2sf) =	vpush v1, $0x0;
	_ =	sdelay $0xd  }
0x12e: {  	s17 =	smov.u32 s6  }
0x12f: {  	s6 =	smov.u32 s14;
	s14 =	smov.u32 s5;
	s30 =	spop (v2sf)  }
0x130: {  	s5 =	smov.u32 s10;
	s0 =	smul.u32 $0x1C000, s24;
	p2 =	seq.s32 s28, s30  }
0x131: {  	s2 =	smov.u32 s28;
	s25 =	ssub.s32 $0x0, s25;
	p3 =	sgt.s32 @!p2 s28, $0x0  }
0x132: {  	s26 =	simm.s32 $0x0;
	s0 =	sshrl.u32 s0, $0x2;
	p3 =	por !p3, p2  }
0x133: {  	s29 =	sadd.s32 $0x1, s25;
	s24 =	sor.u32 $0x106E8, s0;
	s2 =	simm.s32 @p3 $0x0  }
0x134: {  	s0 =	simm.s32 @!p2 $0x1;
	p3 =	seq.s32 s29, $0x0;
	s2 =	smin.u32 @!p2 s2, $0x4FF70  }
.Ltmp19:
0x135: {  	s9 =	simm.s32 @!p2 $0x7308;
	s8 =	sand.u32 @!p2 $0x7FFF8, s2;
	(pc) =	sbr.rel @p3 .LBB3_17-.Ltmp19, $4  }
0x136: {  	s31 =	sadd.s32 @!p2 $0x80, s2;
	s10 =	sadd.s32 @!p2 s1, s8;
	s8 =	sand.u32 @!p2 $0x7, s2  }
0x137: {  	[tilespmem:s9], [sflag:$0x2] =	stream.linear.gather @!p2 [hbm4b:s10+s8], $0x80, $0x38;
	[tilespmem:$0x1E668] =	vst v63  }
0x138: {  	s0 =	smov.u32 @p2 s26;
	s9 =	sand.u32 @!p2 $0xFFFF8, s31  }
0x139: {  	s2 =	simm.s32 @!p2 $0x7388;
	s31 =	sadd.s32 $0x1, s22;
	s9 =	sadd.s32 @!p2 s1, s9  }
.LBB3_16:
0x13a: {  	s10 =	smov.u32 s0  }
0x13b: {  	[tilespmem:s2], [sflag:$0x2] =	stream.linear.gather @!p2 [hbm4b:s9+s8], $0x80, $0x38;
	[tilespmem:$0x1E668] =	vst v63  }
0x13c: {  	s29 =	sadd.s32 $0x1, s29;
	s8 =	smov.u32 s30;
	v1 =	vld.msk [tilespmem:s31+$0x0], $0x1  }
0x13d: {  	p3 =	seq.s32 s29, $0x0;
	_ =	sdelay $0x3  }
0x13e: {  	(v2sf) =	vpush v1, $0x0;
	_ =	sdelay $0xe  }
0x13f: {  	s30 =	spop (v2sf)  }
0x140: {  	p2 =	seq.s32 s8, s30  }
0x141: {  	p4 =	sgt.s32 @!p2 s8, $0x0;
	s2 =	sshll.u32 @!p2 s0, $0xA;
	s0 =	sadd.s32 @!p2 $0x1, s0  }
0x142: {  	p4 =	por !p4, p2;
	s2 =	sshra.s32 @!p2 s2, $0x2;
	s0 =	smov.u32 @p2 s10  }
0x143: {  	s8 =	simm.s32 @p4 $0x0;
	s9 =	sadd.s32 @!p2 $0x7308, s2;
	s2 =	sadd.s32 @!p2 $0x7388, s2  }
.Ltmp20:
0x144: {  	s8 =	smin.u32 @!p2 s8, $0x4FF70;
	(pc) =	sbr.rel @!p3 .LBB3_16-.Ltmp20, $4  }
0x145: {  	s10 =	sand.u32 @!p2 $0x7FFF8, s8;
	s3 =	sadd.s32 @!p2 $0x80, s8  }
0x146: {  	s8 =	sand.u32 @!p2 $0x7, s8;
	s10 =	sadd.s32 @!p2 s1, s10;
	s3 =	sand.u32 @!p2 $0xFFFF8, s3  }
0x147: {  	[tilespmem:s9], [sflag:$0x2] =	stream.linear.gather @!p2 [hbm4b:s10+s8], $0x80, $0x38;
	[tilespmem:$0x1E668] =	vst v63  }
0x148: {  	s31 =	sadd.s32 $0x1, s31;
	s9 =	sadd.s32 @!p2 s1, s3  }
.LBB3_17:
0x149: {  	[tilespmem:s2], [sflag:$0x2] =	stream.linear.gather @!p2 [hbm4b:s9+s8], $0x80, $0x38;
	[tilespmem:$0x1E668] =	vst v63  }
.Ltmp21:
0x14a: {  	s0 =	sshll.u32 s0, $0x8;
	(pc) =	sbr.rel .LBB3_18-.Ltmp21, $4  }
0x14b: {  	s31 =	simm.s32 $0x2;
	s30 =	simm.s32 $0x0;
	s0 =	sand.u32 $0x3FFFFF00, s0  }
0x14c: {  	s10 =	smov.u32 s5;
	s5 =	smov.u32 s14;
	_ =	swait.ge [sflag:s31], s0  }
0x14d: {  	s14 =	smov.u32 s6;
	s0 =	ssub.s32 $0x0, s0;
	[sflag:s31] =	ssyncset.done $0x0  }
0x14e: {  	s6 =	smov.u32 s17;
	s17 =	simm.s32 $0xA;
	[sflag:s31] =	ssyncadd.s32 s0  }
.LBB3_19:
0x14f: {  	v1 =	vld [tilespmem:s24+$0xFFFFFF80];
	_ =	sdelay $0x4  }
0x150: {  	[tilespmem:s31+$0x208] =	vst.add.f32.msk $0xffff, v1  }
0x151: {  	v1 =	vld [tilespmem:s24+$0xFFFFFF90];
	_ =	sdelay $0x4  }
0x152: {  	[tilespmem:s31+$0x218] =	vst.add.f32.msk $0xffff, v1  }
0x153: {  	v1 =	vld [tilespmem:s24+$0xFFFFFFA0];
	_ =	sdelay $0x4  }
0x154: {  	[tilespmem:s31+$0x228] =	vst.add.f32.msk $0xffff, v1  }
0x155: {  	v1 =	vld [tilespmem:s24+$0xFFFFFFB0];
	_ =	sdelay $0x4  }
0x156: {  	[tilespmem:s31+$0x238] =	vst.add.f32.msk $0xffff, v1  }
0x157: {  	v1 =	vld [tilespmem:s24+$0xFFFFFFC0];
	_ =	sdelay $0x4  }
0x158: {  	[tilespmem:s31+$0x248] =	vst.add.f32.msk $0xffff, v1  }
0x159: {  	v1 =	vld [tilespmem:s24+$0xFFFFFFD0];
	_ =	sdelay $0x4  }
0x15a: {  	[tilespmem:s31+$0x258] =	vst.add.f32.msk $0xffff, v1  }
0x15b: {  	v1 =	vld [tilespmem:s24+$0xFFFFFFE0];
	_ =	sdelay $0x4  }
0x15c: {  	[tilespmem:s31+$0x268] =	vst.add.f32.msk $0xffff, v1  }
0x15d: {  	v1 =	vld [tilespmem:s24+$0xFFFFFFF0];
	_ =	sdelay $0x4  }
0x15e: {  	[tilespmem:s31+$0x278] =	vst.add.f32.msk $0xffff, v1  }
0x15f: {  	v1 =	vld [tilespmem:s24+$0x0];
	_ =	sdelay $0x4  }
0x160: {  	[tilespmem:s31+$0x288] =	vst.add.f32.msk $0xffff, v1  }
0x161: {  	v1 =	vld [tilespmem:s24+$0x10];
	_ =	sdelay $0x4  }
0x162: {  	[tilespmem:s31+$0x298] =	vst.add.f32.msk $0xffff, v1  }
0x163: {  	v1 =	vld [tilespmem:s24+$0x20];
	_ =	sdelay $0x4  }
0x164: {  	[tilespmem:s31+$0x2A8] =	vst.add.f32.msk $0xffff, v1  }
0x165: {  	v1 =	vld [tilespmem:s24+$0x30];
	_ =	sdelay $0x4  }
0x166: {  	[tilespmem:s31+$0x2B8] =	vst.add.f32.msk $0xffff, v1  }
0x167: {  	v1 =	vld [tilespmem:s24+$0x40];
	_ =	sdelay $0x4  }
0x168: {  	[tilespmem:s31+$0x2C8] =	vst.add.f32.msk $0xffff, v1  }
0x169: {  	v1 =	vld [tilespmem:s24+$0x50];
	_ =	sdelay $0x4  }
0x16a: {  	[tilespmem:s31+$0x2D8] =	vst.add.f32.msk $0xffff, v1  }
0x16b: {  	v1 =	vld [tilespmem:s24+$0x60];
	_ =	sdelay $0x4  }
0x16c: {  	[tilespmem:s31+$0x2E8] =	vst.add.f32.msk $0xffff, v1  }
0x16d: {  	v1 =	vld [tilespmem:s24+$0x70];
	_ =	sdelay $0x4  }
0x16e: {  	[tilespmem:s31+$0x2F8] =	vst.add.f32.msk $0xffff, v1  }
.LBB3_23:
0x16f: {  	s25 =	sadd.s32 $0x1, s25  }
0x170: {  	p2 =	seq.s32 s25, $0x0  }
.Ltmp22:
0x171: {  	_ = 	snop;
	(pc) =	sbr.rel @p2 .LBB3_24-.Ltmp22, $2  }
0x172: {  	_ =	sdelay $0x2  }
0x173: {  	s22 =	sadd.s32 $0x1, s22;
	s24 =	sadd.s32 $0x100, s24;
	s28 =	smov.u32 s29  }
.LBB3_18:
0x174: {  	v1 =	vld.msk [tilespmem:s22+$0x0], $0x1;
	_ =	sdelay $0x4  }
0x175: {  	(v2sf) =	vpush v1, $0x0;
	_ =	sdelay $0xe  }
0x176: {  	s29 =	spop (v2sf)  }
0x177: {  	p2 =	sne.s32 s28, s29  }
.Ltmp23:
0x178: {  	_ = 	snop;
	(pc) =	sbr.rel @!p2 .LBB3_19-.Ltmp23, $3  }
0x179: {  	_ =	sdelay $0x1  }
0x17a: {  	s0 =	sshll.u32 s21, $0xA  }
0x17b: {  	s31 =	sshra.s32 s0, $0x2  }
0x17c: {  	p2 =	seq.s32 s28, s23  }
.Ltmp24:
0x17d: {  	_ = 	snop;
	(pc) =	sbr.rel @!p2 .LBB3_21-.Ltmp24, $1  }
0x17e: {  	_ =	sdelay $0x3  }
.Ltmp25:
0x17f: {  	s0 =	sadd.s32 $0x208, s31;
	(pc) =	sbr.rel .LBB3_22-.Ltmp25, $4  }
0x180: {  	[spmem:s13] =	stream.linear.scatter [tilespmem:s0], [sflag:$0x1], $0x100, $0x38;
	[tilespmem:$0x1E668] =	vst v63  }
0x181: {  	_ =	swait.ge [sflag:s11], $0x100  }
0x182: {  	[sflag:s11] =	ssyncset.done $0x0  }
0x183: {  	[sflag:s11] =	ssyncadd.s32 $0xFFFFFF00  }
.LBB3_21:
0x184: {  	s0 =	sshll.u32 s26, $0xA  }
0x185: {  	s0 =	sshra.s32 s0, $0x2  }
0x186: {  	v1 =	vld [tilespmem:s0+$0x7308];
	_ =	sdelay $0x4  }
0x187: {  	[tilespmem:s31+$0x208] =	vst.add.f32.msk $0xffff, v1  }
0x188: {  	v1 =	vld [tilespmem:s0+$0x7318];
	_ =	sdelay $0x4  }
0x189: {  	[tilespmem:s31+$0x218] =	vst.add.f32.msk $0xffff, v1  }
0x18a: {  	v1 =	vld [tilespmem:s0+$0x7328];
	_ =	sdelay $0x4  }
0x18b: {  	[tilespmem:s31+$0x228] =	vst.add.f32.msk $0xffff, v1  }
0x18c: {  	v1 =	vld [tilespmem:s0+$0x7338];
	_ =	sdelay $0x4  }
0x18d: {  	[tilespmem:s31+$0x238] =	vst.add.f32.msk $0xffff, v1  }
0x18e: {  	v1 =	vld [tilespmem:s0+$0x7348];
	_ =	sdelay $0x4  }
0x18f: {  	[tilespmem:s31+$0x248] =	vst.add.f32.msk $0xffff, v1  }
0x190: {  	v1 =	vld [tilespmem:s0+$0x7358];
	_ =	sdelay $0x4  }
0x191: {  	[tilespmem:s31+$0x258] =	vst.add.f32.msk $0xffff, v1  }
0x192: {  	v1 =	vld [tilespmem:s0+$0x7368];
	_ =	sdelay $0x4  }
0x193: {  	[tilespmem:s31+$0x268] =	vst.add.f32.msk $0xffff, v1  }
0x194: {  	v1 =	vld [tilespmem:s0+$0x7378];
	_ =	sdelay $0x4  }
0x195: {  	[tilespmem:s31+$0x278] =	vst.add.f32.msk $0xffff, v1  }
0x196: {  	v1 =	vld [tilespmem:s0+$0x7388];
	_ =	sdelay $0x4  }
0x197: {  	[tilespmem:s31+$0x288] =	vst.add.f32.msk $0xffff, v1  }
0x198: {  	v1 =	vld [tilespmem:s0+$0x7398];
	_ =	sdelay $0x4  }
0x199: {  	[tilespmem:s31+$0x298] =	vst.add.f32.msk $0xffff, v1  }
0x19a: {  	v1 =	vld [tilespmem:s0+$0x73A8];
	_ =	sdelay $0x4  }
0x19b: {  	[tilespmem:s31+$0x2A8] =	vst.add.f32.msk $0xffff, v1  }
0x19c: {  	v1 =	vld [tilespmem:s0+$0x73B8];
	_ =	sdelay $0x4  }
0x19d: {  	[tilespmem:s31+$0x2B8] =	vst.add.f32.msk $0xffff, v1  }
0x19e: {  	v1 =	vld [tilespmem:s0+$0x73C8];
	_ =	sdelay $0x4  }
0x19f: {  	[tilespmem:s31+$0x2C8] =	vst.add.f32.msk $0xffff, v1  }
0x1a0: {  	v1 =	vld [tilespmem:s0+$0x73D8];
	_ =	sdelay $0x4  }
0x1a1: {  	[tilespmem:s31+$0x2D8] =	vst.add.f32.msk $0xffff, v1  }
0x1a2: {  	v1 =	vld [tilespmem:s0+$0x73E8];
	_ =	sdelay $0x4  }
0x1a3: {  	[tilespmem:s31+$0x2E8] =	vst.add.f32.msk $0xffff, v1  }
0x1a4: {  	v1 =	vld [tilespmem:s0+$0x73F8];
	_ =	sdelay $0x2  }
0x1a5: {  	p2 =	sgt.u32 s28, $0x4FF70  }
0x1a6: {  	s0 =	sand.u32 @!p2 $0x7FFF8, s28  }
0x1a7: {  	s2 =	sadd.s32 $0x208, s31;
	s3 =	sand.u32 @!p2 $0x7, s28;
	s0 =	sadd.s32 @!p2 s1, s0;
	[tilespmem:s31+$0x2F8] =	vst.add.f32.msk $0xffff, v1  }
0x1a8: {  	[hbm4b:s0+s3] =	stream.linear.scatter @!p2 [tilespmem:s2], [sflag:$0xA], $0x80, $0x38;
	[tilespmem:$0x1E668] =	vst v63  }
0x1a9: {  	s0 =	sadd.s32 @!p2 $0x80, s28  }
0x1aa: {  	s0 =	sand.u32 @!p2 $0xFFFF8, s0  }
0x1ab: {  	s2 =	sadd.s32 $0x288, s31;
	s0 =	sadd.s32 @!p2 s1, s0  }
0x1ac: {  	[hbm4b:s0+s3] =	stream.linear.scatter @!p2 [tilespmem:s2], [sflag:$0xA], $0x80, $0x38;
	[tilespmem:$0x1E668] =	vst v63  }
0x1ad: {  	s0 =	simm.s32 $0x0  }
0x1ae: {  	s0 =	simm.s32 @!p2 $0x400  }
0x1af: {  	s30 =	sadd.s32 s0, s30  }
.LBB3_22:
0x1b0: {  	s0 =	sadd.s32 $0x1, s21  }
0x1b1: {  	s2 =	sshrl.u32 s0, $0x4  }
0x1b2: {  	s2 =	smulhi.u32 $0x24924925, s2  }
0x1b3: {  	v1 =	vld [tilespmem:s24+$0xFFFFFF80]  }
0x1b4: {  	s2 =	smul.u32 $0x70, s2;
	_ =	sdelay $0x1  }
0x1b5: {  	s21 =	ssub.s32 s0, s2  }
0x1b6: {  	s0 =	sshll.u32 s21, $0x8  }
0x1b7: {  	[tilespmem:s0+$0x208] =	vst v1  }
0x1b8: {  	v1 =	vld [tilespmem:s24+$0xFFFFFF90];
	_ =	sdelay $0x4  }
0x1b9: {  	[tilespmem:s0+$0x218] =	vst v1  }
0x1ba: {  	v1 =	vld [tilespmem:s24+$0xFFFFFFA0];
	_ =	sdelay $0x4  }
0x1bb: {  	[tilespmem:s0+$0x228] =	vst v1  }
0x1bc: {  	v1 =	vld [tilespmem:s24+$0xFFFFFFB0];
	_ =	sdelay $0x4  }
0x1bd: {  	[tilespmem:s0+$0x238] =	vst v1  }
0x1be: {  	v1 =	vld [tilespmem:s24+$0xFFFFFFC0];
	_ =	sdelay $0x4  }
0x1bf: {  	[tilespmem:s0+$0x248] =	vst v1  }
0x1c0: {  	v1 =	vld [tilespmem:s24+$0xFFFFFFD0];
	_ =	sdelay $0x4  }
0x1c1: {  	[tilespmem:s0+$0x258] =	vst v1  }
0x1c2: {  	v1 =	vld [tilespmem:s24+$0xFFFFFFE0];
	_ =	sdelay $0x4  }
0x1c3: {  	[tilespmem:s0+$0x268] =	vst v1  }
0x1c4: {  	v1 =	vld [tilespmem:s24+$0xFFFFFFF0];
	_ =	sdelay $0x4  }
0x1c5: {  	[tilespmem:s0+$0x278] =	vst v1  }
0x1c6: {  	v1 =	vld [tilespmem:s24+$0x0];
	_ =	sdelay $0x4  }
0x1c7: {  	[tilespmem:s0+$0x288] =	vst v1  }
0x1c8: {  	v1 =	vld [tilespmem:s24+$0x10];
	_ =	sdelay $0x4  }
0x1c9: {  	[tilespmem:s0+$0x298] =	vst v1  }
0x1ca: {  	v1 =	vld [tilespmem:s24+$0x20];
	_ =	sdelay $0x4  }
0x1cb: {  	[tilespmem:s0+$0x2A8] =	vst v1  }
0x1cc: {  	v1 =	vld [tilespmem:s24+$0x30];
	_ =	sdelay $0x4  }
0x1cd: {  	[tilespmem:s0+$0x2B8] =	vst v1  }
0x1ce: {  	v1 =	vld [tilespmem:s24+$0x40];
	_ =	sdelay $0x4  }
0x1cf: {  	[tilespmem:s0+$0x2C8] =	vst v1  }
0x1d0: {  	v1 =	vld [tilespmem:s24+$0x50];
	_ =	sdelay $0x4  }
0x1d1: {  	[tilespmem:s0+$0x2D8] =	vst v1  }
0x1d2: {  	v1 =	vld [tilespmem:s24+$0x60];
	_ =	sdelay $0x4  }
0x1d3: {  	[tilespmem:s0+$0x2E8] =	vst v1  }
0x1d4: {  	v1 =	vld [tilespmem:s24+$0x70]  }
.Ltmp26:
0x1d5: {  	_ = 	snop;
	(pc) =	sbr.rel .LBB3_23-.Ltmp26, $2  }
0x1d6: {  	_ =	sdelay $0x2  }
0x1d7: {  	s26 =	sadd.s32 $0x1, s26;
	[tilespmem:s0+$0x2F8] =	vst v1  }
.LBB3_25:
.Ltmp27:
0x1d8: {  	(pc) =	sbr.rel .LBB3_26-.Ltmp27, $4  }
0x1d9: {  	_ = 	snop  }
0x1da: {  	s0 =	simm.s32 $0x2  }
0x1db: {  	_ =	swait.ge [sflag:s0], $0x0  }
0x1dc: {  	s29 =	smov.u32 s28;
	[sflag:s0] =	ssyncset.done $0x0;
	s0 =	simm.s32 $0x0  }
.LBB3_28:
0x1dd: {  	_ =	sfence.sel $0x180000  }
0x1de: {  	s0 =	simm.s32 $0x7;
	[bflag:$0x0] =	sbarrier.arrive $0xFFFF  }
0x1df: {  	s25 =	simm.s32 $0x8;
	[sflag:s0] =	ssyncpa.u1 $0x1  }
0x1e0: {  	s26 =	simm.s32 $0x9;
	[sflag:s25] =	ssyncpa.u1 $0x1  }
0x1e1: {  	s28 =	simm.s32 $0x2;
	[sflag:s26] =	ssyncpa.u1 $0x1  }
0x1e2: {  	[sflag:s28] =	ssyncpa.u1 $0x1  }
0x1e3: {  	v0 =	vld [tilespmem:$0xE408];
	_ =	sdelay $0x4  }
0x1e4: {  	(v2sf) =	vpush v0, $0x0  }
0x1e5: {  	(v2sf) =	vpush v0, $0x1;
	_ =	sdelay $0x1  }
0x1e6: {  	(v2sf) =	vpush v0, $0x2;
	_ =	sdelay $0xb  }
0x1e7: {  	s0 =	spop (v2sf)  }
0x1e8: {  	s2 =	spop (v2sf)  }
0x1e9: {  	s3 =	smov.u32 s0;
	p0 =	sne.s32 s0, s2  }
0x1ea: {  	s4 =	spop (v2sf);
	s3 =	simm.s32 @!p0 $0xFFFFFFFF  }
0x1eb: {  	v2 =	vimm.s32 $0x1;
	v3 =	vlaneseq.u32;
	p0 =	seq.s32 s4, $0xFFFFFFFF;
	v1 =	vmov s3  }
0x1ec: {  	s7 =	stileid.u32;
	v0 =	vperm.xlane v0, v2;
	p1 =	sne.s32 @!p0 s0, s2;
	v1 =	vperm.xlane v1, v3  }
0x1ed: {  	vm0 =	vcmask $0x3F04;
	s6 =	simm.s32 $0xE408;
	s0 =	simm.s32 @!p0 $0x1;
	p1 =	por !p1, p0  }
0x1ee: {  	s3 =	sshll.u32 s7, $0x1;
	s2 =	sshll.u32 @!p0 s4, $0xA;
	s0 =	simm.s32 @p1 $0x0;
	v0 =	vsel vm0, v1, v0  }
0x1ef: {  	s5 =	sor.u32 $0x2000, s3;
	s2 =	sshra.s32 @!p0 s2, $0x2;
	s0 =	sor.u32 @!p0 s0, s3;
	[tilespmem:$0xE408] =	vst v0  }
0x1f0: {  	[spmem:s5] =	stream.linear.scatter [tilespmem:s6], [sflag:$0x1], $0x2, $0x38;
	[tilespmem:$0x1E668] =	vst v63  }
0x1f1: {  	s2 =	sadd.s32 @!p0 $0x208, s2;
	s0 =	sshll.u32 @!p0 s0, $0x8  }
0x1f2: {  	[spmem:s0] =	stream.linear.scatter @!p0 [tilespmem:s2], [sflag:$0x1], $0x100, $0x38;
	[tilespmem:$0x1E668] =	vst v63  }
0x1f3: {  	s2 =	simm.s32 @!p0 $0x102  }
0x1f4: {  	s0 =	simm.s32 $0x1;
	s2 =	simm.s32 @p0 $0x2  }
0x1f5: {  	_ =	swait.ge [sflag:s0], s2  }
0x1f6: {  	s2 =	ssub.s32 $0x0, s2;
	[sflag:s0] =	ssyncset.done $0x0  }
0x1f7: {  	[sflag:s0] =	ssyncadd.s32 s2  }
0x1f8: {  	_ =	sfence.stream.spmem  }
0x1f9: {  	s29 =	simm.s32 $0x3;
	[bflag:$0x0] =	sbarrier.arrive $0xFFFF  }
0x1fa: {  	s30 =	simm.s32 $0x4;
	[sflag:s29] =	ssyncpa.u1 $0x1  }
0x1fb: {  	s31 =	simm.s32 $0x3C;
	[sflag:s30] =	ssyncpa.u1 $0x1  }
0x1fc: {  	p0 =	sne.s32 s7, $0x0;
	[sflag:s31] =	ssyncpa.u1 $0x1  }
0x1fd: {  	_ =	sfence @p0  }
0x1fe: {  	[sflag:s0] =	ssyncpa.u1 @p0 $0x1  }
0x1ff: {  	_ =	strace @p0 $0x90000053  }
0x200: {  	[bflag:$0x2] =	sbarrier.arrive @p0 $0xFFFF  }
0x201: {  	_ =	shalt @p0  }
.LBB3_29:
0x202: {  	_ =	sfence.stream.spmem;
	s0 =	simm.s32 $0x5  }
0x203: {  	s2 =	simm.s32 $0x2000;
	s3 =	simm.s32 $0xE418;
	[sflag:s0] =	ssyncpa.u1 $0x0  }
0x204: {  	[tilespmem:s3], [sflag:$0x5] =	stream.linear.gather [spmem:s2], $0x20, $0x38;
	[tilespmem:$0x1E668] =	vst v63  }
0x205: {  	s30 =	simm.s32 $0xE438;
	s2 =	simm.s32 $0x0  }
0x206: {  	[tilespmem:s30], [sflag:$0x5] =	stream.linear.gather [spmem:s2], $0x2000, $0x38;
	[tilespmem:$0x1E668] =	vst v63  }
.Ltmp28:
0x207: {  	_ = 	snop;
	(pc) =	sbr.rel .LBB3_30-.Ltmp28, $4  }
0x208: {  	_ =	swait.ge [sflag:s0], $0x2020  }
0x209: {  	[sflag:s0] =	ssyncset.done $0x0  }
0x20a: {  	s31 =	simm.s32 $0x6;
	[sflag:s0] =	ssyncadd.s32 $0xFFFFDFE0  }
0x20b: {  	s3 =	simm.s32 $0x0;
	[sflag:s31] =	ssyncpa.u1 $0x0  }
.LBB3_36:
0x20c: {  	p0 =	slt.u32 s4, $0x4FF71  }
0x20d: {  	s0 =	sand.u32 @p0 $0x7FFF8, s4  }
0x20e: {  	s5 =	sand.u32 @p0 $0x7, s4;
	s6 =	simm.s32 @p0 $0xE308;
	s0 =	sadd.s32 @p0 s1, s0  }
0x20f: {  	[tilespmem:s6], [sflag:$0x6] =	stream.linear.gather @p0 [hbm4b:s0+s5], $0x80, $0x38;
	[tilespmem:$0x1E668] =	vst v63  }
0x210: {  	s0 =	sadd.s32 @p0 $0x80, s4  }
0x211: {  	s0 =	sand.u32 @p0 $0xFFFF8, s0  }
0x212: {  	s4 =	simm.s32 @p0 $0xE388;
	s0 =	sadd.s32 @p0 s1, s0  }
0x213: {  	[tilespmem:s4], [sflag:$0x6] =	stream.linear.gather @p0 [hbm4b:s0+s5], $0x80, $0x38;
	[tilespmem:$0x1E668] =	vst v63  }
0x214: {  	s0 =	simm.s32 @p0 $0x6  }
0x215: {  	_ =	swait.ge @p0 [sflag:s0], $0x100  }
0x216: {  	[sflag:s0] =	ssyncset.done @p0 $0x0  }
0x217: {  	[sflag:s0] =	ssyncadd.s32 @p0 $0xFFFFFF00  }
0x218: {  	v1 =	vld @p0 [tilespmem:$0xE308];
	_ =	sdelay $0x2  }
0x219: {  	s0 =	sshll.u32 @p0 s3, $0xA  }
0x21a: {  	s4 =	sshrl.u32 @p0 s0, $0x2  }
0x21b: {  	[tilespmem:s4+$0xE438] =	vst.add.f32.msk @p0 $0xffff, v1  }
0x21c: {  	v1 =	vld @p0 [tilespmem:$0xE318];
	_ =	sdelay $0x4  }
0x21d: {  	[tilespmem:s4+$0xE448] =	vst.add.f32.msk @p0 $0xffff, v1  }
0x21e: {  	v1 =	vld @p0 [tilespmem:$0xE328];
	_ =	sdelay $0x4  }
0x21f: {  	[tilespmem:s4+$0xE458] =	vst.add.f32.msk @p0 $0xffff, v1  }
0x220: {  	v1 =	vld @p0 [tilespmem:$0xE338];
	_ =	sdelay $0x4  }
0x221: {  	[tilespmem:s4+$0xE468] =	vst.add.f32.msk @p0 $0xffff, v1  }
0x222: {  	v1 =	vld @p0 [tilespmem:$0xE348];
	_ =	sdelay $0x4  }
0x223: {  	[tilespmem:s4+$0xE478] =	vst.add.f32.msk @p0 $0xffff, v1  }
0x224: {  	v1 =	vld @p0 [tilespmem:$0xE358];
	_ =	sdelay $0x4  }
0x225: {  	[tilespmem:s4+$0xE488] =	vst.add.f32.msk @p0 $0xffff, v1  }
0x226: {  	v1 =	vld @p0 [tilespmem:$0xE368];
	_ =	sdelay $0x4  }
0x227: {  	[tilespmem:s4+$0xE498] =	vst.add.f32.msk @p0 $0xffff, v1  }
0x228: {  	v1 =	vld @p0 [tilespmem:$0xE378];
	_ =	sdelay $0x4  }
0x229: {  	[tilespmem:s4+$0xE4A8] =	vst.add.f32.msk @p0 $0xffff, v1  }
0x22a: {  	v1 =	vld @p0 [tilespmem:$0xE388];
	_ =	sdelay $0x4  }
0x22b: {  	[tilespmem:s4+$0xE4B8] =	vst.add.f32.msk @p0 $0xffff, v1  }
0x22c: {  	v1 =	vld @p0 [tilespmem:$0xE398];
	_ =	sdelay $0x4  }
0x22d: {  	[tilespmem:s4+$0xE4C8] =	vst.add.f32.msk @p0 $0xffff, v1  }
0x22e: {  	v1 =	vld @p0 [tilespmem:$0xE3A8];
	_ =	sdelay $0x4  }
0x22f: {  	[tilespmem:s4+$0xE4D8] =	vst.add.f32.msk @p0 $0xffff, v1  }
0x230: {  	v1 =	vld @p0 [tilespmem:$0xE3B8];
	_ =	sdelay $0x4  }
0x231: {  	[tilespmem:s4+$0xE4E8] =	vst.add.f32.msk @p0 $0xffff, v1  }
0x232: {  	v1 =	vld @p0 [tilespmem:$0xE3C8];
	_ =	sdelay $0x4  }
0x233: {  	[tilespmem:s4+$0xE4F8] =	vst.add.f32.msk @p0 $0xffff, v1  }
0x234: {  	v1 =	vld @p0 [tilespmem:$0xE3D8];
	_ =	sdelay $0x4  }
0x235: {  	[tilespmem:s4+$0xE508] =	vst.add.f32.msk @p0 $0xffff, v1  }
0x236: {  	v1 =	vld @p0 [tilespmem:$0xE3E8];
	_ =	sdelay $0x4  }
0x237: {  	[tilespmem:s4+$0xE518] =	vst.add.f32.msk @p0 $0xffff, v1  }
0x238: {  	v1 =	vld @p0 [tilespmem:$0xE3F8];
	_ =	sdelay $0x3  }
0x239: {  	s5 =	sshll.u32 @!p0 s3, $0xA  }
0x23a: {  	s5 =	smov.u32 @p0 s0;
	[tilespmem:s4+$0xE528] =	vst.add.f32.msk @p0 $0xffff, v1  }
0x23b: {  	s0 =	sshrl.u32 s5, $0x2;
	[tilespmem:s2+$0xE418] =	vst.msk $0x1, v0  }
0x23c: {  	v0 =	vld [tilespmem:s0+$0xE438];
	_ =	sdelay $0x2  }
0x23d: {  	s31 =	sshll.u32 s2, $0xA  }
0x23e: {  	s4 =	sshra.s32 s31, $0x2  }
0x23f: {  	[tilespmem:s4+$0xE438] =	vst v0  }
0x240: {  	v0 =	vld [tilespmem:s0+$0xE448];
	_ =	sdelay $0x4  }
0x241: {  	[tilespmem:s4+$0xE448] =	vst v0  }
0x242: {  	v0 =	vld [tilespmem:s0+$0xE458];
	_ =	sdelay $0x4  }
0x243: {  	[tilespmem:s4+$0xE458] =	vst v0  }
0x244: {  	v0 =	vld [tilespmem:s0+$0xE468];
	_ =	sdelay $0x4  }
0x245: {  	[tilespmem:s4+$0xE468] =	vst v0  }
0x246: {  	v0 =	vld [tilespmem:s0+$0xE478];
	_ =	sdelay $0x4  }
0x247: {  	[tilespmem:s4+$0xE478] =	vst v0  }
0x248: {  	v0 =	vld [tilespmem:s0+$0xE488];
	_ =	sdelay $0x4  }
0x249: {  	[tilespmem:s4+$0xE488] =	vst v0  }
0x24a: {  	v0 =	vld [tilespmem:s0+$0xE498];
	_ =	sdelay $0x4  }
0x24b: {  	[tilespmem:s4+$0xE498] =	vst v0  }
0x24c: {  	v0 =	vld [tilespmem:s0+$0xE4A8];
	_ =	sdelay $0x4  }
0x24d: {  	[tilespmem:s4+$0xE4A8] =	vst v0  }
0x24e: {  	v0 =	vld [tilespmem:s0+$0xE4B8];
	_ =	sdelay $0x4  }
0x24f: {  	[tilespmem:s4+$0xE4B8] =	vst v0  }
0x250: {  	v0 =	vld [tilespmem:s0+$0xE4C8];
	_ =	sdelay $0x4  }
0x251: {  	[tilespmem:s4+$0xE4C8] =	vst v0  }
0x252: {  	v0 =	vld [tilespmem:s0+$0xE4D8];
	_ =	sdelay $0x4  }
0x253: {  	[tilespmem:s4+$0xE4D8] =	vst v0  }
0x254: {  	v0 =	vld [tilespmem:s0+$0xE4E8];
	_ =	sdelay $0x4  }
0x255: {  	[tilespmem:s4+$0xE4E8] =	vst v0  }
0x256: {  	v0 =	vld [tilespmem:s0+$0xE4F8];
	_ =	sdelay $0x4  }
0x257: {  	[tilespmem:s4+$0xE4F8] =	vst v0  }
0x258: {  	v0 =	vld [tilespmem:s0+$0xE508];
	_ =	sdelay $0x4  }
0x259: {  	[tilespmem:s4+$0xE508] =	vst v0  }
0x25a: {  	v0 =	vld [tilespmem:s0+$0xE518];
	_ =	sdelay $0x4  }
0x25b: {  	[tilespmem:s4+$0xE518] =	vst v0  }
0x25c: {  	v0 =	vld [tilespmem:s0+$0xE528];
	_ =	sdelay $0x4  }
0x25d: {  	s2 =	sadd.s32 $0x1, s2;
	[tilespmem:s4+$0xE528] =	vst v0  }
.LBB3_37:
0x25e: {  	s3 =	sadd.s32 $0x1, s3  }
0x25f: {  	p0 =	sne.s32 s3, $0x20  }
.Ltmp29:
0x260: {  	_ = 	snop;
	(pc) =	sbr.rel @!p0 .LBB3_38-.Ltmp29, $1  }
0x261: {  	_ =	sdelay $0x3  }
.LBB3_30:
0x262: {  	v0 =	vld.msk [tilespmem:s3+$0xE418], $0x1;
	_ =	sdelay $0x4  }
0x263: {  	(v2sf) =	vpush v0, $0x0;
	_ =	sdelay $0xe  }
0x264: {  	s4 =	spop (v2sf)  }
0x265: {  	p0 =	seq.s32 s4, $0xFFFFFFFF  }
.Ltmp30:
0x266: {  	_ = 	snop;
	(pc) =	sbr.rel @p0 .LBB3_37-.Ltmp30, $1  }
0x267: {  	_ =	sdelay $0x3  }
0x268: {  	p0 =	slt.s32 s2, $0x1  }
.Ltmp31:
0x269: {  	_ = 	snop;
	(pc) =	sbr.rel @p0 .LBB3_36-.Ltmp31, $1  }
0x26a: {  	_ =	sdelay $0x3  }
0x26b: {  	s5 =	simm.s32 $0xE418;
	p0 =	por $0x0, $0x0  }
0x26c: {  	v1 =	vld.msk @!p0 [tilespmem:s5+$0x0], $0x1;
	_ =	sdelay $0x4  }
0x26d: {  	(v2sf) =	vpush @!p0 v1, $0x0;
	_ =	sdelay $0xd  }
0x26e: {  	p2 =	sne.s32 s2, $0x1  }
.Ltmp32:
0x26f: {  	s0 =	spop @!p0 (v2sf);
	(pc) =	sbr.rel @!p2 .LBB3_34-.Ltmp32, $4  }
0x270: {  	p1 =	seq.s32 @!p0 s4, s0  }
0x271: {  	s6 =	simm.s32 $0x0;
	p1 =	por !p1, p0  }
0x272: {  	s0 =	simm.s32 $0xFFFFFFFF;
	s6 =	simm.s32 @p1 $0xFFFFFFFF  }
0x273: {  	s7 =	simm.s32 $0x1;
	s6 =	smov.u32 @p0 s0  }
.LBB3_33:
0x274: {  	s0 =	smov.u32 s6;
	p0 =	sne.s32 s6, $0xFFFFFFFF  }
0x275: {  	s5 =	sadd.s32 $0x1, s5;
	s6 =	smov.u32 s7;
	s7 =	sadd.s32 $0x1, s7  }
0x276: {  	p1 =	sne.s32 s2, s7;
	v1 =	vld.msk @!p0 [tilespmem:s5+$0x0], $0x1;
	_ =	sdelay $0x4  }
0x277: {  	(v2sf) =	vpush @!p0 v1, $0x0;
	_ =	sdelay $0xe  }
.Ltmp33:
0x278: {  	s8 =	spop @!p0 (v2sf);
	(pc) =	sbr.rel @p1 .LBB3_33-.Ltmp33, $4  }
0x279: {  	p2 =	seq.s32 @!p0 s4, s8  }
0x27a: {  	p2 =	por !p2, p0  }
0x27b: {  	s6 =	simm.s32 @p2 $0xFFFFFFFF  }
0x27c: {  	s6 =	smov.u32 @p0 s0  }
.LBB3_34:
0x27d: {  	p0 =	seq.s32 s6, $0xFFFFFFFF  }
.Ltmp34:
0x27e: {  	_ = 	snop;
	(pc) =	sbr.rel @p0 .LBB3_36-.Ltmp34, $1  }
0x27f: {  	_ =	sdelay $0x3  }
0x280: {  	s0 =	sshll.u32 s3, $0x8  }
0x281: {  	s0 =	sand.u32 $0x3FFFFF00, s0  }
0x282: {  	v0 =	vld [tilespmem:s0+$0xE438];
	_ =	sdelay $0x2  }
0x283: {  	s4 =	sshll.u32 s6, $0xA  }
0x284: {  	s4 =	sshra.s32 s4, $0x2  }
0x285: {  	[tilespmem:s4+$0xE438] =	vst.add.f32.msk $0xffff, v0  }
0x286: {  	v0 =	vld [tilespmem:s0+$0xE448];
	_ =	sdelay $0x4  }
0x287: {  	[tilespmem:s4+$0xE448] =	vst.add.f32.msk $0xffff, v0  }
0x288: {  	v0 =	vld [tilespmem:s0+$0xE458];
	_ =	sdelay $0x4  }
0x289: {  	[tilespmem:s4+$0xE458] =	vst.add.f32.msk $0xffff, v0  }
0x28a: {  	v0 =	vld [tilespmem:s0+$0xE468];
	_ =	sdelay $0x4  }
0x28b: {  	[tilespmem:s4+$0xE468] =	vst.add.f32.msk $0xffff, v0  }
0x28c: {  	v0 =	vld [tilespmem:s0+$0xE478];
	_ =	sdelay $0x4  }
0x28d: {  	[tilespmem:s4+$0xE478] =	vst.add.f32.msk $0xffff, v0  }
0x28e: {  	v0 =	vld [tilespmem:s0+$0xE488];
	_ =	sdelay $0x4  }
0x28f: {  	[tilespmem:s4+$0xE488] =	vst.add.f32.msk $0xffff, v0  }
0x290: {  	v0 =	vld [tilespmem:s0+$0xE498];
	_ =	sdelay $0x4  }
0x291: {  	[tilespmem:s4+$0xE498] =	vst.add.f32.msk $0xffff, v0  }
0x292: {  	v0 =	vld [tilespmem:s0+$0xE4A8];
	_ =	sdelay $0x4  }
0x293: {  	[tilespmem:s4+$0xE4A8] =	vst.add.f32.msk $0xffff, v0  }
0x294: {  	v0 =	vld [tilespmem:s0+$0xE4B8];
	_ =	sdelay $0x4  }
0x295: {  	[tilespmem:s4+$0xE4B8] =	vst.add.f32.msk $0xffff, v0  }
0x296: {  	v0 =	vld [tilespmem:s0+$0xE4C8];
	_ =	sdelay $0x4  }
0x297: {  	[tilespmem:s4+$0xE4C8] =	vst.add.f32.msk $0xffff, v0  }
0x298: {  	v0 =	vld [tilespmem:s0+$0xE4D8];
	_ =	sdelay $0x4  }
0x299: {  	[tilespmem:s4+$0xE4D8] =	vst.add.f32.msk $0xffff, v0  }
0x29a: {  	v0 =	vld [tilespmem:s0+$0xE4E8];
	_ =	sdelay $0x4  }
0x29b: {  	[tilespmem:s4+$0xE4E8] =	vst.add.f32.msk $0xffff, v0  }
0x29c: {  	v0 =	vld [tilespmem:s0+$0xE4F8];
	_ =	sdelay $0x4  }
0x29d: {  	[tilespmem:s4+$0xE4F8] =	vst.add.f32.msk $0xffff, v0  }
0x29e: {  	v0 =	vld [tilespmem:s0+$0xE508];
	_ =	sdelay $0x4  }
0x29f: {  	[tilespmem:s4+$0xE508] =	vst.add.f32.msk $0xffff, v0  }
0x2a0: {  	v0 =	vld [tilespmem:s0+$0xE518];
	_ =	sdelay $0x4  }
0x2a1: {  	[tilespmem:s4+$0xE518] =	vst.add.f32.msk $0xffff, v0  }
0x2a2: {  	v0 =	vld [tilespmem:s0+$0xE528]  }
.Ltmp35:
0x2a3: {  	_ = 	snop;
	(pc) =	sbr.rel .LBB3_37-.Ltmp35, $2  }
0x2a4: {  	_ =	sdelay $0x2  }
0x2a5: {  	[tilespmem:s4+$0xE528] =	vst.add.f32.msk $0xffff, v0  }
.LBB3_38:
0x2a6: {  	p0 =	slt.s32 s2, $0x1  }
.Ltmp36:
0x2a7: {  	_ = 	snop;
	(pc) =	sbr.rel @p0 .LBB3_42-.Ltmp36, $3  }
0x2a8: {  	_ =	sdelay $0x1  }
0x2a9: {  	s0 =	simm.s32 $0x6  }
0x2aa: {  	[sflag:s0] =	ssyncpa.u1 $0x1;
	s0 =	simm.s32 $0x0  }
0x2ab: {  	s3 =	simm.s32 $0xE418  }
0x2ac: {  	v0 =	vld.msk [tilespmem:s3+$0x0], $0x1;
	_ =	sdelay $0x4  }
0x2ad: {  	(v2sf) =	vpush v0, $0x0;
	_ =	sdelay $0xe  }
0x2ae: {  	s2 =	sadd.s32 $0xFFFFFFFF, s2;
	s4 =	spop (v2sf)  }
0x2af: {  	s5 =	simm.s32 $0xE438;
	p0 =	sne.s32 s2, $0x0;
	p1 =	sgt.u32 s4, $0x4FF70  }
.Ltmp37:
0x2b0: {  	s3 =	simm.s32 $0xE538;
	s6 =	sand.u32 @!p1 $0x7FFF8, s4;
	(pc) =	sbr.rel @!p0 .LBB3_41-.Ltmp37, $4  }
0x2b1: {  	s7 =	sadd.s32 @!p1 $0x80, s4;
	s8 =	sadd.s32 @!p1 s1, s6;
	s6 =	sand.u32 @!p1 $0x7, s4  }
0x2b2: {  	[hbm4b:s8+s6] =	stream.linear.scatter @!p1 [tilespmem:s5], [sflag:$0x5], $0x80, $0x38;
	[tilespmem:$0x1E668] =	vst v63  }
0x2b3: {  	s0 =	simm.s32 @!p1 $0x400;
	s4 =	simm.s32 $0xE419;
	s5 =	sand.u32 @!p1 $0xFFFF8, s7  }
0x2b4: {  	s7 =	simm.s32 @!p1 $0xE4B8;
	s8 =	sadd.s32 @!p1 s1, s5;
	s5 =	sadd.s32 $0x0, s0  }
.LBB3_40:
0x2b5: {  	[hbm4b:s8+s6] =	stream.linear.scatter @!p1 [tilespmem:s7], [sflag:$0x5], $0x80, $0x38;
	[tilespmem:$0x1E668] =	vst v63  }
0x2b6: {  	s2 =	sadd.s32 $0xFFFFFFFF, s2;
	s0 =	smov.u32 s3;
	v0 =	vld.msk [tilespmem:s4+$0x0], $0x1  }
0x2b7: {  	p0 =	sne.s32 s2, $0x0;
	_ =	sdelay $0x3  }
0x2b8: {  	(v2sf) =	vpush v0, $0x0;
	_ =	sdelay $0xe  }
0x2b9: {  	s3 =	sadd.s32 $0x100, s3;
	s9 =	simm.s32 $0x0;
	s6 =	spop (v2sf)  }
.Ltmp38:
0x2ba: {  	s4 =	sadd.s32 $0x1, s4;
	p1 =	sgt.u32 s6, $0x4FF70;
	(pc) =	sbr.rel @p0 .LBB3_40-.Ltmp38, $4  }
0x2bb: {  	s9 =	simm.s32 @!p1 $0x400;
	s7 =	sand.u32 @!p1 $0x7FFF8, s6;
	s8 =	sadd.s32 @!p1 $0x80, s6  }
0x2bc: {  	s6 =	sand.u32 @!p1 $0x7, s6;
	s7 =	sadd.s32 @!p1 s1, s7;
	s8 =	sand.u32 @!p1 $0xFFFF8, s8  }
0x2bd: {  	[hbm4b:s7+s6] =	stream.linear.scatter @!p1 [tilespmem:s0], [sflag:$0x5], $0x80, $0x38;
	[tilespmem:$0x1E668] =	vst v63  }
0x2be: {  	s5 =	sadd.s32 s5, s9;
	s7 =	sadd.s32 @!p1 $0x80, s0;
	s8 =	sadd.s32 @!p1 s1, s8  }
.LBB3_41:
0x2bf: {  	[hbm4b:s8+s6] =	stream.linear.scatter @!p1 [tilespmem:s7], [sflag:$0x5], $0x80, $0x38;
	[tilespmem:$0x1E668] =	vst v63  }
0x2c0: {  	s0 =	sshrl.u32 s5, $0x2  }
.LBB3_42:
0x2c1: {  	s1 =	simm.s32 $0x5  }
0x2c2: {  	_ =	swait.ge [sflag:s1], s0  }
0x2c3: {  	s29 =	ssub.s32 $0x0, s0;
	[sflag:s1] =	ssyncset.done $0x0  }
0x2c4: {  	[sflag:s1] =	ssyncadd.s32 s29  }
0x2c5: {  	[sflag:s1] =	ssyncpa.u1 $0x1  }
0x2c6: {  	s30 =	simm.s32 $0x1;
	_ =	sfence  }
0x2c7: {  	[sflag:s30] =	ssyncpa.u1 $0x1  }
0x2c8: {  	_ =	strace $0x90000053  }
0x2c9: {  	[bflag:$0x2] =	sbarrier.arrive $0xFFFF  }
0x2ca: {  	s31 =	rddreg [dreg:$0x1]  }
0x2cb: {  	s0 =	sadd.s32 $0x100000, s31  }
0x2cc: {  	[sflag:s0] =	ssyncadd.tile.s32 $0x1;
	_ =	shalt  }
.Lfunc_end3:
_tile_overlayer_lowered:
.L_overlay_start_3:
0x2cd: {  	(tag) =	ssettag $0x3  }
0x2ce: {  	s0 =	rddreg [dreg:$0x0];
	s2 =	stileid.u32  }
0x2cf: {  	s1 =	rddreg [dreg:$0x1];
	p0 =	sne.s32 s2, $0x0  }
0x2d0: {  	s3 =	rddreg [dreg:$0x2];
	[bflag:$0x3] =	sbarrier.arrive $0xFFFF;
	s2 =	simm.s32 @!p0 $0x1C01  }
0x2d1: {  	[timem:s3], [sflag:s2] =	dma.local @!p0 [hbm:s0], s1  }
0x2d2: {  	s0 =	simm.s32 @!p0 $0x1  }
0x2d3: {  	_ =	swait.ge @!p0 [sflag:s0], s1  }
0x2d4: {  	s1 =	ssub.s32 @!p0 $0x0, s1;
	[sflag:s0] =	ssyncset.done @!p0 $0x0  }
0x2d5: {  	[sflag:s0] =	ssyncadd.s32 @!p0 s1  }
0x2d6: {  	[bflag:$0x3] =	sbarrier.arrive $0xFFFF  }
0x2d7: {  	_ =	shalt  }

// kernel: scatter_offload_async_start.2
scs
__scs_entry_jumppad:
0x0: {  	(pc) =	sbr.rel $0x88, $3  }
0x1: {  	(tag) =	ssettag $0x0;
	lr =	simm.s32 $0x1  }
0x2: {  	[smem:$0x3F97] =	sst lr;
	_ =	strace $0xD0000000  }
0x3: {  	_ = 	snop  }
0x4: {  	_ = 	snop  }
0x5: {  	_ = 	snop  }
0x6: {  	_ = 	snop  }
0x7: {  	_ = 	snop  }
__scs_overlays_trampoline_lowered:
0x8: {  	[smem:$0x3FA6] =	sst s0  }
0x9: {  	[smem:$0x3FA7] =	sst s1  }
0xa: {  	[smem:$0x3FA8] =	sst s2  }
0xb: {  	[smem:$0x3FA9] =	sst s3  }
0xc: {  	[smem:$0x3FAA] =	sst s4  }
0xd: {  	[smem:$0x3FAB] =	sst s5  }
0xe: {  	[smem:$0x3FAC] =	sst s6  }
0xf: {  	[smem:$0x3FAD] =	sst s7  }
0x10: {  	[smem:$0x3FAE] =	sst s8  }
0x11: {  	[smem:$0x3FAF] =	sst s9;
	s0 =	simm.s32 @!p0 $0x0  }
0x12: {  	s1 =	sld [smem:$0x3F95];
	s0 =	simm.s32 @p0 $0x1  }
0x13: {  	[smem:$0x3FB0] =	sst s0;
	s0 =	simm.s32 @!p1 $0x0  }
0x14: {  	s2 =	sld [smem:$0x3F94];
	s0 =	simm.s32 @p1 $0x1  }
0x15: {  	[smem:$0x3FB1] =	sst s0;
	s0 =	simm.s32 @!p2 $0x0  }
0x16: {  	s3 =	sld [smem:$0x3FDB];
	s0 =	simm.s32 @p2 $0x1  }
0x17: {  	s4 =	simm.s32 $0x1BF5;
	[smem:$0x3FB3] =	sst s0  }
0x18: {  	s0 =	sld [smem:$0x3F96];
	_ =	swait.ge [sflag:s4], $0x0  }
0x19: {  	s7 =	sld [smem:$0x3F97]  }
0x1a: {  	s8 =	sadd.s32 $0xFFFFE003, lr  }
0x1b: {  	s9 =	sadd.s32 $0xFFFFFEF7, lr;
	s5 =	simm.s32 $0xFFFFFFFF;
	p2 =	slt.u32 s8, $0xFFFFF086  }
0x1c: {  	p1 =	slt.u32 s9, $0xF7A;
	s5 =	simm.s32 @!p2 $0x0  }
0x1d: {  	s5 =	simm.s32 @p1 $0x1;
	p0 =	seq.s32 s7, s2  }
0x1e: {  	s7 =	smul.u32 @!p0 $0xF7A, s2;
	p2 =	seq.s32 @!p0 s5, $0x0  }
0x1f: {  	s9 =	smul.u32 $0xF7A, s1;
	s8 =	simm.s32 @!p0 $0x1BF5;
	p2 =	por !p2, p0  }
0x20: {  	[sflag:s8] =	ssyncset.s32 @!p0 $0xFFFFF086;
	s6 =	sadd.s32 @!p0 s3, s7;
	s7 =	simm.s32 @!p0 $0x108  }
0x21: {  	s3 =	sadd.s32 s3, s9;
	s6 =	sadd.s32 @!p0 $0x88, s6;
	s7 =	simm.s32 @p2 $0x1082  }
0x22: {  	[simem:s7], [sflag:s8] =	dma.local @!p0 [hbm:s6], $0xF7A  }
0x23: {  	s9 =	sor.u32 $0xD0000000, s2;
	s6 =	simm.s32 $0x108;
	_ =	swait.ge @!p0 [sflag:s8], $0x0  }
0x24: {  	s3 =	sadd.s32 $0x88, s3;
	s6 =	simm.s32 @!p1 $0x1082;
	[sflag:s4] =	ssyncset.s32 $0xFFFFF086  }
0x25: {  	[simem:s6], [sflag:s4] =	dma.local [hbm:s3], $0xF7A  }
0x26: {  	[smem:$0x3F97] =	sst s1;
	(tag) =	ssettag s2;
	_ =	strace s9  }
0x27: {  	s1 =	sld [smem:$0x3FA7]  }
0x28: {  	s2 =	sld [smem:$0x3FA8]  }
0x29: {  	s4 =	sld [smem:$0x3FAA]  }
0x2a: {  	p0 =	seq.s32 s5, $0x0;
	s5 =	sld [smem:$0x3FAB]  }
0x2b: {  	s6 =	sld [smem:$0x3FAC]  }
0x2c: {  	s7 =	sld [smem:$0x3FAD]  }
0x2d: {  	s3 =	simm.s32 $0x108;
	s8 =	sld [smem:$0x3FAE]  }
0x2e: {  	s3 =	simm.s32 @!p0 $0x1082;
	s9 =	sld [smem:$0x3FAF]  }
0x2f: {  	lr =	sadd.s32 s0, s3;
	s0 =	sld [smem:$0x3FA6]  }
0x30: {  	s3 =	sld [smem:$0x3FA9]  }
0x31: {  	[smem:$0x3FB2] =	sst s10  }
0x32: {  	s10 =	sld [smem:$0x3FB0];
	_ =	sdelay $0x3  }
0x33: {  	p0 =	seq.s32 s10, $0x1;
	s10 =	sld [smem:$0x3FB2];
	_ =	sdelay $0x3  }
0x34: {  	[smem:$0x3FB2] =	sst s10  }
0x35: {  	s10 =	sld [smem:$0x3FB1];
	_ =	sdelay $0x3  }
0x36: {  	p1 =	seq.s32 s10, $0x1;
	s10 =	sld [smem:$0x3FB2];
	_ =	sdelay $0x3  }
0x37: {  	[smem:$0x3FB2] =	sst s10  }
0x38: {  	s10 =	sld [smem:$0x3FB3]  }
0x39: {  	_ = 	snop;
	(pc) =	sbr.ind lr, $3  }
0x3a: {  	_ = 	snop  }
0x3b: {  	_ = 	snop  }
0x3c: {  	p2 =	seq.s32 s10, $0x1;
	s10 =	sld [smem:$0x3FB2]  }
0x3d: {  	_ =	shalt  }
0x3e: {  	_ =	shalt  }
0x3f: {  	_ =	shalt  }
0x40: {  	_ =	shalt  }
0x41: {  	_ =	shalt  }
0x42: {  	_ =	shalt  }
0x43: {  	_ =	shalt  }
0x44: {  	_ =	shalt  }
0x45: {  	_ =	shalt  }
0x46: {  	_ =	shalt  }
0x47: {  	_ =	shalt  }
0x48: {  	_ =	shalt  }
0x49: {  	_ =	shalt  }
0x4a: {  	_ =	shalt  }
0x4b: {  	_ =	shalt  }
0x4c: {  	_ =	shalt  }
0x4d: {  	_ =	shalt  }
0x4e: {  	_ =	shalt  }
0x4f: {  	_ =	shalt  }
0x50: {  	_ =	shalt  }
0x51: {  	_ =	shalt  }
0x52: {  	_ =	shalt  }
0x53: {  	_ =	shalt  }
0x54: {  	_ =	shalt  }
0x55: {  	_ =	shalt  }
0x56: {  	_ =	shalt  }
0x57: {  	_ =	shalt  }
0x58: {  	_ =	shalt  }
0x59: {  	_ =	shalt  }
0x5a: {  	_ =	shalt  }
0x5b: {  	_ =	shalt  }
0x5c: {  	_ =	shalt  }
0x5d: {  	_ =	shalt  }
0x5e: {  	_ =	shalt  }
0x5f: {  	_ =	shalt  }
0x60: {  	_ =	shalt  }
0x61: {  	_ =	shalt  }
0x62: {  	_ =	shalt  }
0x63: {  	_ =	shalt  }
0x64: {  	_ =	shalt  }
0x65: {  	_ =	shalt  }
0x66: {  	_ =	shalt  }
0x67: {  	_ =	shalt  }
0x68: {  	_ =	shalt  }
0x69: {  	_ =	shalt  }
0x6a: {  	_ =	shalt  }
0x6b: {  	_ =	shalt  }
0x6c: {  	_ =	shalt  }
0x6d: {  	_ =	shalt  }
0x6e: {  	_ =	shalt  }
0x6f: {  	_ =	shalt  }
0x70: {  	_ =	shalt  }
0x71: {  	_ =	shalt  }
0x72: {  	_ =	shalt  }
0x73: {  	_ =	shalt  }
0x74: {  	_ =	shalt  }
0x75: {  	_ =	shalt  }
0x76: {  	_ =	shalt  }
0x77: {  	_ =	shalt  }
0x78: {  	_ =	shalt  }
0x79: {  	_ =	shalt  }
0x7a: {  	_ =	shalt  }
0x7b: {  	_ =	shalt  }
0x7c: {  	_ =	shalt  }
0x7d: {  	_ =	shalt  }
0x7e: {  	_ =	shalt  }
0x7f: {  	_ =	shalt  }
0x80: {  	_ =	shalt  }
0x81: {  	_ =	shalt  }
0x82: {  	_ =	shalt  }
0x83: {  	_ =	shalt  }
0x84: {  	_ =	shalt  }
0x85: {  	_ =	shalt  }
0x86: {  	_ =	shalt  }
0x87: {  	_ =	shalt  }
.Lfunc_end0:
.L_simem_size_0:
called_computation.2_lowered:
.L_overlay_start_0:
0x88: {  	s0 =	sld [smem:$0x3FD9]  }
0x89: {  	s1 =	sld [smem:$0x3FFE];
	_ =	sdelay $0x3  }
0x8a: {  	s0 =	sadd.s32 s1, s0  }
0x8b: {  	[smem:$0x3FBE] =	sst s0  }
0x8c: {  	_ = 	snop  }
0x8d: {  	s0 =	sld [smem:$0x3FD0];
	(tm) =	ssettm $0x1  }
0x8e: {  	s16 =	sld [smem:$0x3FFB];
	_ =	sdelay $0x3  }
0x8f: {  	_ =	strace s16  }
0x90: {  	s1 =	sld [smem:$0x3FFC];
	_ =	sdelay $0x3  }
0x91: {  	_ =	strace s1  }
0x92: {  	s1 =	sld [smem:$0x3FFD];
	_ =	sdelay $0x3  }
0x93: {  	_ =	strace s1  }
0x94: {  	_ =	strace $0x8FFFFFFF  }
0x95: {  	s17 =	sld [smem:$0x3FDB];
	_ =	sdelay $0x1  }
0x96: {  	s2 =	simm.s32 $_scs_section_size  }
0x97: {  	s3 =	simm.s32 $_size__tile_overlayer_lowered;
	s4 =	simm.s32 $_tile_overlayer_lowered  }
0x98: {  	s20 =	simm.s32 $0x1BFF;
	s19 =	sshll.u32 s4, $0x1;
	s1 =	sadd.s32 s2, s17  }
0x99: {  	s5 =	simm.s32 $0x0;
	s18 =	sshll.u32 s3, $0x1;
	s3 =	sadd.s32 s19, s1  }
0x9a: {  	[timem:s5], [sflag:s20] =	dma.local [hbm:s3], s18  }
0x9b: {  	_ =	swait.ge [sflag:s20], s18  }
0x9c: {  	s2 =	ssub.s32 $0x0, s18;
	[sflag:s20] =	ssyncset.done $0x0  }
0x9d: {  	[sflag:s20] =	ssyncadd.s32 s2;
	_ =	sdelay $0x1  }
0x9e: {  	s21 =	simm.s32 $0x1B8B  }
0x9f: {  	_ =	swait.ge [sflag:s21], $0x1  }
0xa0: {  	[sflag:s21] =	ssyncset.done $0x0  }
0xa1: {  	s23 =	simm.s32 $0x1B8E;
	s22 =	sld [smem:$0x3FFE];
	[sflag:s21] =	ssyncadd.s32 $0xFFFFFFFF  }
0xa2: {  	s24 =	simm.s32 $execute0_lowered;
	[smem:$0x3FD2] =	sst s23  }
0xa3: {  	s3 =	sshll.u32 s24, $0x1;
	_ =	strace $0x80000058;
	[dreg:$0x1] =	wrdreg $0xFFFFFFFF  }
0xa4: {  	s25 =	simm.s32 $_size_execute0_lowered;
	s1 =	sadd.s32 s1, s3;
	[dreg:$0x0] =	wrdreg $0x0  }
0xa5: {  	s3 =	sshll.u32 s25, $0x1;
	[dreg:$0x2] =	wrdreg s1  }
0xa6: {  	[dreg:$0x3] =	wrdreg s3  }
0xa7: {  	[dreg:$0x4] =	wrdreg $0xC0  }
0xa8: {  	_ =	task [dreg:s5], $0x5FFFF  }
0xa9: {  	[dreg:$0x1] =	wrdreg $0xFFFFFFFF  }
0xaa: {  	[dreg:$0x0] =	wrdreg $0x60  }
0xab: {  	[dreg:$0x2] =	wrdreg s0  }
0xac: {  	[dreg:$0x3] =	wrdreg s22  }
0xad: {  	[dreg:$0x4] =	wrdreg $0x9  }
0xae: {  	_ =	task.clear_ibuf [dreg:s5], $0x5FFFF;
	_ =	strace $0x90000058  }
0xaf: {  	s26 =	simm.s32 $0x9;
	_ =	strace $0x8000005A  }
0xb0: {  	_ =	swait.ge [sflag:s26], $0x1  }
0xb1: {  	[sflag:s26] =	ssyncadd.s32 $0xFFFFFFFF  }
0xb2: {  	_ =	strace $0x9000005A  }
0xb3: {  	_ =	sfence  }
0xb4: {  	s28 =	sld [smem:$0x0];
	_ =	sdelay $0x1  }
0xb5: {  	s29 =	srdreg.scid  }
0xb6: {  	s30 =	sshll.u32 s29, $0xD;
	s31 =	sshrl.u32 s29, $0x2  }
0xb7: {  	s2 =	sand.u32 $0x4000, s30;
	s1 =	sand.u32 $0x1, s29;
	s0 =	sadd.s32 s31, s28  }
0xb8: {  	s1 =	sor.u32 s2, s1;
	s0 =	sshll.u32 s0, $0x11  }
0xb9: {  	s0 =	sor.u32 s0, s1  }
0xba: {  	s0 =	sadd.s32 $0x8F2B, s0  }
0xbb: {  	[sflag:s0] =	ssyncadd.remote.s32 $0x1  }
0xbc: {  	_ =	sfence.sel $0xFFFF  }
0xbd: {  	[dreg:$0x0] =	wrdreg $0xFFFFFFFF;
	(pc) =	sbr.abs _section_cstart, $3  }
0xbe: {  	[dreg:$0x1] =	wrdreg $0xFFFFFFFF  }
0xbf: {  	_ =	task.clear_ibuf [dreg:s5], $0x2FFFF;
	_ =	strace $0x9FFFFFFF  }
0xc0: {  	(tm) =	ssettm $0x7FFFFFFF  }
0xc1: {  	_ =	shalt  }
tec
execute0_lowered:
.L_overlay_start_1:
0x0: {  	(tag) =	ssettag $0x1  }
0x1: {  	s1 =	rddreg [dreg:$0x0]  }
0x2: {  	s8 =	rddreg [dreg:$0x1];
	_ =	strace $0x80000059;
	s11 =	simm.s32 $0x1  }
0x3: {  	v0 =	vimm.s32 $0x0;
	[sflag:s11] =	ssyncpa.u1 $0x0  }
0x4: {  	[tilespmem:$0x28] =	vst v0  }
0x5: {  	[tilespmem:$0x38] =	vst v0  }
0x6: {  	[tilespmem:$0x48] =	vst v0  }
0x7: {  	[tilespmem:$0x58] =	vst v0  }
0x8: {  	[tilespmem:$0x68] =	vst v0  }
0x9: {  	[tilespmem:$0x78] =	vst v0  }
0xa: {  	[tilespmem:$0x88] =	vst v0  }
0xb: {  	[tilespmem:$0x98] =	vst v0  }
0xc: {  	[tilespmem:$0xA8] =	vst v0  }
0xd: {  	[tilespmem:$0xB8] =	vst v0  }
0xe: {  	[tilespmem:$0xC8] =	vst v0  }
0xf: {  	[tilespmem:$0xD8] =	vst v0  }
0x10: {  	[tilespmem:$0xE8] =	vst v0  }
0x11: {  	[tilespmem:$0xF8] =	vst v0  }
0x12: {  	[tilespmem:$0x108] =	vst v0  }
0x13: {  	[tilespmem:$0x118] =	vst v0  }
0x14: {  	[tilespmem:$0x128] =	vst v0  }
0x15: {  	[tilespmem:$0x138] =	vst v0  }
0x16: {  	[tilespmem:$0x148] =	vst v0  }
0x17: {  	[tilespmem:$0x158] =	vst v0  }
0x18: {  	[tilespmem:$0x168] =	vst v0  }
0x19: {  	[tilespmem:$0x178] =	vst v0  }
0x1a: {  	[tilespmem:$0x188] =	vst v0  }
0x1b: {  	[tilespmem:$0x198] =	vst v0  }
0x1c: {  	[tilespmem:$0x1A8] =	vst v0  }
0x1d: {  	[tilespmem:$0x1B8] =	vst v0  }
0x1e: {  	[tilespmem:$0x1C8] =	vst v0  }
0x1f: {  	[tilespmem:$0x1D8] =	vst v0  }
0x20: {  	[tilespmem:$0x1E8] =	vst v0  }
0x21: {  	[tilespmem:$0x1F8] =	vst v0  }
0x22: {  	[tilespmem:$0x208] =	vst v0  }
0x23: {  	[tilespmem:$0x218] =	vst v0  }
0x24: {  	[tilespmem:$0x228] =	vst v0  }
0x25: {  	[tilespmem:$0x238] =	vst v0  }
0x26: {  	[tilespmem:$0x248] =	vst v0  }
0x27: {  	[tilespmem:$0x258] =	vst v0  }
0x28: {  	[tilespmem:$0x268] =	vst v0  }
0x29: {  	[tilespmem:$0x278] =	vst v0  }
0x2a: {  	[tilespmem:$0x288] =	vst v0  }
0x2b: {  	[tilespmem:$0x298] =	vst v0  }
0x2c: {  	[tilespmem:$0x2A8] =	vst v0  }
0x2d: {  	[tilespmem:$0x2B8] =	vst v0  }
0x2e: {  	[tilespmem:$0x2C8] =	vst v0  }
0x2f: {  	[tilespmem:$0x2D8] =	vst v0  }
0x30: {  	[tilespmem:$0x2E8] =	vst v0  }
0x31: {  	[tilespmem:$0x2F8] =	vst v0  }
0x32: {  	[tilespmem:$0x308] =	vst v0  }
0x33: {  	[tilespmem:$0x318] =	vst v0  }
0x34: {  	[tilespmem:$0x328] =	vst v0  }
0x35: {  	[tilespmem:$0x338] =	vst v0  }
0x36: {  	[tilespmem:$0x348] =	vst v0  }
0x37: {  	[tilespmem:$0x358] =	vst v0  }
0x38: {  	[tilespmem:$0x368] =	vst v0  }
0x39: {  	[tilespmem:$0x378] =	vst v0  }
0x3a: {  	[tilespmem:$0x388] =	vst v0  }
0x3b: {  	[tilespmem:$0x398] =	vst v0  }
0x3c: {  	[tilespmem:$0x3A8] =	vst v0  }
0x3d: {  	[tilespmem:$0x3B8] =	vst v0  }
0x3e: {  	[tilespmem:$0x3C8] =	vst v0  }
0x3f: {  	[tilespmem:$0x3D8] =	vst v0  }
0x40: {  	[tilespmem:$0x3E8] =	vst v0  }
0x41: {  	[tilespmem:$0x3F8] =	vst v0  }
0x42: {  	[tilespmem:$0x408] =	vst v0  }
0x43: {  	[tilespmem:$0x418] =	vst v0  }
0x44: {  	[tilespmem:$0x428] =	vst v0  }
0x45: {  	[tilespmem:$0x438] =	vst v0  }
0x46: {  	[tilespmem:$0x448] =	vst v0  }
0x47: {  	[tilespmem:$0x458] =	vst v0  }
0x48: {  	[tilespmem:$0x468] =	vst v0  }
0x49: {  	[tilespmem:$0x478] =	vst v0  }
0x4a: {  	[tilespmem:$0x488] =	vst v0  }
0x4b: {  	[tilespmem:$0x498] =	vst v0  }
0x4c: {  	[tilespmem:$0x4A8] =	vst v0  }
0x4d: {  	[tilespmem:$0x4B8] =	vst v0  }
0x4e: {  	[tilespmem:$0x4C8] =	vst v0  }
0x4f: {  	[tilespmem:$0x4D8] =	vst v0  }
0x50: {  	[tilespmem:$0x4E8] =	vst v0  }
0x51: {  	[tilespmem:$0x4F8] =	vst v0  }
0x52: {  	[tilespmem:$0x508] =	vst v0  }
0x53: {  	[tilespmem:$0x518] =	vst v0  }
0x54: {  	[tilespmem:$0x528] =	vst v0  }
0x55: {  	[tilespmem:$0x538] =	vst v0  }
0x56: {  	[tilespmem:$0x548] =	vst v0  }
0x57: {  	[tilespmem:$0x558] =	vst v0  }
0x58: {  	[tilespmem:$0x568] =	vst v0  }
0x59: {  	[tilespmem:$0x578] =	vst v0  }
0x5a: {  	[tilespmem:$0x588] =	vst v0  }
0x5b: {  	[tilespmem:$0x598] =	vst v0  }
0x5c: {  	[tilespmem:$0x5A8] =	vst v0  }
0x5d: {  	[tilespmem:$0x5B8] =	vst v0  }
0x5e: {  	[tilespmem:$0x5C8] =	vst v0  }
0x5f: {  	[tilespmem:$0x5D8] =	vst v0  }
0x60: {  	[tilespmem:$0x5E8] =	vst v0  }
0x61: {  	[tilespmem:$0x5F8] =	vst v0  }
0x62: {  	[tilespmem:$0x608] =	vst v0  }
0x63: {  	[tilespmem:$0x618] =	vst v0  }
0x64: {  	[tilespmem:$0x628] =	vst v0  }
0x65: {  	[tilespmem:$0x638] =	vst v0  }
0x66: {  	[tilespmem:$0x648] =	vst v0  }
0x67: {  	[tilespmem:$0x658] =	vst v0  }
0x68: {  	[tilespmem:$0x668] =	vst v0  }
0x69: {  	[tilespmem:$0x678] =	vst v0  }
0x6a: {  	[tilespmem:$0x688] =	vst v0  }
0x6b: {  	[tilespmem:$0x698] =	vst v0  }
0x6c: {  	[tilespmem:$0x6A8] =	vst v0  }
0x6d: {  	[tilespmem:$0x6B8] =	vst v0  }
0x6e: {  	[tilespmem:$0x6C8] =	vst v0  }
0x6f: {  	[tilespmem:$0x6D8] =	vst v0  }
0x70: {  	[tilespmem:$0x6E8] =	vst v0  }
0x71: {  	[tilespmem:$0x6F8] =	vst v0  }
0x72: {  	[tilespmem:$0x708] =	vst v0  }
0x73: {  	[tilespmem:$0x718] =	vst v0  }
0x74: {  	[tilespmem:$0x728] =	vst v0  }
0x75: {  	[tilespmem:$0x738] =	vst v0  }
0x76: {  	[tilespmem:$0x748] =	vst v0  }
0x77: {  	[tilespmem:$0x758] =	vst v0  }
0x78: {  	[tilespmem:$0x768] =	vst v0  }
0x79: {  	[tilespmem:$0x778] =	vst v0  }
0x7a: {  	[tilespmem:$0x788] =	vst v0  }
0x7b: {  	[tilespmem:$0x798] =	vst v0  }
0x7c: {  	[tilespmem:$0x7A8] =	vst v0  }
0x7d: {  	[tilespmem:$0x7B8] =	vst v0  }
0x7e: {  	[tilespmem:$0x7C8] =	vst v0  }
0x7f: {  	[tilespmem:$0x7D8] =	vst v0  }
0x80: {  	[tilespmem:$0x7E8] =	vst v0  }
0x81: {  	[tilespmem:$0x7F8] =	vst v0  }
0x82: {  	[tilespmem:$0x808] =	vst v0  }
0x83: {  	[tilespmem:$0x818] =	vst v0  }
0x84: {  	[tilespmem:$0x828] =	vst v0  }
0x85: {  	[tilespmem:$0x838] =	vst v0  }
0x86: {  	[tilespmem:$0x848] =	vst v0  }
0x87: {  	[tilespmem:$0x858] =	vst v0  }
0x88: {  	[tilespmem:$0x868] =	vst v0  }
0x89: {  	[tilespmem:$0x878] =	vst v0  }
0x8a: {  	[tilespmem:$0x888] =	vst v0  }
0x8b: {  	[tilespmem:$0x898] =	vst v0  }
0x8c: {  	[tilespmem:$0x8A8] =	vst v0  }
0x8d: {  	[tilespmem:$0x8B8] =	vst v0  }
0x8e: {  	[tilespmem:$0x8C8] =	vst v0  }
0x8f: {  	[tilespmem:$0x8D8] =	vst v0  }
0x90: {  	[tilespmem:$0x8E8] =	vst v0  }
0x91: {  	[tilespmem:$0x8F8] =	vst v0  }
0x92: {  	[tilespmem:$0x908] =	vst v0  }
0x93: {  	[tilespmem:$0x918] =	vst v0  }
0x94: {  	[tilespmem:$0x928] =	vst v0  }
0x95: {  	[tilespmem:$0x938] =	vst v0  }
0x96: {  	[tilespmem:$0x948] =	vst v0  }
0x97: {  	[tilespmem:$0x958] =	vst v0  }
0x98: {  	[tilespmem:$0x968] =	vst v0  }
0x99: {  	[tilespmem:$0x978] =	vst v0  }
0x9a: {  	[tilespmem:$0x988] =	vst v0  }
0x9b: {  	[tilespmem:$0x998] =	vst v0  }
0x9c: {  	[tilespmem:$0x9A8] =	vst v0  }
0x9d: {  	[tilespmem:$0x9B8] =	vst v0  }
0x9e: {  	[tilespmem:$0x9C8] =	vst v0  }
0x9f: {  	[tilespmem:$0x9D8] =	vst v0  }
0xa0: {  	[tilespmem:$0x9E8] =	vst v0  }
0xa1: {  	[tilespmem:$0x9F8] =	vst v0  }
0xa2: {  	[tilespmem:$0xA08] =	vst v0  }
0xa3: {  	[tilespmem:$0xA18] =	vst v0  }
0xa4: {  	[tilespmem:$0xA28] =	vst v0  }
0xa5: {  	[tilespmem:$0xA38] =	vst v0  }
0xa6: {  	[tilespmem:$0xA48] =	vst v0  }
0xa7: {  	[tilespmem:$0xA58] =	vst v0  }
0xa8: {  	[tilespmem:$0xA68] =	vst v0  }
0xa9: {  	[tilespmem:$0xA78] =	vst v0  }
0xaa: {  	[tilespmem:$0xA88] =	vst v0  }
0xab: {  	[tilespmem:$0xA98] =	vst v0  }
0xac: {  	[tilespmem:$0xAA8] =	vst v0  }
0xad: {  	[tilespmem:$0xAB8] =	vst v0  }
0xae: {  	[tilespmem:$0xAC8] =	vst v0  }
0xaf: {  	[tilespmem:$0xAD8] =	vst v0  }
0xb0: {  	[tilespmem:$0xAE8] =	vst v0  }
0xb1: {  	[tilespmem:$0xAF8] =	vst v0  }
0xb2: {  	[tilespmem:$0xB08] =	vst v0  }
0xb3: {  	[tilespmem:$0xB18] =	vst v0  }
0xb4: {  	[tilespmem:$0xB28] =	vst v0  }
0xb5: {  	[tilespmem:$0xB38] =	vst v0  }
0xb6: {  	[tilespmem:$0xB48] =	vst v0  }
0xb7: {  	[tilespmem:$0xB58] =	vst v0  }
0xb8: {  	[tilespmem:$0xB68] =	vst v0  }
0xb9: {  	[tilespmem:$0xB78] =	vst v0  }
0xba: {  	[tilespmem:$0xB88] =	vst v0  }
0xbb: {  	[tilespmem:$0xB98] =	vst v0  }
0xbc: {  	[tilespmem:$0xBA8] =	vst v0  }
0xbd: {  	[tilespmem:$0xBB8] =	vst v0  }
0xbe: {  	[tilespmem:$0xBC8] =	vst v0  }
0xbf: {  	[tilespmem:$0xBD8] =	vst v0  }
0xc0: {  	[tilespmem:$0xBE8] =	vst v0  }
0xc1: {  	[tilespmem:$0xBF8] =	vst v0  }
0xc2: {  	[tilespmem:$0xC08] =	vst v0  }
0xc3: {  	[tilespmem:$0xC18] =	vst v0  }
0xc4: {  	[tilespmem:$0xC28] =	vst v0  }
0xc5: {  	[tilespmem:$0xC38] =	vst v0  }
0xc6: {  	[tilespmem:$0xC48] =	vst v0  }
0xc7: {  	[tilespmem:$0xC58] =	vst v0  }
0xc8: {  	[tilespmem:$0xC68] =	vst v0  }
0xc9: {  	[tilespmem:$0xC78] =	vst v0  }
0xca: {  	[tilespmem:$0xC88] =	vst v0  }
0xcb: {  	[tilespmem:$0xC98] =	vst v0  }
0xcc: {  	[tilespmem:$0xCA8] =	vst v0  }
0xcd: {  	[tilespmem:$0xCB8] =	vst v0  }
0xce: {  	[tilespmem:$0xCC8] =	vst v0  }
0xcf: {  	[tilespmem:$0xCD8] =	vst v0  }
0xd0: {  	[tilespmem:$0xCE8] =	vst v0  }
0xd1: {  	[tilespmem:$0xCF8] =	vst v0  }
0xd2: {  	[tilespmem:$0xD08] =	vst v0  }
0xd3: {  	[tilespmem:$0xD18] =	vst v0  }
0xd4: {  	[tilespmem:$0xD28] =	vst v0  }
0xd5: {  	[tilespmem:$0xD38] =	vst v0  }
0xd6: {  	[tilespmem:$0xD48] =	vst v0  }
0xd7: {  	[tilespmem:$0xD58] =	vst v0  }
0xd8: {  	[tilespmem:$0xD68] =	vst v0  }
0xd9: {  	[tilespmem:$0xD78] =	vst v0  }
0xda: {  	[tilespmem:$0xD88] =	vst v0  }
0xdb: {  	[tilespmem:$0xD98] =	vst v0  }
0xdc: {  	[tilespmem:$0xDA8] =	vst v0  }
0xdd: {  	[tilespmem:$0xDB8] =	vst v0  }
0xde: {  	[tilespmem:$0xDC8] =	vst v0  }
0xdf: {  	[tilespmem:$0xDD8] =	vst v0  }
0xe0: {  	[tilespmem:$0xDE8] =	vst v0  }
0xe1: {  	[tilespmem:$0xDF8] =	vst v0  }
0xe2: {  	[tilespmem:$0xE08] =	vst v0  }
0xe3: {  	[tilespmem:$0xE18] =	vst v0  }
0xe4: {  	[tilespmem:$0xE28] =	vst v0  }
0xe5: {  	[tilespmem:$0xE38] =	vst v0  }
0xe6: {  	[tilespmem:$0xE48] =	vst v0  }
0xe7: {  	[tilespmem:$0xE58] =	vst v0  }
0xe8: {  	[tilespmem:$0xE68] =	vst v0  }
0xe9: {  	[tilespmem:$0xE78] =	vst v0  }
0xea: {  	[tilespmem:$0xE88] =	vst v0  }
0xeb: {  	[tilespmem:$0xE98] =	vst v0  }
0xec: {  	[tilespmem:$0xEA8] =	vst v0  }
0xed: {  	[tilespmem:$0xEB8] =	vst v0  }
0xee: {  	[tilespmem:$0xEC8] =	vst v0  }
0xef: {  	[tilespmem:$0xED8] =	vst v0  }
0xf0: {  	[tilespmem:$0xEE8] =	vst v0  }
0xf1: {  	[tilespmem:$0xEF8] =	vst v0  }
0xf2: {  	[tilespmem:$0xF08] =	vst v0  }
0xf3: {  	[tilespmem:$0xF18] =	vst v0  }
0xf4: {  	[tilespmem:$0xF28] =	vst v0  }
0xf5: {  	[tilespmem:$0xF38] =	vst v0  }
0xf6: {  	[tilespmem:$0xF48] =	vst v0  }
0xf7: {  	[tilespmem:$0xF58] =	vst v0  }
0xf8: {  	[tilespmem:$0xF68] =	vst v0  }
0xf9: {  	[tilespmem:$0xF78] =	vst v0  }
0xfa: {  	[tilespmem:$0xF88] =	vst v0  }
0xfb: {  	[tilespmem:$0xF98] =	vst v0  }
0xfc: {  	[tilespmem:$0xFA8] =	vst v0  }
0xfd: {  	[tilespmem:$0xFB8] =	vst v0  }
0xfe: {  	[tilespmem:$0xFC8] =	vst v0  }
0xff: {  	[tilespmem:$0xFD8] =	vst v0  }
0x100: {  	[tilespmem:$0xFE8] =	vst v0  }
0x101: {  	[tilespmem:$0xFF8] =	vst v0  }
0x102: {  	[tilespmem:$0x1008] =	vst v0  }
0x103: {  	[tilespmem:$0x10D8] =	vst v0  }
0x104: {  	[tilespmem:$0x1B28] =	vst v0  }
0x105: {  	[tilespmem:$0x1B18] =	vst v0  }
0x106: {  	[tilespmem:$0x1B08] =	vst v0  }
0x107: {  	[tilespmem:$0x1AF8] =	vst v0  }
0x108: {  	[tilespmem:$0x1AE8] =	vst v0  }
0x109: {  	[tilespmem:$0x1AD8] =	vst v0  }
0x10a: {  	[tilespmem:$0x1AC8] =	vst v0  }
0x10b: {  	[tilespmem:$0x1AB8] =	vst v0  }
0x10c: {  	[tilespmem:$0x1AA8] =	vst v0  }
0x10d: {  	[tilespmem:$0x1A98] =	vst v0  }
0x10e: {  	[tilespmem:$0x1A88] =	vst v0  }
0x10f: {  	[tilespmem:$0x1A78] =	vst v0  }
0x110: {  	[tilespmem:$0x1A68] =	vst v0  }
0x111: {  	[tilespmem:$0x1A58] =	vst v0  }
0x112: {  	[tilespmem:$0x1A48] =	vst v0  }
0x113: {  	[tilespmem:$0x1A38] =	vst v0  }
0x114: {  	[tilespmem:$0x1A28] =	vst v0  }
0x115: {  	[tilespmem:$0x1A18] =	vst v0  }
0x116: {  	[tilespmem:$0x1A08] =	vst v0  }
0x117: {  	[tilespmem:$0x19F8] =	vst v0  }
0x118: {  	[tilespmem:$0x19E8] =	vst v0  }
0x119: {  	[tilespmem:$0x19D8] =	vst v0  }
0x11a: {  	[tilespmem:$0x19C8] =	vst v0  }
0x11b: {  	[tilespmem:$0x19B8] =	vst v0  }
0x11c: {  	[tilespmem:$0x19A8] =	vst v0  }
0x11d: {  	[tilespmem:$0x1998] =	vst v0  }
0x11e: {  	[tilespmem:$0x1988] =	vst v0  }
0x11f: {  	[tilespmem:$0x1978] =	vst v0  }
0x120: {  	[tilespmem:$0x1968] =	vst v0  }
0x121: {  	[tilespmem:$0x1958] =	vst v0  }
0x122: {  	[tilespmem:$0x1948] =	vst v0  }
0x123: {  	[tilespmem:$0x1938] =	vst v0  }
0x124: {  	[tilespmem:$0x1928] =	vst v0  }
0x125: {  	[tilespmem:$0x1918] =	vst v0  }
0x126: {  	[tilespmem:$0x1908] =	vst v0  }
0x127: {  	[tilespmem:$0x18F8] =	vst v0  }
0x128: {  	[tilespmem:$0x18E8] =	vst v0  }
0x129: {  	[tilespmem:$0x18D8] =	vst v0  }
0x12a: {  	[tilespmem:$0x18C8] =	vst v0  }
0x12b: {  	[tilespmem:$0x18B8] =	vst v0  }
0x12c: {  	[tilespmem:$0x18A8] =	vst v0  }
0x12d: {  	[tilespmem:$0x1898] =	vst v0  }
0x12e: {  	[tilespmem:$0x1888] =	vst v0  }
0x12f: {  	[tilespmem:$0x1878] =	vst v0  }
0x130: {  	[tilespmem:$0x1868] =	vst v0  }
0x131: {  	[tilespmem:$0x1858] =	vst v0  }
0x132: {  	[tilespmem:$0x1848] =	vst v0  }
0x133: {  	[tilespmem:$0x1838] =	vst v0  }
0x134: {  	[tilespmem:$0x1828] =	vst v0  }
0x135: {  	[tilespmem:$0x1818] =	vst v0  }
0x136: {  	[tilespmem:$0x1808] =	vst v0  }
0x137: {  	[tilespmem:$0x17F8] =	vst v0  }
0x138: {  	[tilespmem:$0x17E8] =	vst v0  }
0x139: {  	[tilespmem:$0x17D8] =	vst v0  }
0x13a: {  	[tilespmem:$0x17C8] =	vst v0  }
0x13b: {  	[tilespmem:$0x17B8] =	vst v0  }
0x13c: {  	[tilespmem:$0x17A8] =	vst v0  }
0x13d: {  	[tilespmem:$0x1798] =	vst v0  }
0x13e: {  	[tilespmem:$0x1788] =	vst v0  }
0x13f: {  	[tilespmem:$0x1778] =	vst v0  }
0x140: {  	[tilespmem:$0x1768] =	vst v0  }
0x141: {  	[tilespmem:$0x1758] =	vst v0  }
0x142: {  	[tilespmem:$0x1748] =	vst v0  }
0x143: {  	[tilespmem:$0x1738] =	vst v0  }
0x144: {  	[tilespmem:$0x1728] =	vst v0  }
0x145: {  	[tilespmem:$0x1718] =	vst v0  }
0x146: {  	[tilespmem:$0x1708] =	vst v0  }
0x147: {  	[tilespmem:$0x16F8] =	vst v0  }
0x148: {  	[tilespmem:$0x16E8] =	vst v0  }
0x149: {  	[tilespmem:$0x16D8] =	vst v0  }
0x14a: {  	[tilespmem:$0x16C8] =	vst v0  }
0x14b: {  	[tilespmem:$0x16B8] =	vst v0  }
0x14c: {  	[tilespmem:$0x16A8] =	vst v0  }
0x14d: {  	[tilespmem:$0x1698] =	vst v0  }
0x14e: {  	[tilespmem:$0x1688] =	vst v0  }
0x14f: {  	[tilespmem:$0x1678] =	vst v0  }
0x150: {  	[tilespmem:$0x1668] =	vst v0  }
0x151: {  	[tilespmem:$0x1658] =	vst v0  }
0x152: {  	[tilespmem:$0x1648] =	vst v0  }
0x153: {  	[tilespmem:$0x1638] =	vst v0  }
0x154: {  	[tilespmem:$0x1628] =	vst v0  }
0x155: {  	[tilespmem:$0x1618] =	vst v0  }
0x156: {  	[tilespmem:$0x1608] =	vst v0  }
0x157: {  	[tilespmem:$0x15F8] =	vst v0  }
0x158: {  	[tilespmem:$0x15E8] =	vst v0  }
0x159: {  	[tilespmem:$0x15D8] =	vst v0  }
0x15a: {  	[tilespmem:$0x15C8] =	vst v0  }
0x15b: {  	[tilespmem:$0x15B8] =	vst v0  }
0x15c: {  	[tilespmem:$0x15A8] =	vst v0  }
0x15d: {  	[tilespmem:$0x1598] =	vst v0  }
0x15e: {  	[tilespmem:$0x1588] =	vst v0  }
0x15f: {  	[tilespmem:$0x1578] =	vst v0  }
0x160: {  	[tilespmem:$0x1568] =	vst v0  }
0x161: {  	[tilespmem:$0x1558] =	vst v0  }
0x162: {  	[tilespmem:$0x1548] =	vst v0  }
0x163: {  	[tilespmem:$0x1538] =	vst v0  }
0x164: {  	[tilespmem:$0x1528] =	vst v0  }
0x165: {  	[tilespmem:$0x1518] =	vst v0  }
0x166: {  	[tilespmem:$0x1508] =	vst v0  }
0x167: {  	[tilespmem:$0x14F8] =	vst v0  }
0x168: {  	[tilespmem:$0x14E8] =	vst v0  }
0x169: {  	[tilespmem:$0x14D8] =	vst v0  }
0x16a: {  	[tilespmem:$0x14C8] =	vst v0  }
0x16b: {  	[tilespmem:$0x14B8] =	vst v0  }
0x16c: {  	[tilespmem:$0x14A8] =	vst v0  }
0x16d: {  	[tilespmem:$0x1498] =	vst v0  }
0x16e: {  	[tilespmem:$0x1488] =	vst v0  }
0x16f: {  	[tilespmem:$0x1478] =	vst v0  }
0x170: {  	[tilespmem:$0x1468] =	vst v0  }
0x171: {  	[tilespmem:$0x1458] =	vst v0  }
0x172: {  	[tilespmem:$0x1448] =	vst v0  }
0x173: {  	[tilespmem:$0x1438] =	vst v0  }
0x174: {  	[tilespmem:$0x1428] =	vst v0  }
0x175: {  	[tilespmem:$0x1418] =	vst v0  }
0x176: {  	[tilespmem:$0x1408] =	vst v0  }
0x177: {  	[tilespmem:$0x13F8] =	vst v0  }
0x178: {  	[tilespmem:$0x13E8] =	vst v0  }
0x179: {  	[tilespmem:$0x13D8] =	vst v0  }
0x17a: {  	[tilespmem:$0x13C8] =	vst v0  }
0x17b: {  	[tilespmem:$0x13B8] =	vst v0  }
0x17c: {  	[tilespmem:$0x13A8] =	vst v0  }
0x17d: {  	[tilespmem:$0x1398] =	vst v0  }
0x17e: {  	[tilespmem:$0x1388] =	vst v0  }
0x17f: {  	[tilespmem:$0x1378] =	vst v0  }
0x180: {  	[tilespmem:$0x1368] =	vst v0  }
0x181: {  	[tilespmem:$0x1358] =	vst v0  }
0x182: {  	[tilespmem:$0x1348] =	vst v0  }
0x183: {  	[tilespmem:$0x1338] =	vst v0  }
0x184: {  	[tilespmem:$0x1328] =	vst v0  }
0x185: {  	[tilespmem:$0x1318] =	vst v0  }
0x186: {  	[tilespmem:$0x1308] =	vst v0  }
0x187: {  	[tilespmem:$0x12F8] =	vst v0  }
0x188: {  	[tilespmem:$0x12E8] =	vst v0  }
0x189: {  	[tilespmem:$0x12D8] =	vst v0  }
0x18a: {  	[tilespmem:$0x12C8] =	vst v0  }
0x18b: {  	[tilespmem:$0x12B8] =	vst v0  }
0x18c: {  	[tilespmem:$0x12A8] =	vst v0  }
0x18d: {  	[tilespmem:$0x1298] =	vst v0  }
0x18e: {  	[tilespmem:$0x1288] =	vst v0  }
0x18f: {  	[tilespmem:$0x1278] =	vst v0  }
0x190: {  	[tilespmem:$0x1268] =	vst v0  }
0x191: {  	[tilespmem:$0x1258] =	vst v0  }
0x192: {  	[tilespmem:$0x1248] =	vst v0  }
0x193: {  	[tilespmem:$0x1238] =	vst v0  }
0x194: {  	[tilespmem:$0x1228] =	vst v0  }
0x195: {  	[tilespmem:$0x1218] =	vst v0  }
0x196: {  	[tilespmem:$0x1208] =	vst v0  }
0x197: {  	[tilespmem:$0x11F8] =	vst v0  }
0x198: {  	[tilespmem:$0x11E8] =	vst v0  }
0x199: {  	[tilespmem:$0x11D8] =	vst v0  }
0x19a: {  	[tilespmem:$0x11C8] =	vst v0  }
0x19b: {  	[tilespmem:$0x11B8] =	vst v0  }
0x19c: {  	[tilespmem:$0x11A8] =	vst v0  }
0x19d: {  	[tilespmem:$0x1198] =	vst v0  }
0x19e: {  	[tilespmem:$0x1188] =	vst v0  }
0x19f: {  	[tilespmem:$0x1178] =	vst v0  }
0x1a0: {  	[tilespmem:$0x1168] =	vst v0  }
0x1a1: {  	[tilespmem:$0x1158] =	vst v0  }
0x1a2: {  	[tilespmem:$0x1148] =	vst v0  }
0x1a3: {  	[tilespmem:$0x1138] =	vst v0  }
0x1a4: {  	[tilespmem:$0x1128] =	vst v0  }
0x1a5: {  	[tilespmem:$0x1118] =	vst v0  }
0x1a6: {  	s2 =	stileid.u32;
	[tilespmem:$0x1108] =	vst v0  }
0x1a7: {  	s0 =	smul.u32 $0x18, s2;
	[tilespmem:$0x10F8] =	vst v0  }
0x1a8: {  	s3 =	smin.u32 s2, $0xA;
	[tilespmem:$0x10E8] =	vst v0  }
0x1a9: {  	[tilespmem:$0x10B8] =	vst v0;
	s0 =	sadd.s32 s3, s0  }
0x1aa: {  	s4 =	simm.s32 $0x2A30;
	p0 =	slt.u32 s2, $0xA;
	[tilespmem:$0x10C8] =	vst v0;
	s3 =	smul.u32 $0x1B0, s0  }
0x1ab: {  	s4 =	simm.s32 @!p0 $0x2880;
	[tilespmem:$0x10A8] =	vst v0  }
0x1ac: {  	[tilespmem:$0x1038] =	vst v0;
	s0 =	sadd.s32 s4, s3  }
0x1ad: {  	[tilespmem:$0x1098] =	vst v0;
	s4 =	smin.u32 s0, $0x29810  }
0x1ae: {  	[tilespmem:$0x1088] =	vst v0;
	s0 =	ssub.s32 s4, s3  }
0x1af: {  	s5 =	simm.s32 $0x2;
	[tilespmem:$0x1078] =	vst v0;
	p0 =	sgt.s32 s0, $0x0  }
0x1b0: {  	s29 =	simm.s32 $0x7;
	s13 =	simm.s32 $0x8;
	[tilespmem:$0x1068] =	vst v0;
	s0 =	simm.s32 @!p0 $0x0  }
0x1b1: {  	s30 =	simm.s32 $0x9;
	p4 =	por $0x0, $0x0;
	[tilespmem:$0x1058] =	vst v0;
	s6 =	smulhi.u32 $0x4BDA12F7, s0  }
0x1b2: {  	s14 =	simm.s32 $0xA;
	s18 =	simm.s32 $0x0;
	s15 =	simm.s32 $0x0;
	[tilespmem:$0x1048] =	vst v0  }
0x1b3: {  	s17 =	simm.s32 $0x0;
	s7 =	sadd.s32 $0x29F000, s8;
	[tilespmem:$0x1028] =	vst v0;
	s12 =	sshrl.u32 s6, $0x7  }
0x1b4: {  	s31 =	sshll.u32 s2, $0x5;
	[tilespmem:$0x1018] =	vst v0;
	[sflag:s5] =	ssyncpa.u1 $0x0;
	v0 =	vimm.s32 $0xFFFFFFFF;
	s10 =	smul.u32 $0x1B0, s12  }
.Ltmp0:
0x1b5: {  	s5 =	sadd.s32 $0xD5AC00, s8;
	[tilespmem:$0x3648] =	vst v0;
	[sflag:s29] =	ssyncpa.u1 $0x0;
	(pc) =	sbr.rel .LBB2_1-.Ltmp0, $4  }
0x1b6: {  	[dreg:$0x3] =	wrdreg s31;
	[sflag:s13] =	ssyncpa.u1 $0x0;
	p0 =	sne.s32 s0, s10  }
0x1b7: {  	s13 =	simm.s32 $0x0;
	[sflag:s30] =	ssyncpa.u1 $0x0;
	s11 =	simm.s32 @!p0 $0x0  }
0x1b8: {  	s16 =	smov.u32 s3;
	[dreg:$0x4] =	wrdreg s3;
	s11 =	sadd.s32 s11, s12  }
0x1b9: {  	v0 =	vlaneseq.u32;
	s6 =	sadd.s32 $0xD55800, s8;
	p0 =	por $0x1, $0x1;
	s8 =	sadd.s32 $0x1, s11  }
.LBB2_18:
0x1ba: {  	s0 =	simm.s32 $0x2  }
0x1bb: {  	_ =	swait.ge [sflag:s0], $0x0  }
0x1bc: {  	[sflag:s0] =	ssyncset.done $0x0;
	s0 =	simm.s32 $0x0  }
.LBB2_19:
0x1bd: {  	_ =	swait.ge [sflag:s14], s0  }
0x1be: {  	s31 =	ssub.s32 $0x0, s0;
	v1 =	vmov s20;
	vm0 =	veq.s32 v0, $0x0;
	[sflag:s14] =	ssyncset.done $0x0  }
0x1bf: {  	vm15 =	veq.s32 v0, $0x2;
	v1 =	vsel vm0, s24, v1;
	[sflag:s14] =	ssyncadd.s32 s31  }
0x1c0: {  	v1 =	vsel vm15, s18, v1;
	[sflag:s14] =	ssyncpa.u1 $0x1  }
0x1c1: {  	[tilespmem:$0x3648] =	vst v1  }
.LBB2_20:
0x1c2: {  	s0 =	sadd.s32 $0x1B0, s16  }
0x1c3: {  	s2 =	smov.u32 s3;
	p1 =	slt.s32 s0, s4  }
0x1c4: {  	s2 =	smov.u32 @p1 s0;
	p1 =	sne.s32 s17, s8  }
.Ltmp1:
0x1c5: {  	_ = 	snop;
	(pc) =	sbr.rel @!p1 .LBB2_21-.Ltmp1, $4  }
0x1c6: {  	_ = 	snop  }
0x1c7: {  	s18 =	smov.u32 s15  }
0x1c8: {  	s31 =	sadd.s32 $0x1, s17;
	s15 =	smov.u32 s16;
	p0 =	por !p0, !p0  }
0x1c9: {  	p4 =	por !p4, !p4;
	s17 =	smov.u32 s31;
	s16 =	smov.u32 s2  }
.LBB2_1:
0x1ca: {  	p2 =	sge.u32 s17, s11  }
0x1cb: {  	s0 =	smulhi.u32 @!p2 $0xAAAAAAAB, s17  }
0x1cc: {  	s19 =	smov.u32 s16;
	p3 =	sgt.s32 @!p2 s16, $0x29660  }
0x1cd: {  	s20 =	sshra.s32 @!p2 s16, $0x1F;
	p3 =	por !p3, p2;
	s0 =	sshrl.u32 @!p2 s0, $0x1  }
0x1ce: {  	s20 =	sand.u32 @!p2 s20, s16;
	s19 =	simm.s32 @p3 $0x29660;
	s0 =	smul.u32 @!p2 $0x3, s0  }
0x1cf: {  	s19 =	ssub.s32 @!p2 s19, s20  }
0x1d0: {  	s19 =	sadd.s32 @!p2 $0xFFFD69A0, s19;
	s0 =	ssub.s32 @!p2 s17, s0  }
0x1d1: {  	s20 =	sshll.u32 @!p2 s19, $0x2;
	p3 =	sgt.s32 @!p2 s19, $0x1AF;
	s0 =	smul.u32 @!p2 $0x6C0, s0  }
0x1d2: {  	s21 =	sand.u32 @!p2 $0x7, s16;
	s19 =	ssub.s32 @!p2 $0x6C0, s20;
	p3 =	por !p3, p2  }
0x1d3: {  	s20 =	sshrl.u32 @!p2 s16, $0x3;
	s19 =	sshrl.u32 @!p2 s19, $0x2;
	s0 =	sshrl.u32 @!p2 s0, $0x2  }
0x1d4: {  	s20 =	sadd.s32 @!p2 s5, s20;
	s19 =	simm.s32 @!p3 $0x0;
	s0 =	sadd.s32 @!p2 $0x3878, s0  }
0x1d5: {  	[tilespmem:s0], [sflag:$0x8] =	stream.linear.gather @!p2 [hbm4b:s20+s21], s19, $0x38;
	[tilespmem:$0x1F0E8] =	vst v63  }
0x1d6: {  	s20 =	sadd.s32 $0xFFFFFFFF, s17  }
0x1d7: {  	p2 =	sge.u32 s20, s11  }
0x1d8: {  	p3 =	sgt.s32 @!p2 s15, $0x29660  }
0x1d9: {  	s0 =	smov.u32 s15;
	s19 =	sshra.s32 @!p2 s15, $0x1F;
	p3 =	por !p3, p2  }
0x1da: {  	s19 =	sand.u32 @!p2 s19, s15;
	s0 =	simm.s32 @p3 $0x29660  }
0x1db: {  	s0 =	ssub.s32 @!p2 s0, s19  }
0x1dc: {  	s0 =	sadd.s32 @!p2 $0xFFFD69A0, s0  }
0x1dd: {  	s19 =	sshll.u32 @!p2 s0, $0x2  }
0x1de: {  	p3 =	sgt.s32 @!p2 s0, $0x1AF;
	s0 =	ssub.s32 @!p2 $0x6C0, s19  }
0x1df: {  	p3 =	por !p3, p2;
	s0 =	sshrl.u32 @!p2 s0, $0x2  }
0x1e0: {  	s21 =	simm.s32 @!p2 $0x8;
	s19 =	sand.u32 @!p2 $0x1, s20;
	s0 =	simm.s32 @!p3 $0x0  }
0x1e1: {  	s19 =	smul.u32 @!p2 $0x6C0, s19;
	_ =	swait.ge @!p2 [sflag:s21], s0  }
0x1e2: {  	s22 =	ssub.s32 @!p2 $0x0, s0;
	[sflag:s21] =	ssyncset.done @!p2 $0x0  }
0x1e3: {  	s19 =	sshrl.u32 @!p2 s19, $0x2;
	[sflag:s21] =	ssyncadd.s32 @!p2 s22;
	s21 =	sshrl.u32 @!p2 s15, $0x3  }
0x1e4: {  	s19 =	sadd.s32 @!p2 $0x3D88, s19;
	s22 =	sand.u32 @!p2 $0x7, s15;
	s21 =	sadd.s32 @!p2 s6, s21  }
0x1e5: {  	[tilespmem:s19], [sflag:$0x9] =	stream.linear.gather @!p2 [hbm4b:s21+s22], s0, $0x38;
	[tilespmem:$0x1F0E8] =	vst v63  }
0x1e6: {  	s19 =	ssub.s32 @!p2 $0x29810, s15  }
0x1e7: {  	p3 =	slt.s32 @!p2 s19, $0x1  }
0x1e8: {  	p3 =	por p2, p3  }
.Ltmp2:
0x1e9: {  	_ = 	snop;
	(pc) =	sbr.rel @p3 .LBB2_7-.Ltmp2, $1  }
0x1ea: {  	_ =	sdelay $0x3  }
0x1eb: {  	s0 =	smulhi.u32 $0xAAAAAAAB, s20;
	_ =	sdelay $0x1  }
0x1ec: {  	s0 =	sshrl.u32 s0, $0x1  }
0x1ed: {  	s0 =	smul.u32 $0x3, s0;
	_ =	sdelay $0x1  }
0x1ee: {  	s0 =	ssub.s32 s20, s0  }
0x1ef: {  	s21 =	simm.s32 $0x1;
	s0 =	smul.u32 $0x6C0, s0  }
.Ltmp3:
0x1f0: {  	s21 =	simm.s32 @!p0 $0x0;
	(pc) =	sbr.rel .LBB2_4-.Ltmp3, $4  }
0x1f1: {  	s31 =	smul.u32 $0x36000, s21  }
0x1f2: {  	p3 =	slt.s32 @!p2 s19, $0x1B0;
	s0 =	sshrl.u32 s0, $0x2  }
0x1f3: {  	p2 =	por !p3, p2;
	s20 =	sshrl.u32 s31, $0x2;
	s0 =	sadd.s32 $0x3878, s0  }
0x1f4: {  	s19 =	simm.s32 @p2 $0x1B0;
	s21 =	simm.s32 $0x0;
	s20 =	sadd.s32 $0x40E8, s20;
	v1 =	vmov s0  }
.LBB2_3:
0x1f5: {  	p2 =	sge.s32 s21, s19  }
.Ltmp4:
0x1f6: {  	_ = 	snop;
	(pc) =	sbr.rel @p2 .LBB2_7-.Ltmp4, $2  }
0x1f7: {  	_ =	sdelay $0x2  }
0x1f8: {  	s20 =	sadd.s32 $0x800, s20  }
.LBB2_4:
0x1f9: {  	p2 =	sle.s32 s19, s21  }
.Ltmp5:
0x1fa: {  	_ = 	snop;
	(pc) =	sbr.rel @p2 .LBB2_3-.Ltmp5, $2  }
0x1fb: {  	_ =	sdelay $0x2  }
0x1fc: {  	s22 =	smov.u32 s21;
	s21 =	sadd.s32 $0x10, s21  }
0x1fd: {  	s0 =	ssub.s32 s19, s22  }
0x1fe: {  	p2 =	slt.s32 s0, $0x10  }
0x1ff: {  	s0 =	simm.s32 @!p2 $0x10  }
0x200: {  	v2 =	vmov s0  }
0x201: {  	vm0 =	vgt.s32 v2, v0;
	_ =	sdelay $0x5  }
0x202: {  	v2 =	vld.idx.msk [tilespmem:v1+s22+$0x0 ss:$0x1], vm0;
	_ =	sdelay $0x2  }
0x203: {  	s23 =	smov.u32 s19;
	p2 =	slt.s32 s21, s19  }
0x204: {  	s24 =	smov.u32 s20;
	s25 =	simm.s32 $0x0;
	s23 =	smov.u32 @p2 s21  }
.LBB2_6:
0x205: {  	(v2sf) =	vpush v2, s25;
	_ =	sdelay $0xc  }
0x206: {  	s25 =	sadd.s32 $0x1, s25  }
0x207: {  	s31 =	sadd.s32 s25, s22  }
0x208: {  	p2 =	slt.s32 s31, s23;
	s0 =	spop (v2sf)  }
.Ltmp6:
0x209: {  	s0 =	sshll.u32 s0, $0x4;
	(pc) =	sbr.rel @p2 .LBB2_6-.Ltmp6, $4  }
0x20a: {  	s0 =	sand.u32 $0x1FFFFFF0, s0  }
0x20b: {  	s0 =	sadd.s32 s7, s0  }
0x20c: {  	[tilespmem:s24], [sflag:$0x7] =	stream.linear.gather [hbm4b:s0+s13], $0x8, $0x38;
	[tilespmem:$0x1F0E8] =	vst v63  }
0x20d: {  	s24 =	sadd.s32 $0x80, s24  }
.Ltmp7:
0x20e: {  	_ = 	snop;
	(pc) =	sbr.rel .LBB2_3-.Ltmp7, $1  }
0x20f: {  	_ =	sdelay $0x3  }
.LBB2_7:
0x210: {  	p2 =	slt.u32 s17, $0x2  }
.Ltmp8:
0x211: {  	_ = 	snop;
	(pc) =	sbr.rel @p2 .LBB2_20-.Ltmp8, $1  }
0x212: {  	_ =	sdelay $0x3  }
0x213: {  	p2 =	sgt.s32 s18, $0x29660;
	s0 =	smov.u32 s18  }
0x214: {  	s19 =	sshra.s32 s18, $0x1F;
	s20 =	ssub.s32 $0x29810, s18;
	s0 =	simm.s32 @!p2 $0x29660  }
0x215: {  	s19 =	sand.u32 s19, s18;
	p2 =	slt.s32 s20, $0x1B0;
	s21 =	smov.u32 s20  }
0x216: {  	s0 =	ssub.s32 s0, s19;
	s21 =	simm.s32 @!p2 $0x1B0  }
0x217: {  	s0 =	sadd.s32 $0xFFFD69A0, s0;
	s26 =	sshll.u32 s21, $0x3  }
0x218: {  	s2 =	simm.s32 $0x7;
	s28 =	sshll.u32 s0, $0x2;
	s19 =	sand.u32 $0x3FFFFFF8, s26  }
0x219: {  	p2 =	sgt.s32 s0, $0x1AF;
	s29 =	ssub.s32 $0x6C0, s28;
	_ =	swait.ge [sflag:s2], s19  }
0x21a: {  	s19 =	ssub.s32 $0x0, s19;
	[sflag:s2] =	ssyncset.done $0x0;
	s0 =	sshrl.u32 s29, $0x2  }
0x21b: {  	s30 =	simm.s32 $0x9;
	[sflag:s2] =	ssyncadd.s32 s19;
	s0 =	simm.s32 @p2 $0x0  }
0x21c: {  	_ =	swait.ge [sflag:s30], s0  }
0x21d: {  	s0 =	ssub.s32 $0x0, s0;
	[sflag:s30] =	ssyncset.done $0x0  }
0x21e: {  	[sflag:s30] =	ssyncadd.s32 s0  }
0x21f: {  	v1 =	vld [tilespmem:$0x3648];
	_ =	sdelay $0x4  }
0x220: {  	(v2sf) =	vpush v1, $0x0  }
0x221: {  	(v2sf) =	vpush v1, $0x1  }
0x222: {  	(v2sf) =	vpush v1, $0x2;
	_ =	sdelay $0x3  }
0x223: {  	s0 =	sadd.s32 $0x1B0, s18  }
0x224: {  	p2 =	slt.s32 s4, s0  }
0x225: {  	s0 =	smov.u32 @p2 s4;
	p2 =	sgt.s32 s20, $0x0  }
0x226: {  	s22 =	ssub.s32 s0, s18;
	s20 =	simm.s32 @!p2 $0x0  }
0x227: {  	p2 =	slt.s32 s20, s22  }
0x228: {  	s22 =	smov.u32 @p2 s20  }
0x229: {  	s21 =	simm.s32 $0x1;
	p2 =	slt.s32 s22, $0x1  }
.Ltmp9:
0x22a: {  	s21 =	simm.s32 @!p4 $0x0;
	(pc) =	sbr.rel @p2 .LBB2_12-.Ltmp9, $4  }
0x22b: {  	s31 =	smul.u32 $0x6C0, s21  }
0x22c: {  	s23 =	spop (v2sf)  }
0x22d: {  	s0 =	sshrl.u32 s31, $0x2;
	s25 =	spop (v2sf)  }
0x22e: {  	s19 =	sadd.s32 $0x3D88, s0;
	s18 =	spop (v2sf)  }
0x22f: {  	s0 =	smin.u32 s22, $0x10  }
0x230: {  	v1 =	vmov s0  }
0x231: {  	p3 =	sgt.s32 s22, $0x10;
	vm1 =	vgt.u32 v1, v0  }
.Ltmp10:
0x232: {  	_ = 	snop;
	(pc) =	sbr.rel @!p3 .LBB2_11-.Ltmp10, $2  }
0x233: {  	_ =	sdelay $0x2  }
0x234: {  	s24 =	simm.s32 $0x10;
	s26 =	sadd.s32 $0xFFFFFFF0, s22;
	s20 =	smov.u32 s19;
	vm0 =	vmmov vm1  }
.LBB2_10:
0x235: {  	s0 =	smin.u32 s26, $0x10;
	s24 =	sadd.s32 $0x10, s24;
	v1 =	vld.msk [tilespmem:s20+$0x0 ss:$0x1], vm1  }
0x236: {  	v2 =	vmov s0;
	p3 =	slt.s32 s24, s22  }
0x237: {  	vm1 =	vgt.u32 v2, v0  }
.Ltmp11:
0x238: {  	(pc) =	sbr.rel @p3 .LBB2_10-.Ltmp11, $3  }
0x239: {  	_ =	sdelay $0x1  }
0x23a: {  	v1 =	vshll.u32 v1, $0x4  }
0x23b: {  	s26 =	sadd.s32 $0xFFFFFFF0, s26;
	[tilespmem:s20+$0x0] =	vst.msk vm0, v1;
	s20 =	sadd.s32 $0x10, s20;
	vm0 =	vmmov vm1  }
.LBB2_11:
0x23c: {  	_ =	sdelay $0x4  }
0x23d: {  	v1 =	vld.msk [tilespmem:s20+$0x0 ss:$0x1], vm1;
	_ =	sdelay $0x4  }
0x23e: {  	v1 =	vshll.u32 v1, $0x4  }
0x23f: {  	[tilespmem:s20+$0x0] =	vst.msk vm0, v1  }
.LBB2_12:
0x240: {  	s0 =	sand.u32 $0x1, s17  }
0x241: {  	s0 =	smul.u32 $0x1B0, s0  }
0x242: {  	p3 =	sne.s32 s25, $0xFFFFFFFF  }
0x243: {  	v1 =	vld.msk @!p3 [tilespmem:s0+$0x3D88], $0x1;
	_ =	sdelay $0x4  }
0x244: {  	(v2sf) =	vpush @!p3 v1, $0x0;
	_ =	sdelay $0xc  }
.Ltmp12:
0x245: {  	_ = 	snop;
	(pc) =	sbr.rel @p2 .LBB2_18-.Ltmp12, $4  }
0x246: {  	_ = 	snop  }
0x247: {  	s24 =	spop @!p3 (v2sf)  }
0x248: {  	s18 =	simm.s32 @!p3 $0x0;
	s20 =	smov.u32 s24  }
0x249: {  	[sflag:s14] =	ssyncpa.u1 $0x0;
	s24 =	smov.u32 @p3 s23;
	s20 =	smov.u32 @p3 s25  }
0x24a: {  	v1 =	vld.msk [tilespmem:s19+$0x0], $0x1;
	_ =	sdelay $0x4  }
0x24b: {  	(v2sf) =	vpush v1, $0x0;
	_ =	sdelay $0xd  }
0x24c: {  	s0 =	simm.s32 @!p4 $0x0  }
0x24d: {  	s26 =	smul.u32 $0x36000, s21;
	s25 =	ssub.s32 $0x0, s22;
	s28 =	spop (v2sf)  }
0x24e: {  	s0 =	simm.s32 @p4 $0x1;
	s23 =	sadd.s32 $0x1, s25;
	p2 =	seq.s32 s24, s28  }
0x24f: {  	[smem:$0x7FD] =	sst s0;
	s0 =	sshrl.u32 s26, $0x2;
	p3 =	sgt.s32 @!p2 s24, $0x0  }
0x250: {  	s21 =	sadd.s32 $0x40E8, s0;
	s0 =	smov.u32 s24;
	p3 =	por !p3, p2  }
0x251: {  	s0 =	simm.s32 @p3 $0x0;
	p3 =	seq.s32 s23, $0x0  }
.Ltmp13:
0x252: {  	_ = 	snop;
	(pc) =	sbr.rel @p3 .LBB2_15-.Ltmp13, $4  }
0x253: {  	s3 =	smov.u32 s8;
	s12 =	smov.u32 s5;
	s8 =	smov.u32 s6  }
0x254: {  	s22 =	simm.s32 $0x0;
	s29 =	simm.s32 @!p2 $0x1;
	s0 =	smin.u32 @!p2 s0, $0x27FFF  }
0x255: {  	s30 =	simm.s32 @!p2 $0x1B38;
	s29 =	smov.u32 @p2 s22;
	s26 =	sand.u32 @!p2 $0x3FFF8, s0  }
0x256: {  	s31 =	sand.u32 @!p2 $0x7, s0;
	s0 =	sadd.s32 @!p2 s1, s26;
	s26 =	sadd.s32 $0x1, s19  }
.LBB2_14:
0x257: {  	s2 =	smov.u32 s29  }
0x258: {  	[tilespmem:s30], [sflag:$0x2] =	stream.linear.gather @!p2 [hbm4b:s0+s31], $0x8, $0x38;
	[tilespmem:$0x1F0E8] =	vst v63  }
0x259: {  	s23 =	sadd.s32 $0x1, s23;
	s0 =	smov.u32 s28;
	v1 =	vld.msk [tilespmem:s26+$0x0], $0x1  }
0x25a: {  	p3 =	seq.s32 s23, $0x0;
	_ =	sdelay $0x3  }
0x25b: {  	(v2sf) =	vpush v1, $0x0;
	_ =	sdelay $0xe  }
0x25c: {  	s28 =	spop (v2sf)  }
0x25d: {  	p2 =	seq.s32 s0, s28  }
0x25e: {  	p4 =	sgt.s32 @!p2 s0, $0x0;
	s30 =	sshll.u32 @!p2 s29, $0x6;
	s29 =	sadd.s32 @!p2 $0x1, s29  }
.Ltmp14:
0x25f: {  	p4 =	por !p4, p2;
	s30 =	sshra.s32 @!p2 s30, $0x2;
	(pc) =	sbr.rel @!p3 .LBB2_14-.Ltmp14, $4  }
0x260: {  	s29 =	smov.u32 @p2 s2;
	s0 =	simm.s32 @p4 $0x0;
	s30 =	sadd.s32 @!p2 $0x1B38, s30  }
0x261: {  	s0 =	smin.u32 @!p2 s0, $0x27FFF  }
0x262: {  	s2 =	sand.u32 @!p2 $0x3FFF8, s0;
	s31 =	sand.u32 @!p2 $0x7, s0  }
0x263: {  	s26 =	sadd.s32 $0x1, s26;
	s0 =	sadd.s32 @!p2 s1, s2  }
.LBB2_15:
0x264: {  	[tilespmem:s30], [sflag:$0x2] =	stream.linear.gather @!p2 [hbm4b:s0+s31], $0x8, $0x38;
	[tilespmem:$0x1F0E8] =	vst v63  }
0x265: {  	s31 =	sshll.u32 s29, $0x3  }
0x266: {  	s2 =	simm.s32 $0x2;
	s0 =	sand.u32 $0x3FFFFFF8, s31  }
0x267: {  	_ =	swait.ge [sflag:s2], s0  }
0x268: {  	s0 =	ssub.s32 $0x0, s0;
	[sflag:s2] =	ssyncset.done $0x0  }
0x269: {  	[sflag:s2] =	ssyncadd.s32 s0  }
0x26a: {  	v1 =	vld.msk [tilespmem:s19+$0x0], $0x1;
	_ =	sdelay $0x4  }
0x26b: {  	(v2sf) =	vpush v1, $0x0;
	_ =	sdelay $0xe  }
0x26c: {  	s23 =	spop (v2sf)  }
0x26d: {  	p2 =	sne.s32 s24, s23  }
0x26e: {  	p4 =	sne.s32 @p2 s24, s20  }
0x26f: {  	p3 =	por !p4, !p2  }
0x270: {  	s0 =	simm.s32 @!p3 $0x0  }
0x271: {  	v1 =	vld.msk @!p3 [tilespmem:s0+$0x1B38], $0xff  }
0x272: {  	p5 =	sgt.u32 @!p3 s24, $0x27FFF  }
0x273: {  	s2 =	sshll.u32 @!p3 s18, $0x6;
	p6 =	por @p2 p5, !p4  }
0x274: {  	s2 =	sshra.s32 @!p3 s2, $0x2;
	p1 =	por p6, !p2;
	p6 =	por p4, !p2  }
0x275: {  	s26 =	sadd.s32 @!p3 $0x28, s2;
	s28 =	sand.u32 @!p1 $0x3FFF8, s24;
	s29 =	sshll.u32 @!p6 s18, $0x6  }
0x276: {  	s24 =	sand.u32 @!p1 $0x7, s24;
	[tilespmem:s2+$0x28] =	vst.add.f32.msk @!p3 $0xff, v1;
	s2 =	sadd.s32 @!p1 s1, s28;
	s28 =	sshra.s32 @!p6 s29, $0x2  }
0x277: {  	[hbm4b:s2+s24] =	stream.linear.scatter @!p1 [tilespmem:s26], [sflag:$0xA], $0x8, $0x38;
	[tilespmem:$0x1F0E8] =	vst v63  }
0x278: {  	s0 =	rddreg [dreg:$0x3];
	s2 =	sadd.s32 @!p6 $0x28, s28;
	s24 =	simm.s32 @!p6 $0x1  }
0x279: {  	[spmem:s0] =	stream.linear.scatter @!p6 [tilespmem:s2], [sflag:$0x1], $0x8, $0x38;
	[tilespmem:$0x1F0E8] =	vst v63  }
0x27a: {  	s0 =	sadd.s32 @p2 $0x1, s18;
	_ =	swait.ge @!p6 [sflag:s24], $0x8  }
0x27b: {  	s2 =	sshrl.u32 @p2 s0, $0x4;
	[sflag:s24] =	ssyncset.done @!p6 $0x0  }
0x27c: {  	s2 =	smulhi.u32 @p2 $0x97B425F, s2;
	[sflag:s24] =	ssyncadd.s32 @!p6 $0xFFFFFFF8  }
0x27d: {  	s24 =	sadd.s32 $0x1, s25;
	v1 =	vld.msk @p2 [tilespmem:s21+$0x0], $0xff  }
0x27e: {  	p1 =	por @p2 !p5, !p4;
	s2 =	smul.u32 @p2 $0x1B0, s2;
	p4 =	seq.s32 s24, $0x0  }
.Ltmp15:
0x27f: {  	p1 =	por !p1, !p2;
	s25 =	simm.s32 @!p3 $0x0;
	(pc) =	sbr.rel @p4 .LBB2_17-.Ltmp15, $4  }
0x280: {  	s26 =	sshll.u32 @!p2 s18, $0x6;
	s25 =	simm.s32 @!p1 $0x20;
	s0 =	ssub.s32 @p2 s0, s2  }
0x281: {  	s26 =	sshra.s32 @!p2 s26, $0x2;
	s28 =	sadd.s32 @!p3 $0x0, s25;
	s29 =	sshll.u32 @p2 s0, $0x4  }
0x282: {  	s25 =	simm.s32 $0x0;
	s2 =	simm.s32 @p2 $0x1;
	s28 =	smov.u32 @p3 s22;
	[tilespmem:s29+$0x28] =	vst.msk @p2 $0xff, v1  }
0x283: {  	s18 =	smov.u32 @p2 s0;
	s25 =	smov.u32 @p2 s28;
	s22 =	smov.u32 @p2 s2;
	v1 =	vld.msk @!p2 [tilespmem:s21+$0x0], $0xff  }
.LBB2_16:
0x284: {  	_ =	sdelay $0x3  }
0x285: {  	s19 =	sadd.s32 $0x1, s19;
	[tilespmem:s26+$0x28] =	vst.add.f32.msk @!p2 $0xff, v1  }
0x286: {  	v1 =	vld.msk [tilespmem:s19+$0x0], $0x1;
	_ =	sdelay $0x4  }
0x287: {  	(v2sf) =	vpush v1, $0x0;
	_ =	sdelay $0xe  }
0x288: {  	s0 =	smov.u32 s23;
	s23 =	spop (v2sf)  }
0x289: {  	p2 =	sne.s32 s0, s23  }
0x28a: {  	p5 =	sne.s32 @p2 s0, s20  }
0x28b: {  	p4 =	por !p5, !p2  }
0x28c: {  	s30 =	sshll.u32 @!p4 s22, $0x6  }
0x28d: {  	s30 =	sshra.s32 @!p4 s30, $0x2  }
0x28e: {  	p1 =	sgt.u32 @!p4 s0, $0x27FFF;
	v1 =	vld.msk @!p4 [tilespmem:s30+$0x1B38], $0xff  }
0x28f: {  	s31 =	sshll.u32 @!p4 s18, $0x6;
	p6 =	por @p2 p1, !p5;
	p1 =	por @p2 !p1, !p5  }
0x290: {  	s5 =	simm.s32 @!p4 $0x0;
	s31 =	sshra.s32 @!p4 s31, $0x2;
	p1 =	por !p1, !p2  }
0x291: {  	p5 =	por p5, !p2;
	s5 =	simm.s32 @!p1 $0x20;
	p1 =	por p6, !p2  }
0x292: {  	s30 =	sadd.s32 @!p4 $0x28, s31;
	s6 =	sshll.u32 @!p5 s18, $0x6;
	s10 =	sand.u32 @!p1 $0x3FFF8, s0  }
0x293: {  	s6 =	sshra.s32 @!p5 s6, $0x2;
	s0 =	sand.u32 @!p1 $0x7, s0;
	s10 =	sadd.s32 @!p1 s1, s10;
	[tilespmem:s31+$0x28] =	vst.add.f32.msk @!p4 $0xff, v1  }
0x294: {  	[hbm4b:s10+s0] =	stream.linear.scatter @!p1 [tilespmem:s30], [sflag:$0xA], $0x8, $0x38;
	[tilespmem:$0x1F0E8] =	vst v63  }
0x295: {  	s2 =	rddreg [dreg:$0x3];
	s0 =	sadd.s32 @!p5 $0x28, s6;
	s6 =	simm.s32 @!p5 $0x1  }
0x296: {  	[spmem:s2] =	stream.linear.scatter @!p5 [tilespmem:s0], [sflag:$0x1], $0x8, $0x38;
	[tilespmem:$0x1F0E8] =	vst v63  }
0x297: {  	s28 =	sadd.s32 @p2 $0x1, s18;
	_ =	swait.ge @!p5 [sflag:s6], $0x8  }
0x298: {  	s29 =	sshrl.u32 @p2 s28, $0x4;
	[sflag:s6] =	ssyncset.done @!p5 $0x0  }
0x299: {  	s21 =	sadd.s32 $0x80, s21;
	s29 =	smulhi.u32 @p2 $0x97B425F, s29;
	[sflag:s6] =	ssyncadd.s32 @!p5 $0xFFFFFFF8  }
0x29a: {  	s24 =	sadd.s32 $0x1, s24;
	v1 =	vld.msk @p2 [tilespmem:s21+$0x0], $0xff  }
0x29b: {  	p3 =	seq.s32 s24, $0x0;
	s29 =	smul.u32 @p2 $0x1B0, s29  }
.Ltmp16:
0x29c: {  	_ = 	snop;
	(pc) =	sbr.rel @!p3 .LBB2_16-.Ltmp16, $4  }
0x29d: {  	s28 =	ssub.s32 @p2 s28, s29  }
0x29e: {  	s26 =	sshll.u32 @!p2 s18, $0x6;
	s5 =	sadd.s32 @!p4 s5, s25;
	s10 =	sshll.u32 @p2 s28, $0x4  }
0x29f: {  	s9 =	sadd.s32 @p2 $0x1, s22;
	s26 =	sshra.s32 @!p2 s26, $0x2;
	s5 =	smov.u32 @p4 s25;
	[tilespmem:s10+$0x28] =	vst.msk @p2 $0xff, v1  }
0x2a0: {  	s22 =	smov.u32 @p2 s9;
	s18 =	smov.u32 @p2 s28;
	s25 =	smov.u32 @p2 s5;
	v1 =	vld.msk @!p2 [tilespmem:s21+$0x0], $0xff  }
.LBB2_17:
.Ltmp17:
0x2a1: {  	_ = 	snop;
	(pc) =	sbr.rel .LBB2_19-.Ltmp17, $4  }
0x2a2: {  	s2 =	sld [smem:$0x7FD]  }
0x2a3: {  	s0 =	sshrl.u32 s25, $0x2  }
0x2a4: {  	s24 =	smov.u32 s23;
	s6 =	smov.u32 s8;
	s5 =	smov.u32 s12  }
0x2a5: {  	s8 =	smov.u32 s3;
	s3 =	rddreg [dreg:$0x4];
	p4 =	seq.s32 s2, $0x1;
	[tilespmem:s26+$0x28] =	vst.add.f32.msk @!p2 $0xff, v1  }
.LBB2_21:
0x2a6: {  	_ =	sfence.sel $0x180000  }
0x2a7: {  	s0 =	simm.s32 $0x7;
	[bflag:$0x0] =	sbarrier.arrive $0xFFFF  }
0x2a8: {  	s25 =	simm.s32 $0x8;
	[sflag:s0] =	ssyncpa.u1 $0x1  }
0x2a9: {  	s26 =	simm.s32 $0x9;
	[sflag:s25] =	ssyncpa.u1 $0x1  }
0x2aa: {  	s28 =	simm.s32 $0x2;
	[sflag:s26] =	ssyncpa.u1 $0x1  }
0x2ab: {  	[sflag:s28] =	ssyncpa.u1 $0x1  }
0x2ac: {  	v0 =	vld [tilespmem:$0x3648];
	_ =	sdelay $0x4  }
0x2ad: {  	(v2sf) =	vpush v0, $0x0  }
0x2ae: {  	(v2sf) =	vpush v0, $0x1;
	_ =	sdelay $0x1  }
0x2af: {  	(v2sf) =	vpush v0, $0x2;
	_ =	sdelay $0xb  }
0x2b0: {  	s0 =	spop (v2sf)  }
0x2b1: {  	s2 =	spop (v2sf)  }
0x2b2: {  	s3 =	smov.u32 s0;
	p0 =	sne.s32 s0, s2  }
0x2b3: {  	s4 =	spop (v2sf);
	s3 =	simm.s32 @!p0 $0xFFFFFFFF  }
0x2b4: {  	v2 =	vimm.s32 $0x1;
	v3 =	vlaneseq.u32;
	p0 =	seq.s32 s4, $0xFFFFFFFF;
	v1 =	vmov s3  }
0x2b5: {  	s7 =	stileid.u32;
	v0 =	vperm.xlane v0, v2;
	p1 =	sne.s32 @!p0 s0, s2;
	v1 =	vperm.xlane v1, v3  }
0x2b6: {  	vm0 =	vcmask $0x3F04;
	s6 =	simm.s32 $0x3648;
	s0 =	simm.s32 @!p0 $0x1;
	p1 =	por !p1, p0  }
0x2b7: {  	s3 =	sshll.u32 s7, $0x1;
	s2 =	sshll.u32 @!p0 s4, $0x6;
	s0 =	simm.s32 @p1 $0x0;
	v0 =	vsel vm0, v1, v0  }
0x2b8: {  	s5 =	sor.u32 $0x200, s3;
	s2 =	sshra.s32 @!p0 s2, $0x2;
	s0 =	sor.u32 @!p0 s0, s3;
	[tilespmem:$0x3648] =	vst v0  }
0x2b9: {  	[spmem:s5] =	stream.linear.scatter [tilespmem:s6], [sflag:$0x1], $0x2, $0x38;
	[tilespmem:$0x1F0E8] =	vst v63  }
0x2ba: {  	s2 =	sadd.s32 @!p0 $0x28, s2;
	s0 =	sshll.u32 @!p0 s0, $0x4  }
0x2bb: {  	[spmem:s0] =	stream.linear.scatter @!p0 [tilespmem:s2], [sflag:$0x1], $0x10, $0x38;
	[tilespmem:$0x1F0E8] =	vst v63  }
0x2bc: {  	s0 =	simm.s32 @!p0 $0x12  }
0x2bd: {  	s3 =	simm.s32 $0x1;
	s0 =	simm.s32 @p0 $0x2  }
0x2be: {  	_ =	swait.ge [sflag:s3], s0  }
0x2bf: {  	s0 =	ssub.s32 $0x0, s0;
	[sflag:s3] =	ssyncset.done $0x0  }
0x2c0: {  	[sflag:s3] =	ssyncadd.s32 s0  }
0x2c1: {  	_ =	sfence.stream.spmem  }
0x2c2: {  	s29 =	simm.s32 $0x3;
	[bflag:$0x0] =	sbarrier.arrive $0xFFFF  }
0x2c3: {  	s30 =	simm.s32 $0x4;
	[sflag:s29] =	ssyncpa.u1 $0x1  }
0x2c4: {  	s31 =	simm.s32 $0x3C;
	[sflag:s30] =	ssyncpa.u1 $0x1  }
0x2c5: {  	p0 =	sne.s32 s7, $0x0;
	[sflag:s31] =	ssyncpa.u1 $0x1  }
0x2c6: {  	_ =	sfence @p0  }
0x2c7: {  	[sflag:s3] =	ssyncpa.u1 @p0 $0x1  }
0x2c8: {  	_ =	strace @p0 $0x90000059  }
0x2c9: {  	[bflag:$0x2] =	sbarrier.arrive @p0 $0xFFFF  }
0x2ca: {  	_ =	shalt @p0  }
.LBB2_22:
0x2cb: {  	_ =	sfence.stream.spmem;
	s0 =	simm.s32 $0x5  }
0x2cc: {  	s2 =	simm.s32 $0x200;
	s3 =	simm.s32 $0x3658;
	[sflag:s0] =	ssyncpa.u1 $0x0  }
0x2cd: {  	[tilespmem:s3], [sflag:$0x5] =	stream.linear.gather [spmem:s2], $0x20, $0x38;
	[tilespmem:$0x1F0E8] =	vst v63  }
0x2ce: {  	s30 =	simm.s32 $0x3678;
	s2 =	simm.s32 $0x0  }
0x2cf: {  	[tilespmem:s30], [sflag:$0x5] =	stream.linear.gather [spmem:s2], $0x200, $0x38;
	[tilespmem:$0x1F0E8] =	vst v63  }
.Ltmp18:
0x2d0: {  	_ = 	snop;
	(pc) =	sbr.rel .LBB2_23-.Ltmp18, $4  }
0x2d1: {  	_ =	swait.ge [sflag:s0], $0x220  }
0x2d2: {  	[sflag:s0] =	ssyncset.done $0x0  }
0x2d3: {  	s31 =	simm.s32 $0x6;
	[sflag:s0] =	ssyncadd.s32 $0xFFFFFDE0  }
0x2d4: {  	s3 =	simm.s32 $0x0;
	[sflag:s31] =	ssyncpa.u1 $0x0  }
.LBB2_28:
0x2d5: {  	p0 =	slt.u32 s4, $0x28000  }
0x2d6: {  	s0 =	sand.u32 @p0 $0x3FFF8, s4  }
0x2d7: {  	s4 =	sand.u32 @p0 $0x7, s4;
	s5 =	simm.s32 @p0 $0x3638;
	s0 =	sadd.s32 @p0 s1, s0  }
0x2d8: {  	[tilespmem:s5], [sflag:$0x6] =	stream.linear.gather @p0 [hbm4b:s0+s4], $0x8, $0x38;
	[tilespmem:$0x1F0E8] =	vst v63  }
0x2d9: {  	s0 =	simm.s32 @p0 $0x6  }
0x2da: {  	_ =	swait.ge @p0 [sflag:s0], $0x8  }
0x2db: {  	[sflag:s0] =	ssyncset.done @p0 $0x0  }
0x2dc: {  	[sflag:s0] =	ssyncadd.s32 @p0 $0xFFFFFFF8  }
0x2dd: {  	v1 =	vld @p0 [tilespmem:$0x3638];
	_ =	sdelay $0x2  }
0x2de: {  	s0 =	sshll.u32 @p0 s3, $0x6  }
0x2df: {  	s5 =	sshll.u32 @!p0 s3, $0x6;
	s4 =	sshrl.u32 @p0 s0, $0x2  }
0x2e0: {  	s5 =	smov.u32 @p0 s0;
	[tilespmem:s4+$0x3678] =	vst.add.f32.msk @p0 $0xffff, v1  }
0x2e1: {  	s0 =	sshrl.u32 s5, $0x2;
	[tilespmem:s2+$0x3658] =	vst.msk $0x1, v0  }
0x2e2: {  	v0 =	vld [tilespmem:s0+$0x3678];
	_ =	sdelay $0x2  }
0x2e3: {  	s31 =	sshll.u32 s2, $0x6  }
0x2e4: {  	s0 =	sshra.s32 s31, $0x2  }
0x2e5: {  	s2 =	sadd.s32 $0x1, s2;
	[tilespmem:s0+$0x3678] =	vst v0  }
.LBB2_30:
0x2e6: {  	s3 =	sadd.s32 $0x1, s3  }
0x2e7: {  	p0 =	sne.s32 s3, $0x20  }
.Ltmp19:
0x2e8: {  	_ = 	snop;
	(pc) =	sbr.rel @!p0 .LBB2_31-.Ltmp19, $1  }
0x2e9: {  	_ =	sdelay $0x3  }
.LBB2_23:
0x2ea: {  	v0 =	vld.msk [tilespmem:s3+$0x3658], $0x1;
	_ =	sdelay $0x4  }
0x2eb: {  	(v2sf) =	vpush v0, $0x0;
	_ =	sdelay $0xe  }
0x2ec: {  	s4 =	spop (v2sf)  }
0x2ed: {  	p0 =	seq.s32 s4, $0xFFFFFFFF  }
.Ltmp20:
0x2ee: {  	_ = 	snop;
	(pc) =	sbr.rel @p0 .LBB2_30-.Ltmp20, $1  }
0x2ef: {  	_ =	sdelay $0x3  }
0x2f0: {  	p0 =	slt.s32 s2, $0x1  }
.Ltmp21:
0x2f1: {  	_ = 	snop;
	(pc) =	sbr.rel @p0 .LBB2_28-.Ltmp21, $1  }
0x2f2: {  	_ =	sdelay $0x3  }
0x2f3: {  	s5 =	simm.s32 $0x3658;
	p0 =	por $0x0, $0x0  }
0x2f4: {  	v1 =	vld.msk @!p0 [tilespmem:s5+$0x0], $0x1;
	_ =	sdelay $0x4  }
0x2f5: {  	(v2sf) =	vpush @!p0 v1, $0x0;
	_ =	sdelay $0xd  }
0x2f6: {  	p2 =	sne.s32 s2, $0x1  }
.Ltmp22:
0x2f7: {  	s0 =	spop @!p0 (v2sf);
	(pc) =	sbr.rel @!p2 .LBB2_27-.Ltmp22, $4  }
0x2f8: {  	p1 =	seq.s32 @!p0 s4, s0  }
0x2f9: {  	s6 =	simm.s32 $0x0;
	p1 =	por !p1, p0  }
0x2fa: {  	s0 =	simm.s32 $0xFFFFFFFF;
	s6 =	simm.s32 @p1 $0xFFFFFFFF  }
0x2fb: {  	s7 =	simm.s32 $0x1;
	s6 =	smov.u32 @p0 s0  }
.LBB2_26:
0x2fc: {  	s0 =	smov.u32 s6;
	p0 =	sne.s32 s6, $0xFFFFFFFF  }
0x2fd: {  	s5 =	sadd.s32 $0x1, s5;
	s6 =	smov.u32 s7;
	s7 =	sadd.s32 $0x1, s7  }
0x2fe: {  	p1 =	sne.s32 s2, s7;
	v1 =	vld.msk @!p0 [tilespmem:s5+$0x0], $0x1;
	_ =	sdelay $0x4  }
0x2ff: {  	(v2sf) =	vpush @!p0 v1, $0x0;
	_ =	sdelay $0xe  }
.Ltmp23:
0x300: {  	s8 =	spop @!p0 (v2sf);
	(pc) =	sbr.rel @p1 .LBB2_26-.Ltmp23, $4  }
0x301: {  	p2 =	seq.s32 @!p0 s4, s8  }
0x302: {  	p2 =	por !p2, p0  }
0x303: {  	s6 =	simm.s32 @p2 $0xFFFFFFFF  }
0x304: {  	s6 =	smov.u32 @p0 s0  }
.LBB2_27:
0x305: {  	p0 =	sne.s32 s6, $0xFFFFFFFF  }
.Ltmp24:
0x306: {  	_ = 	snop;
	(pc) =	sbr.rel @!p0 .LBB2_28-.Ltmp24, $1  }
0x307: {  	_ =	sdelay $0x3  }
0x308: {  	s0 =	sshll.u32 s3, $0x4  }
0x309: {  	s0 =	sand.u32 $0x3FFFFFF0, s0  }
0x30a: {  	v0 =	vld [tilespmem:s0+$0x3678]  }
.Ltmp25:
0x30b: {  	_ = 	snop;
	(pc) =	sbr.rel .LBB2_30-.Ltmp25, $4  }
0x30c: {  	_ = 	snop  }
0x30d: {  	s31 =	sshll.u32 s6, $0x6  }
0x30e: {  	s0 =	sshra.s32 s31, $0x2  }
0x30f: {  	[tilespmem:s0+$0x3678] =	vst.add.f32.msk $0xffff, v0  }
.LBB2_31:
0x310: {  	p0 =	slt.s32 s2, $0x1  }
.Ltmp26:
0x311: {  	_ = 	snop;
	(pc) =	sbr.rel @p0 .LBB2_35-.Ltmp26, $3  }
0x312: {  	_ =	sdelay $0x1  }
0x313: {  	s0 =	simm.s32 $0x6  }
0x314: {  	s3 =	simm.s32 $0x0;
	[sflag:s0] =	ssyncpa.u1 $0x1  }
0x315: {  	s0 =	simm.s32 $0x3658  }
0x316: {  	v0 =	vld.msk [tilespmem:s0+$0x0], $0x1;
	_ =	sdelay $0x4  }
0x317: {  	(v2sf) =	vpush v0, $0x0;
	_ =	sdelay $0xd  }
0x318: {  	s2 =	sadd.s32 $0xFFFFFFFF, s2  }
0x319: {  	p1 =	sne.s32 s2, $0x0;
	s0 =	spop (v2sf)  }
.Ltmp27:
0x31a: {  	p0 =	sgt.u32 s0, $0x27FFF;
	(pc) =	sbr.rel @!p1 .LBB2_34-.Ltmp27, $4  }
0x31b: {  	s4 =	simm.s32 $0x3678;
	s5 =	sand.u32 @!p0 $0x3FFF8, s0  }
0x31c: {  	s6 =	simm.s32 $0x0;
	s0 =	sand.u32 @!p0 $0x7, s0;
	s5 =	sadd.s32 @!p0 s1, s5  }
0x31d: {  	[hbm4b:s5+s0] =	stream.linear.scatter @!p0 [tilespmem:s4], [sflag:$0x5], $0x8, $0x38;
	[tilespmem:$0x1F0E8] =	vst v63  }
0x31e: {  	s6 =	simm.s32 @!p0 $0x20;
	s5 =	simm.s32 $0x3659  }
.LBB2_33:
0x31f: {  	v0 =	vld.msk [tilespmem:s5+$0x0], $0x1;
	s2 =	sadd.s32 $0xFFFFFFFF, s2;
	s3 =	sadd.s32 s3, s6  }
0x320: {  	p0 =	sne.s32 s2, $0x0;
	_ =	sdelay $0x3  }
0x321: {  	(v2sf) =	vpush v0, $0x0;
	_ =	sdelay $0xe  }
.Ltmp28:
0x322: {  	s0 =	spop (v2sf);
	(pc) =	sbr.rel @p0 .LBB2_33-.Ltmp28, $4  }
0x323: {  	s6 =	simm.s32 $0x0;
	p1 =	sgt.u32 s0, $0x27FFF  }
0x324: {  	s4 =	sadd.s32 $0x10, s4;
	s6 =	simm.s32 @!p1 $0x20;
	s7 =	sand.u32 @!p1 $0x3FFF8, s0  }
0x325: {  	s5 =	sadd.s32 $0x1, s5;
	s0 =	sand.u32 @!p1 $0x7, s0;
	s7 =	sadd.s32 @!p1 s1, s7  }
0x326: {  	[hbm4b:s7+s0] =	stream.linear.scatter @!p1 [tilespmem:s4], [sflag:$0x5], $0x8, $0x38;
	[tilespmem:$0x1F0E8] =	vst v63  }
.LBB2_34:
0x327: {  	s0 =	sadd.s32 s3, s6  }
0x328: {  	s3 =	sshrl.u32 s0, $0x2  }
.LBB2_35:
0x329: {  	s0 =	simm.s32 $0x5  }
0x32a: {  	_ =	swait.ge [sflag:s0], s3  }
0x32b: {  	s1 =	ssub.s32 $0x0, s3;
	[sflag:s0] =	ssyncset.done $0x0  }
0x32c: {  	[sflag:s0] =	ssyncadd.s32 s1  }
0x32d: {  	[sflag:s0] =	ssyncpa.u1 $0x1  }
0x32e: {  	s30 =	simm.s32 $0x1;
	_ =	sfence  }
0x32f: {  	[sflag:s30] =	ssyncpa.u1 $0x1  }
0x330: {  	_ =	strace $0x90000059  }
0x331: {  	[bflag:$0x2] =	sbarrier.arrive $0xFFFF  }
0x332: {  	s31 =	rddreg [dreg:$0x2]  }
0x333: {  	s0 =	sadd.s32 $0x100000, s31  }
0x334: {  	[sflag:s0] =	ssyncadd.tile.s32 $0x1;
	_ =	shalt  }
.Lfunc_end2:
_tile_overlayer_lowered:
.L_overlay_start_2:
0x335: {  	(tag) =	ssettag $0x2  }
0x336: {  	s0 =	rddreg [dreg:$0x0];
	s2 =	stileid.u32  }
0x337: {  	s1 =	rddreg [dreg:$0x1];
	p0 =	sne.s32 s2, $0x0  }
0x338: {  	s3 =	rddreg [dreg:$0x2];
	[bflag:$0x3] =	sbarrier.arrive $0xFFFF;
	s2 =	simm.s32 @!p0 $0x1C01  }
0x339: {  	[timem:s3], [sflag:s2] =	dma.local @!p0 [hbm:s0], s1  }
0x33a: {  	s0 =	simm.s32 @!p0 $0x1  }
0x33b: {  	_ =	swait.ge @!p0 [sflag:s0], s1  }
0x33c: {  	s1 =	ssub.s32 @!p0 $0x0, s1;
	[sflag:s0] =	ssyncset.done @!p0 $0x0  }
0x33d: {  	[sflag:s0] =	ssyncadd.s32 @!p0 s1  }
0x33e: {  	[bflag:$0x3] =	sbarrier.arrive $0xFFFF  }
0x33f: {  	_ =	shalt  }

// kernel: scatter_offload_async_start.3
scs
__scs_entry_jumppad:
0x0: {  	(pc) =	sbr.rel $0x88, $3  }
0x1: {  	(tag) =	ssettag $0x0;
	lr =	simm.s32 $0x1  }
0x2: {  	[smem:$0x3F97] =	sst lr;
	_ =	strace $0xD0000000  }
0x3: {  	_ = 	snop  }
0x4: {  	_ = 	snop  }
0x5: {  	_ = 	snop  }
0x6: {  	_ = 	snop  }
0x7: {  	_ = 	snop  }
__scs_overlays_trampoline_lowered:
0x8: {  	[smem:$0x3FA6] =	sst s0  }
0x9: {  	[smem:$0x3FA7] =	sst s1  }
0xa: {  	[smem:$0x3FA8] =	sst s2  }
0xb: {  	[smem:$0x3FA9] =	sst s3  }
0xc: {  	[smem:$0x3FAA] =	sst s4  }
0xd: {  	[smem:$0x3FAB] =	sst s5  }
0xe: {  	[smem:$0x3FAC] =	sst s6  }
0xf: {  	[smem:$0x3FAD] =	sst s7  }
0x10: {  	[smem:$0x3FAE] =	sst s8  }
0x11: {  	[smem:$0x3FAF] =	sst s9;
	s0 =	simm.s32 @!p0 $0x0  }
0x12: {  	s1 =	sld [smem:$0x3F95];
	s0 =	simm.s32 @p0 $0x1  }
0x13: {  	[smem:$0x3FB0] =	sst s0;
	s0 =	simm.s32 @!p1 $0x0  }
0x14: {  	s2 =	sld [smem:$0x3F94];
	s0 =	simm.s32 @p1 $0x1  }
0x15: {  	[smem:$0x3FB1] =	sst s0;
	s0 =	simm.s32 @!p2 $0x0  }
0x16: {  	s3 =	sld [smem:$0x3FDB];
	s0 =	simm.s32 @p2 $0x1  }
0x17: {  	s4 =	simm.s32 $0x1BF5;
	[smem:$0x3FB3] =	sst s0  }
0x18: {  	s0 =	sld [smem:$0x3F96];
	_ =	swait.ge [sflag:s4], $0x0  }
0x19: {  	s7 =	sld [smem:$0x3F97]  }
0x1a: {  	s8 =	sadd.s32 $0xFFFFE003, lr  }
0x1b: {  	s9 =	sadd.s32 $0xFFFFFEF7, lr;
	s5 =	simm.s32 $0xFFFFFFFF;
	p2 =	slt.u32 s8, $0xFFFFF086  }
0x1c: {  	p1 =	slt.u32 s9, $0xF7A;
	s5 =	simm.s32 @!p2 $0x0  }
0x1d: {  	s5 =	simm.s32 @p1 $0x1;
	p0 =	seq.s32 s7, s2  }
0x1e: {  	s7 =	smul.u32 @!p0 $0xF7A, s2;
	p2 =	seq.s32 @!p0 s5, $0x0  }
0x1f: {  	s9 =	smul.u32 $0xF7A, s1;
	s8 =	simm.s32 @!p0 $0x1BF5;
	p2 =	por !p2, p0  }
0x20: {  	[sflag:s8] =	ssyncset.s32 @!p0 $0xFFFFF086;
	s6 =	sadd.s32 @!p0 s3, s7;
	s7 =	simm.s32 @!p0 $0x108  }
0x21: {  	s3 =	sadd.s32 s3, s9;
	s6 =	sadd.s32 @!p0 $0x88, s6;
	s7 =	simm.s32 @p2 $0x1082  }
0x22: {  	[simem:s7], [sflag:s8] =	dma.local @!p0 [hbm:s6], $0xF7A  }
0x23: {  	s9 =	sor.u32 $0xD0000000, s2;
	s6 =	simm.s32 $0x108;
	_ =	swait.ge @!p0 [sflag:s8], $0x0  }
0x24: {  	s3 =	sadd.s32 $0x88, s3;
	s6 =	simm.s32 @!p1 $0x1082;
	[sflag:s4] =	ssyncset.s32 $0xFFFFF086  }
0x25: {  	[simem:s6], [sflag:s4] =	dma.local [hbm:s3], $0xF7A  }
0x26: {  	[smem:$0x3F97] =	sst s1;
	(tag) =	ssettag s2;
	_ =	strace s9  }
0x27: {  	s1 =	sld [smem:$0x3FA7]  }
0x28: {  	s2 =	sld [smem:$0x3FA8]  }
0x29: {  	s4 =	sld [smem:$0x3FAA]  }
0x2a: {  	p0 =	seq.s32 s5, $0x0;
	s5 =	sld [smem:$0x3FAB]  }
0x2b: {  	s6 =	sld [smem:$0x3FAC]  }
0x2c: {  	s7 =	sld [smem:$0x3FAD]  }
0x2d: {  	s3 =	simm.s32 $0x108;
	s8 =	sld [smem:$0x3FAE]  }
0x2e: {  	s3 =	simm.s32 @!p0 $0x1082;
	s9 =	sld [smem:$0x3FAF]  }
0x2f: {  	lr =	sadd.s32 s0, s3;
	s0 =	sld [smem:$0x3FA6]  }
0x30: {  	s3 =	sld [smem:$0x3FA9]  }
0x31: {  	[smem:$0x3FB2] =	sst s10  }
0x32: {  	s10 =	sld [smem:$0x3FB0];
	_ =	sdelay $0x3  }
0x33: {  	p0 =	seq.s32 s10, $0x1;
	s10 =	sld [smem:$0x3FB2];
	_ =	sdelay $0x3  }
0x34: {  	[smem:$0x3FB2] =	sst s10  }
0x35: {  	s10 =	sld [smem:$0x3FB1];
	_ =	sdelay $0x3  }
0x36: {  	p1 =	seq.s32 s10, $0x1;
	s10 =	sld [smem:$0x3FB2];
	_ =	sdelay $0x3  }
0x37: {  	[smem:$0x3FB2] =	sst s10  }
0x38: {  	s10 =	sld [smem:$0x3FB3]  }
0x39: {  	_ = 	snop;
	(pc) =	sbr.ind lr, $3  }
0x3a: {  	_ = 	snop  }
0x3b: {  	_ = 	snop  }
0x3c: {  	p2 =	seq.s32 s10, $0x1;
	s10 =	sld [smem:$0x3FB2]  }
0x3d: {  	_ =	shalt  }
0x3e: {  	_ =	shalt  }
0x3f: {  	_ =	shalt  }
0x40: {  	_ =	shalt  }
0x41: {  	_ =	shalt  }
0x42: {  	_ =	shalt  }
0x43: {  	_ =	shalt  }
0x44: {  	_ =	shalt  }
0x45: {  	_ =	shalt  }
0x46: {  	_ =	shalt  }
0x47: {  	_ =	shalt  }
0x48: {  	_ =	shalt  }
0x49: {  	_ =	shalt  }
0x4a: {  	_ =	shalt  }
0x4b: {  	_ =	shalt  }
0x4c: {  	_ =	shalt  }
0x4d: {  	_ =	shalt  }
0x4e: {  	_ =	shalt  }
0x4f: {  	_ =	shalt  }
0x50: {  	_ =	shalt  }
0x51: {  	_ =	shalt  }
0x52: {  	_ =	shalt  }
0x53: {  	_ =	shalt  }
0x54: {  	_ =	shalt  }
0x55: {  	_ =	shalt  }
0x56: {  	_ =	shalt  }
0x57: {  	_ =	shalt  }
0x58: {  	_ =	shalt  }
0x59: {  	_ =	shalt  }
0x5a: {  	_ =	shalt  }
0x5b: {  	_ =	shalt  }
0x5c: {  	_ =	shalt  }
0x5d: {  	_ =	shalt  }
0x5e: {  	_ =	shalt  }
0x5f: {  	_ =	shalt  }
0x60: {  	_ =	shalt  }
0x61: {  	_ =	shalt  }
0x62: {  	_ =	shalt  }
0x63: {  	_ =	shalt  }
0x64: {  	_ =	shalt  }
0x65: {  	_ =	shalt  }
0x66: {  	_ =	shalt  }
0x67: {  	_ =	shalt  }
0x68: {  	_ =	shalt  }
0x69: {  	_ =	shalt  }
0x6a: {  	_ =	shalt  }
0x6b: {  	_ =	shalt  }
0x6c: {  	_ =	shalt  }
0x6d: {  	_ =	shalt  }
0x6e: {  	_ =	shalt  }
0x6f: {  	_ =	shalt  }
0x70: {  	_ =	shalt  }
0x71: {  	_ =	shalt  }
0x72: {  	_ =	shalt  }
0x73: {  	_ =	shalt  }
0x74: {  	_ =	shalt  }
0x75: {  	_ =	shalt  }
0x76: {  	_ =	shalt  }
0x77: {  	_ =	shalt  }
0x78: {  	_ =	shalt  }
0x79: {  	_ =	shalt  }
0x7a: {  	_ =	shalt  }
0x7b: {  	_ =	shalt  }
0x7c: {  	_ =	shalt  }
0x7d: {  	_ =	shalt  }
0x7e: {  	_ =	shalt  }
0x7f: {  	_ =	shalt  }
0x80: {  	_ =	shalt  }
0x81: {  	_ =	shalt  }
0x82: {  	_ =	shalt  }
0x83: {  	_ =	shalt  }
0x84: {  	_ =	shalt  }
0x85: {  	_ =	shalt  }
0x86: {  	_ =	shalt  }
0x87: {  	_ =	shalt  }
.Lfunc_end0:
.L_simem_size_0:
called_computation.3_lowered:
.L_overlay_start_0:
0x88: {  	s0 =	sld [smem:$0x3FD9]  }
0x89: {  	s1 =	sld [smem:$0x3FFE];
	_ =	sdelay $0x3  }
0x8a: {  	s0 =	sadd.s32 s1, s0  }
0x8b: {  	[smem:$0x3FBE] =	sst s0  }
0x8c: {  	_ = 	snop  }
0x8d: {  	(tm) =	ssettm $0x1  }
0x8e: {  	s15 =	sld [smem:$0x3FFB];
	_ =	sdelay $0x3  }
0x8f: {  	_ =	strace s15  }
0x90: {  	s0 =	sld [smem:$0x3FFC];
	_ =	sdelay $0x3  }
0x91: {  	_ =	strace s0  }
0x92: {  	s0 =	sld [smem:$0x3FFD];
	_ =	sdelay $0x3  }
0x93: {  	_ =	strace s0  }
0x94: {  	_ =	strace $0x8FFFFFFF  }
0x95: {  	s16 =	sld [smem:$0x3FDB];
	_ =	sdelay $0x1  }
0x96: {  	s17 =	simm.s32 $_scs_section_size  }
0x97: {  	s2 =	simm.s32 $_size__tile_overlayer_lowered;
	s3 =	simm.s32 $_tile_overlayer_lowered  }
0x98: {  	s20 =	simm.s32 $0x1BFF;
	s19 =	sshll.u32 s3, $0x1;
	s0 =	sadd.s32 s17, s16  }
0x99: {  	s4 =	simm.s32 $0x0;
	s18 =	sshll.u32 s2, $0x1;
	s2 =	sadd.s32 s19, s0  }
0x9a: {  	[timem:s4], [sflag:s20] =	dma.local [hbm:s2], s18  }
0x9b: {  	_ =	swait.ge [sflag:s20], s18  }
0x9c: {  	s1 =	ssub.s32 $0x0, s18;
	[sflag:s20] =	ssyncset.done $0x0  }
0x9d: {  	[sflag:s20] =	ssyncadd.s32 s1;
	_ =	sdelay $0x1  }
0x9e: {  	s21 =	simm.s32 $0x1B8B  }
0x9f: {  	_ =	swait.ge [sflag:s21], $0x1  }
0xa0: {  	[sflag:s21] =	ssyncset.done $0x0  }
0xa1: {  	s23 =	simm.s32 $0x1B8E;
	s22 =	sld [smem:$0x3FFE];
	[sflag:s21] =	ssyncadd.s32 $0xFFFFFFFF  }
0xa2: {  	s24 =	simm.s32 $execute0_lowered;
	[smem:$0x3FD2] =	sst s23  }
0xa3: {  	s2 =	sshll.u32 s24, $0x1;
	_ =	strace $0x8000005B;
	[dreg:$0x1] =	wrdreg $0xFFFFFFFF  }
0xa4: {  	s25 =	simm.s32 $_size_execute0_lowered;
	s0 =	sadd.s32 s0, s2;
	[dreg:$0x0] =	wrdreg $0x0  }
0xa5: {  	s2 =	sshll.u32 s25, $0x1;
	[dreg:$0x2] =	wrdreg s0  }
0xa6: {  	[dreg:$0x3] =	wrdreg s2  }
0xa7: {  	[dreg:$0x4] =	wrdreg $0xC0  }
0xa8: {  	_ =	task [dreg:s4], $0x5FFFF  }
0xa9: {  	[dreg:$0x1] =	wrdreg $0xFFFFFFFF  }
0xaa: {  	[dreg:$0x0] =	wrdreg $0x60  }
0xab: {  	[dreg:$0x2] =	wrdreg s22  }
0xac: {  	[dreg:$0x3] =	wrdreg $0xA  }
0xad: {  	_ =	task.clear_ibuf [dreg:s4], $0x4FFFF;
	_ =	strace $0x9000005B  }
0xae: {  	s26 =	simm.s32 $0xA;
	_ =	strace $0x8000005D  }
0xaf: {  	_ =	swait.ge [sflag:s26], $0x1  }
0xb0: {  	[sflag:s26] =	ssyncadd.s32 $0xFFFFFFFF  }
0xb1: {  	_ =	strace $0x9000005D  }
0xb2: {  	_ =	sfence  }
0xb3: {  	s28 =	sld [smem:$0x0];
	_ =	sdelay $0x1  }
0xb4: {  	s29 =	srdreg.scid  }
0xb5: {  	s30 =	sshll.u32 s29, $0xD;
	s31 =	sshrl.u32 s29, $0x2  }
0xb6: {  	s1 =	sand.u32 $0x1, s29;
	s2 =	sand.u32 $0x4000, s30;
	s0 =	sadd.s32 s31, s28  }
0xb7: {  	s1 =	sor.u32 s2, s1;
	s0 =	sshll.u32 s0, $0x11  }
0xb8: {  	s0 =	sor.u32 s0, s1  }
0xb9: {  	s0 =	sadd.s32 $0x8F2B, s0  }
0xba: {  	[sflag:s0] =	ssyncadd.remote.s32 $0x1  }
0xbb: {  	_ =	sfence.sel $0xFFFF  }
0xbc: {  	[dreg:$0x0] =	wrdreg $0xFFFFFFFF;
	(pc) =	sbr.abs _section_cstart, $3  }
0xbd: {  	[dreg:$0x1] =	wrdreg $0xFFFFFFFF  }
0xbe: {  	_ =	task.clear_ibuf [dreg:s4], $0x2FFFF;
	_ =	strace $0x9FFFFFFF  }
0xbf: {  	(tm) =	ssettm $0x7FFFFFFF  }
tec
execute0_lowered:
.L_overlay_start_1:
0x0: {  	(tag) =	ssettag $0x1  }
0x1: {  	s0 =	rddreg [dreg:$0x0];
	_ =	strace $0x8000005C;
	s1 =	simm.s32 $0x1  }
0x2: {  	s8 =	simm.s32 $0x208;
	v0 =	vimm.s32 $0x0;
	[sflag:s1] =	ssyncpa.u1 $0x0  }
0x3: {  	[tilespmem:s8+$0x70] =	vst v0  }
0x4: {  	[tilespmem:s8+$0x60] =	vst v0  }
0x5: {  	[tilespmem:s8+$0x50] =	vst v0  }
0x6: {  	[tilespmem:s8+$0x40] =	vst v0  }
0x7: {  	[tilespmem:s8+$0x30] =	vst v0  }
0x8: {  	s1 =	sadd.s32 $0x824800, s0;
	s10 =	sadd.s32 $0xD55800, s0;
	[tilespmem:s8+$0x20] =	vst v0  }
0x9: {  	s4 =	sadd.s32 $0x17C1200, s0;
	s5 =	sadd.s32 $0xD5AC00, s0;
	s0 =	simm.s32 $0x40;
	[tilespmem:s8+$0x10] =	vst v0  }
.LBB2_1:
0xa: {  	s0 =	sadd.s32 $0x40, s0;
	[tilespmem:s8+$0x0] =	vst v0;
	s8 =	sadd.s32 $0x80, s8  }
0xb: {  	p0 =	slt.u32 s0, $0x3880;
	[tilespmem:s8+$0x70] =	vst v0  }
0xc: {  	[tilespmem:s8+$0x60] =	vst v0  }
.Ltmp0:
0xd: {  	[tilespmem:s8+$0x50] =	vst v0;
	(pc) =	sbr.rel @p0 .LBB2_1-.Ltmp0, $4  }
0xe: {  	[tilespmem:s8+$0x40] =	vst v0  }
0xf: {  	[tilespmem:s8+$0x30] =	vst v0  }
0x10: {  	[tilespmem:s8+$0x20] =	vst v0  }
0x11: {  	[tilespmem:s8+$0x10] =	vst v0  }
0x12: {  	s3 =	stileid.u32  }
0x13: {  	s0 =	smul.u32 $0x5E, s3  }
0x14: {  	s2 =	smin.u32 s3, $0xE  }
0x15: {  	s0 =	sadd.s32 s2, s0  }
0x16: {  	p0 =	slt.u32 s3, $0xE;
	s6 =	smul.u32 $0x70, s0;
	s0 =	simm.s32 $0x2990  }
0x17: {  	s0 =	simm.s32 @!p0 $0x2920  }
0x18: {  	s0 =	sadd.s32 s0, s6  }
0x19: {  	s7 =	smin.u32 s0, $0x29810  }
0x1a: {  	s0 =	ssub.s32 s7, s6  }
0x1b: {  	p0 =	sgt.s32 s0, $0x0  }
0x1c: {  	s26 =	simm.s32 $0x2;
	s0 =	simm.s32 @!p0 $0x0  }
0x1d: {  	s29 =	simm.s32 $0x7;
	s30 =	simm.s32 $0x8;
	s28 =	smulhi.u32 $0x92492493, s0  }
0x1e: {  	s31 =	simm.s32 $0x9;
	s11 =	simm.s32 $0x1;
	s21 =	simm.s32 $0x0  }
0x1f: {  	p1 =	por $0x0, $0x0;
	s15 =	simm.s32 $0x80;
	s2 =	sshrl.u32 s28, $0x6  }
0x20: {  	s16 =	simm.s32 $0x400;
	s17 =	simm.s32 $0xA;
	s9 =	smul.u32 $0x70, s2  }
.Ltmp1:
0x21: {  	[tilespmem:s8+$0x0] =	vst v0;
	v0 =	vimm.s32 $0xFFFFFFFF;
	s18 =	simm.s32 $0x0;
	[sflag:s26] =	ssyncpa.u1 $0x0;
	(pc) =	sbr.rel .LBB2_3-.Ltmp1, $4  }
0x22: {  	[tilespmem:$0xE408] =	vst v0;
	[sflag:s29] =	ssyncpa.u1 $0x0;
	p0 =	sne.s32 s0, s9;
	s0 =	simm.s32 $0x1  }
0x23: {  	s20 =	simm.s32 $0x0;
	[sflag:s30] =	ssyncpa.u1 $0x0;
	s0 =	simm.s32 @!p0 $0x0  }
0x24: {  	s13 =	sshll.u32 s3, $0x9;
	[sflag:s31] =	ssyncpa.u1 $0x0;
	s12 =	sadd.s32 s0, s2  }
0x25: {  	v0 =	vlaneseq.u32;
	s19 =	smov.u32 s6;
	p0 =	por $0x1, $0x1;
	s14 =	sadd.s32 $0x1, s12  }
.LBB2_24:
0x26: {  	s0 =	sshrl.u32 s30, $0x2  }
.LBB2_26:
0x27: {  	_ =	swait.ge [sflag:s17], s0  }
0x28: {  	s31 =	ssub.s32 $0x0, s0;
	v1 =	vmov s23;
	vm0 =	veq.s32 v0, $0x0;
	[sflag:s17] =	ssyncset.done $0x0  }
0x29: {  	vm15 =	veq.s32 v0, $0x2;
	v1 =	vsel vm0, s29, v1;
	[sflag:s17] =	ssyncadd.s32 s31  }
0x2a: {  	v1 =	vsel vm15, s21, v1;
	[sflag:s17] =	ssyncpa.u1 $0x1  }
0x2b: {  	[tilespmem:$0xE408] =	vst v1  }
.LBB2_27:
0x2c: {  	s0 =	sadd.s32 $0x70, s19  }
0x2d: {  	s2 =	smov.u32 s6;
	p2 =	slt.s32 s0, s7  }
0x2e: {  	s2 =	smov.u32 @p2 s0;
	p2 =	sne.s32 s20, s14  }
.Ltmp2:
0x2f: {  	_ = 	snop;
	(pc) =	sbr.rel @!p2 .LBB2_28-.Ltmp2, $4  }
0x30: {  	_ = 	snop  }
0x31: {  	s21 =	smov.u32 s18  }
0x32: {  	s31 =	sadd.s32 $0x1, s20;
	s18 =	smov.u32 s19;
	p0 =	por !p0, !p0  }
0x33: {  	p1 =	por !p1, !p1;
	s20 =	smov.u32 s31;
	s19 =	smov.u32 s2  }
.LBB2_3:
0x34: {  	p2 =	sge.u32 s20, s12  }
0x35: {  	s0 =	smulhi.u32 @!p2 $0xAAAAAAAB, s20  }
0x36: {  	s2 =	smov.u32 s19;
	p3 =	sgt.s32 @!p2 s19, $0x297A0  }
0x37: {  	s8 =	sshra.s32 @!p2 s19, $0x1F;
	p3 =	por !p3, p2;
	s0 =	sshrl.u32 @!p2 s0, $0x1  }
0x38: {  	s8 =	sand.u32 @!p2 s8, s19;
	s2 =	simm.s32 @p3 $0x297A0;
	s0 =	smul.u32 @!p2 $0x3, s0  }
0x39: {  	s2 =	ssub.s32 @!p2 s2, s8  }
0x3a: {  	s2 =	sadd.s32 @!p2 $0xFFFD6860, s2;
	s0 =	ssub.s32 @!p2 s20, s0  }
0x3b: {  	s8 =	sshll.u32 @!p2 s2, $0x2;
	p3 =	sgt.s32 @!p2 s2, $0x6F;
	s0 =	smul.u32 @!p2 $0x1C0, s0  }
0x3c: {  	s9 =	sand.u32 @!p2 $0x7, s19;
	s2 =	ssub.s32 @!p2 $0x1C0, s8;
	p3 =	por !p3, p2  }
0x3d: {  	s8 =	sshrl.u32 @!p2 s19, $0x3;
	s2 =	sshrl.u32 @!p2 s2, $0x2;
	s0 =	sshrl.u32 @!p2 s0, $0x2  }
0x3e: {  	s8 =	sadd.s32 @!p2 s5, s8;
	s2 =	simm.s32 @!p3 $0x0;
	s0 =	sadd.s32 @!p2 $0x10438, s0  }
0x3f: {  	[tilespmem:s0], [sflag:$0x8] =	stream.linear.gather @!p2 [hbm4b:s8+s9], s2, $0x38;
	[tilespmem:$0x1E668] =	vst v63  }
0x40: {  	s0 =	sadd.s32 $0xFFFFFFFF, s20  }
0x41: {  	p2 =	sge.u32 s0, s12  }
0x42: {  	p3 =	sgt.s32 @!p2 s18, $0x297A0  }
0x43: {  	s2 =	smov.u32 s18;
	s8 =	sshra.s32 @!p2 s18, $0x1F;
	p3 =	por !p3, p2  }
0x44: {  	s8 =	sand.u32 @!p2 s8, s18;
	s2 =	simm.s32 @p3 $0x297A0  }
0x45: {  	s2 =	ssub.s32 @!p2 s2, s8  }
0x46: {  	s2 =	sadd.s32 @!p2 $0xFFFD6860, s2  }
0x47: {  	s8 =	sshll.u32 @!p2 s2, $0x2  }
0x48: {  	p3 =	sgt.s32 @!p2 s2, $0x6F;
	s2 =	ssub.s32 @!p2 $0x1C0, s8  }
0x49: {  	p3 =	por !p3, p2;
	s2 =	sshrl.u32 @!p2 s2, $0x2  }
0x4a: {  	s9 =	simm.s32 @!p2 $0x8;
	s8 =	sand.u32 @!p2 $0x1, s0;
	s2 =	simm.s32 @!p3 $0x0  }
0x4b: {  	s8 =	smul.u32 @!p2 $0x1C0, s8;
	_ =	swait.ge @!p2 [sflag:s9], s2  }
0x4c: {  	s22 =	ssub.s32 @!p2 $0x0, s2;
	[sflag:s9] =	ssyncset.done @!p2 $0x0  }
0x4d: {  	s8 =	sshrl.u32 @!p2 s8, $0x2;
	[sflag:s9] =	ssyncadd.s32 @!p2 s22;
	s9 =	sshrl.u32 @!p2 s18, $0x3  }
0x4e: {  	s8 =	sor.u32 @!p2 $0x10588, s8;
	s22 =	sand.u32 @!p2 $0x7, s18;
	s9 =	sadd.s32 @!p2 s10, s9  }
0x4f: {  	[tilespmem:s8], [sflag:$0x9] =	stream.linear.gather @!p2 [hbm4b:s9+s22], s2, $0x38;
	[tilespmem:$0x1E668] =	vst v63  }
0x50: {  	s22 =	ssub.s32 @!p2 $0x29810, s18  }
0x51: {  	p3 =	slt.s32 @!p2 s22, $0x1  }
0x52: {  	p3 =	por p2, p3  }
.Ltmp3:
0x53: {  	_ = 	snop;
	(pc) =	sbr.rel @p3 .LBB2_9-.Ltmp3, $1  }
0x54: {  	_ =	sdelay $0x3  }
0x55: {  	s2 =	smulhi.u32 $0xAAAAAAAB, s0;
	_ =	sdelay $0x1  }
0x56: {  	s2 =	sshrl.u32 s2, $0x1  }
0x57: {  	s2 =	smul.u32 $0x3, s2;
	_ =	sdelay $0x1  }
0x58: {  	s29 =	ssub.s32 s0, s2  }
0x59: {  	s8 =	simm.s32 $0x1;
	s0 =	smul.u32 $0x1C0, s29  }
.Ltmp4:
0x5a: {  	s8 =	simm.s32 @!p0 $0x0;
	(pc) =	sbr.rel .LBB2_6-.Ltmp4, $4  }
0x5b: {  	s30 =	smul.u32 $0x1C000, s8  }
0x5c: {  	p3 =	slt.s32 @!p2 s22, $0x70;
	s0 =	sshrl.u32 s0, $0x2  }
0x5d: {  	p2 =	por !p3, p2;
	s2 =	sshrl.u32 s30, $0x2;
	s31 =	sadd.s32 $0x10438, s0  }
0x5e: {  	s22 =	simm.s32 @p2 $0x70;
	s23 =	sor.u32 $0x10668, s2;
	s0 =	simm.s32 $0x0;
	v1 =	vmov s31  }
.LBB2_5:
0x5f: {  	p2 =	sge.s32 s0, s22  }
.Ltmp5:
0x60: {  	_ = 	snop;
	(pc) =	sbr.rel @p2 .LBB2_9-.Ltmp5, $2  }
0x61: {  	_ =	sdelay $0x2  }
0x62: {  	s23 =	sadd.s32 $0x1000, s23  }
.LBB2_6:
0x63: {  	p2 =	sle.s32 s22, s0  }
.Ltmp6:
0x64: {  	_ = 	snop;
	(pc) =	sbr.rel @p2 .LBB2_5-.Ltmp6, $2  }
0x65: {  	_ =	sdelay $0x2  }
0x66: {  	s24 =	smov.u32 s0;
	s0 =	sadd.s32 $0x10, s0  }
0x67: {  	s2 =	ssub.s32 s22, s24  }
0x68: {  	p2 =	slt.s32 s2, $0x10  }
0x69: {  	s2 =	simm.s32 @!p2 $0x10  }
0x6a: {  	v2 =	vmov s2  }
0x6b: {  	vm0 =	vgt.s32 v2, v0;
	_ =	sdelay $0x5  }
0x6c: {  	v2 =	vld.idx.msk [tilespmem:v1+s24+$0x0 ss:$0x1], vm0;
	_ =	sdelay $0x2  }
0x6d: {  	p2 =	slt.s32 s0, s22;
	s2 =	smov.u32 s22  }
0x6e: {  	s8 =	smov.u32 s23;
	s25 =	simm.s32 $0x0;
	s2 =	smov.u32 @p2 s0  }
.LBB2_8:
0x6f: {  	(v2sf) =	vpush v2, s25;
	_ =	sdelay $0xe  }
0x70: {  	s25 =	sadd.s32 $0x1, s25;
	s9 =	spop (v2sf)  }
0x71: {  	s31 =	sadd.s32 s25, s24;
	s26 =	sshll.u32 s9, $0x8;
	s9 =	sshll.u32 s9, $0x7  }
0x72: {  	p2 =	slt.s32 s31, s2;
	s26 =	sand.u32 $0xFFFFF800, s26;
	s9 =	sand.u32 $0x380, s9  }
.Ltmp7:
0x73: {  	s9 =	sor.u32 s9, s26;
	(pc) =	sbr.rel @p2 .LBB2_8-.Ltmp7, $4  }
0x74: {  	s9 =	sshrl.u32 s9, $0x3  }
0x75: {  	s9 =	sadd.s32 s4, s9  }
0x76: {  	[tilespmem:s8], [sflag:$0x7] =	stream.strided.gather [hbm4b:s9+s15], $0x100, s16, s15, $0x38;
	[tilespmem:$0x1E668] =	vst v63  }
0x77: {  	s8 =	sadd.s32 $0x100, s8  }
.Ltmp8:
0x78: {  	_ = 	snop;
	(pc) =	sbr.rel .LBB2_5-.Ltmp8, $1  }
0x79: {  	_ =	sdelay $0x3  }
.LBB2_9:
0x7a: {  	p2 =	slt.u32 s20, $0x2  }
.Ltmp9:
0x7b: {  	_ = 	snop;
	(pc) =	sbr.rel @p2 .LBB2_27-.Ltmp9, $1  }
0x7c: {  	_ =	sdelay $0x3  }
0x7d: {  	p2 =	sgt.s32 s21, $0x297A0;
	s0 =	smov.u32 s21  }
0x7e: {  	s2 =	sshra.s32 s21, $0x1F;
	s8 =	ssub.s32 $0x29810, s21;
	s0 =	simm.s32 @!p2 $0x297A0  }
0x7f: {  	s2 =	sand.u32 s2, s21;
	p2 =	slt.s32 s8, $0x70;
	s9 =	smov.u32 s8  }
0x80: {  	s0 =	ssub.s32 s0, s2;
	s9 =	simm.s32 @!p2 $0x70  }
0x81: {  	s0 =	sadd.s32 $0xFFFD6860, s0;
	s25 =	sshll.u32 s9, $0x8  }
0x82: {  	s3 =	simm.s32 $0x7;
	s26 =	sshll.u32 s0, $0x2;
	s2 =	sand.u32 $0x3FFFFF00, s25  }
0x83: {  	p2 =	sgt.s32 s0, $0x6F;
	s28 =	ssub.s32 $0x1C0, s26;
	_ =	swait.ge [sflag:s3], s2  }
0x84: {  	s2 =	ssub.s32 $0x0, s2;
	[sflag:s3] =	ssyncset.done $0x0;
	s0 =	sshrl.u32 s28, $0x2  }
0x85: {  	s30 =	simm.s32 $0x9;
	[sflag:s3] =	ssyncadd.s32 s2;
	s0 =	simm.s32 @p2 $0x0  }
0x86: {  	_ =	swait.ge [sflag:s30], s0  }
0x87: {  	s0 =	ssub.s32 $0x0, s0;
	[sflag:s30] =	ssyncset.done $0x0  }
0x88: {  	[sflag:s30] =	ssyncadd.s32 s0  }
0x89: {  	v1 =	vld [tilespmem:$0xE408];
	_ =	sdelay $0x4  }
0x8a: {  	(v2sf) =	vpush v1, $0x0  }
0x8b: {  	(v2sf) =	vpush v1, $0x1  }
0x8c: {  	(v2sf) =	vpush v1, $0x2;
	_ =	sdelay $0x3  }
0x8d: {  	s0 =	sadd.s32 $0x70, s21  }
0x8e: {  	p2 =	slt.s32 s7, s0  }
0x8f: {  	s0 =	smov.u32 @p2 s7;
	p2 =	sgt.s32 s8, $0x0  }
0x90: {  	s25 =	ssub.s32 s0, s21;
	s8 =	simm.s32 @!p2 $0x0  }
0x91: {  	p2 =	slt.s32 s8, s25  }
0x92: {  	s25 =	smov.u32 @p2 s8  }
0x93: {  	s24 =	simm.s32 $0x1;
	p2 =	slt.s32 s25, $0x1  }
.Ltmp10:
0x94: {  	s24 =	simm.s32 @!p1 $0x0;
	(pc) =	sbr.rel @p2 .LBB2_14-.Ltmp10, $4  }
0x95: {  	s31 =	smul.u32 $0x1C0, s24  }
0x96: {  	s26 =	spop (v2sf)  }
0x97: {  	s0 =	sshrl.u32 s31, $0x2;
	s29 =	spop (v2sf)  }
0x98: {  	s22 =	sor.u32 $0x10588, s0;
	s21 =	spop (v2sf)  }
0x99: {  	s0 =	smin.u32 s25, $0x10  }
0x9a: {  	v1 =	vmov s0  }
0x9b: {  	vm1 =	vgt.u32 v1, v0  }
0x9c: {  	p3 =	sgt.s32 s25, $0x10  }
.Ltmp11:
0x9d: {  	_ = 	snop;
	(pc) =	sbr.rel @!p3 .LBB2_13-.Ltmp11, $2  }
0x9e: {  	_ =	sdelay $0x2  }
0x9f: {  	s23 =	simm.s32 $0x10;
	s28 =	sadd.s32 $0xFFFFFFF0, s25;
	s0 =	smov.u32 s22;
	vm0 =	vmmov vm1;
	v1 =	vld.msk [tilespmem:s22+$0x0 ss:$0x1], vm1  }
.LBB2_12:
0xa0: {  	s2 =	smin.u32 s28, $0x10;
	s23 =	sadd.s32 $0x10, s23  }
0xa1: {  	v2 =	vmov s2;
	p3 =	slt.s32 s23, s25  }
0xa2: {  	vm1 =	vgt.u32 v2, v0;
	_ =	sdelay $0x1  }
0xa3: {  	v2 =	vshll.u32 v1, $0x5;
	v1 =	vshll.u32 v1, $0x4  }
.Ltmp12:
0xa4: {  	v2 =	vand.u32 $0xFFFFFF00, v2;
	v1 =	vand.u32 $0x70, v1;
	(pc) =	sbr.rel @p3 .LBB2_12-.Ltmp12, $4  }
0xa5: {  	v1 =	vor.u32 v1, v2  }
0xa6: {  	[tilespmem:s0+$0x0] =	vst.msk vm0, v1;
	s0 =	sadd.s32 $0x10, s0;
	vm0 =	vmmov vm1  }
0xa7: {  	v1 =	vld.msk [tilespmem:s0+$0x0 ss:$0x1], vm1  }
0xa8: {  	s28 =	sadd.s32 $0xFFFFFFF0, s28  }
.LBB2_13:
0xa9: {  	_ =	sdelay $0x3  }
0xaa: {  	v2 =	vshll.u32 v1, $0x5;
	v1 =	vshll.u32 v1, $0x4  }
0xab: {  	v2 =	vand.u32 $0xFFFFFF00, v2;
	v1 =	vand.u32 $0x70, v1  }
0xac: {  	v1 =	vor.u32 v1, v2  }
0xad: {  	[tilespmem:s0+$0x0] =	vst.msk vm0, v1  }
.LBB2_14:
0xae: {  	s0 =	sand.u32 $0x1, s20  }
0xaf: {  	s0 =	smul.u32 $0x70, s0  }
0xb0: {  	p3 =	sne.s32 s29, $0xFFFFFFFF  }
0xb1: {  	v1 =	vld.msk @!p3 [tilespmem:s0+$0x10588], $0x1;
	_ =	sdelay $0x4  }
0xb2: {  	(v2sf) =	vpush @!p3 v1, $0x0;
	_ =	sdelay $0xc  }
.Ltmp13:
0xb3: {  	_ = 	snop;
	(pc) =	sbr.rel @p2 .LBB2_25-.Ltmp13, $4  }
0xb4: {  	_ = 	snop  }
0xb5: {  	s28 =	spop @!p3 (v2sf)  }
0xb6: {  	s21 =	simm.s32 @!p3 $0x0;
	s23 =	smov.u32 s28  }
0xb7: {  	[sflag:s17] =	ssyncpa.u1 $0x0;
	s28 =	smov.u32 @p3 s26;
	s23 =	smov.u32 @p3 s29  }
0xb8: {  	v1 =	vld.msk [tilespmem:s22+$0x0], $0x1;
	_ =	sdelay $0x4  }
0xb9: {  	(v2sf) =	vpush v1, $0x0;
	_ =	sdelay $0xd  }
0xba: {  	s17 =	smov.u32 s6  }
0xbb: {  	s6 =	smov.u32 s14;
	s14 =	smov.u32 s5;
	s30 =	spop (v2sf)  }
0xbc: {  	s5 =	smov.u32 s10;
	s0 =	smul.u32 $0x1C000, s24;
	p2 =	seq.s32 s28, s30  }
0xbd: {  	s2 =	smov.u32 s28;
	s25 =	ssub.s32 $0x0, s25;
	p3 =	sgt.s32 @!p2 s28, $0x0  }
0xbe: {  	s26 =	simm.s32 $0x0;
	s0 =	sshrl.u32 s0, $0x2;
	p3 =	por !p3, p2  }
0xbf: {  	s29 =	sadd.s32 $0x1, s25;
	s24 =	sor.u32 $0x106E8, s0;
	s2 =	simm.s32 @p3 $0x0  }
0xc0: {  	s0 =	simm.s32 @!p2 $0x1;
	p3 =	seq.s32 s29, $0x0;
	s2 =	smin.u32 @!p2 s2, $0x4FF70  }
.Ltmp14:
0xc1: {  	s9 =	simm.s32 @!p2 $0x7308;
	s8 =	sand.u32 @!p2 $0x7FFF8, s2;
	(pc) =	sbr.rel @p3 .LBB2_17-.Ltmp14, $4  }
0xc2: {  	s31 =	sadd.s32 @!p2 $0x80, s2;
	s10 =	sadd.s32 @!p2 s1, s8;
	s8 =	sand.u32 @!p2 $0x7, s2  }
0xc3: {  	[tilespmem:s9], [sflag:$0x2] =	stream.linear.gather @!p2 [hbm4b:s10+s8], $0x80, $0x38;
	[tilespmem:$0x1E668] =	vst v63  }
0xc4: {  	s0 =	smov.u32 @p2 s26;
	s9 =	sand.u32 @!p2 $0xFFFF8, s31  }
0xc5: {  	s2 =	simm.s32 @!p2 $0x7388;
	s31 =	sadd.s32 $0x1, s22;
	s9 =	sadd.s32 @!p2 s1, s9  }
.LBB2_16:
0xc6: {  	s10 =	smov.u32 s0  }
0xc7: {  	[tilespmem:s2], [sflag:$0x2] =	stream.linear.gather @!p2 [hbm4b:s9+s8], $0x80, $0x38;
	[tilespmem:$0x1E668] =	vst v63  }
0xc8: {  	s29 =	sadd.s32 $0x1, s29;
	s8 =	smov.u32 s30;
	v1 =	vld.msk [tilespmem:s31+$0x0], $0x1  }
0xc9: {  	p3 =	seq.s32 s29, $0x0;
	_ =	sdelay $0x3  }
0xca: {  	(v2sf) =	vpush v1, $0x0;
	_ =	sdelay $0xe  }
0xcb: {  	s30 =	spop (v2sf)  }
0xcc: {  	p2 =	seq.s32 s8, s30  }
0xcd: {  	p4 =	sgt.s32 @!p2 s8, $0x0;
	s2 =	sshll.u32 @!p2 s0, $0xA;
	s0 =	sadd.s32 @!p2 $0x1, s0  }
0xce: {  	p4 =	por !p4, p2;
	s2 =	sshra.s32 @!p2 s2, $0x2;
	s0 =	smov.u32 @p2 s10  }
0xcf: {  	s8 =	simm.s32 @p4 $0x0;
	s9 =	sadd.s32 @!p2 $0x7308, s2;
	s2 =	sadd.s32 @!p2 $0x7388, s2  }
.Ltmp15:
0xd0: {  	s8 =	smin.u32 @!p2 s8, $0x4FF70;
	(pc) =	sbr.rel @!p3 .LBB2_16-.Ltmp15, $4  }
0xd1: {  	s10 =	sand.u32 @!p2 $0x7FFF8, s8;
	s3 =	sadd.s32 @!p2 $0x80, s8  }
0xd2: {  	s8 =	sand.u32 @!p2 $0x7, s8;
	s10 =	sadd.s32 @!p2 s1, s10;
	s3 =	sand.u32 @!p2 $0xFFFF8, s3  }
0xd3: {  	[tilespmem:s9], [sflag:$0x2] =	stream.linear.gather @!p2 [hbm4b:s10+s8], $0x80, $0x38;
	[tilespmem:$0x1E668] =	vst v63  }
0xd4: {  	s31 =	sadd.s32 $0x1, s31;
	s9 =	sadd.s32 @!p2 s1, s3  }
.LBB2_17:
0xd5: {  	[tilespmem:s2], [sflag:$0x2] =	stream.linear.gather @!p2 [hbm4b:s9+s8], $0x80, $0x38;
	[tilespmem:$0x1E668] =	vst v63  }
.Ltmp16:
0xd6: {  	s0 =	sshll.u32 s0, $0x8;
	(pc) =	sbr.rel .LBB2_18-.Ltmp16, $4  }
0xd7: {  	s31 =	simm.s32 $0x2;
	s30 =	simm.s32 $0x0;
	s0 =	sand.u32 $0x3FFFFF00, s0  }
0xd8: {  	s10 =	smov.u32 s5;
	s5 =	smov.u32 s14;
	_ =	swait.ge [sflag:s31], s0  }
0xd9: {  	s14 =	smov.u32 s6;
	s0 =	ssub.s32 $0x0, s0;
	[sflag:s31] =	ssyncset.done $0x0  }
0xda: {  	s6 =	smov.u32 s17;
	s17 =	simm.s32 $0xA;
	[sflag:s31] =	ssyncadd.s32 s0  }
.LBB2_19:
0xdb: {  	v1 =	vld [tilespmem:s24+$0xFFFFFF80];
	_ =	sdelay $0x4  }
0xdc: {  	[tilespmem:s31+$0x208] =	vst.add.f32.msk $0xffff, v1  }
0xdd: {  	v1 =	vld [tilespmem:s24+$0xFFFFFF90];
	_ =	sdelay $0x4  }
0xde: {  	[tilespmem:s31+$0x218] =	vst.add.f32.msk $0xffff, v1  }
0xdf: {  	v1 =	vld [tilespmem:s24+$0xFFFFFFA0];
	_ =	sdelay $0x4  }
0xe0: {  	[tilespmem:s31+$0x228] =	vst.add.f32.msk $0xffff, v1  }
0xe1: {  	v1 =	vld [tilespmem:s24+$0xFFFFFFB0];
	_ =	sdelay $0x4  }
0xe2: {  	[tilespmem:s31+$0x238] =	vst.add.f32.msk $0xffff, v1  }
0xe3: {  	v1 =	vld [tilespmem:s24+$0xFFFFFFC0];
	_ =	sdelay $0x4  }
0xe4: {  	[tilespmem:s31+$0x248] =	vst.add.f32.msk $0xffff, v1  }
0xe5: {  	v1 =	vld [tilespmem:s24+$0xFFFFFFD0];
	_ =	sdelay $0x4  }
0xe6: {  	[tilespmem:s31+$0x258] =	vst.add.f32.msk $0xffff, v1  }
0xe7: {  	v1 =	vld [tilespmem:s24+$0xFFFFFFE0];
	_ =	sdelay $0x4  }
0xe8: {  	[tilespmem:s31+$0x268] =	vst.add.f32.msk $0xffff, v1  }
0xe9: {  	v1 =	vld [tilespmem:s24+$0xFFFFFFF0];
	_ =	sdelay $0x4  }
0xea: {  	[tilespmem:s31+$0x278] =	vst.add.f32.msk $0xffff, v1  }
0xeb: {  	v1 =	vld [tilespmem:s24+$0x0];
	_ =	sdelay $0x4  }
0xec: {  	[tilespmem:s31+$0x288] =	vst.add.f32.msk $0xffff, v1  }
0xed: {  	v1 =	vld [tilespmem:s24+$0x10];
	_ =	sdelay $0x4  }
0xee: {  	[tilespmem:s31+$0x298] =	vst.add.f32.msk $0xffff, v1  }
0xef: {  	v1 =	vld [tilespmem:s24+$0x20];
	_ =	sdelay $0x4  }
0xf0: {  	[tilespmem:s31+$0x2A8] =	vst.add.f32.msk $0xffff, v1  }
0xf1: {  	v1 =	vld [tilespmem:s24+$0x30];
	_ =	sdelay $0x4  }
0xf2: {  	[tilespmem:s31+$0x2B8] =	vst.add.f32.msk $0xffff, v1  }
0xf3: {  	v1 =	vld [tilespmem:s24+$0x40];
	_ =	sdelay $0x4  }
0xf4: {  	[tilespmem:s31+$0x2C8] =	vst.add.f32.msk $0xffff, v1  }
0xf5: {  	v1 =	vld [tilespmem:s24+$0x50];
	_ =	sdelay $0x4  }
0xf6: {  	[tilespmem:s31+$0x2D8] =	vst.add.f32.msk $0xffff, v1  }
0xf7: {  	v1 =	vld [tilespmem:s24+$0x60];
	_ =	sdelay $0x4  }
0xf8: {  	[tilespmem:s31+$0x2E8] =	vst.add.f32.msk $0xffff, v1  }
0xf9: {  	v1 =	vld [tilespmem:s24+$0x70];
	_ =	sdelay $0x4  }
0xfa: {  	[tilespmem:s31+$0x2F8] =	vst.add.f32.msk $0xffff, v1  }
.LBB2_23:
0xfb: {  	s25 =	sadd.s32 $0x1, s25  }
0xfc: {  	p2 =	seq.s32 s25, $0x0  }
.Ltmp17:
0xfd: {  	_ = 	snop;
	(pc) =	sbr.rel @p2 .LBB2_24-.Ltmp17, $2  }
0xfe: {  	_ =	sdelay $0x2  }
0xff: {  	s22 =	sadd.s32 $0x1, s22;
	s24 =	sadd.s32 $0x100, s24;
	s28 =	smov.u32 s29  }
.LBB2_18:
0x100: {  	v1 =	vld.msk [tilespmem:s22+$0x0], $0x1;
	_ =	sdelay $0x4  }
0x101: {  	(v2sf) =	vpush v1, $0x0;
	_ =	sdelay $0xe  }
0x102: {  	s29 =	spop (v2sf)  }
0x103: {  	p2 =	sne.s32 s28, s29  }
.Ltmp18:
0x104: {  	_ = 	snop;
	(pc) =	sbr.rel @!p2 .LBB2_19-.Ltmp18, $3  }
0x105: {  	_ =	sdelay $0x1  }
0x106: {  	s0 =	sshll.u32 s21, $0xA  }
0x107: {  	s31 =	sshra.s32 s0, $0x2  }
0x108: {  	p2 =	seq.s32 s28, s23  }
.Ltmp19:
0x109: {  	_ = 	snop;
	(pc) =	sbr.rel @!p2 .LBB2_21-.Ltmp19, $1  }
0x10a: {  	_ =	sdelay $0x3  }
.Ltmp20:
0x10b: {  	s0 =	sadd.s32 $0x208, s31;
	(pc) =	sbr.rel .LBB2_22-.Ltmp20, $4  }
0x10c: {  	[spmem:s13] =	stream.linear.scatter [tilespmem:s0], [sflag:$0x1], $0x100, $0x38;
	[tilespmem:$0x1E668] =	vst v63  }
0x10d: {  	_ =	swait.ge [sflag:s11], $0x100  }
0x10e: {  	[sflag:s11] =	ssyncset.done $0x0  }
0x10f: {  	[sflag:s11] =	ssyncadd.s32 $0xFFFFFF00  }
.LBB2_21:
0x110: {  	s0 =	sshll.u32 s26, $0xA  }
0x111: {  	s0 =	sshra.s32 s0, $0x2  }
0x112: {  	v1 =	vld [tilespmem:s0+$0x7308];
	_ =	sdelay $0x4  }
0x113: {  	[tilespmem:s31+$0x208] =	vst.add.f32.msk $0xffff, v1  }
0x114: {  	v1 =	vld [tilespmem:s0+$0x7318];
	_ =	sdelay $0x4  }
0x115: {  	[tilespmem:s31+$0x218] =	vst.add.f32.msk $0xffff, v1  }
0x116: {  	v1 =	vld [tilespmem:s0+$0x7328];
	_ =	sdelay $0x4  }
0x117: {  	[tilespmem:s31+$0x228] =	vst.add.f32.msk $0xffff, v1  }
0x118: {  	v1 =	vld [tilespmem:s0+$0x7338];
	_ =	sdelay $0x4  }
0x119: {  	[tilespmem:s31+$0x238] =	vst.add.f32.msk $0xffff, v1  }
0x11a: {  	v1 =	vld [tilespmem:s0+$0x7348];
	_ =	sdelay $0x4  }
0x11b: {  	[tilespmem:s31+$0x248] =	vst.add.f32.msk $0xffff, v1  }
0x11c: {  	v1 =	vld [tilespmem:s0+$0x7358];
	_ =	sdelay $0x4  }
0x11d: {  	[tilespmem:s31+$0x258] =	vst.add.f32.msk $0xffff, v1  }
0x11e: {  	v1 =	vld [tilespmem:s0+$0x7368];
	_ =	sdelay $0x4  }
0x11f: {  	[tilespmem:s31+$0x268] =	vst.add.f32.msk $0xffff, v1  }
0x120: {  	v1 =	vld [tilespmem:s0+$0x7378];
	_ =	sdelay $0x4  }
0x121: {  	[tilespmem:s31+$0x278] =	vst.add.f32.msk $0xffff, v1  }
0x122: {  	v1 =	vld [tilespmem:s0+$0x7388];
	_ =	sdelay $0x4  }
0x123: {  	[tilespmem:s31+$0x288] =	vst.add.f32.msk $0xffff, v1  }
0x124: {  	v1 =	vld [tilespmem:s0+$0x7398];
	_ =	sdelay $0x4  }
0x125: {  	[tilespmem:s31+$0x298] =	vst.add.f32.msk $0xffff, v1  }
0x126: {  	v1 =	vld [tilespmem:s0+$0x73A8];
	_ =	sdelay $0x4  }
0x127: {  	[tilespmem:s31+$0x2A8] =	vst.add.f32.msk $0xffff, v1  }
0x128: {  	v1 =	vld [tilespmem:s0+$0x73B8];
	_ =	sdelay $0x4  }
0x129: {  	[tilespmem:s31+$0x2B8] =	vst.add.f32.msk $0xffff, v1  }
0x12a: {  	v1 =	vld [tilespmem:s0+$0x73C8];
	_ =	sdelay $0x4  }
0x12b: {  	[tilespmem:s31+$0x2C8] =	vst.add.f32.msk $0xffff, v1  }
0x12c: {  	v1 =	vld [tilespmem:s0+$0x73D8];
	_ =	sdelay $0x4  }
0x12d: {  	[tilespmem:s31+$0x2D8] =	vst.add.f32.msk $0xffff, v1  }
0x12e: {  	v1 =	vld [tilespmem:s0+$0x73E8];
	_ =	sdelay $0x4  }
0x12f: {  	[tilespmem:s31+$0x2E8] =	vst.add.f32.msk $0xffff, v1  }
0x130: {  	v1 =	vld [tilespmem:s0+$0x73F8];
	_ =	sdelay $0x2  }
0x131: {  	p2 =	sgt.u32 s28, $0x4FF70  }
0x132: {  	s0 =	sand.u32 @!p2 $0x7FFF8, s28  }
0x133: {  	s2 =	sadd.s32 $0x208, s31;
	s3 =	sand.u32 @!p2 $0x7, s28;
	s0 =	sadd.s32 @!p2 s1, s0;
	[tilespmem:s31+$0x2F8] =	vst.add.f32.msk $0xffff, v1  }
0x134: {  	[hbm4b:s0+s3] =	stream.linear.scatter @!p2 [tilespmem:s2], [sflag:$0xA], $0x80, $0x38;
	[tilespmem:$0x1E668] =	vst v63  }
0x135: {  	s0 =	sadd.s32 @!p2 $0x80, s28  }
0x136: {  	s0 =	sand.u32 @!p2 $0xFFFF8, s0  }
0x137: {  	s2 =	sadd.s32 $0x288, s31;
	s0 =	sadd.s32 @!p2 s1, s0  }
0x138: {  	[hbm4b:s0+s3] =	stream.linear.scatter @!p2 [tilespmem:s2], [sflag:$0xA], $0x80, $0x38;
	[tilespmem:$0x1E668] =	vst v63  }
0x139: {  	s0 =	simm.s32 $0x0  }
0x13a: {  	s0 =	simm.s32 @!p2 $0x400  }
0x13b: {  	s30 =	sadd.s32 s0, s30  }
.LBB2_22:
0x13c: {  	s0 =	sadd.s32 $0x1, s21  }
0x13d: {  	s2 =	sshrl.u32 s0, $0x4  }
0x13e: {  	s2 =	smulhi.u32 $0x24924925, s2  }
0x13f: {  	v1 =	vld [tilespmem:s24+$0xFFFFFF80]  }
0x140: {  	s2 =	smul.u32 $0x70, s2;
	_ =	sdelay $0x1  }
0x141: {  	s21 =	ssub.s32 s0, s2  }
0x142: {  	s0 =	sshll.u32 s21, $0x8  }
0x143: {  	[tilespmem:s0+$0x208] =	vst v1  }
0x144: {  	v1 =	vld [tilespmem:s24+$0xFFFFFF90];
	_ =	sdelay $0x4  }
0x145: {  	[tilespmem:s0+$0x218] =	vst v1  }
0x146: {  	v1 =	vld [tilespmem:s24+$0xFFFFFFA0];
	_ =	sdelay $0x4  }
0x147: {  	[tilespmem:s0+$0x228] =	vst v1  }
0x148: {  	v1 =	vld [tilespmem:s24+$0xFFFFFFB0];
	_ =	sdelay $0x4  }
0x149: {  	[tilespmem:s0+$0x238] =	vst v1  }
0x14a: {  	v1 =	vld [tilespmem:s24+$0xFFFFFFC0];
	_ =	sdelay $0x4  }
0x14b: {  	[tilespmem:s0+$0x248] =	vst v1  }
0x14c: {  	v1 =	vld [tilespmem:s24+$0xFFFFFFD0];
	_ =	sdelay $0x4  }
0x14d: {  	[tilespmem:s0+$0x258] =	vst v1  }
0x14e: {  	v1 =	vld [tilespmem:s24+$0xFFFFFFE0];
	_ =	sdelay $0x4  }
0x14f: {  	[tilespmem:s0+$0x268] =	vst v1  }
0x150: {  	v1 =	vld [tilespmem:s24+$0xFFFFFFF0];
	_ =	sdelay $0x4  }
0x151: {  	[tilespmem:s0+$0x278] =	vst v1  }
0x152: {  	v1 =	vld [tilespmem:s24+$0x0];
	_ =	sdelay $0x4  }
0x153: {  	[tilespmem:s0+$0x288] =	vst v1  }
0x154: {  	v1 =	vld [tilespmem:s24+$0x10];
	_ =	sdelay $0x4  }
0x155: {  	[tilespmem:s0+$0x298] =	vst v1  }
0x156: {  	v1 =	vld [tilespmem:s24+$0x20];
	_ =	sdelay $0x4  }
0x157: {  	[tilespmem:s0+$0x2A8] =	vst v1  }
0x158: {  	v1 =	vld [tilespmem:s24+$0x30];
	_ =	sdelay $0x4  }
0x159: {  	[tilespmem:s0+$0x2B8] =	vst v1  }
0x15a: {  	v1 =	vld [tilespmem:s24+$0x40];
	_ =	sdelay $0x4  }
0x15b: {  	[tilespmem:s0+$0x2C8] =	vst v1  }
0x15c: {  	v1 =	vld [tilespmem:s24+$0x50];
	_ =	sdelay $0x4  }
0x15d: {  	[tilespmem:s0+$0x2D8] =	vst v1  }
0x15e: {  	v1 =	vld [tilespmem:s24+$0x60];
	_ =	sdelay $0x4  }
0x15f: {  	[tilespmem:s0+$0x2E8] =	vst v1  }
0x160: {  	v1 =	vld [tilespmem:s24+$0x70]  }
.Ltmp21:
0x161: {  	_ = 	snop;
	(pc) =	sbr.rel .LBB2_23-.Ltmp21, $2  }
0x162: {  	_ =	sdelay $0x2  }
0x163: {  	s26 =	sadd.s32 $0x1, s26;
	[tilespmem:s0+$0x2F8] =	vst v1  }
.LBB2_25:
.Ltmp22:
0x164: {  	(pc) =	sbr.rel .LBB2_26-.Ltmp22, $4  }
0x165: {  	_ = 	snop  }
0x166: {  	s0 =	simm.s32 $0x2  }
0x167: {  	_ =	swait.ge [sflag:s0], $0x0  }
0x168: {  	s29 =	smov.u32 s28;
	[sflag:s0] =	ssyncset.done $0x0;
	s0 =	simm.s32 $0x0  }
.LBB2_28:
0x169: {  	_ =	sfence.sel $0x180000  }
0x16a: {  	s0 =	simm.s32 $0x7;
	[bflag:$0x0] =	sbarrier.arrive $0xFFFF  }
0x16b: {  	s25 =	simm.s32 $0x8;
	[sflag:s0] =	ssyncpa.u1 $0x1  }
0x16c: {  	s26 =	simm.s32 $0x9;
	[sflag:s25] =	ssyncpa.u1 $0x1  }
0x16d: {  	s28 =	simm.s32 $0x2;
	[sflag:s26] =	ssyncpa.u1 $0x1  }
0x16e: {  	[sflag:s28] =	ssyncpa.u1 $0x1  }
0x16f: {  	v0 =	vld [tilespmem:$0xE408];
	_ =	sdelay $0x4  }
0x170: {  	(v2sf) =	vpush v0, $0x0  }
0x171: {  	(v2sf) =	vpush v0, $0x1;
	_ =	sdelay $0x1  }
0x172: {  	(v2sf) =	vpush v0, $0x2;
	_ =	sdelay $0xb  }
0x173: {  	s0 =	spop (v2sf)  }
0x174: {  	s2 =	spop (v2sf)  }
0x175: {  	s3 =	smov.u32 s0;
	p0 =	sne.s32 s0, s2  }
0x176: {  	s4 =	spop (v2sf);
	s3 =	simm.s32 @!p0 $0xFFFFFFFF  }
0x177: {  	v2 =	vimm.s32 $0x1;
	v3 =	vlaneseq.u32;
	p0 =	seq.s32 s4, $0xFFFFFFFF;
	v1 =	vmov s3  }
0x178: {  	s7 =	stileid.u32;
	v0 =	vperm.xlane v0, v2;
	p1 =	sne.s32 @!p0 s0, s2;
	v1 =	vperm.xlane v1, v3  }
0x179: {  	vm0 =	vcmask $0x3F04;
	s6 =	simm.s32 $0xE408;
	s0 =	simm.s32 @!p0 $0x1;
	p1 =	por !p1, p0  }
0x17a: {  	s3 =	sshll.u32 s7, $0x1;
	s2 =	sshll.u32 @!p0 s4, $0xA;
	s0 =	simm.s32 @p1 $0x0;
	v0 =	vsel vm0, v1, v0  }
0x17b: {  	s5 =	sor.u32 $0x2000, s3;
	s2 =	sshra.s32 @!p0 s2, $0x2;
	s0 =	sor.u32 @!p0 s0, s3;
	[tilespmem:$0xE408] =	vst v0  }
0x17c: {  	[spmem:s5] =	stream.linear.scatter [tilespmem:s6], [sflag:$0x1], $0x2, $0x38;
	[tilespmem:$0x1E668] =	vst v63  }
0x17d: {  	s2 =	sadd.s32 @!p0 $0x208, s2;
	s0 =	sshll.u32 @!p0 s0, $0x8  }
0x17e: {  	[spmem:s0] =	stream.linear.scatter @!p0 [tilespmem:s2], [sflag:$0x1], $0x100, $0x38;
	[tilespmem:$0x1E668] =	vst v63  }
0x17f: {  	s2 =	simm.s32 @!p0 $0x102  }
0x180: {  	s0 =	simm.s32 $0x1;
	s2 =	simm.s32 @p0 $0x2  }
0x181: {  	_ =	swait.ge [sflag:s0], s2  }
0x182: {  	s2 =	ssub.s32 $0x0, s2;
	[sflag:s0] =	ssyncset.done $0x0  }
0x183: {  	[sflag:s0] =	ssyncadd.s32 s2  }
0x184: {  	_ =	sfence.stream.spmem  }
0x185: {  	s29 =	simm.s32 $0x3;
	[bflag:$0x0] =	sbarrier.arrive $0xFFFF  }
0x186: {  	s30 =	simm.s32 $0x4;
	[sflag:s29] =	ssyncpa.u1 $0x1  }
0x187: {  	s31 =	simm.s32 $0x3C;
	[sflag:s30] =	ssyncpa.u1 $0x1  }
0x188: {  	p0 =	sne.s32 s7, $0x0;
	[sflag:s31] =	ssyncpa.u1 $0x1  }
0x189: {  	_ =	sfence @p0  }
0x18a: {  	[sflag:s0] =	ssyncpa.u1 @p0 $0x1  }
0x18b: {  	_ =	strace @p0 $0x9000005C  }
0x18c: {  	[bflag:$0x2] =	sbarrier.arrive @p0 $0xFFFF  }
0x18d: {  	_ =	shalt @p0  }
.LBB2_29:
0x18e: {  	_ =	sfence.stream.spmem;
	s0 =	simm.s32 $0x5  }
0x18f: {  	s2 =	simm.s32 $0x2000;
	s3 =	simm.s32 $0xE418;
	[sflag:s0] =	ssyncpa.u1 $0x0  }
0x190: {  	[tilespmem:s3], [sflag:$0x5] =	stream.linear.gather [spmem:s2], $0x20, $0x38;
	[tilespmem:$0x1E668] =	vst v63  }
0x191: {  	s30 =	simm.s32 $0xE438;
	s2 =	simm.s32 $0x0  }
0x192: {  	[tilespmem:s30], [sflag:$0x5] =	stream.linear.gather [spmem:s2], $0x2000, $0x38;
	[tilespmem:$0x1E668] =	vst v63  }
.Ltmp23:
0x193: {  	_ = 	snop;
	(pc) =	sbr.rel .LBB2_30-.Ltmp23, $4  }
0x194: {  	_ =	swait.ge [sflag:s0], $0x2020  }
0x195: {  	[sflag:s0] =	ssyncset.done $0x0  }
0x196: {  	s31 =	simm.s32 $0x6;
	[sflag:s0] =	ssyncadd.s32 $0xFFFFDFE0  }
0x197: {  	s3 =	simm.s32 $0x0;
	[sflag:s31] =	ssyncpa.u1 $0x0  }
.LBB2_36:
0x198: {  	p0 =	slt.u32 s4, $0x4FF71  }
0x199: {  	s0 =	sand.u32 @p0 $0x7FFF8, s4  }
0x19a: {  	s5 =	sand.u32 @p0 $0x7, s4;
	s6 =	simm.s32 @p0 $0xE308;
	s0 =	sadd.s32 @p0 s1, s0  }
0x19b: {  	[tilespmem:s6], [sflag:$0x6] =	stream.linear.gather @p0 [hbm4b:s0+s5], $0x80, $0x38;
	[tilespmem:$0x1E668] =	vst v63  }
0x19c: {  	s0 =	sadd.s32 @p0 $0x80, s4  }
0x19d: {  	s0 =	sand.u32 @p0 $0xFFFF8, s0  }
0x19e: {  	s4 =	simm.s32 @p0 $0xE388;
	s0 =	sadd.s32 @p0 s1, s0  }
0x19f: {  	[tilespmem:s4], [sflag:$0x6] =	stream.linear.gather @p0 [hbm4b:s0+s5], $0x80, $0x38;
	[tilespmem:$0x1E668] =	vst v63  }
0x1a0: {  	s0 =	simm.s32 @p0 $0x6  }
0x1a1: {  	_ =	swait.ge @p0 [sflag:s0], $0x100  }
0x1a2: {  	[sflag:s0] =	ssyncset.done @p0 $0x0  }
0x1a3: {  	[sflag:s0] =	ssyncadd.s32 @p0 $0xFFFFFF00  }
0x1a4: {  	v1 =	vld @p0 [tilespmem:$0xE308];
	_ =	sdelay $0x2  }
0x1a5: {  	s0 =	sshll.u32 @p0 s3, $0xA  }
0x1a6: {  	s4 =	sshrl.u32 @p0 s0, $0x2  }
0x1a7: {  	[tilespmem:s4+$0xE438] =	vst.add.f32.msk @p0 $0xffff, v1  }
0x1a8: {  	v1 =	vld @p0 [tilespmem:$0xE318];
	_ =	sdelay $0x4  }
0x1a9: {  	[tilespmem:s4+$0xE448] =	vst.add.f32.msk @p0 $0xffff, v1  }
0x1aa: {  	v1 =	vld @p0 [tilespmem:$0xE328];
	_ =	sdelay $0x4  }
0x1ab: {  	[tilespmem:s4+$0xE458] =	vst.add.f32.msk @p0 $0xffff, v1  }
0x1ac: {  	v1 =	vld @p0 [tilespmem:$0xE338];
	_ =	sdelay $0x4  }
0x1ad: {  	[tilespmem:s4+$0xE468] =	vst.add.f32.msk @p0 $0xffff, v1  }
0x1ae: {  	v1 =	vld @p0 [tilespmem:$0xE348];
	_ =	sdelay $0x4  }
0x1af: {  	[tilespmem:s4+$0xE478] =	vst.add.f32.msk @p0 $0xffff, v1  }
0x1b0: {  	v1 =	vld @p0 [tilespmem:$0xE358];
	_ =	sdelay $0x4  }
0x1b1: {  	[tilespmem:s4+$0xE488] =	vst.add.f32.msk @p0 $0xffff, v1  }
0x1b2: {  	v1 =	vld @p0 [tilespmem:$0xE368];
	_ =	sdelay $0x4  }
0x1b3: {  	[tilespmem:s4+$0xE498] =	vst.add.f32.msk @p0 $0xffff, v1  }
0x1b4: {  	v1 =	vld @p0 [tilespmem:$0xE378];
	_ =	sdelay $0x4  }
0x1b5: {  	[tilespmem:s4+$0xE4A8] =	vst.add.f32.msk @p0 $0xffff, v1  }
0x1b6: {  	v1 =	vld @p0 [tilespmem:$0xE388];
	_ =	sdelay $0x4  }
0x1b7: {  	[tilespmem:s4+$0xE4B8] =	vst.add.f32.msk @p0 $0xffff, v1  }
0x1b8: {  	v1 =	vld @p0 [tilespmem:$0xE398];
	_ =	sdelay $0x4  }
0x1b9: {  	[tilespmem:s4+$0xE4C8] =	vst.add.f32.msk @p0 $0xffff, v1  }
0x1ba: {  	v1 =	vld @p0 [tilespmem:$0xE3A8];
	_ =	sdelay $0x4  }
0x1bb: {  	[tilespmem:s4+$0xE4D8] =	vst.add.f32.msk @p0 $0xffff, v1  }
0x1bc: {  	v1 =	vld @p0 [tilespmem:$0xE3B8];
	_ =	sdelay $0x4  }
0x1bd: {  	[tilespmem:s4+$0xE4E8] =	vst.add.f32.msk @p0 $0xffff, v1  }
0x1be: {  	v1 =	vld @p0 [tilespmem:$0xE3C8];
	_ =	sdelay $0x4  }
0x1bf: {  	[tilespmem:s4+$0xE4F8] =	vst.add.f32.msk @p0 $0xffff, v1  }
0x1c0: {  	v1 =	vld @p0 [tilespmem:$0xE3D8];
	_ =	sdelay $0x4  }
0x1c1: {  	[tilespmem:s4+$0xE508] =	vst.add.f32.msk @p0 $0xffff, v1  }
0x1c2: {  	v1 =	vld @p0 [tilespmem:$0xE3E8];
	_ =	sdelay $0x4  }
0x1c3: {  	[tilespmem:s4+$0xE518] =	vst.add.f32.msk @p0 $0xffff, v1  }
0x1c4: {  	v1 =	vld @p0 [tilespmem:$0xE3F8];
	_ =	sdelay $0x3  }
0x1c5: {  	s5 =	sshll.u32 @!p0 s3, $0xA  }
0x1c6: {  	s5 =	smov.u32 @p0 s0;
	[tilespmem:s4+$0xE528] =	vst.add.f32.msk @p0 $0xffff, v1  }
0x1c7: {  	s0 =	sshrl.u32 s5, $0x2;
	[tilespmem:s2+$0xE418] =	vst.msk $0x1, v0  }
0x1c8: {  	v0 =	vld [tilespmem:s0+$0xE438];
	_ =	sdelay $0x2  }
0x1c9: {  	s31 =	sshll.u32 s2, $0xA  }
0x1ca: {  	s4 =	sshra.s32 s31, $0x2  }
0x1cb: {  	[tilespmem:s4+$0xE438] =	vst v0  }
0x1cc: {  	v0 =	vld [tilespmem:s0+$0xE448];
	_ =	sdelay $0x4  }
0x1cd: {  	[tilespmem:s4+$0xE448] =	vst v0  }
0x1ce: {  	v0 =	vld [tilespmem:s0+$0xE458];
	_ =	sdelay $0x4  }
0x1cf: {  	[tilespmem:s4+$0xE458] =	vst v0  }
0x1d0: {  	v0 =	vld [tilespmem:s0+$0xE468];
	_ =	sdelay $0x4  }
0x1d1: {  	[tilespmem:s4+$0xE468] =	vst v0  }
0x1d2: {  	v0 =	vld [tilespmem:s0+$0xE478];
	_ =	sdelay $0x4  }
0x1d3: {  	[tilespmem:s4+$0xE478] =	vst v0  }
0x1d4: {  	v0 =	vld [tilespmem:s0+$0xE488];
	_ =	sdelay $0x4  }
0x1d5: {  	[tilespmem:s4+$0xE488] =	vst v0  }
0x1d6: {  	v0 =	vld [tilespmem:s0+$0xE498];
	_ =	sdelay $0x4  }
0x1d7: {  	[tilespmem:s4+$0xE498] =	vst v0  }
0x1d8: {  	v0 =	vld [tilespmem:s0+$0xE4A8];
	_ =	sdelay $0x4  }
0x1d9: {  	[tilespmem:s4+$0xE4A8] =	vst v0  }
0x1da: {  	v0 =	vld [tilespmem:s0+$0xE4B8];
	_ =	sdelay $0x4  }
0x1db: {  	[tilespmem:s4+$0xE4B8] =	vst v0  }
0x1dc: {  	v0 =	vld [tilespmem:s0+$0xE4C8];
	_ =	sdelay $0x4  }
0x1dd: {  	[tilespmem:s4+$0xE4C8] =	vst v0  }
0x1de: {  	v0 =	vld [tilespmem:s0+$0xE4D8];
	_ =	sdelay $0x4  }
0x1df: {  	[tilespmem:s4+$0xE4D8] =	vst v0  }
0x1e0: {  	v0 =	vld [tilespmem:s0+$0xE4E8];
	_ =	sdelay $0x4  }
0x1e1: {  	[tilespmem:s4+$0xE4E8] =	vst v0  }
0x1e2: {  	v0 =	vld [tilespmem:s0+$0xE4F8];
	_ =	sdelay $0x4  }
0x1e3: {  	[tilespmem:s4+$0xE4F8] =	vst v0  }
0x1e4: {  	v0 =	vld [tilespmem:s0+$0xE508];
	_ =	sdelay $0x4  }
0x1e5: {  	[tilespmem:s4+$0xE508] =	vst v0  }
0x1e6: {  	v0 =	vld [tilespmem:s0+$0xE518];
	_ =	sdelay $0x4  }
0x1e7: {  	[tilespmem:s4+$0xE518] =	vst v0  }
0x1e8: {  	v0 =	vld [tilespmem:s0+$0xE528];
	_ =	sdelay $0x4  }
0x1e9: {  	s2 =	sadd.s32 $0x1, s2;
	[tilespmem:s4+$0xE528] =	vst v0  }
.LBB2_37:
0x1ea: {  	s3 =	sadd.s32 $0x1, s3  }
0x1eb: {  	p0 =	sne.s32 s3, $0x20  }
.Ltmp24:
0x1ec: {  	_ = 	snop;
	(pc) =	sbr.rel @!p0 .LBB2_38-.Ltmp24, $1  }
0x1ed: {  	_ =	sdelay $0x3  }
.LBB2_30:
0x1ee: {  	v0 =	vld.msk [tilespmem:s3+$0xE418], $0x1;
	_ =	sdelay $0x4  }
0x1ef: {  	(v2sf) =	vpush v0, $0x0;
	_ =	sdelay $0xe  }
0x1f0: {  	s4 =	spop (v2sf)  }
0x1f1: {  	p0 =	seq.s32 s4, $0xFFFFFFFF  }
.Ltmp25:
0x1f2: {  	_ = 	snop;
	(pc) =	sbr.rel @p0 .LBB2_37-.Ltmp25, $1  }
0x1f3: {  	_ =	sdelay $0x3  }
0x1f4: {  	p0 =	slt.s32 s2, $0x1  }
.Ltmp26:
0x1f5: {  	_ = 	snop;
	(pc) =	sbr.rel @p0 .LBB2_36-.Ltmp26, $1  }
0x1f6: {  	_ =	sdelay $0x3  }
0x1f7: {  	s5 =	simm.s32 $0xE418;
	p0 =	por $0x0, $0x0  }
0x1f8: {  	v1 =	vld.msk @!p0 [tilespmem:s5+$0x0], $0x1;
	_ =	sdelay $0x4  }
0x1f9: {  	(v2sf) =	vpush @!p0 v1, $0x0;
	_ =	sdelay $0xd  }
0x1fa: {  	p2 =	sne.s32 s2, $0x1  }
.Ltmp27:
0x1fb: {  	s0 =	spop @!p0 (v2sf);
	(pc) =	sbr.rel @!p2 .LBB2_34-.Ltmp27, $4  }
0x1fc: {  	p1 =	seq.s32 @!p0 s4, s0  }
0x1fd: {  	s6 =	simm.s32 $0x0;
	p1 =	por !p1, p0  }
0x1fe: {  	s0 =	simm.s32 $0xFFFFFFFF;
	s6 =	simm.s32 @p1 $0xFFFFFFFF  }
0x1ff: {  	s7 =	simm.s32 $0x1;
	s6 =	smov.u32 @p0 s0  }
.LBB2_33:
0x200: {  	s0 =	smov.u32 s6;
	p0 =	sne.s32 s6, $0xFFFFFFFF  }
0x201: {  	s5 =	sadd.s32 $0x1, s5;
	s6 =	smov.u32 s7;
	s7 =	sadd.s32 $0x1, s7  }
0x202: {  	p1 =	sne.s32 s2, s7;
	v1 =	vld.msk @!p0 [tilespmem:s5+$0x0], $0x1;
	_ =	sdelay $0x4  }
0x203: {  	(v2sf) =	vpush @!p0 v1, $0x0;
	_ =	sdelay $0xe  }
.Ltmp28:
0x204: {  	s8 =	spop @!p0 (v2sf);
	(pc) =	sbr.rel @p1 .LBB2_33-.Ltmp28, $4  }
0x205: {  	p2 =	seq.s32 @!p0 s4, s8  }
0x206: {  	p2 =	por !p2, p0  }
0x207: {  	s6 =	simm.s32 @p2 $0xFFFFFFFF  }
0x208: {  	s6 =	smov.u32 @p0 s0  }
.LBB2_34:
0x209: {  	p0 =	seq.s32 s6, $0xFFFFFFFF  }
.Ltmp29:
0x20a: {  	_ = 	snop;
	(pc) =	sbr.rel @p0 .LBB2_36-.Ltmp29, $1  }
0x20b: {  	_ =	sdelay $0x3  }
0x20c: {  	s0 =	sshll.u32 s3, $0x8  }
0x20d: {  	s0 =	sand.u32 $0x3FFFFF00, s0  }
0x20e: {  	v0 =	vld [tilespmem:s0+$0xE438];
	_ =	sdelay $0x2  }
0x20f: {  	s4 =	sshll.u32 s6, $0xA  }
0x210: {  	s4 =	sshra.s32 s4, $0x2  }
0x211: {  	[tilespmem:s4+$0xE438] =	vst.add.f32.msk $0xffff, v0  }
0x212: {  	v0 =	vld [tilespmem:s0+$0xE448];
	_ =	sdelay $0x4  }
0x213: {  	[tilespmem:s4+$0xE448] =	vst.add.f32.msk $0xffff, v0  }
0x214: {  	v0 =	vld [tilespmem:s0+$0xE458];
	_ =	sdelay $0x4  }
0x215: {  	[tilespmem:s4+$0xE458] =	vst.add.f32.msk $0xffff, v0  }
0x216: {  	v0 =	vld [tilespmem:s0+$0xE468];
	_ =	sdelay $0x4  }
0x217: {  	[tilespmem:s4+$0xE468] =	vst.add.f32.msk $0xffff, v0  }
0x218: {  	v0 =	vld [tilespmem:s0+$0xE478];
	_ =	sdelay $0x4  }
0x219: {  	[tilespmem:s4+$0xE478] =	vst.add.f32.msk $0xffff, v0  }
0x21a: {  	v0 =	vld [tilespmem:s0+$0xE488];
	_ =	sdelay $0x4  }
0x21b: {  	[tilespmem:s4+$0xE488] =	vst.add.f32.msk $0xffff, v0  }
0x21c: {  	v0 =	vld [tilespmem:s0+$0xE498];
	_ =	sdelay $0x4  }
0x21d: {  	[tilespmem:s4+$0xE498] =	vst.add.f32.msk $0xffff, v0  }
0x21e: {  	v0 =	vld [tilespmem:s0+$0xE4A8];
	_ =	sdelay $0x4  }
0x21f: {  	[tilespmem:s4+$0xE4A8] =	vst.add.f32.msk $0xffff, v0  }
0x220: {  	v0 =	vld [tilespmem:s0+$0xE4B8];
	_ =	sdelay $0x4  }
0x221: {  	[tilespmem:s4+$0xE4B8] =	vst.add.f32.msk $0xffff, v0  }
0x222: {  	v0 =	vld [tilespmem:s0+$0xE4C8];
	_ =	sdelay $0x4  }
0x223: {  	[tilespmem:s4+$0xE4C8] =	vst.add.f32.msk $0xffff, v0  }
0x224: {  	v0 =	vld [tilespmem:s0+$0xE4D8];
	_ =	sdelay $0x4  }
0x225: {  	[tilespmem:s4+$0xE4D8] =	vst.add.f32.msk $0xffff, v0  }
0x226: {  	v0 =	vld [tilespmem:s0+$0xE4E8];
	_ =	sdelay $0x4  }
0x227: {  	[tilespmem:s4+$0xE4E8] =	vst.add.f32.msk $0xffff, v0  }
0x228: {  	v0 =	vld [tilespmem:s0+$0xE4F8];
	_ =	sdelay $0x4  }
0x229: {  	[tilespmem:s4+$0xE4F8] =	vst.add.f32.msk $0xffff, v0  }
0x22a: {  	v0 =	vld [tilespmem:s0+$0xE508];
	_ =	sdelay $0x4  }
0x22b: {  	[tilespmem:s4+$0xE508] =	vst.add.f32.msk $0xffff, v0  }
0x22c: {  	v0 =	vld [tilespmem:s0+$0xE518];
	_ =	sdelay $0x4  }
0x22d: {  	[tilespmem:s4+$0xE518] =	vst.add.f32.msk $0xffff, v0  }
0x22e: {  	v0 =	vld [tilespmem:s0+$0xE528]  }
.Ltmp30:
0x22f: {  	_ = 	snop;
	(pc) =	sbr.rel .LBB2_37-.Ltmp30, $2  }
0x230: {  	_ =	sdelay $0x2  }
0x231: {  	[tilespmem:s4+$0xE528] =	vst.add.f32.msk $0xffff, v0  }
.LBB2_38:
0x232: {  	p0 =	slt.s32 s2, $0x1  }
.Ltmp31:
0x233: {  	_ = 	snop;
	(pc) =	sbr.rel @p0 .LBB2_42-.Ltmp31, $3  }
0x234: {  	_ =	sdelay $0x1  }
0x235: {  	s0 =	simm.s32 $0x6  }
0x236: {  	[sflag:s0] =	ssyncpa.u1 $0x1;
	s0 =	simm.s32 $0x0  }
0x237: {  	s3 =	simm.s32 $0xE418  }
0x238: {  	v0 =	vld.msk [tilespmem:s3+$0x0], $0x1;
	_ =	sdelay $0x4  }
0x239: {  	(v2sf) =	vpush v0, $0x0;
	_ =	sdelay $0xe  }
0x23a: {  	s2 =	sadd.s32 $0xFFFFFFFF, s2;
	s4 =	spop (v2sf)  }
0x23b: {  	s5 =	simm.s32 $0xE438;
	p0 =	sne.s32 s2, $0x0;
	p1 =	sgt.u32 s4, $0x4FF70  }
.Ltmp32:
0x23c: {  	s3 =	simm.s32 $0xE538;
	s6 =	sand.u32 @!p1 $0x7FFF8, s4;
	(pc) =	sbr.rel @!p0 .LBB2_41-.Ltmp32, $4  }
0x23d: {  	s7 =	sadd.s32 @!p1 $0x80, s4;
	s8 =	sadd.s32 @!p1 s1, s6;
	s6 =	sand.u32 @!p1 $0x7, s4  }
0x23e: {  	[hbm4b:s8+s6] =	stream.linear.scatter @!p1 [tilespmem:s5], [sflag:$0x5], $0x80, $0x38;
	[tilespmem:$0x1E668] =	vst v63  }
0x23f: {  	s0 =	simm.s32 @!p1 $0x400;
	s4 =	simm.s32 $0xE419;
	s5 =	sand.u32 @!p1 $0xFFFF8, s7  }
0x240: {  	s7 =	simm.s32 @!p1 $0xE4B8;
	s8 =	sadd.s32 @!p1 s1, s5;
	s5 =	sadd.s32 $0x0, s0  }
.LBB2_40:
0x241: {  	[hbm4b:s8+s6] =	stream.linear.scatter @!p1 [tilespmem:s7], [sflag:$0x5], $0x80, $0x38;
	[tilespmem:$0x1E668] =	vst v63  }
0x242: {  	s2 =	sadd.s32 $0xFFFFFFFF, s2;
	s0 =	smov.u32 s3;
	v0 =	vld.msk [tilespmem:s4+$0x0], $0x1  }
0x243: {  	p0 =	sne.s32 s2, $0x0;
	_ =	sdelay $0x3  }
0x244: {  	(v2sf) =	vpush v0, $0x0;
	_ =	sdelay $0xe  }
0x245: {  	s3 =	sadd.s32 $0x100, s3;
	s9 =	simm.s32 $0x0;
	s6 =	spop (v2sf)  }
.Ltmp33:
0x246: {  	s4 =	sadd.s32 $0x1, s4;
	p1 =	sgt.u32 s6, $0x4FF70;
	(pc) =	sbr.rel @p0 .LBB2_40-.Ltmp33, $4  }
0x247: {  	s9 =	simm.s32 @!p1 $0x400;
	s7 =	sand.u32 @!p1 $0x7FFF8, s6;
	s8 =	sadd.s32 @!p1 $0x80, s6  }
0x248: {  	s6 =	sand.u32 @!p1 $0x7, s6;
	s7 =	sadd.s32 @!p1 s1, s7;
	s8 =	sand.u32 @!p1 $0xFFFF8, s8  }
0x249: {  	[hbm4b:s7+s6] =	stream.linear.scatter @!p1 [tilespmem:s0], [sflag:$0x5], $0x80, $0x38;
	[tilespmem:$0x1E668] =	vst v63  }
0x24a: {  	s5 =	sadd.s32 s5, s9;
	s7 =	sadd.s32 @!p1 $0x80, s0;
	s8 =	sadd.s32 @!p1 s1, s8  }
.LBB2_41:
0x24b: {  	[hbm4b:s8+s6] =	stream.linear.scatter @!p1 [tilespmem:s7], [sflag:$0x5], $0x80, $0x38;
	[tilespmem:$0x1E668] =	vst v63  }
0x24c: {  	s0 =	sshrl.u32 s5, $0x2  }
.LBB2_42:
0x24d: {  	s1 =	simm.s32 $0x5  }
0x24e: {  	_ =	swait.ge [sflag:s1], s0  }
0x24f: {  	s29 =	ssub.s32 $0x0, s0;
	[sflag:s1] =	ssyncset.done $0x0  }
0x250: {  	[sflag:s1] =	ssyncadd.s32 s29  }
0x251: {  	[sflag:s1] =	ssyncpa.u1 $0x1  }
0x252: {  	s30 =	simm.s32 $0x1;
	_ =	sfence  }
0x253: {  	[sflag:s30] =	ssyncpa.u1 $0x1  }
0x254: {  	_ =	strace $0x9000005C  }
0x255: {  	[bflag:$0x2] =	sbarrier.arrive $0xFFFF  }
0x256: {  	s31 =	rddreg [dreg:$0x1]  }
0x257: {  	s0 =	sadd.s32 $0x100000, s31  }
0x258: {  	[sflag:s0] =	ssyncadd.tile.s32 $0x1;
	_ =	shalt  }
.Lfunc_end2:
_tile_overlayer_lowered:
.L_overlay_start_2:
0x259: {  	(tag) =	ssettag $0x2  }
0x25a: {  	s0 =	rddreg [dreg:$0x0];
	s2 =	stileid.u32  }
0x25b: {  	s1 =	rddreg [dreg:$0x1];
	p0 =	sne.s32 s2, $0x0  }
0x25c: {  	s3 =	rddreg [dreg:$0x2];
	[bflag:$0x3] =	sbarrier.arrive $0xFFFF;
	s2 =	simm.s32 @!p0 $0x1C01  }
0x25d: {  	[timem:s3], [sflag:s2] =	dma.local @!p0 [hbm:s0], s1  }
0x25e: {  	s0 =	simm.s32 @!p0 $0x1  }
0x25f: {  	_ =	swait.ge @!p0 [sflag:s0], s1  }
0x260: {  	s1 =	ssub.s32 @!p0 $0x0, s1;
	[sflag:s0] =	ssyncset.done @!p0 $0x0  }
0x261: {  	[sflag:s0] =	ssyncadd.s32 @!p0 s1  }
0x262: {  	[bflag:$0x3] =	sbarrier.arrive $0xFFFF  }
0x263: {  	_ =	shalt  }

// kernel: scatter_offload_async_start
scs
__scs_entry_jumppad:
0x0: {  	(pc) =	sbr.rel $0x88, $3  }
0x1: {  	(tag) =	ssettag $0x0;
	lr =	simm.s32 $0x1  }
0x2: {  	[smem:$0x3F97] =	sst lr;
	_ =	strace $0xD0000000  }
0x3: {  	_ = 	snop  }
0x4: {  	_ = 	snop  }
0x5: {  	_ = 	snop  }
0x6: {  	_ = 	snop  }
0x7: {  	_ = 	snop  }
__scs_overlays_trampoline_lowered:
0x8: {  	[smem:$0x3FA6] =	sst s0  }
0x9: {  	[smem:$0x3FA7] =	sst s1  }
0xa: {  	[smem:$0x3FA8] =	sst s2  }
0xb: {  	[smem:$0x3FA9] =	sst s3  }
0xc: {  	[smem:$0x3FAA] =	sst s4  }
0xd: {  	[smem:$0x3FAB] =	sst s5  }
0xe: {  	[smem:$0x3FAC] =	sst s6  }
0xf: {  	[smem:$0x3FAD] =	sst s7  }
0x10: {  	[smem:$0x3FAE] =	sst s8  }
0x11: {  	[smem:$0x3FAF] =	sst s9;
	s0 =	simm.s32 @!p0 $0x0  }
0x12: {  	s1 =	sld [smem:$0x3F95];
	s0 =	simm.s32 @p0 $0x1  }
0x13: {  	[smem:$0x3FB0] =	sst s0;
	s0 =	simm.s32 @!p1 $0x0  }
0x14: {  	s2 =	sld [smem:$0x3F94];
	s0 =	simm.s32 @p1 $0x1  }
0x15: {  	[smem:$0x3FB1] =	sst s0;
	s0 =	simm.s32 @!p2 $0x0  }
0x16: {  	s3 =	sld [smem:$0x3FDB];
	s0 =	simm.s32 @p2 $0x1  }
0x17: {  	s4 =	simm.s32 $0x1BF5;
	[smem:$0x3FB3] =	sst s0  }
0x18: {  	s0 =	sld [smem:$0x3F96];
	_ =	swait.ge [sflag:s4], $0x0  }
0x19: {  	s7 =	sld [smem:$0x3F97]  }
0x1a: {  	s8 =	sadd.s32 $0xFFFFE003, lr  }
0x1b: {  	s9 =	sadd.s32 $0xFFFFFEF7, lr;
	s5 =	simm.s32 $0xFFFFFFFF;
	p2 =	slt.u32 s8, $0xFFFFF086  }
0x1c: {  	p1 =	slt.u32 s9, $0xF7A;
	s5 =	simm.s32 @!p2 $0x0  }
0x1d: {  	s5 =	simm.s32 @p1 $0x1;
	p0 =	seq.s32 s7, s2  }
0x1e: {  	s7 =	smul.u32 @!p0 $0xF7A, s2;
	p2 =	seq.s32 @!p0 s5, $0x0  }
0x1f: {  	s9 =	smul.u32 $0xF7A, s1;
	s8 =	simm.s32 @!p0 $0x1BF5;
	p2 =	por !p2, p0  }
0x20: {  	[sflag:s8] =	ssyncset.s32 @!p0 $0xFFFFF086;
	s6 =	sadd.s32 @!p0 s3, s7;
	s7 =	simm.s32 @!p0 $0x108  }
0x21: {  	s3 =	sadd.s32 s3, s9;
	s6 =	sadd.s32 @!p0 $0x88, s6;
	s7 =	simm.s32 @p2 $0x1082  }
0x22: {  	[simem:s7], [sflag:s8] =	dma.local @!p0 [hbm:s6], $0xF7A  }
0x23: {  	s9 =	sor.u32 $0xD0000000, s2;
	s6 =	simm.s32 $0x108;
	_ =	swait.ge @!p0 [sflag:s8], $0x0  }
0x24: {  	s3 =	sadd.s32 $0x88, s3;
	s6 =	simm.s32 @!p1 $0x1082;
	[sflag:s4] =	ssyncset.s32 $0xFFFFF086  }
0x25: {  	[simem:s6], [sflag:s4] =	dma.local [hbm:s3], $0xF7A  }
0x26: {  	[smem:$0x3F97] =	sst s1;
	(tag) =	ssettag s2;
	_ =	strace s9  }
0x27: {  	s1 =	sld [smem:$0x3FA7]  }
0x28: {  	s2 =	sld [smem:$0x3FA8]  }
0x29: {  	s4 =	sld [smem:$0x3FAA]  }
0x2a: {  	p0 =	seq.s32 s5, $0x0;
	s5 =	sld [smem:$0x3FAB]  }
0x2b: {  	s6 =	sld [smem:$0x3FAC]  }
0x2c: {  	s7 =	sld [smem:$0x3FAD]  }
0x2d: {  	s3 =	simm.s32 $0x108;
	s8 =	sld [smem:$0x3FAE]  }
0x2e: {  	s3 =	simm.s32 @!p0 $0x1082;
	s9 =	sld [smem:$0x3FAF]  }
0x2f: {  	lr =	sadd.s32 s0, s3;
	s0 =	sld [smem:$0x3FA6]  }
0x30: {  	s3 =	sld [smem:$0x3FA9]  }
0x31: {  	[smem:$0x3FB2] =	sst s10  }
0x32: {  	s10 =	sld [smem:$0x3FB0];
	_ =	sdelay $0x3  }
0x33: {  	p0 =	seq.s32 s10, $0x1;
	s10 =	sld [smem:$0x3FB2];
	_ =	sdelay $0x3  }
0x34: {  	[smem:$0x3FB2] =	sst s10  }
0x35: {  	s10 =	sld [smem:$0x3FB1];
	_ =	sdelay $0x3  }
0x36: {  	p1 =	seq.s32 s10, $0x1;
	s10 =	sld [smem:$0x3FB2];
	_ =	sdelay $0x3  }
0x37: {  	[smem:$0x3FB2] =	sst s10  }
0x38: {  	s10 =	sld [smem:$0x3FB3]  }
0x39: {  	_ = 	snop;
	(pc) =	sbr.ind lr, $3  }
0x3a: {  	_ = 	snop  }
0x3b: {  	_ = 	snop  }
0x3c: {  	p2 =	seq.s32 s10, $0x1;
	s10 =	sld [smem:$0x3FB2]  }
0x3d: {  	_ =	shalt  }
0x3e: {  	_ =	shalt  }
0x3f: {  	_ =	shalt  }
0x40: {  	_ =	shalt  }
0x41: {  	_ =	shalt  }
0x42: {  	_ =	shalt  }
0x43: {  	_ =	shalt  }
0x44: {  	_ =	shalt  }
0x45: {  	_ =	shalt  }
0x46: {  	_ =	shalt  }
0x47: {  	_ =	shalt  }
0x48: {  	_ =	shalt  }
0x49: {  	_ =	shalt  }
0x4a: {  	_ =	shalt  }
0x4b: {  	_ =	shalt  }
0x4c: {  	_ =	shalt  }
0x4d: {  	_ =	shalt  }
0x4e: {  	_ =	shalt  }
0x4f: {  	_ =	shalt  }
0x50: {  	_ =	shalt  }
0x51: {  	_ =	shalt  }
0x52: {  	_ =	shalt  }
0x53: {  	_ =	shalt  }
0x54: {  	_ =	shalt  }
0x55: {  	_ =	shalt  }
0x56: {  	_ =	shalt  }
0x57: {  	_ =	shalt  }
0x58: {  	_ =	shalt  }
0x59: {  	_ =	shalt  }
0x5a: {  	_ =	shalt  }
0x5b: {  	_ =	shalt  }
0x5c: {  	_ =	shalt  }
0x5d: {  	_ =	shalt  }
0x5e: {  	_ =	shalt  }
0x5f: {  	_ =	shalt  }
0x60: {  	_ =	shalt  }
0x61: {  	_ =	shalt  }
0x62: {  	_ =	shalt  }
0x63: {  	_ =	shalt  }
0x64: {  	_ =	shalt  }
0x65: {  	_ =	shalt  }
0x66: {  	_ =	shalt  }
0x67: {  	_ =	shalt  }
0x68: {  	_ =	shalt  }
0x69: {  	_ =	shalt  }
0x6a: {  	_ =	shalt  }
0x6b: {  	_ =	shalt  }
0x6c: {  	_ =	shalt  }
0x6d: {  	_ =	shalt  }
0x6e: {  	_ =	shalt  }
0x6f: {  	_ =	shalt  }
0x70: {  	_ =	shalt  }
0x71: {  	_ =	shalt  }
0x72: {  	_ =	shalt  }
0x73: {  	_ =	shalt  }
0x74: {  	_ =	shalt  }
0x75: {  	_ =	shalt  }
0x76: {  	_ =	shalt  }
0x77: {  	_ =	shalt  }
0x78: {  	_ =	shalt  }
0x79: {  	_ =	shalt  }
0x7a: {  	_ =	shalt  }
0x7b: {  	_ =	shalt  }
0x7c: {  	_ =	shalt  }
0x7d: {  	_ =	shalt  }
0x7e: {  	_ =	shalt  }
0x7f: {  	_ =	shalt  }
0x80: {  	_ =	shalt  }
0x81: {  	_ =	shalt  }
0x82: {  	_ =	shalt  }
0x83: {  	_ =	shalt  }
0x84: {  	_ =	shalt  }
0x85: {  	_ =	shalt  }
0x86: {  	_ =	shalt  }
0x87: {  	_ =	shalt  }
.Lfunc_end0:
.L_simem_size_0:
called_computation_lowered:
.L_overlay_start_0:
0x88: {  	s0 =	sld [smem:$0x3FD9]  }
0x89: {  	s1 =	sld [smem:$0x3FFE];
	_ =	sdelay $0x3  }
0x8a: {  	s0 =	sadd.s32 s1, s0  }
0x8b: {  	[smem:$0x3FBE] =	sst s0  }
0x8c: {  	_ = 	snop  }
0x8d: {  	s14 =	sld [smem:$0x3FD0];
	(tm) =	ssettm $0x1  }
0x8e: {  	s15 =	sld [smem:$0x3FFB];
	_ =	sdelay $0x3  }
0x8f: {  	_ =	strace s15  }
0x90: {  	s0 =	sld [smem:$0x3FFC];
	_ =	sdelay $0x3  }
0x91: {  	_ =	strace s0  }
0x92: {  	s0 =	sld [smem:$0x3FFD];
	_ =	sdelay $0x3  }
0x93: {  	_ =	strace s0  }
0x94: {  	_ =	strace $0x8FFFFFFF  }
0x95: {  	s16 =	sld [smem:$0x3FDB];
	_ =	sdelay $0x1  }
0x96: {  	s2 =	simm.s32 $_scs_section_size  }
0x97: {  	s3 =	simm.s32 $_size__tile_overlayer_lowered;
	s4 =	simm.s32 $_tile_overlayer_lowered  }
0x98: {  	s5 =	simm.s32 $0x1BFF;
	s17 =	sshll.u32 s4, $0x1;
	s2 =	sadd.s32 s2, s16  }
0x99: {  	s18 =	simm.s32 $0x0;
	s3 =	sshll.u32 s3, $0x1;
	s4 =	sadd.s32 s17, s2  }
0x9a: {  	[timem:s18], [sflag:s5] =	dma.local [hbm:s4], s3  }
0x9b: {  	_ =	swait.ge [sflag:s5], s3  }
0x9c: {  	s3 =	ssub.s32 $0x0, s3;
	[sflag:s5] =	ssyncset.done $0x0  }
0x9d: {  	[sflag:s5] =	ssyncadd.s32 s3;
	_ =	sdelay $0x1  }
0x9e: {  	s19 =	simm.s32 $0x1B8B  }
0x9f: {  	_ =	swait.ge [sflag:s19], $0x1  }
0xa0: {  	[sflag:s19] =	ssyncset.done $0x0  }
0xa1: {  	s21 =	simm.s32 $0x1B8E;
	s20 =	sld [smem:$0x3FFE];
	[sflag:s19] =	ssyncadd.s32 $0xFFFFFFFF  }
0xa2: {  	s22 =	simm.s32 $execute0_lowered;
	[smem:$0x3FD2] =	sst s21  }
0xa3: {  	s4 =	sshll.u32 s22, $0x1;
	_ =	strace $0x80000049;
	[dreg:$0x1] =	wrdreg $0xFFFFFFFF  }
0xa4: {  	s23 =	simm.s32 $_size_execute0_lowered;
	s4 =	sadd.s32 s2, s4;
	[dreg:$0x0] =	wrdreg $0x0  }
0xa5: {  	s5 =	sshll.u32 s23, $0x1;
	[dreg:$0x2] =	wrdreg s4  }
0xa6: {  	[dreg:$0x3] =	wrdreg s5  }
0xa7: {  	[dreg:$0x4] =	wrdreg $0xC0  }
0xa8: {  	s24 =	simm.s32 $execute1_lowered;
	_ =	task [dreg:s18], $0x5FFFF  }
0xa9: {  	s4 =	sshll.u32 s24, $0x1;
	[dreg:$0x1] =	wrdreg $0xFFFFFFFF  }
0xaa: {  	s2 =	sadd.s32 s2, s4;
	[dreg:$0x0] =	wrdreg $0x60  }
0xab: {  	[dreg:$0x2] =	wrdreg s2  }
0xac: {  	[dreg:$0x3] =	wrdreg s14  }
0xad: {  	[dreg:$0x4] =	wrdreg s20  }
0xae: {  	[dreg:$0x5] =	wrdreg $0x9  }
0xaf: {  	_ =	task.clear_ibuf [dreg:s18], $0x6FFFF;
	_ =	strace $0x90000049  }
0xb0: {  	s25 =	simm.s32 $0x9;
	_ =	strace $0x8000004B  }
0xb1: {  	_ =	swait.ge [sflag:s25], $0x1  }
0xb2: {  	[sflag:s25] =	ssyncadd.s32 $0xFFFFFFFF  }
0xb3: {  	_ =	strace $0x9000004B  }
0xb4: {  	_ =	strace $0x8000004C;
	[dreg:$0x1] =	wrdreg $0xFFFFFFFF  }
0xb5: {  	[dreg:$0x0] =	wrdreg $0x2030  }
0xb6: {  	[dreg:$0x2] =	wrdreg s20  }
0xb7: {  	[dreg:$0x3] =	wrdreg $0xA  }
0xb8: {  	_ =	task.clear_ibuf [dreg:s18], $0x4FFFF;
	_ =	strace $0x9000004C  }
0xb9: {  	s26 =	simm.s32 $0xA;
	_ =	strace $0x8000004E  }
0xba: {  	_ =	swait.ge [sflag:s26], $0x1  }
0xbb: {  	[sflag:s26] =	ssyncadd.s32 $0xFFFFFFFF  }
0xbc: {  	_ =	strace $0x9000004E  }
0xbd: {  	_ =	sfence  }
0xbe: {  	s28 =	sld [smem:$0x0];
	_ =	sdelay $0x1  }
0xbf: {  	s29 =	srdreg.scid  }
0xc0: {  	s30 =	sshll.u32 s29, $0xD;
	s31 =	sshrl.u32 s29, $0x2  }
0xc1: {  	s3 =	sand.u32 $0x4000, s30;
	s2 =	sand.u32 $0x1, s29;
	s1 =	sadd.s32 s31, s28  }
0xc2: {  	s2 =	sor.u32 s3, s2;
	s1 =	sshll.u32 s1, $0x11  }
0xc3: {  	s1 =	sor.u32 s1, s2  }
0xc4: {  	s1 =	sadd.s32 $0x8F2B, s1  }
0xc5: {  	[sflag:s1] =	ssyncadd.remote.s32 $0x1  }
0xc6: {  	_ =	sfence.sel $0xFFFF  }
0xc7: {  	[dreg:$0x0] =	wrdreg $0xFFFFFFFF;
	(pc) =	sbr.abs _section_cstart, $3  }
0xc8: {  	[dreg:$0x1] =	wrdreg $0xFFFFFFFF  }
0xc9: {  	_ =	task.clear_ibuf [dreg:s18], $0x2FFFF;
	_ =	strace $0x9FFFFFFF  }
0xca: {  	(tm) =	ssettm $0x7FFFFFFF  }
0xcb: {  	_ =	shalt  }
tec
execute0_lowered:
.L_overlay_start_1:
0x0: {  	(tag) =	ssettag $0x1  }
0x1: {  	s3 =	rddreg [dreg:$0x0]  }
0x2: {  	s2 =	rddreg [dreg:$0x1]  }
0x3: {  	s5 =	rddreg [dreg:$0x2]  }
0x4: {  	s0 =	rddreg [dreg:$0x3];
	s4 =	stileid.u32;
	[bflag:$0x3] =	sbarrier.arrive $0xFFFF  }
0x5: {  	s1 =	simm.s32 $_size_execute1_lowered;
	s8 =	simm.s32 $0x2;
	p0 =	sne.s32 s4, $0x0  }
0x6: {  	s1 =	sshll.u32 s1, $0x1;
	s6 =	simm.s32 @!p0 $0x1C3F;
	s7 =	simm.s32 @!p0 $0x4060  }
0x7: {  	[timem:s7], [sflag:s6] =	dma.local @!p0 [hbm:s3], s1  }
0x8: {  	s13 =	simm.s32 $0x0;
	s9 =	simm.s32 $0x80;
	s3 =	sshll.u32 s4, $0x9  }
0x9: {  	s10 =	simm.s32 $0x0;
	s12 =	simm.s32 $0x0;
	s30 =	ssub.s32 $0x2800, s3  }
.Ltmp0:
0xa: {  	s5 =	sadd.s32 $0xD60000, s5;
	s31 =	sand.u32 $0x1E00, s30;
	(pc) =	sbr.rel .LBB2_1-.Ltmp0, $4  }
0xb: {  	s4 =	simm.s32 $0x1;
	s7 =	simm.s32 $0x1;
	p1 =	sne.s32 s31, $0x0  }
0xc: {  	_ =	strace $0x8000004A;
	s6 =	sshrl.u32 s30, $0xD;
	s7 =	simm.s32 @!p1 $0x0  }
0xd: {  	s11 =	smov.u32 s3;
	[sflag:s4] =	ssyncpa.u1 $0x0;
	s6 =	sadd.s32 s7, s6  }
0xe: {  	[sflag:s8] =	ssyncpa.u1 $0x0;
	s8 =	simm.s32 $0x20;
	s7 =	sadd.s32 $0x1, s6  }
.LBB2_4:
0xf: {  	s13 =	sand.u32 $0x1FFFFFF, s13  }
0x10: {  	s16 =	smulhi.u32 $0xCCCCCD, s13;
	_ =	sdelay $0x1  }
0x11: {  	s16 =	sshrl.u32 s16, $0x5  }
0x12: {  	s16 =	smul.u32 $0x2800, s16;
	_ =	sdelay $0x1  }
0x13: {  	s13 =	ssub.s32 s13, s16  }
0x14: {  	[tilespmem:v1+s14+$0x0 ss:$0x1] =	vst.idx.msk $0xffff, v2;
	s13 =	sshll.u32 s13, $0x4  }
0x15: {  	[tilespmem:v1+s14+$0xFFFFFFF0 ss:$0x1] =	vst.idx.msk $0xffff, v3;
	s13 =	sadd.s32 s5, s13  }
0x16: {  	[hbm4b:s13+s8] =	stream.strided.scatter [tilespmem:s15], [sflag:$0x2], $0x4000, s9, s8, $0x38;
	[tilespmem:$0x10000] =	vst v63  }
.LBB2_5:
0x17: {  	s15 =	sadd.s32 $0x2000, s11  }
0x18: {  	p2 =	sgt.s32 s15, $0x27FF  }
0x19: {  	s15 =	smov.u32 @p2 s3;
	p2 =	sne.s32 s12, s7  }
.Ltmp1:
0x1a: {  	p1 =	slt.u32 s12, $0x2;
	(pc) =	sbr.rel @!p2 .LBB2_6-.Ltmp1, $4  }
0x1b: {  	s14 =	simm.s32 @!p1 $0x2  }
0x1c: {  	s16 =	sadd.s32 $0x1, s12;
	_ =	swait.ge @!p1 [sflag:s14], $0x4000  }
0x1d: {  	s13 =	smov.u32 s11;
	s10 =	sadd.s32 $0x4000, s10;
	[sflag:s14] =	ssyncset.done @!p1 $0x0  }
0x1e: {  	s12 =	smov.u32 s16;
	s11 =	smov.u32 s15;
	[sflag:s14] =	ssyncadd.s32 @!p1 $0xFFFFC000  }
.LBB2_1:
0x1f: {  	p1 =	sge.u32 s12, s6  }
0x20: {  	s14 =	sand.u32 @!p1 $0x1FFFFFF, s11  }
0x21: {  	s15 =	smulhi.u32 @!p1 $0xCCCCCD, s14;
	_ =	sdelay $0x1  }
0x22: {  	s15 =	sshrl.u32 @!p1 s15, $0x5  }
0x23: {  	s15 =	smul.u32 @!p1 $0x2800, s15;
	_ =	sdelay $0x1  }
0x24: {  	s31 =	sadd.s32 $0xFFFFFFFF, s12;
	s16 =	sxor.u32 @!p1 $0xFFFFFFFF, s12;
	s14 =	ssub.s32 @!p1 s14, s15  }
0x25: {  	s17 =	simm.s32 @!p1 $0x80;
	s16 =	sshll.u32 @!p1 s16, $0xE;
	s14 =	sshll.u32 @!p1 s14, $0x4  }
0x26: {  	s15 =	sand.u32 @!p1 $0x4000, s16;
	s16 =	simm.s32 @!p1 $0x20;
	s14 =	sadd.s32 @!p1 s2, s14  }
0x27: {  	[tilespmem:s15], [sflag:$0x1] =	stream.strided.gather @!p1 [hbm4b:s14+s16], $0x4000, s17, s16, $0x38;
	[tilespmem:$0x10000] =	vst v63  }
0x28: {  	p1 =	sge.u32 s31, s6  }
.Ltmp2:
0x29: {  	_ = 	snop;
	(pc) =	sbr.rel @p1 .LBB2_5-.Ltmp2, $1  }
0x2a: {  	_ =	sdelay $0x3  }
0x2b: {  	s15 =	sand.u32 $0x4000, s10  }
0x2c: {  	s14 =	sor.u32 $0x10, s15  }
0x2d: {  	v0 =	vmov s14;
	_ =	sdelay $0x1  }
0x2e: {  	_ =	swait.ge [sflag:s4], $0x4000  }
0x2f: {  	[sflag:s4] =	ssyncset.done $0x0  }
0x30: {  	s16 =	sshll.u32 s12, $0xE;
	[sflag:s4] =	ssyncadd.s32 $0xFFFFC000;
	s14 =	simm.s32 $0x0  }
0x31: {  	s17 =	sor.u32 $0x8010, s15;
	s31 =	sand.u32 $0x4000, s16;
	v2 =	vld.idx.msk [tilespmem:v0+s14+$0x0 ss:$0x1], $0xffff  }
0x32: {  	s16 =	simm.s32 $0x80;
	s15 =	sor.u32 $0x8000, s31;
	v1 =	vmov s17;
	v3 =	vld.idx.msk [tilespmem:v0+s14+$0xFFFFFFF0 ss:$0x1], $0xffff  }
.LBB2_3:
0x33: {  	p1 =	sne.s32 s16, $0xFF80  }
.Ltmp3:
0x34: {  	_ = 	snop;
	(pc) =	sbr.rel @p1 .LBB2_3-.Ltmp3, $4  }
0x35: {  	_ = 	snop  }
0x36: {  	s17 =	sshra.s32 s16, $0x2;
	s16 =	sadd.s32 $0x80, s16  }
0x37: {  	[tilespmem:v1+s14+$0x0 ss:$0x1] =	vst.idx.msk $0xffff, v2;
	v2 =	vld.idx.msk [tilespmem:v0+s17+$0x0 ss:$0x1], $0xffff  }
0x38: {  	[tilespmem:v1+s14+$0xFFFFFFF0 ss:$0x1] =	vst.idx.msk $0xffff, v3;
	v3 =	vld.idx.msk [tilespmem:v0+s17+$0xFFFFFFF0 ss:$0x1], $0xffff;
	s14 =	smov.u32 s17  }
.Ltmp4:
0x39: {  	_ = 	snop;
	(pc) =	sbr.rel .LBB2_4-.Ltmp4, $1  }
0x3a: {  	_ =	sdelay $0x3  }
.LBB2_6:
0x3b: {  	_ =	sfence.sel $0x180000  }
0x3c: {  	s2 =	simm.s32 $0x1;
	[bflag:$0x0] =	sbarrier.arrive $0xFFFF  }
0x3d: {  	s31 =	simm.s32 $0x2;
	[sflag:s2] =	ssyncpa.u1 $0x1  }
0x3e: {  	[sflag:s31] =	ssyncpa.u1 $0x1  }
0x3f: {  	_ =	strace $0x9000004A  }
0x40: {  	s0 =	sadd.s32 @!p0 $0x100000, s0;
	[bflag:$0x2] =	sbarrier.arrive $0xFFFF  }
0x41: {  	[sflag:s0] =	ssyncadd.tile.s32 @!p0 $0x1;
	s0 =	simm.s32 @!p0 $0x3F  }
0x42: {  	_ =	swait.ge @!p0 [sflag:s0], s1  }
0x43: {  	s1 =	ssub.s32 @!p0 $0x0, s1;
	[sflag:s0] =	ssyncset.done @!p0 $0x0  }
0x44: {  	[sflag:s0] =	ssyncadd.s32 @!p0 s1  }
0x45: {  	[bflag:$0x3] =	sbarrier.arrive $0xFFFF  }
0x46: {  	_ =	shalt  }
.Lfunc_end2:
execute1_lowered:
.L_overlay_start_2:
0x47: {  	(tag) =	ssettag $0x2  }
0x48: {  	s8 =	rddreg [dreg:$0x0];
	_ =	strace $0x8000004D;
	s11 =	simm.s32 $0x1  }
0x49: {  	v0 =	vimm.s32 $0x0;
	[sflag:s11] =	ssyncpa.u1 $0x0  }
0x4a: {  	[tilespmem:$0x28] =	vst v0  }
0x4b: {  	[tilespmem:$0x38] =	vst v0  }
0x4c: {  	[tilespmem:$0x48] =	vst v0  }
0x4d: {  	[tilespmem:$0x58] =	vst v0  }
0x4e: {  	[tilespmem:$0x68] =	vst v0  }
0x4f: {  	[tilespmem:$0x78] =	vst v0  }
0x50: {  	[tilespmem:$0x88] =	vst v0  }
0x51: {  	[tilespmem:$0x98] =	vst v0  }
0x52: {  	[tilespmem:$0xA8] =	vst v0  }
0x53: {  	[tilespmem:$0xB8] =	vst v0  }
0x54: {  	[tilespmem:$0xC8] =	vst v0  }
0x55: {  	[tilespmem:$0xD8] =	vst v0  }
0x56: {  	[tilespmem:$0xE8] =	vst v0  }
0x57: {  	[tilespmem:$0xF8] =	vst v0  }
0x58: {  	[tilespmem:$0x108] =	vst v0  }
0x59: {  	[tilespmem:$0x118] =	vst v0  }
0x5a: {  	[tilespmem:$0x128] =	vst v0  }
0x5b: {  	[tilespmem:$0x138] =	vst v0  }
0x5c: {  	[tilespmem:$0x148] =	vst v0  }
0x5d: {  	[tilespmem:$0x158] =	vst v0  }
0x5e: {  	[tilespmem:$0x168] =	vst v0  }
0x5f: {  	[tilespmem:$0x178] =	vst v0  }
0x60: {  	[tilespmem:$0x188] =	vst v0  }
0x61: {  	[tilespmem:$0x198] =	vst v0  }
0x62: {  	[tilespmem:$0x1A8] =	vst v0  }
0x63: {  	[tilespmem:$0x1B8] =	vst v0  }
0x64: {  	[tilespmem:$0x1C8] =	vst v0  }
0x65: {  	[tilespmem:$0x1D8] =	vst v0  }
0x66: {  	[tilespmem:$0x1E8] =	vst v0  }
0x67: {  	[tilespmem:$0x1F8] =	vst v0  }
0x68: {  	[tilespmem:$0x208] =	vst v0  }
0x69: {  	[tilespmem:$0x218] =	vst v0  }
0x6a: {  	[tilespmem:$0x228] =	vst v0  }
0x6b: {  	[tilespmem:$0x238] =	vst v0  }
0x6c: {  	[tilespmem:$0x248] =	vst v0  }
0x6d: {  	[tilespmem:$0x258] =	vst v0  }
0x6e: {  	[tilespmem:$0x268] =	vst v0  }
0x6f: {  	[tilespmem:$0x278] =	vst v0  }
0x70: {  	[tilespmem:$0x288] =	vst v0  }
0x71: {  	[tilespmem:$0x298] =	vst v0  }
0x72: {  	[tilespmem:$0x2A8] =	vst v0  }
0x73: {  	[tilespmem:$0x2B8] =	vst v0  }
0x74: {  	[tilespmem:$0x2C8] =	vst v0  }
0x75: {  	[tilespmem:$0x2D8] =	vst v0  }
0x76: {  	[tilespmem:$0x2E8] =	vst v0  }
0x77: {  	[tilespmem:$0x2F8] =	vst v0  }
0x78: {  	[tilespmem:$0x308] =	vst v0  }
0x79: {  	[tilespmem:$0x318] =	vst v0  }
0x7a: {  	[tilespmem:$0x328] =	vst v0  }
0x7b: {  	[tilespmem:$0x338] =	vst v0  }
0x7c: {  	[tilespmem:$0x348] =	vst v0  }
0x7d: {  	[tilespmem:$0x358] =	vst v0  }
0x7e: {  	[tilespmem:$0x368] =	vst v0  }
0x7f: {  	[tilespmem:$0x378] =	vst v0  }
0x80: {  	[tilespmem:$0x388] =	vst v0  }
0x81: {  	[tilespmem:$0x398] =	vst v0  }
0x82: {  	[tilespmem:$0x3A8] =	vst v0  }
0x83: {  	[tilespmem:$0x3B8] =	vst v0  }
0x84: {  	[tilespmem:$0x3C8] =	vst v0  }
0x85: {  	[tilespmem:$0x3D8] =	vst v0  }
0x86: {  	[tilespmem:$0x3E8] =	vst v0  }
0x87: {  	[tilespmem:$0x3F8] =	vst v0  }
0x88: {  	[tilespmem:$0x408] =	vst v0  }
0x89: {  	[tilespmem:$0x418] =	vst v0  }
0x8a: {  	[tilespmem:$0x428] =	vst v0  }
0x8b: {  	[tilespmem:$0x438] =	vst v0  }
0x8c: {  	[tilespmem:$0x448] =	vst v0  }
0x8d: {  	[tilespmem:$0x458] =	vst v0  }
0x8e: {  	[tilespmem:$0x468] =	vst v0  }
0x8f: {  	[tilespmem:$0x478] =	vst v0  }
0x90: {  	[tilespmem:$0x488] =	vst v0  }
0x91: {  	[tilespmem:$0x498] =	vst v0  }
0x92: {  	[tilespmem:$0x4A8] =	vst v0  }
0x93: {  	[tilespmem:$0x4B8] =	vst v0  }
0x94: {  	[tilespmem:$0x4C8] =	vst v0  }
0x95: {  	[tilespmem:$0x4D8] =	vst v0  }
0x96: {  	[tilespmem:$0x4E8] =	vst v0  }
0x97: {  	[tilespmem:$0x4F8] =	vst v0  }
0x98: {  	[tilespmem:$0x508] =	vst v0  }
0x99: {  	[tilespmem:$0x518] =	vst v0  }
0x9a: {  	[tilespmem:$0x528] =	vst v0  }
0x9b: {  	[tilespmem:$0x538] =	vst v0  }
0x9c: {  	[tilespmem:$0x548] =	vst v0  }
0x9d: {  	[tilespmem:$0x558] =	vst v0  }
0x9e: {  	[tilespmem:$0x568] =	vst v0  }
0x9f: {  	[tilespmem:$0x578] =	vst v0  }
0xa0: {  	[tilespmem:$0x588] =	vst v0  }
0xa1: {  	[tilespmem:$0x598] =	vst v0  }
0xa2: {  	[tilespmem:$0x5A8] =	vst v0  }
0xa3: {  	[tilespmem:$0x5B8] =	vst v0  }
0xa4: {  	[tilespmem:$0x5C8] =	vst v0  }
0xa5: {  	[tilespmem:$0x5D8] =	vst v0  }
0xa6: {  	[tilespmem:$0x5E8] =	vst v0  }
0xa7: {  	[tilespmem:$0x5F8] =	vst v0  }
0xa8: {  	[tilespmem:$0x608] =	vst v0  }
0xa9: {  	[tilespmem:$0x618] =	vst v0  }
0xaa: {  	[tilespmem:$0x628] =	vst v0  }
0xab: {  	[tilespmem:$0x638] =	vst v0  }
0xac: {  	[tilespmem:$0x648] =	vst v0  }
0xad: {  	[tilespmem:$0x658] =	vst v0  }
0xae: {  	[tilespmem:$0x668] =	vst v0  }
0xaf: {  	[tilespmem:$0x678] =	vst v0  }
0xb0: {  	[tilespmem:$0x688] =	vst v0  }
0xb1: {  	[tilespmem:$0x698] =	vst v0  }
0xb2: {  	[tilespmem:$0x6A8] =	vst v0  }
0xb3: {  	[tilespmem:$0x6B8] =	vst v0  }
0xb4: {  	[tilespmem:$0x6C8] =	vst v0  }
0xb5: {  	[tilespmem:$0x6D8] =	vst v0  }
0xb6: {  	[tilespmem:$0x6E8] =	vst v0  }
0xb7: {  	[tilespmem:$0x6F8] =	vst v0  }
0xb8: {  	[tilespmem:$0x708] =	vst v0  }
0xb9: {  	[tilespmem:$0x718] =	vst v0  }
0xba: {  	[tilespmem:$0x728] =	vst v0  }
0xbb: {  	[tilespmem:$0x738] =	vst v0  }
0xbc: {  	[tilespmem:$0x748] =	vst v0  }
0xbd: {  	[tilespmem:$0x758] =	vst v0  }
0xbe: {  	[tilespmem:$0x768] =	vst v0  }
0xbf: {  	[tilespmem:$0x778] =	vst v0  }
0xc0: {  	[tilespmem:$0x788] =	vst v0  }
0xc1: {  	[tilespmem:$0x798] =	vst v0  }
0xc2: {  	[tilespmem:$0x7A8] =	vst v0  }
0xc3: {  	[tilespmem:$0x7B8] =	vst v0  }
0xc4: {  	[tilespmem:$0x7C8] =	vst v0  }
0xc5: {  	[tilespmem:$0x7D8] =	vst v0  }
0xc6: {  	[tilespmem:$0x7E8] =	vst v0  }
0xc7: {  	[tilespmem:$0x7F8] =	vst v0  }
0xc8: {  	[tilespmem:$0x808] =	vst v0  }
0xc9: {  	[tilespmem:$0x818] =	vst v0  }
0xca: {  	[tilespmem:$0x828] =	vst v0  }
0xcb: {  	[tilespmem:$0x838] =	vst v0  }
0xcc: {  	[tilespmem:$0x848] =	vst v0  }
0xcd: {  	[tilespmem:$0x858] =	vst v0  }
0xce: {  	[tilespmem:$0x868] =	vst v0  }
0xcf: {  	[tilespmem:$0x878] =	vst v0  }
0xd0: {  	[tilespmem:$0x888] =	vst v0  }
0xd1: {  	[tilespmem:$0x898] =	vst v0  }
0xd2: {  	[tilespmem:$0x8A8] =	vst v0  }
0xd3: {  	[tilespmem:$0x8B8] =	vst v0  }
0xd4: {  	[tilespmem:$0x8C8] =	vst v0  }
0xd5: {  	[tilespmem:$0x8D8] =	vst v0  }
0xd6: {  	[tilespmem:$0x8E8] =	vst v0  }
0xd7: {  	[tilespmem:$0x8F8] =	vst v0  }
0xd8: {  	[tilespmem:$0x908] =	vst v0  }
0xd9: {  	[tilespmem:$0x918] =	vst v0  }
0xda: {  	[tilespmem:$0x928] =	vst v0  }
0xdb: {  	[tilespmem:$0x938] =	vst v0  }
0xdc: {  	[tilespmem:$0x948] =	vst v0  }
0xdd: {  	[tilespmem:$0x958] =	vst v0  }
0xde: {  	[tilespmem:$0x968] =	vst v0  }
0xdf: {  	[tilespmem:$0x978] =	vst v0  }
0xe0: {  	[tilespmem:$0x988] =	vst v0  }
0xe1: {  	[tilespmem:$0x998] =	vst v0  }
0xe2: {  	[tilespmem:$0x9A8] =	vst v0  }
0xe3: {  	[tilespmem:$0x9B8] =	vst v0  }
0xe4: {  	[tilespmem:$0x9C8] =	vst v0  }
0xe5: {  	[tilespmem:$0x9D8] =	vst v0  }
0xe6: {  	[tilespmem:$0x9E8] =	vst v0  }
0xe7: {  	[tilespmem:$0x9F8] =	vst v0  }
0xe8: {  	[tilespmem:$0xA08] =	vst v0  }
0xe9: {  	[tilespmem:$0xA18] =	vst v0  }
0xea: {  	[tilespmem:$0xA28] =	vst v0  }
0xeb: {  	[tilespmem:$0xA38] =	vst v0  }
0xec: {  	[tilespmem:$0xA48] =	vst v0  }
0xed: {  	[tilespmem:$0xA58] =	vst v0  }
0xee: {  	[tilespmem:$0xA68] =	vst v0  }
0xef: {  	[tilespmem:$0xA78] =	vst v0  }
0xf0: {  	[tilespmem:$0xA88] =	vst v0  }
0xf1: {  	[tilespmem:$0xA98] =	vst v0  }
0xf2: {  	[tilespmem:$0xAA8] =	vst v0  }
0xf3: {  	[tilespmem:$0xAB8] =	vst v0  }
0xf4: {  	[tilespmem:$0xAC8] =	vst v0  }
0xf5: {  	[tilespmem:$0xAD8] =	vst v0  }
0xf6: {  	[tilespmem:$0xAE8] =	vst v0  }
0xf7: {  	[tilespmem:$0xAF8] =	vst v0  }
0xf8: {  	[tilespmem:$0xB08] =	vst v0  }
0xf9: {  	[tilespmem:$0xB18] =	vst v0  }
0xfa: {  	[tilespmem:$0xB28] =	vst v0  }
0xfb: {  	[tilespmem:$0xB38] =	vst v0  }
0xfc: {  	[tilespmem:$0xB48] =	vst v0  }
0xfd: {  	[tilespmem:$0xB58] =	vst v0  }
0xfe: {  	[tilespmem:$0xB68] =	vst v0  }
0xff: {  	[tilespmem:$0xB78] =	vst v0  }
0x100: {  	[tilespmem:$0xB88] =	vst v0  }
0x101: {  	[tilespmem:$0xB98] =	vst v0  }
0x102: {  	[tilespmem:$0xBA8] =	vst v0  }
0x103: {  	[tilespmem:$0xBB8] =	vst v0  }
0x104: {  	[tilespmem:$0xBC8] =	vst v0  }
0x105: {  	[tilespmem:$0xBD8] =	vst v0  }
0x106: {  	[tilespmem:$0xBE8] =	vst v0  }
0x107: {  	[tilespmem:$0xBF8] =	vst v0  }
0x108: {  	[tilespmem:$0xC08] =	vst v0  }
0x109: {  	[tilespmem:$0xC18] =	vst v0  }
0x10a: {  	[tilespmem:$0xC28] =	vst v0  }
0x10b: {  	[tilespmem:$0xC38] =	vst v0  }
0x10c: {  	[tilespmem:$0xC48] =	vst v0  }
0x10d: {  	[tilespmem:$0xC58] =	vst v0  }
0x10e: {  	[tilespmem:$0xC68] =	vst v0  }
0x10f: {  	[tilespmem:$0xC78] =	vst v0  }
0x110: {  	[tilespmem:$0xC88] =	vst v0  }
0x111: {  	[tilespmem:$0xC98] =	vst v0  }
0x112: {  	[tilespmem:$0xCA8] =	vst v0  }
0x113: {  	[tilespmem:$0xCB8] =	vst v0  }
0x114: {  	[tilespmem:$0xCC8] =	vst v0  }
0x115: {  	[tilespmem:$0xCD8] =	vst v0  }
0x116: {  	[tilespmem:$0xCE8] =	vst v0  }
0x117: {  	[tilespmem:$0xCF8] =	vst v0  }
0x118: {  	[tilespmem:$0xD08] =	vst v0  }
0x119: {  	[tilespmem:$0xD18] =	vst v0  }
0x11a: {  	[tilespmem:$0xD28] =	vst v0  }
0x11b: {  	[tilespmem:$0xD38] =	vst v0  }
0x11c: {  	[tilespmem:$0xD48] =	vst v0  }
0x11d: {  	[tilespmem:$0xD58] =	vst v0  }
0x11e: {  	[tilespmem:$0xD68] =	vst v0  }
0x11f: {  	[tilespmem:$0xD78] =	vst v0  }
0x120: {  	[tilespmem:$0xD88] =	vst v0  }
0x121: {  	[tilespmem:$0xD98] =	vst v0  }
0x122: {  	[tilespmem:$0xDA8] =	vst v0  }
0x123: {  	[tilespmem:$0xDB8] =	vst v0  }
0x124: {  	[tilespmem:$0xDC8] =	vst v0  }
0x125: {  	[tilespmem:$0xDD8] =	vst v0  }
0x126: {  	[tilespmem:$0xDE8] =	vst v0  }
0x127: {  	[tilespmem:$0xDF8] =	vst v0  }
0x128: {  	[tilespmem:$0xE08] =	vst v0  }
0x129: {  	[tilespmem:$0xE18] =	vst v0  }
0x12a: {  	[tilespmem:$0xE28] =	vst v0  }
0x12b: {  	[tilespmem:$0xE38] =	vst v0  }
0x12c: {  	[tilespmem:$0xE48] =	vst v0  }
0x12d: {  	[tilespmem:$0xE58] =	vst v0  }
0x12e: {  	[tilespmem:$0xE68] =	vst v0  }
0x12f: {  	[tilespmem:$0xE78] =	vst v0  }
0x130: {  	[tilespmem:$0xE88] =	vst v0  }
0x131: {  	[tilespmem:$0xE98] =	vst v0  }
0x132: {  	[tilespmem:$0xEA8] =	vst v0  }
0x133: {  	[tilespmem:$0xEB8] =	vst v0  }
0x134: {  	[tilespmem:$0xEC8] =	vst v0  }
0x135: {  	[tilespmem:$0xED8] =	vst v0  }
0x136: {  	[tilespmem:$0xEE8] =	vst v0  }
0x137: {  	[tilespmem:$0xEF8] =	vst v0  }
0x138: {  	[tilespmem:$0xF08] =	vst v0  }
0x139: {  	[tilespmem:$0xF18] =	vst v0  }
0x13a: {  	[tilespmem:$0xF28] =	vst v0  }
0x13b: {  	[tilespmem:$0xF38] =	vst v0  }
0x13c: {  	[tilespmem:$0xF48] =	vst v0  }
0x13d: {  	[tilespmem:$0xF58] =	vst v0  }
0x13e: {  	[tilespmem:$0xF68] =	vst v0  }
0x13f: {  	[tilespmem:$0xF78] =	vst v0  }
0x140: {  	[tilespmem:$0xF88] =	vst v0  }
0x141: {  	[tilespmem:$0xF98] =	vst v0  }
0x142: {  	[tilespmem:$0xFA8] =	vst v0  }
0x143: {  	[tilespmem:$0xFB8] =	vst v0  }
0x144: {  	[tilespmem:$0xFC8] =	vst v0  }
0x145: {  	[tilespmem:$0xFD8] =	vst v0  }
0x146: {  	[tilespmem:$0xFE8] =	vst v0  }
0x147: {  	[tilespmem:$0xFF8] =	vst v0  }
0x148: {  	[tilespmem:$0x1018] =	vst v0  }
0x149: {  	[tilespmem:$0x10D8] =	vst v0  }
0x14a: {  	[tilespmem:$0x1048] =	vst v0  }
0x14b: {  	[tilespmem:$0x1B28] =	vst v0  }
0x14c: {  	[tilespmem:$0x1B18] =	vst v0  }
0x14d: {  	[tilespmem:$0x1B08] =	vst v0  }
0x14e: {  	[tilespmem:$0x1AF8] =	vst v0  }
0x14f: {  	[tilespmem:$0x1AE8] =	vst v0  }
0x150: {  	[tilespmem:$0x1AD8] =	vst v0  }
0x151: {  	[tilespmem:$0x1AC8] =	vst v0  }
0x152: {  	[tilespmem:$0x1AB8] =	vst v0  }
0x153: {  	[tilespmem:$0x1AA8] =	vst v0  }
0x154: {  	[tilespmem:$0x1A98] =	vst v0  }
0x155: {  	[tilespmem:$0x1A88] =	vst v0  }
0x156: {  	[tilespmem:$0x1A78] =	vst v0  }
0x157: {  	[tilespmem:$0x1A68] =	vst v0  }
0x158: {  	[tilespmem:$0x1A58] =	vst v0  }
0x159: {  	[tilespmem:$0x1A48] =	vst v0  }
0x15a: {  	[tilespmem:$0x1A38] =	vst v0  }
0x15b: {  	[tilespmem:$0x1A28] =	vst v0  }
0x15c: {  	[tilespmem:$0x1A18] =	vst v0  }
0x15d: {  	[tilespmem:$0x1A08] =	vst v0  }
0x15e: {  	[tilespmem:$0x19F8] =	vst v0  }
0x15f: {  	[tilespmem:$0x19E8] =	vst v0  }
0x160: {  	[tilespmem:$0x19D8] =	vst v0  }
0x161: {  	[tilespmem:$0x19C8] =	vst v0  }
0x162: {  	[tilespmem:$0x19B8] =	vst v0  }
0x163: {  	[tilespmem:$0x19A8] =	vst v0  }
0x164: {  	[tilespmem:$0x1998] =	vst v0  }
0x165: {  	[tilespmem:$0x1988] =	vst v0  }
0x166: {  	[tilespmem:$0x1978] =	vst v0  }
0x167: {  	[tilespmem:$0x1968] =	vst v0  }
0x168: {  	[tilespmem:$0x1958] =	vst v0  }
0x169: {  	[tilespmem:$0x1948] =	vst v0  }
0x16a: {  	[tilespmem:$0x1938] =	vst v0  }
0x16b: {  	[tilespmem:$0x1928] =	vst v0  }
0x16c: {  	[tilespmem:$0x1918] =	vst v0  }
0x16d: {  	[tilespmem:$0x1908] =	vst v0  }
0x16e: {  	[tilespmem:$0x18F8] =	vst v0  }
0x16f: {  	[tilespmem:$0x18E8] =	vst v0  }
0x170: {  	[tilespmem:$0x18D8] =	vst v0  }
0x171: {  	[tilespmem:$0x18C8] =	vst v0  }
0x172: {  	[tilespmem:$0x18B8] =	vst v0  }
0x173: {  	[tilespmem:$0x18A8] =	vst v0  }
0x174: {  	[tilespmem:$0x1898] =	vst v0  }
0x175: {  	[tilespmem:$0x1888] =	vst v0  }
0x176: {  	[tilespmem:$0x1878] =	vst v0  }
0x177: {  	[tilespmem:$0x1868] =	vst v0  }
0x178: {  	[tilespmem:$0x1858] =	vst v0  }
0x179: {  	[tilespmem:$0x1848] =	vst v0  }
0x17a: {  	[tilespmem:$0x1838] =	vst v0  }
0x17b: {  	[tilespmem:$0x1828] =	vst v0  }
0x17c: {  	[tilespmem:$0x1818] =	vst v0  }
0x17d: {  	[tilespmem:$0x1808] =	vst v0  }
0x17e: {  	[tilespmem:$0x17F8] =	vst v0  }
0x17f: {  	[tilespmem:$0x17E8] =	vst v0  }
0x180: {  	[tilespmem:$0x17D8] =	vst v0  }
0x181: {  	[tilespmem:$0x17C8] =	vst v0  }
0x182: {  	[tilespmem:$0x17B8] =	vst v0  }
0x183: {  	[tilespmem:$0x17A8] =	vst v0  }
0x184: {  	[tilespmem:$0x1798] =	vst v0  }
0x185: {  	[tilespmem:$0x1788] =	vst v0  }
0x186: {  	[tilespmem:$0x1778] =	vst v0  }
0x187: {  	[tilespmem:$0x1768] =	vst v0  }
0x188: {  	[tilespmem:$0x1758] =	vst v0  }
0x189: {  	[tilespmem:$0x1748] =	vst v0  }
0x18a: {  	[tilespmem:$0x1738] =	vst v0  }
0x18b: {  	[tilespmem:$0x1728] =	vst v0  }
0x18c: {  	[tilespmem:$0x1718] =	vst v0  }
0x18d: {  	[tilespmem:$0x1708] =	vst v0  }
0x18e: {  	[tilespmem:$0x16F8] =	vst v0  }
0x18f: {  	[tilespmem:$0x16E8] =	vst v0  }
0x190: {  	[tilespmem:$0x16D8] =	vst v0  }
0x191: {  	[tilespmem:$0x16C8] =	vst v0  }
0x192: {  	[tilespmem:$0x16B8] =	vst v0  }
0x193: {  	[tilespmem:$0x16A8] =	vst v0  }
0x194: {  	[tilespmem:$0x1698] =	vst v0  }
0x195: {  	[tilespmem:$0x1688] =	vst v0  }
0x196: {  	[tilespmem:$0x1678] =	vst v0  }
0x197: {  	[tilespmem:$0x1668] =	vst v0  }
0x198: {  	[tilespmem:$0x1658] =	vst v0  }
0x199: {  	[tilespmem:$0x1648] =	vst v0  }
0x19a: {  	[tilespmem:$0x1638] =	vst v0  }
0x19b: {  	[tilespmem:$0x1628] =	vst v0  }
0x19c: {  	[tilespmem:$0x1618] =	vst v0  }
0x19d: {  	[tilespmem:$0x1608] =	vst v0  }
0x19e: {  	[tilespmem:$0x15F8] =	vst v0  }
0x19f: {  	[tilespmem:$0x15E8] =	vst v0  }
0x1a0: {  	[tilespmem:$0x15D8] =	vst v0  }
0x1a1: {  	[tilespmem:$0x15C8] =	vst v0  }
0x1a2: {  	[tilespmem:$0x15B8] =	vst v0  }
0x1a3: {  	[tilespmem:$0x15A8] =	vst v0  }
0x1a4: {  	[tilespmem:$0x1598] =	vst v0  }
0x1a5: {  	[tilespmem:$0x1588] =	vst v0  }
0x1a6: {  	[tilespmem:$0x1578] =	vst v0  }
0x1a7: {  	[tilespmem:$0x1568] =	vst v0  }
0x1a8: {  	[tilespmem:$0x1558] =	vst v0  }
0x1a9: {  	[tilespmem:$0x1548] =	vst v0  }
0x1aa: {  	[tilespmem:$0x1538] =	vst v0  }
0x1ab: {  	[tilespmem:$0x1528] =	vst v0  }
0x1ac: {  	[tilespmem:$0x1518] =	vst v0  }
0x1ad: {  	[tilespmem:$0x1508] =	vst v0  }
0x1ae: {  	[tilespmem:$0x14F8] =	vst v0  }
0x1af: {  	[tilespmem:$0x14E8] =	vst v0  }
0x1b0: {  	[tilespmem:$0x14D8] =	vst v0  }
0x1b1: {  	[tilespmem:$0x14C8] =	vst v0  }
0x1b2: {  	[tilespmem:$0x14B8] =	vst v0  }
0x1b3: {  	[tilespmem:$0x14A8] =	vst v0  }
0x1b4: {  	[tilespmem:$0x1498] =	vst v0  }
0x1b5: {  	[tilespmem:$0x1488] =	vst v0  }
0x1b6: {  	[tilespmem:$0x1478] =	vst v0  }
0x1b7: {  	[tilespmem:$0x1468] =	vst v0  }
0x1b8: {  	[tilespmem:$0x1458] =	vst v0  }
0x1b9: {  	[tilespmem:$0x1448] =	vst v0  }
0x1ba: {  	[tilespmem:$0x1438] =	vst v0  }
0x1bb: {  	[tilespmem:$0x1428] =	vst v0  }
0x1bc: {  	[tilespmem:$0x1418] =	vst v0  }
0x1bd: {  	[tilespmem:$0x1408] =	vst v0  }
0x1be: {  	[tilespmem:$0x13F8] =	vst v0  }
0x1bf: {  	[tilespmem:$0x13E8] =	vst v0  }
0x1c0: {  	[tilespmem:$0x13D8] =	vst v0  }
0x1c1: {  	[tilespmem:$0x13C8] =	vst v0  }
0x1c2: {  	[tilespmem:$0x13B8] =	vst v0  }
0x1c3: {  	[tilespmem:$0x13A8] =	vst v0  }
0x1c4: {  	[tilespmem:$0x1398] =	vst v0  }
0x1c5: {  	[tilespmem:$0x1388] =	vst v0  }
0x1c6: {  	[tilespmem:$0x1378] =	vst v0  }
0x1c7: {  	[tilespmem:$0x1368] =	vst v0  }
0x1c8: {  	[tilespmem:$0x1358] =	vst v0  }
0x1c9: {  	[tilespmem:$0x1348] =	vst v0  }
0x1ca: {  	[tilespmem:$0x1338] =	vst v0  }
0x1cb: {  	[tilespmem:$0x1328] =	vst v0  }
0x1cc: {  	[tilespmem:$0x1318] =	vst v0  }
0x1cd: {  	[tilespmem:$0x1308] =	vst v0  }
0x1ce: {  	[tilespmem:$0x12F8] =	vst v0  }
0x1cf: {  	[tilespmem:$0x12E8] =	vst v0  }
0x1d0: {  	[tilespmem:$0x12D8] =	vst v0  }
0x1d1: {  	[tilespmem:$0x12C8] =	vst v0  }
0x1d2: {  	[tilespmem:$0x12B8] =	vst v0  }
0x1d3: {  	[tilespmem:$0x12A8] =	vst v0  }
0x1d4: {  	[tilespmem:$0x1298] =	vst v0  }
0x1d5: {  	[tilespmem:$0x1288] =	vst v0  }
0x1d6: {  	[tilespmem:$0x1278] =	vst v0  }
0x1d7: {  	[tilespmem:$0x1268] =	vst v0  }
0x1d8: {  	[tilespmem:$0x1258] =	vst v0  }
0x1d9: {  	[tilespmem:$0x1248] =	vst v0  }
0x1da: {  	[tilespmem:$0x1238] =	vst v0  }
0x1db: {  	[tilespmem:$0x1228] =	vst v0  }
0x1dc: {  	[tilespmem:$0x1218] =	vst v0  }
0x1dd: {  	[tilespmem:$0x1208] =	vst v0  }
0x1de: {  	[tilespmem:$0x11F8] =	vst v0  }
0x1df: {  	[tilespmem:$0x11E8] =	vst v0  }
0x1e0: {  	[tilespmem:$0x11D8] =	vst v0  }
0x1e1: {  	[tilespmem:$0x11C8] =	vst v0  }
0x1e2: {  	[tilespmem:$0x11B8] =	vst v0  }
0x1e3: {  	[tilespmem:$0x11A8] =	vst v0  }
0x1e4: {  	[tilespmem:$0x1198] =	vst v0  }
0x1e5: {  	[tilespmem:$0x1188] =	vst v0  }
0x1e6: {  	[tilespmem:$0x1178] =	vst v0  }
0x1e7: {  	[tilespmem:$0x1168] =	vst v0  }
0x1e8: {  	[tilespmem:$0x1158] =	vst v0  }
0x1e9: {  	[tilespmem:$0x1148] =	vst v0  }
0x1ea: {  	[tilespmem:$0x1138] =	vst v0  }
0x1eb: {  	[tilespmem:$0x1128] =	vst v0  }
0x1ec: {  	s2 =	stileid.u32;
	[tilespmem:$0x1118] =	vst v0  }
0x1ed: {  	s0 =	smul.u32 $0x18, s2;
	[tilespmem:$0x1108] =	vst v0  }
0x1ee: {  	s1 =	smin.u32 s2, $0xA;
	[tilespmem:$0x10F8] =	vst v0  }
0x1ef: {  	[tilespmem:$0x10E8] =	vst v0;
	s0 =	sadd.s32 s1, s0  }
0x1f0: {  	p0 =	slt.u32 s2, $0xA;
	[tilespmem:$0x10B8] =	vst v0;
	s1 =	simm.s32 $0x2A30;
	s3 =	smul.u32 $0x1B0, s0  }
0x1f1: {  	s1 =	simm.s32 @!p0 $0x2880;
	[tilespmem:$0x10C8] =	vst v0  }
0x1f2: {  	[tilespmem:$0x10A8] =	vst v0;
	s0 =	sadd.s32 s1, s3  }
0x1f3: {  	[tilespmem:$0x1038] =	vst v0;
	s4 =	smin.u32 s0, $0x29810  }
0x1f4: {  	[tilespmem:$0x1098] =	vst v0;
	s0 =	ssub.s32 s4, s3  }
0x1f5: {  	s5 =	simm.s32 $0x2;
	s29 =	simm.s32 $0x7;
	[tilespmem:$0x1088] =	vst v0;
	p0 =	sgt.s32 s0, $0x0  }
0x1f6: {  	s13 =	simm.s32 $0x8;
	s30 =	simm.s32 $0x9;
	[tilespmem:$0x1078] =	vst v0;
	s0 =	simm.s32 @!p0 $0x0  }
0x1f7: {  	p4 =	por $0x0, $0x0;
	s14 =	simm.s32 $0xA;
	[tilespmem:$0x1068] =	vst v0;
	s6 =	smulhi.u32 $0x4BDA12F7, s0  }
0x1f8: {  	s18 =	simm.s32 $0x0;
	s15 =	simm.s32 $0x0;
	s17 =	simm.s32 $0x0;
	[tilespmem:$0x1058] =	vst v0  }
0x1f9: {  	s7 =	sadd.s32 $0x58C600, s8;
	s31 =	sshll.u32 s2, $0x5;
	[tilespmem:$0x1028] =	vst v0;
	s12 =	sshrl.u32 s6, $0x7  }
0x1fa: {  	[tilespmem:$0x1008] =	vst v0;
	[sflag:s5] =	ssyncpa.u1 $0x0;
	v0 =	vimm.s32 $0xFFFFFFFF;
	s5 =	sadd.s32 $0xD5AC00, s8;
	s10 =	smul.u32 $0x1B0, s12  }
.Ltmp5:
0x1fb: {  	[dreg:$0x2] =	wrdreg s31;
	[tilespmem:$0x3648] =	vst v0;
	[sflag:s29] =	ssyncpa.u1 $0x0;
	(pc) =	sbr.rel .LBB3_1-.Ltmp5, $4  }
0x1fc: {  	[sflag:s13] =	ssyncpa.u1 $0x0;
	s13 =	simm.s32 $0x0;
	p0 =	sne.s32 s0, s10  }
0x1fd: {  	[sflag:s30] =	ssyncpa.u1 $0x0;
	s1 =	sadd.s32 $0xD60000, s8;
	s11 =	simm.s32 @!p0 $0x0  }
0x1fe: {  	s16 =	smov.u32 s3;
	[dreg:$0x3] =	wrdreg s3;
	s11 =	sadd.s32 s11, s12  }
0x1ff: {  	v0 =	vlaneseq.u32;
	s6 =	sadd.s32 $0xD55800, s8;
	p0 =	por $0x1, $0x1;
	s8 =	sadd.s32 $0x1, s11  }
.LBB3_18:
0x200: {  	s0 =	simm.s32 $0x2  }
0x201: {  	_ =	swait.ge [sflag:s0], $0x0  }
0x202: {  	[sflag:s0] =	ssyncset.done $0x0;
	s0 =	simm.s32 $0x0  }
.LBB3_19:
0x203: {  	_ =	swait.ge [sflag:s14], s0  }
0x204: {  	s31 =	ssub.s32 $0x0, s0;
	v1 =	vmov s20;
	vm0 =	veq.s32 v0, $0x0;
	[sflag:s14] =	ssyncset.done $0x0  }
0x205: {  	vm15 =	veq.s32 v0, $0x2;
	v1 =	vsel vm0, s24, v1;
	[sflag:s14] =	ssyncadd.s32 s31  }
0x206: {  	v1 =	vsel vm15, s18, v1;
	[sflag:s14] =	ssyncpa.u1 $0x1  }
0x207: {  	[tilespmem:$0x3648] =	vst v1  }
.LBB3_20:
0x208: {  	s0 =	sadd.s32 $0x1B0, s16  }
0x209: {  	s2 =	smov.u32 s3;
	p1 =	slt.s32 s0, s4  }
0x20a: {  	s2 =	smov.u32 @p1 s0;
	p1 =	sne.s32 s17, s8  }
.Ltmp6:
0x20b: {  	_ = 	snop;
	(pc) =	sbr.rel @!p1 .LBB3_21-.Ltmp6, $4  }
0x20c: {  	_ = 	snop  }
0x20d: {  	s18 =	smov.u32 s15  }
0x20e: {  	s31 =	sadd.s32 $0x1, s17;
	s15 =	smov.u32 s16;
	p0 =	por !p0, !p0  }
0x20f: {  	p4 =	por !p4, !p4;
	s17 =	smov.u32 s31;
	s16 =	smov.u32 s2  }
.LBB3_1:
0x210: {  	p2 =	sge.u32 s17, s11  }
0x211: {  	s0 =	smulhi.u32 @!p2 $0xAAAAAAAB, s17  }
0x212: {  	s19 =	smov.u32 s16;
	p3 =	sgt.s32 @!p2 s16, $0x29660  }
0x213: {  	s20 =	sshra.s32 @!p2 s16, $0x1F;
	p3 =	por !p3, p2;
	s0 =	sshrl.u32 @!p2 s0, $0x1  }
0x214: {  	s20 =	sand.u32 @!p2 s20, s16;
	s19 =	simm.s32 @p3 $0x29660;
	s0 =	smul.u32 @!p2 $0x3, s0  }
0x215: {  	s19 =	ssub.s32 @!p2 s19, s20  }
0x216: {  	s19 =	sadd.s32 @!p2 $0xFFFD69A0, s19;
	s0 =	ssub.s32 @!p2 s17, s0  }
0x217: {  	s20 =	sshll.u32 @!p2 s19, $0x2;
	p3 =	sgt.s32 @!p2 s19, $0x1AF;
	s0 =	smul.u32 @!p2 $0x6C0, s0  }
0x218: {  	s21 =	sand.u32 @!p2 $0x7, s16;
	s19 =	ssub.s32 @!p2 $0x6C0, s20;
	p3 =	por !p3, p2  }
0x219: {  	s20 =	sshrl.u32 @!p2 s16, $0x3;
	s19 =	sshrl.u32 @!p2 s19, $0x2;
	s0 =	sshrl.u32 @!p2 s0, $0x2  }
0x21a: {  	s20 =	sadd.s32 @!p2 s5, s20;
	s19 =	simm.s32 @!p3 $0x0;
	s0 =	sadd.s32 @!p2 $0x3878, s0  }
0x21b: {  	[tilespmem:s0], [sflag:$0x8] =	stream.linear.gather @!p2 [hbm4b:s20+s21], s19, $0x38;
	[tilespmem:$0x1F0E8] =	vst v63  }
0x21c: {  	s20 =	sadd.s32 $0xFFFFFFFF, s17  }
0x21d: {  	p2 =	sge.u32 s20, s11  }
0x21e: {  	p3 =	sgt.s32 @!p2 s15, $0x29660  }
0x21f: {  	s0 =	smov.u32 s15;
	s19 =	sshra.s32 @!p2 s15, $0x1F;
	p3 =	por !p3, p2  }
0x220: {  	s19 =	sand.u32 @!p2 s19, s15;
	s0 =	simm.s32 @p3 $0x29660  }
0x221: {  	s0 =	ssub.s32 @!p2 s0, s19  }
0x222: {  	s0 =	sadd.s32 @!p2 $0xFFFD69A0, s0  }
0x223: {  	s19 =	sshll.u32 @!p2 s0, $0x2  }
0x224: {  	p3 =	sgt.s32 @!p2 s0, $0x1AF;
	s0 =	ssub.s32 @!p2 $0x6C0, s19  }
0x225: {  	p3 =	por !p3, p2;
	s0 =	sshrl.u32 @!p2 s0, $0x2  }
0x226: {  	s21 =	simm.s32 @!p2 $0x8;
	s19 =	sand.u32 @!p2 $0x1, s20;
	s0 =	simm.s32 @!p3 $0x0  }
0x227: {  	s19 =	smul.u32 @!p2 $0x6C0, s19;
	_ =	swait.ge @!p2 [sflag:s21], s0  }
0x228: {  	s22 =	ssub.s32 @!p2 $0x0, s0;
	[sflag:s21] =	ssyncset.done @!p2 $0x0  }
0x229: {  	s19 =	sshrl.u32 @!p2 s19, $0x2;
	[sflag:s21] =	ssyncadd.s32 @!p2 s22;
	s21 =	sshrl.u32 @!p2 s15, $0x3  }
0x22a: {  	s19 =	sadd.s32 @!p2 $0x3D88, s19;
	s22 =	sand.u32 @!p2 $0x7, s15;
	s21 =	sadd.s32 @!p2 s6, s21  }
0x22b: {  	[tilespmem:s19], [sflag:$0x9] =	stream.linear.gather @!p2 [hbm4b:s21+s22], s0, $0x38;
	[tilespmem:$0x1F0E8] =	vst v63  }
0x22c: {  	s19 =	ssub.s32 @!p2 $0x29810, s15  }
0x22d: {  	p3 =	slt.s32 @!p2 s19, $0x1  }
0x22e: {  	p3 =	por p2, p3  }
.Ltmp7:
0x22f: {  	_ = 	snop;
	(pc) =	sbr.rel @p3 .LBB3_7-.Ltmp7, $1  }
0x230: {  	_ =	sdelay $0x3  }
0x231: {  	s0 =	smulhi.u32 $0xAAAAAAAB, s20;
	_ =	sdelay $0x1  }
0x232: {  	s0 =	sshrl.u32 s0, $0x1  }
0x233: {  	s0 =	smul.u32 $0x3, s0;
	_ =	sdelay $0x1  }
0x234: {  	s0 =	ssub.s32 s20, s0  }
0x235: {  	s21 =	simm.s32 $0x1;
	s0 =	smul.u32 $0x6C0, s0  }
.Ltmp8:
0x236: {  	s21 =	simm.s32 @!p0 $0x0;
	(pc) =	sbr.rel .LBB3_4-.Ltmp8, $4  }
0x237: {  	s31 =	smul.u32 $0x36000, s21  }
0x238: {  	p3 =	slt.s32 @!p2 s19, $0x1B0;
	s0 =	sshrl.u32 s0, $0x2  }
0x239: {  	p2 =	por !p3, p2;
	s20 =	sshrl.u32 s31, $0x2;
	s0 =	sadd.s32 $0x3878, s0  }
0x23a: {  	s19 =	simm.s32 @p2 $0x1B0;
	s21 =	simm.s32 $0x0;
	s20 =	sadd.s32 $0x40E8, s20;
	v1 =	vmov s0  }
.LBB3_3:
0x23b: {  	p2 =	sge.s32 s21, s19  }
.Ltmp9:
0x23c: {  	_ = 	snop;
	(pc) =	sbr.rel @p2 .LBB3_7-.Ltmp9, $2  }
0x23d: {  	_ =	sdelay $0x2  }
0x23e: {  	s20 =	sadd.s32 $0x800, s20  }
.LBB3_4:
0x23f: {  	p2 =	sle.s32 s19, s21  }
.Ltmp10:
0x240: {  	_ = 	snop;
	(pc) =	sbr.rel @p2 .LBB3_3-.Ltmp10, $2  }
0x241: {  	_ =	sdelay $0x2  }
0x242: {  	s22 =	smov.u32 s21;
	s21 =	sadd.s32 $0x10, s21  }
0x243: {  	s0 =	ssub.s32 s19, s22  }
0x244: {  	p2 =	slt.s32 s0, $0x10  }
0x245: {  	s0 =	simm.s32 @!p2 $0x10  }
0x246: {  	v2 =	vmov s0  }
0x247: {  	vm0 =	vgt.s32 v2, v0;
	_ =	sdelay $0x5  }
0x248: {  	v2 =	vld.idx.msk [tilespmem:v1+s22+$0x0 ss:$0x1], vm0;
	_ =	sdelay $0x2  }
0x249: {  	s23 =	smov.u32 s19;
	p2 =	slt.s32 s21, s19  }
0x24a: {  	s24 =	smov.u32 s20;
	s25 =	simm.s32 $0x0;
	s23 =	smov.u32 @p2 s21  }
.LBB3_6:
0x24b: {  	(v2sf) =	vpush v2, s25;
	_ =	sdelay $0xc  }
0x24c: {  	s25 =	sadd.s32 $0x1, s25  }
0x24d: {  	s31 =	sadd.s32 s25, s22  }
0x24e: {  	p2 =	slt.s32 s31, s23;
	s0 =	spop (v2sf)  }
.Ltmp11:
0x24f: {  	s0 =	sshll.u32 s0, $0x4;
	(pc) =	sbr.rel @p2 .LBB3_6-.Ltmp11, $4  }
0x250: {  	s0 =	sand.u32 $0x1FFFFFF0, s0  }
0x251: {  	s0 =	sadd.s32 s7, s0  }
0x252: {  	[tilespmem:s24], [sflag:$0x7] =	stream.linear.gather [hbm4b:s0+s13], $0x8, $0x38;
	[tilespmem:$0x1F0E8] =	vst v63  }
0x253: {  	s24 =	sadd.s32 $0x80, s24  }
.Ltmp12:
0x254: {  	_ = 	snop;
	(pc) =	sbr.rel .LBB3_3-.Ltmp12, $1  }
0x255: {  	_ =	sdelay $0x3  }
.LBB3_7:
0x256: {  	p2 =	slt.u32 s17, $0x2  }
.Ltmp13:
0x257: {  	_ = 	snop;
	(pc) =	sbr.rel @p2 .LBB3_20-.Ltmp13, $1  }
0x258: {  	_ =	sdelay $0x3  }
0x259: {  	p2 =	sgt.s32 s18, $0x29660;
	s0 =	smov.u32 s18  }
0x25a: {  	s19 =	sshra.s32 s18, $0x1F;
	s20 =	ssub.s32 $0x29810, s18;
	s0 =	simm.s32 @!p2 $0x29660  }
0x25b: {  	s19 =	sand.u32 s19, s18;
	p2 =	slt.s32 s20, $0x1B0;
	s21 =	smov.u32 s20  }
0x25c: {  	s0 =	ssub.s32 s0, s19;
	s21 =	simm.s32 @!p2 $0x1B0  }
0x25d: {  	s0 =	sadd.s32 $0xFFFD69A0, s0;
	s26 =	sshll.u32 s21, $0x3  }
0x25e: {  	s2 =	simm.s32 $0x7;
	s28 =	sshll.u32 s0, $0x2;
	s19 =	sand.u32 $0x3FFFFFF8, s26  }
0x25f: {  	p2 =	sgt.s32 s0, $0x1AF;
	s29 =	ssub.s32 $0x6C0, s28;
	_ =	swait.ge [sflag:s2], s19  }
0x260: {  	s19 =	ssub.s32 $0x0, s19;
	[sflag:s2] =	ssyncset.done $0x0;
	s0 =	sshrl.u32 s29, $0x2  }
0x261: {  	s30 =	simm.s32 $0x9;
	[sflag:s2] =	ssyncadd.s32 s19;
	s0 =	simm.s32 @p2 $0x0  }
0x262: {  	_ =	swait.ge [sflag:s30], s0  }
0x263: {  	s0 =	ssub.s32 $0x0, s0;
	[sflag:s30] =	ssyncset.done $0x0  }
0x264: {  	[sflag:s30] =	ssyncadd.s32 s0  }
0x265: {  	v1 =	vld [tilespmem:$0x3648];
	_ =	sdelay $0x4  }
0x266: {  	(v2sf) =	vpush v1, $0x0  }
0x267: {  	(v2sf) =	vpush v1, $0x1  }
0x268: {  	(v2sf) =	vpush v1, $0x2;
	_ =	sdelay $0x3  }
0x269: {  	s0 =	sadd.s32 $0x1B0, s18  }
0x26a: {  	p2 =	slt.s32 s4, s0  }
0x26b: {  	s0 =	smov.u32 @p2 s4;
	p2 =	sgt.s32 s20, $0x0  }
0x26c: {  	s22 =	ssub.s32 s0, s18;
	s20 =	simm.s32 @!p2 $0x0  }
0x26d: {  	p2 =	slt.s32 s20, s22  }
0x26e: {  	s22 =	smov.u32 @p2 s20  }
0x26f: {  	s21 =	simm.s32 $0x1;
	p2 =	slt.s32 s22, $0x1  }
.Ltmp14:
0x270: {  	s21 =	simm.s32 @!p4 $0x0;
	(pc) =	sbr.rel @p2 .LBB3_12-.Ltmp14, $4  }
0x271: {  	s31 =	smul.u32 $0x6C0, s21  }
0x272: {  	s23 =	spop (v2sf)  }
0x273: {  	s0 =	sshrl.u32 s31, $0x2;
	s25 =	spop (v2sf)  }
0x274: {  	s19 =	sadd.s32 $0x3D88, s0;
	s18 =	spop (v2sf)  }
0x275: {  	s0 =	smin.u32 s22, $0x10  }
0x276: {  	v1 =	vmov s0  }
0x277: {  	p3 =	sgt.s32 s22, $0x10;
	vm1 =	vgt.u32 v1, v0  }
.Ltmp15:
0x278: {  	_ = 	snop;
	(pc) =	sbr.rel @!p3 .LBB3_11-.Ltmp15, $2  }
0x279: {  	_ =	sdelay $0x2  }
0x27a: {  	s24 =	simm.s32 $0x10;
	s26 =	sadd.s32 $0xFFFFFFF0, s22;
	s20 =	smov.u32 s19;
	vm0 =	vmmov vm1  }
.LBB3_10:
0x27b: {  	s0 =	smin.u32 s26, $0x10;
	s24 =	sadd.s32 $0x10, s24;
	v1 =	vld.msk [tilespmem:s20+$0x0 ss:$0x1], vm1  }
0x27c: {  	v2 =	vmov s0;
	p3 =	slt.s32 s24, s22  }
0x27d: {  	vm1 =	vgt.u32 v2, v0  }
.Ltmp16:
0x27e: {  	(pc) =	sbr.rel @p3 .LBB3_10-.Ltmp16, $3  }
0x27f: {  	_ =	sdelay $0x1  }
0x280: {  	v1 =	vshll.u32 v1, $0x4  }
0x281: {  	s26 =	sadd.s32 $0xFFFFFFF0, s26;
	[tilespmem:s20+$0x0] =	vst.msk vm0, v1;
	s20 =	sadd.s32 $0x10, s20;
	vm0 =	vmmov vm1  }
.LBB3_11:
0x282: {  	_ =	sdelay $0x4  }
0x283: {  	v1 =	vld.msk [tilespmem:s20+$0x0 ss:$0x1], vm1;
	_ =	sdelay $0x4  }
0x284: {  	v1 =	vshll.u32 v1, $0x4  }
0x285: {  	[tilespmem:s20+$0x0] =	vst.msk vm0, v1  }
.LBB3_12:
0x286: {  	s0 =	sand.u32 $0x1, s17  }
0x287: {  	s0 =	smul.u32 $0x1B0, s0  }
0x288: {  	p3 =	sne.s32 s25, $0xFFFFFFFF  }
0x289: {  	v1 =	vld.msk @!p3 [tilespmem:s0+$0x3D88], $0x1;
	_ =	sdelay $0x4  }
0x28a: {  	(v2sf) =	vpush @!p3 v1, $0x0;
	_ =	sdelay $0xc  }
.Ltmp17:
0x28b: {  	_ = 	snop;
	(pc) =	sbr.rel @p2 .LBB3_18-.Ltmp17, $4  }
0x28c: {  	_ = 	snop  }
0x28d: {  	s24 =	spop @!p3 (v2sf)  }
0x28e: {  	s18 =	simm.s32 @!p3 $0x0;
	s20 =	smov.u32 s24  }
0x28f: {  	[sflag:s14] =	ssyncpa.u1 $0x0;
	s24 =	smov.u32 @p3 s23;
	s20 =	smov.u32 @p3 s25  }
0x290: {  	v1 =	vld.msk [tilespmem:s19+$0x0], $0x1;
	_ =	sdelay $0x4  }
0x291: {  	(v2sf) =	vpush v1, $0x0;
	_ =	sdelay $0xd  }
0x292: {  	s0 =	simm.s32 @!p4 $0x0  }
0x293: {  	s26 =	smul.u32 $0x36000, s21;
	s25 =	ssub.s32 $0x0, s22;
	s28 =	spop (v2sf)  }
0x294: {  	s0 =	simm.s32 @p4 $0x1;
	s23 =	sadd.s32 $0x1, s25;
	p2 =	seq.s32 s24, s28  }
0x295: {  	[smem:$0x7FD] =	sst s0;
	s0 =	sshrl.u32 s26, $0x2;
	p3 =	sgt.s32 @!p2 s24, $0x0  }
0x296: {  	s21 =	sadd.s32 $0x40E8, s0;
	s0 =	smov.u32 s24;
	p3 =	por !p3, p2  }
0x297: {  	s0 =	simm.s32 @p3 $0x0;
	p3 =	seq.s32 s23, $0x0  }
.Ltmp18:
0x298: {  	_ = 	snop;
	(pc) =	sbr.rel @p3 .LBB3_15-.Ltmp18, $4  }
0x299: {  	s3 =	smov.u32 s8;
	s12 =	smov.u32 s5;
	s8 =	smov.u32 s6  }
0x29a: {  	s22 =	simm.s32 $0x0;
	s29 =	simm.s32 @!p2 $0x1;
	s0 =	smin.u32 @!p2 s0, $0x27FFF  }
0x29b: {  	s30 =	simm.s32 @!p2 $0x1B38;
	s29 =	smov.u32 @p2 s22;
	s26 =	sand.u32 @!p2 $0x3FFF8, s0  }
0x29c: {  	s31 =	sand.u32 @!p2 $0x7, s0;
	s0 =	sadd.s32 @!p2 s1, s26;
	s26 =	sadd.s32 $0x1, s19  }
.LBB3_14:
0x29d: {  	s2 =	smov.u32 s29  }
0x29e: {  	[tilespmem:s30], [sflag:$0x2] =	stream.linear.gather @!p2 [hbm4b:s0+s31], $0x8, $0x38;
	[tilespmem:$0x1F0E8] =	vst v63  }
0x29f: {  	s23 =	sadd.s32 $0x1, s23;
	s0 =	smov.u32 s28;
	v1 =	vld.msk [tilespmem:s26+$0x0], $0x1  }
0x2a0: {  	p3 =	seq.s32 s23, $0x0;
	_ =	sdelay $0x3  }
0x2a1: {  	(v2sf) =	vpush v1, $0x0;
	_ =	sdelay $0xe  }
0x2a2: {  	s28 =	spop (v2sf)  }
0x2a3: {  	p2 =	seq.s32 s0, s28  }
0x2a4: {  	p4 =	sgt.s32 @!p2 s0, $0x0;
	s30 =	sshll.u32 @!p2 s29, $0x6;
	s29 =	sadd.s32 @!p2 $0x1, s29  }
.Ltmp19:
0x2a5: {  	p4 =	por !p4, p2;
	s30 =	sshra.s32 @!p2 s30, $0x2;
	(pc) =	sbr.rel @!p3 .LBB3_14-.Ltmp19, $4  }
0x2a6: {  	s29 =	smov.u32 @p2 s2;
	s0 =	simm.s32 @p4 $0x0;
	s30 =	sadd.s32 @!p2 $0x1B38, s30  }
0x2a7: {  	s0 =	smin.u32 @!p2 s0, $0x27FFF  }
0x2a8: {  	s2 =	sand.u32 @!p2 $0x3FFF8, s0;
	s31 =	sand.u32 @!p2 $0x7, s0  }
0x2a9: {  	s26 =	sadd.s32 $0x1, s26;
	s0 =	sadd.s32 @!p2 s1, s2  }
.LBB3_15:
0x2aa: {  	[tilespmem:s30], [sflag:$0x2] =	stream.linear.gather @!p2 [hbm4b:s0+s31], $0x8, $0x38;
	[tilespmem:$0x1F0E8] =	vst v63  }
0x2ab: {  	s31 =	sshll.u32 s29, $0x3  }
0x2ac: {  	s2 =	simm.s32 $0x2;
	s0 =	sand.u32 $0x3FFFFFF8, s31  }
0x2ad: {  	_ =	swait.ge [sflag:s2], s0  }
0x2ae: {  	s0 =	ssub.s32 $0x0, s0;
	[sflag:s2] =	ssyncset.done $0x0  }
0x2af: {  	[sflag:s2] =	ssyncadd.s32 s0  }
0x2b0: {  	v1 =	vld.msk [tilespmem:s19+$0x0], $0x1;
	_ =	sdelay $0x4  }
0x2b1: {  	(v2sf) =	vpush v1, $0x0;
	_ =	sdelay $0xe  }
0x2b2: {  	s23 =	spop (v2sf)  }
0x2b3: {  	p2 =	sne.s32 s24, s23  }
0x2b4: {  	p4 =	sne.s32 @p2 s24, s20  }
0x2b5: {  	p3 =	por !p4, !p2  }
0x2b6: {  	s0 =	simm.s32 @!p3 $0x0  }
0x2b7: {  	v1 =	vld.msk @!p3 [tilespmem:s0+$0x1B38], $0xff  }
0x2b8: {  	p5 =	sgt.u32 @!p3 s24, $0x27FFF  }
0x2b9: {  	s2 =	sshll.u32 @!p3 s18, $0x6;
	p6 =	por @p2 p5, !p4  }
0x2ba: {  	s2 =	sshra.s32 @!p3 s2, $0x2;
	p1 =	por p6, !p2;
	p6 =	por p4, !p2  }
0x2bb: {  	s26 =	sadd.s32 @!p3 $0x28, s2;
	s28 =	sand.u32 @!p1 $0x3FFF8, s24;
	s29 =	sshll.u32 @!p6 s18, $0x6  }
0x2bc: {  	s24 =	sand.u32 @!p1 $0x7, s24;
	[tilespmem:s2+$0x28] =	vst.add.f32.msk @!p3 $0xff, v1;
	s2 =	sadd.s32 @!p1 s1, s28;
	s28 =	sshra.s32 @!p6 s29, $0x2  }
0x2bd: {  	[hbm4b:s2+s24] =	stream.linear.scatter @!p1 [tilespmem:s26], [sflag:$0xA], $0x8, $0x38;
	[tilespmem:$0x1F0E8] =	vst v63  }
0x2be: {  	s0 =	rddreg [dreg:$0x2];
	s2 =	sadd.s32 @!p6 $0x28, s28;
	s24 =	simm.s32 @!p6 $0x1  }
0x2bf: {  	[spmem:s0] =	stream.linear.scatter @!p6 [tilespmem:s2], [sflag:$0x1], $0x8, $0x38;
	[tilespmem:$0x1F0E8] =	vst v63  }
0x2c0: {  	s0 =	sadd.s32 @p2 $0x1, s18;
	_ =	swait.ge @!p6 [sflag:s24], $0x8  }
0x2c1: {  	s2 =	sshrl.u32 @p2 s0, $0x4;
	[sflag:s24] =	ssyncset.done @!p6 $0x0  }
0x2c2: {  	s2 =	smulhi.u32 @p2 $0x97B425F, s2;
	[sflag:s24] =	ssyncadd.s32 @!p6 $0xFFFFFFF8  }
0x2c3: {  	s24 =	sadd.s32 $0x1, s25;
	v1 =	vld.msk @p2 [tilespmem:s21+$0x0], $0xff  }
0x2c4: {  	p1 =	por @p2 !p5, !p4;
	s2 =	smul.u32 @p2 $0x1B0, s2;
	p4 =	seq.s32 s24, $0x0  }
.Ltmp20:
0x2c5: {  	p1 =	por !p1, !p2;
	s25 =	simm.s32 @!p3 $0x0;
	(pc) =	sbr.rel @p4 .LBB3_17-.Ltmp20, $4  }
0x2c6: {  	s26 =	sshll.u32 @!p2 s18, $0x6;
	s25 =	simm.s32 @!p1 $0x20;
	s0 =	ssub.s32 @p2 s0, s2  }
0x2c7: {  	s26 =	sshra.s32 @!p2 s26, $0x2;
	s28 =	sadd.s32 @!p3 $0x0, s25;
	s29 =	sshll.u32 @p2 s0, $0x4  }
0x2c8: {  	s25 =	simm.s32 $0x0;
	s2 =	simm.s32 @p2 $0x1;
	s28 =	smov.u32 @p3 s22;
	[tilespmem:s29+$0x28] =	vst.msk @p2 $0xff, v1  }
0x2c9: {  	s18 =	smov.u32 @p2 s0;
	s25 =	smov.u32 @p2 s28;
	s22 =	smov.u32 @p2 s2;
	v1 =	vld.msk @!p2 [tilespmem:s21+$0x0], $0xff  }
.LBB3_16:
0x2ca: {  	_ =	sdelay $0x3  }
0x2cb: {  	s19 =	sadd.s32 $0x1, s19;
	[tilespmem:s26+$0x28] =	vst.add.f32.msk @!p2 $0xff, v1  }
0x2cc: {  	v1 =	vld.msk [tilespmem:s19+$0x0], $0x1;
	_ =	sdelay $0x4  }
0x2cd: {  	(v2sf) =	vpush v1, $0x0;
	_ =	sdelay $0xe  }
0x2ce: {  	s0 =	smov.u32 s23;
	s23 =	spop (v2sf)  }
0x2cf: {  	p2 =	sne.s32 s0, s23  }
0x2d0: {  	p5 =	sne.s32 @p2 s0, s20  }
0x2d1: {  	p4 =	por !p5, !p2  }
0x2d2: {  	s30 =	sshll.u32 @!p4 s22, $0x6  }
0x2d3: {  	s30 =	sshra.s32 @!p4 s30, $0x2  }
0x2d4: {  	p1 =	sgt.u32 @!p4 s0, $0x27FFF;
	v1 =	vld.msk @!p4 [tilespmem:s30+$0x1B38], $0xff  }
0x2d5: {  	s31 =	sshll.u32 @!p4 s18, $0x6;
	p6 =	por @p2 p1, !p5;
	p1 =	por @p2 !p1, !p5  }
0x2d6: {  	s5 =	simm.s32 @!p4 $0x0;
	s31 =	sshra.s32 @!p4 s31, $0x2;
	p1 =	por !p1, !p2  }
0x2d7: {  	p5 =	por p5, !p2;
	s5 =	simm.s32 @!p1 $0x20;
	p1 =	por p6, !p2  }
0x2d8: {  	s30 =	sadd.s32 @!p4 $0x28, s31;
	s6 =	sshll.u32 @!p5 s18, $0x6;
	s10 =	sand.u32 @!p1 $0x3FFF8, s0  }
0x2d9: {  	s6 =	sshra.s32 @!p5 s6, $0x2;
	s0 =	sand.u32 @!p1 $0x7, s0;
	s10 =	sadd.s32 @!p1 s1, s10;
	[tilespmem:s31+$0x28] =	vst.add.f32.msk @!p4 $0xff, v1  }
0x2da: {  	[hbm4b:s10+s0] =	stream.linear.scatter @!p1 [tilespmem:s30], [sflag:$0xA], $0x8, $0x38;
	[tilespmem:$0x1F0E8] =	vst v63  }
0x2db: {  	s2 =	rddreg [dreg:$0x2];
	s0 =	sadd.s32 @!p5 $0x28, s6;
	s6 =	simm.s32 @!p5 $0x1  }
0x2dc: {  	[spmem:s2] =	stream.linear.scatter @!p5 [tilespmem:s0], [sflag:$0x1], $0x8, $0x38;
	[tilespmem:$0x1F0E8] =	vst v63  }
0x2dd: {  	s28 =	sadd.s32 @p2 $0x1, s18;
	_ =	swait.ge @!p5 [sflag:s6], $0x8  }
0x2de: {  	s29 =	sshrl.u32 @p2 s28, $0x4;
	[sflag:s6] =	ssyncset.done @!p5 $0x0  }
0x2df: {  	s21 =	sadd.s32 $0x80, s21;
	s29 =	smulhi.u32 @p2 $0x97B425F, s29;
	[sflag:s6] =	ssyncadd.s32 @!p5 $0xFFFFFFF8  }
0x2e0: {  	s24 =	sadd.s32 $0x1, s24;
	v1 =	vld.msk @p2 [tilespmem:s21+$0x0], $0xff  }
0x2e1: {  	p3 =	seq.s32 s24, $0x0;
	s29 =	smul.u32 @p2 $0x1B0, s29  }
.Ltmp21:
0x2e2: {  	_ = 	snop;
	(pc) =	sbr.rel @!p3 .LBB3_16-.Ltmp21, $4  }
0x2e3: {  	s28 =	ssub.s32 @p2 s28, s29  }
0x2e4: {  	s26 =	sshll.u32 @!p2 s18, $0x6;
	s5 =	sadd.s32 @!p4 s5, s25;
	s10 =	sshll.u32 @p2 s28, $0x4  }
0x2e5: {  	s9 =	sadd.s32 @p2 $0x1, s22;
	s26 =	sshra.s32 @!p2 s26, $0x2;
	s5 =	smov.u32 @p4 s25;
	[tilespmem:s10+$0x28] =	vst.msk @p2 $0xff, v1  }
0x2e6: {  	s22 =	smov.u32 @p2 s9;
	s18 =	smov.u32 @p2 s28;
	s25 =	smov.u32 @p2 s5;
	v1 =	vld.msk @!p2 [tilespmem:s21+$0x0], $0xff  }
.LBB3_17:
.Ltmp22:
0x2e7: {  	_ = 	snop;
	(pc) =	sbr.rel .LBB3_19-.Ltmp22, $4  }
0x2e8: {  	s2 =	sld [smem:$0x7FD]  }
0x2e9: {  	s0 =	sshrl.u32 s25, $0x2  }
0x2ea: {  	s24 =	smov.u32 s23;
	s6 =	smov.u32 s8;
	s5 =	smov.u32 s12  }
0x2eb: {  	s8 =	smov.u32 s3;
	s3 =	rddreg [dreg:$0x3];
	p4 =	seq.s32 s2, $0x1;
	[tilespmem:s26+$0x28] =	vst.add.f32.msk @!p2 $0xff, v1  }
.LBB3_21:
0x2ec: {  	_ =	sfence.sel $0x180000  }
0x2ed: {  	s0 =	simm.s32 $0x7;
	[bflag:$0x0] =	sbarrier.arrive $0xFFFF  }
0x2ee: {  	s25 =	simm.s32 $0x8;
	[sflag:s0] =	ssyncpa.u1 $0x1  }
0x2ef: {  	s26 =	simm.s32 $0x9;
	[sflag:s25] =	ssyncpa.u1 $0x1  }
0x2f0: {  	s28 =	simm.s32 $0x2;
	[sflag:s26] =	ssyncpa.u1 $0x1  }
0x2f1: {  	[sflag:s28] =	ssyncpa.u1 $0x1  }
0x2f2: {  	v0 =	vld [tilespmem:$0x3648];
	_ =	sdelay $0x4  }
0x2f3: {  	(v2sf) =	vpush v0, $0x0  }
0x2f4: {  	(v2sf) =	vpush v0, $0x1;
	_ =	sdelay $0x1  }
0x2f5: {  	(v2sf) =	vpush v0, $0x2;
	_ =	sdelay $0xb  }
0x2f6: {  	s0 =	spop (v2sf)  }
0x2f7: {  	s2 =	spop (v2sf)  }
0x2f8: {  	s3 =	smov.u32 s0;
	p0 =	sne.s32 s0, s2  }
0x2f9: {  	s4 =	spop (v2sf);
	s3 =	simm.s32 @!p0 $0xFFFFFFFF  }
0x2fa: {  	v2 =	vimm.s32 $0x1;
	v3 =	vlaneseq.u32;
	p0 =	seq.s32 s4, $0xFFFFFFFF;
	v1 =	vmov s3  }
0x2fb: {  	s7 =	stileid.u32;
	v0 =	vperm.xlane v0, v2;
	p1 =	sne.s32 @!p0 s0, s2;
	v1 =	vperm.xlane v1, v3  }
0x2fc: {  	vm0 =	vcmask $0x3F04;
	s6 =	simm.s32 $0x3648;
	s0 =	simm.s32 @!p0 $0x1;
	p1 =	por !p1, p0  }
0x2fd: {  	s3 =	sshll.u32 s7, $0x1;
	s2 =	sshll.u32 @!p0 s4, $0x6;
	s0 =	simm.s32 @p1 $0x0;
	v0 =	vsel vm0, v1, v0  }
0x2fe: {  	s5 =	sor.u32 $0x200, s3;
	s2 =	sshra.s32 @!p0 s2, $0x2;
	s0 =	sor.u32 @!p0 s0, s3;
	[tilespmem:$0x3648] =	vst v0  }
0x2ff: {  	[spmem:s5] =	stream.linear.scatter [tilespmem:s6], [sflag:$0x1], $0x2, $0x38;
	[tilespmem:$0x1F0E8] =	vst v63  }
0x300: {  	s2 =	sadd.s32 @!p0 $0x28, s2;
	s0 =	sshll.u32 @!p0 s0, $0x4  }
0x301: {  	[spmem:s0] =	stream.linear.scatter @!p0 [tilespmem:s2], [sflag:$0x1], $0x10, $0x38;
	[tilespmem:$0x1F0E8] =	vst v63  }
0x302: {  	s0 =	simm.s32 @!p0 $0x12  }
0x303: {  	s3 =	simm.s32 $0x1;
	s0 =	simm.s32 @p0 $0x2  }
0x304: {  	_ =	swait.ge [sflag:s3], s0  }
0x305: {  	s0 =	ssub.s32 $0x0, s0;
	[sflag:s3] =	ssyncset.done $0x0  }
0x306: {  	[sflag:s3] =	ssyncadd.s32 s0  }
0x307: {  	_ =	sfence.stream.spmem  }
0x308: {  	s29 =	simm.s32 $0x3;
	[bflag:$0x0] =	sbarrier.arrive $0xFFFF  }
0x309: {  	s30 =	simm.s32 $0x4;
	[sflag:s29] =	ssyncpa.u1 $0x1  }
0x30a: {  	s31 =	simm.s32 $0x3C;
	[sflag:s30] =	ssyncpa.u1 $0x1  }
0x30b: {  	p0 =	sne.s32 s7, $0x0;
	[sflag:s31] =	ssyncpa.u1 $0x1  }
0x30c: {  	_ =	sfence @p0  }
0x30d: {  	[sflag:s3] =	ssyncpa.u1 @p0 $0x1  }
0x30e: {  	_ =	strace @p0 $0x9000004D  }
0x30f: {  	[bflag:$0x2] =	sbarrier.arrive @p0 $0xFFFF  }
0x310: {  	_ =	shalt @p0  }
.LBB3_22:
0x311: {  	_ =	sfence.stream.spmem;
	s0 =	simm.s32 $0x5  }
0x312: {  	s2 =	simm.s32 $0x200;
	s3 =	simm.s32 $0x3658;
	[sflag:s0] =	ssyncpa.u1 $0x0  }
0x313: {  	[tilespmem:s3], [sflag:$0x5] =	stream.linear.gather [spmem:s2], $0x20, $0x38;
	[tilespmem:$0x1F0E8] =	vst v63  }
0x314: {  	s30 =	simm.s32 $0x3678;
	s2 =	simm.s32 $0x0  }
0x315: {  	[tilespmem:s30], [sflag:$0x5] =	stream.linear.gather [spmem:s2], $0x200, $0x38;
	[tilespmem:$0x1F0E8] =	vst v63  }
.Ltmp23:
0x316: {  	_ = 	snop;
	(pc) =	sbr.rel .LBB3_23-.Ltmp23, $4  }
0x317: {  	_ =	swait.ge [sflag:s0], $0x220  }
0x318: {  	[sflag:s0] =	ssyncset.done $0x0  }
0x319: {  	s31 =	simm.s32 $0x6;
	[sflag:s0] =	ssyncadd.s32 $0xFFFFFDE0  }
0x31a: {  	s3 =	simm.s32 $0x0;
	[sflag:s31] =	ssyncpa.u1 $0x0  }
.LBB3_28:
0x31b: {  	p0 =	slt.u32 s4, $0x28000  }
0x31c: {  	s0 =	sand.u32 @p0 $0x3FFF8, s4  }
0x31d: {  	s4 =	sand.u32 @p0 $0x7, s4;
	s5 =	simm.s32 @p0 $0x3638;
	s0 =	sadd.s32 @p0 s1, s0  }
0x31e: {  	[tilespmem:s5], [sflag:$0x6] =	stream.linear.gather @p0 [hbm4b:s0+s4], $0x8, $0x38;
	[tilespmem:$0x1F0E8] =	vst v63  }
0x31f: {  	s0 =	simm.s32 @p0 $0x6  }
0x320: {  	_ =	swait.ge @p0 [sflag:s0], $0x8  }
0x321: {  	[sflag:s0] =	ssyncset.done @p0 $0x0  }
0x322: {  	[sflag:s0] =	ssyncadd.s32 @p0 $0xFFFFFFF8  }
0x323: {  	v1 =	vld @p0 [tilespmem:$0x3638];
	_ =	sdelay $0x2  }
0x324: {  	s0 =	sshll.u32 @p0 s3, $0x6  }
0x325: {  	s5 =	sshll.u32 @!p0 s3, $0x6;
	s4 =	sshrl.u32 @p0 s0, $0x2  }
0x326: {  	s5 =	smov.u32 @p0 s0;
	[tilespmem:s4+$0x3678] =	vst.add.f32.msk @p0 $0xffff, v1  }
0x327: {  	s0 =	sshrl.u32 s5, $0x2;
	[tilespmem:s2+$0x3658] =	vst.msk $0x1, v0  }
0x328: {  	v0 =	vld [tilespmem:s0+$0x3678];
	_ =	sdelay $0x2  }
0x329: {  	s31 =	sshll.u32 s2, $0x6  }
0x32a: {  	s0 =	sshra.s32 s31, $0x2  }
0x32b: {  	s2 =	sadd.s32 $0x1, s2;
	[tilespmem:s0+$0x3678] =	vst v0  }
.LBB3_30:
0x32c: {  	s3 =	sadd.s32 $0x1, s3  }
0x32d: {  	p0 =	sne.s32 s3, $0x20  }
.Ltmp24:
0x32e: {  	_ = 	snop;
	(pc) =	sbr.rel @!p0 .LBB3_31-.Ltmp24, $1  }
0x32f: {  	_ =	sdelay $0x3  }
.LBB3_23:
0x330: {  	v0 =	vld.msk [tilespmem:s3+$0x3658], $0x1;
	_ =	sdelay $0x4  }
0x331: {  	(v2sf) =	vpush v0, $0x0;
	_ =	sdelay $0xe  }
0x332: {  	s4 =	spop (v2sf)  }
0x333: {  	p0 =	seq.s32 s4, $0xFFFFFFFF  }
.Ltmp25:
0x334: {  	_ = 	snop;
	(pc) =	sbr.rel @p0 .LBB3_30-.Ltmp25, $1  }
0x335: {  	_ =	sdelay $0x3  }
0x336: {  	p0 =	slt.s32 s2, $0x1  }
.Ltmp26:
0x337: {  	_ = 	snop;
	(pc) =	sbr.rel @p0 .LBB3_28-.Ltmp26, $1  }
0x338: {  	_ =	sdelay $0x3  }
0x339: {  	s5 =	simm.s32 $0x3658;
	p0 =	por $0x0, $0x0  }
0x33a: {  	v1 =	vld.msk @!p0 [tilespmem:s5+$0x0], $0x1;
	_ =	sdelay $0x4  }
0x33b: {  	(v2sf) =	vpush @!p0 v1, $0x0;
	_ =	sdelay $0xd  }
0x33c: {  	p2 =	sne.s32 s2, $0x1  }
.Ltmp27:
0x33d: {  	s0 =	spop @!p0 (v2sf);
	(pc) =	sbr.rel @!p2 .LBB3_27-.Ltmp27, $4  }
0x33e: {  	p1 =	seq.s32 @!p0 s4, s0  }
0x33f: {  	s6 =	simm.s32 $0x0;
	p1 =	por !p1, p0  }
0x340: {  	s0 =	simm.s32 $0xFFFFFFFF;
	s6 =	simm.s32 @p1 $0xFFFFFFFF  }
0x341: {  	s7 =	simm.s32 $0x1;
	s6 =	smov.u32 @p0 s0  }
.LBB3_26:
0x342: {  	s0 =	smov.u32 s6;
	p0 =	sne.s32 s6, $0xFFFFFFFF  }
0x343: {  	s5 =	sadd.s32 $0x1, s5;
	s6 =	smov.u32 s7;
	s7 =	sadd.s32 $0x1, s7  }
0x344: {  	p1 =	sne.s32 s2, s7;
	v1 =	vld.msk @!p0 [tilespmem:s5+$0x0], $0x1;
	_ =	sdelay $0x4  }
0x345: {  	(v2sf) =	vpush @!p0 v1, $0x0;
	_ =	sdelay $0xe  }
.Ltmp28:
0x346: {  	s8 =	spop @!p0 (v2sf);
	(pc) =	sbr.rel @p1 .LBB3_26-.Ltmp28, $4  }
0x347: {  	p2 =	seq.s32 @!p0 s4, s8  }
0x348: {  	p2 =	por !p2, p0  }
0x349: {  	s6 =	simm.s32 @p2 $0xFFFFFFFF  }
0x34a: {  	s6 =	smov.u32 @p0 s0  }
.LBB3_27:
0x34b: {  	p0 =	sne.s32 s6, $0xFFFFFFFF  }
.Ltmp29:
0x34c: {  	_ = 	snop;
	(pc) =	sbr.rel @!p0 .LBB3_28-.Ltmp29, $1  }
0x34d: {  	_ =	sdelay $0x3  }
0x34e: {  	s0 =	sshll.u32 s3, $0x4  }
0x34f: {  	s0 =	sand.u32 $0x3FFFFFF0, s0  }
0x350: {  	v0 =	vld [tilespmem:s0+$0x3678]  }
.Ltmp30:
0x351: {  	_ = 	snop;
	(pc) =	sbr.rel .LBB3_30-.Ltmp30, $4  }
0x352: {  	_ = 	snop  }
0x353: {  	s31 =	sshll.u32 s6, $0x6  }
0x354: {  	s0 =	sshra.s32 s31, $0x2  }
0x355: {  	[tilespmem:s0+$0x3678] =	vst.add.f32.msk $0xffff, v0  }
.LBB3_31:
0x356: {  	p0 =	slt.s32 s2, $0x1  }
.Ltmp31:
0x357: {  	_ = 	snop;
	(pc) =	sbr.rel @p0 .LBB3_35-.Ltmp31, $3  }
0x358: {  	_ =	sdelay $0x1  }
0x359: {  	s0 =	simm.s32 $0x6  }
0x35a: {  	s3 =	simm.s32 $0x0;
	[sflag:s0] =	ssyncpa.u1 $0x1  }
0x35b: {  	s0 =	simm.s32 $0x3658  }
0x35c: {  	v0 =	vld.msk [tilespmem:s0+$0x0], $0x1;
	_ =	sdelay $0x4  }
0x35d: {  	(v2sf) =	vpush v0, $0x0;
	_ =	sdelay $0xd  }
0x35e: {  	s2 =	sadd.s32 $0xFFFFFFFF, s2  }
0x35f: {  	p1 =	sne.s32 s2, $0x0;
	s0 =	spop (v2sf)  }
.Ltmp32:
0x360: {  	p0 =	sgt.u32 s0, $0x27FFF;
	(pc) =	sbr.rel @!p1 .LBB3_34-.Ltmp32, $4  }
0x361: {  	s4 =	simm.s32 $0x3678;
	s5 =	sand.u32 @!p0 $0x3FFF8, s0  }
0x362: {  	s6 =	simm.s32 $0x0;
	s0 =	sand.u32 @!p0 $0x7, s0;
	s5 =	sadd.s32 @!p0 s1, s5  }
0x363: {  	[hbm4b:s5+s0] =	stream.linear.scatter @!p0 [tilespmem:s4], [sflag:$0x5], $0x8, $0x38;
	[tilespmem:$0x1F0E8] =	vst v63  }
0x364: {  	s6 =	simm.s32 @!p0 $0x20;
	s5 =	simm.s32 $0x3659  }
.LBB3_33:
0x365: {  	v0 =	vld.msk [tilespmem:s5+$0x0], $0x1;
	s2 =	sadd.s32 $0xFFFFFFFF, s2;
	s3 =	sadd.s32 s3, s6  }
0x366: {  	p0 =	sne.s32 s2, $0x0;
	_ =	sdelay $0x3  }
0x367: {  	(v2sf) =	vpush v0, $0x0;
	_ =	sdelay $0xe  }
.Ltmp33:
0x368: {  	s0 =	spop (v2sf);
	(pc) =	sbr.rel @p0 .LBB3_33-.Ltmp33, $4  }
0x369: {  	s6 =	simm.s32 $0x0;
	p1 =	sgt.u32 s0, $0x27FFF  }
0x36a: {  	s4 =	sadd.s32 $0x10, s4;
	s6 =	simm.s32 @!p1 $0x20;
	s7 =	sand.u32 @!p1 $0x3FFF8, s0  }
0x36b: {  	s5 =	sadd.s32 $0x1, s5;
	s0 =	sand.u32 @!p1 $0x7, s0;
	s7 =	sadd.s32 @!p1 s1, s7  }
0x36c: {  	[hbm4b:s7+s0] =	stream.linear.scatter @!p1 [tilespmem:s4], [sflag:$0x5], $0x8, $0x38;
	[tilespmem:$0x1F0E8] =	vst v63  }
.LBB3_34:
0x36d: {  	s0 =	sadd.s32 s3, s6  }
0x36e: {  	s3 =	sshrl.u32 s0, $0x2  }
.LBB3_35:
0x36f: {  	s0 =	simm.s32 $0x5  }
0x370: {  	_ =	swait.ge [sflag:s0], s3  }
0x371: {  	s1 =	ssub.s32 $0x0, s3;
	[sflag:s0] =	ssyncset.done $0x0  }
0x372: {  	[sflag:s0] =	ssyncadd.s32 s1  }
0x373: {  	[sflag:s0] =	ssyncpa.u1 $0x1  }
0x374: {  	s30 =	simm.s32 $0x1;
	_ =	sfence  }
0x375: {  	[sflag:s30] =	ssyncpa.u1 $0x1  }
0x376: {  	_ =	strace $0x9000004D  }
0x377: {  	[bflag:$0x2] =	sbarrier.arrive $0xFFFF  }
0x378: {  	s31 =	rddreg [dreg:$0x1]  }
0x379: {  	s0 =	sadd.s32 $0x100000, s31  }
0x37a: {  	[sflag:s0] =	ssyncadd.tile.s32 $0x1;
	_ =	shalt  }
.Lfunc_end3:
_tile_overlayer_lowered:
.L_overlay_start_3:
0x37b: {  	(tag) =	ssettag $0x3  }
0x37c: {  	s0 =	rddreg [dreg:$0x0];
	s2 =	stileid.u32  }
0x37d: {  	s1 =	rddreg [dreg:$0x1];
	p0 =	sne.s32 s2, $0x0  }
0x37e: {  	s3 =	rddreg [dreg:$0x2];
	[bflag:$0x3] =	sbarrier.arrive $0xFFFF;
	s2 =	simm.s32 @!p0 $0x1C01  }
0x37f: {  	[timem:s3], [sflag:s2] =	dma.local @!p0 [hbm:s0], s1  }
0x380: {  	s0 =	simm.s32 @!p0 $0x1  }
0x381: {  	_ =	swait.ge @!p0 [sflag:s0], s1  }
0x382: {  	s1 =	ssub.s32 @!p0 $0x0, s1;
	[sflag:s0] =	ssyncset.done @!p0 $0x0  }
0x383: {  	[sflag:s0] =	ssyncadd.s32 @!p0 s1  }
0x384: {  	[bflag:$0x3] =	sbarrier.arrive $0xFFFF  }
0x385: {  	_ =	shalt  }

// kernel: sparse-core-data-format-call.1.cloned.1.call-start
scs
called_computation.5_lowered:
.L_overlay_start_0:
0x0: {  	s1 =	sld [smem:$0x3FD9]  }
0x1: {  	s2 =	sld [smem:$0x3FFE];
	_ =	sdelay $0x1  }
0x2: {  	s3 =	srdreg.scid  }
0x3: {  	s0 =	sand.u32 $0x1, s3  }
0x4: {  	s17 =	sshll.u32 s0, $0xA;
	s1 =	sadd.s32 s2, s1  }
0x5: {  	s1 =	sadd.s32 s1, s17  }
0x6: {  	[smem:$0x3FBE] =	sst s1  }
0x7: {  	_ = 	snop  }
0x8: {  	(tm) =	ssettm $0x1  }
0x9: {  	s18 =	sld [smem:$0x3FFB];
	_ =	sdelay $0x3  }
0xa: {  	_ =	strace s18  }
0xb: {  	s1 =	sld [smem:$0x3FFC];
	_ =	sdelay $0x3  }
0xc: {  	_ =	strace s1  }
0xd: {  	s1 =	sld [smem:$0x3FFD];
	_ =	sdelay $0x3  }
0xe: {  	_ =	strace s1  }
0xf: {  	_ =	strace $0x8FFFFFFF  }
0x10: {  	s19 =	sld [smem:$0x3FDB];
	_ =	sdelay $0x1  }
0x11: {  	s20 =	simm.s32 $_scs_section_size  }
0x12: {  	s4 =	simm.s32 $_size__tile_overlayer_lowered;
	s5 =	simm.s32 $_tile_overlayer_lowered  }
0x13: {  	s23 =	simm.s32 $0x1BFF;
	s22 =	sshll.u32 s5, $0x1;
	s1 =	sadd.s32 s20, s19  }
0x14: {  	s6 =	simm.s32 $0x0;
	s21 =	sshll.u32 s4, $0x1;
	s4 =	sadd.s32 s22, s1  }
0x15: {  	[timem:s6], [sflag:s23] =	dma.local [hbm:s4], s21  }
0x16: {  	_ =	swait.ge [sflag:s23], s21  }
0x17: {  	s2 =	ssub.s32 $0x0, s21;
	[sflag:s23] =	ssyncset.done $0x0  }
0x18: {  	[sflag:s23] =	ssyncadd.s32 s2;
	_ =	sdelay $0x1  }
0x19: {  	s24 =	simm.s32 $0x1B8B  }
0x1a: {  	_ =	swait.ge [sflag:s24], $0x1  }
0x1b: {  	[sflag:s24] =	ssyncset.done $0x0  }
0x1c: {  	s26 =	simm.s32 $0x1B8E;
	s25 =	sld [smem:$0x3FFE];
	[sflag:s24] =	ssyncadd.s32 $0xFFFFFFFF  }
0x1d: {  	s27 =	simm.s32 $execute0_lowered;
	[smem:$0x3FD2] =	sst s26  }
0x1e: {  	s4 =	sshll.u32 s27, $0x1;
	_ =	strace $0x80000046;
	[dreg:$0x1] =	wrdreg $0xFFFFFFFF  }
0x1f: {  	s28 =	simm.s32 $_size_execute0_lowered;
	s1 =	sadd.s32 s1, s4;
	[dreg:$0x0] =	wrdreg $0x0  }
0x20: {  	s4 =	sshll.u32 s28, $0x1;
	[dreg:$0x2] =	wrdreg s1  }
0x21: {  	[dreg:$0x3] =	wrdreg s4  }
0x22: {  	[dreg:$0x4] =	wrdreg $0xC0  }
0x23: {  	_ =	task [dreg:s6], $0x5FFFF  }
0x24: {  	[dreg:$0x1] =	wrdreg $0xFFFFFFFF  }
0x25: {  	[dreg:$0x0] =	wrdreg $0x60  }
0x26: {  	[dreg:$0x2] =	wrdreg s25  }
0x27: {  	[dreg:$0x3] =	wrdreg $0xB  }
0x28: {  	_ =	task.clear_ibuf [dreg:s6], $0x4FFFF;
	_ =	strace $0x90000046  }
0x29: {  	s29 =	simm.s32 $0xB;
	_ =	strace $0x80000048  }
0x2a: {  	_ =	swait.ge [sflag:s29], $0x1  }
0x2b: {  	[sflag:s29] =	ssyncadd.s32 $0xFFFFFFFF  }
0x2c: {  	_ =	strace $0x90000048  }
0x2d: {  	_ =	sfence  }
0x2e: {  	s30 =	sld [smem:$0x0];
	_ =	sdelay $0x2  }
0x2f: {  	s31 =	sshll.u32 s3, $0xD;
	s3 =	sshrl.u32 s3, $0x2  }
0x30: {  	s2 =	sand.u32 $0x4000, s31;
	s1 =	sadd.s32 s3, s30  }
0x31: {  	s0 =	sor.u32 s2, s0;
	s1 =	sshll.u32 s1, $0x11  }
0x32: {  	s0 =	sor.u32 s1, s0  }
0x33: {  	s0 =	sadd.s32 $0x8F2B, s0  }
0x34: {  	[sflag:s0] =	ssyncadd.remote.s32 $0x1  }
0x35: {  	_ =	sfence.sel $0xFFFF  }
0x36: {  	[dreg:$0x0] =	wrdreg $0xFFFFFFFF;
	(pc) =	sbr.abs _section_cstart, $3  }
0x37: {  	[dreg:$0x1] =	wrdreg $0xFFFFFFFF  }
0x38: {  	_ =	task.clear_ibuf [dreg:s6], $0x2FFFF;
	_ =	strace $0x9FFFFFFF  }
0x39: {  	(tm) =	ssettm $0x7FFFFFFF  }
tec
execute0_lowered:
.L_overlay_start_1:
0x0: {  	(tag) =	ssettag $0x1  }
0x1: {  	s0 =	stileid.u32  }
0x2: {  	s1 =	srdreg.scid;
	s7 =	rddreg [dreg:$0x0];
	s31 =	simm.s32 $0x2  }
0x3: {  	s16 =	simm.s32 $0x0;
	p0 =	por $0x0, $0x0;
	s9 =	simm.s32 $0x800  }
0x4: {  	s15 =	simm.s32 $0x0;
	s10 =	simm.s32 $0x0;
	s11 =	simm.s32 $0x0  }
0x5: {  	s2 =	sshll.u32 s0, $0x7;
	s3 =	sshll.u32 s0, $0x6;
	s1 =	sshll.u32 s1, $0xA  }
0x6: {  	s14 =	simm.s32 $0x0;
	s2 =	sand.u32 $0x80, s2;
	s1 =	sor.u32 s3, s1  }
0x7: {  	s3 =	sand.u32 $0x780, s1;
	s4 =	ssub.s32 $0x100, s2;
	s1 =	rddreg [dreg:$0x1]  }
0x8: {  	s5 =	sshrl.u32 s4, $0x7;
	s6 =	ssub.s32 $0x29800, s3;
	s4 =	sshrl.u32 s4, $0x8  }
.Ltmp0:
0x9: {  	s5 =	sand.u32 $0x1, s5;
	s6 =	sshrl.u32 s6, $0xB;
	(pc) =	sbr.rel .LBB1_1-.Ltmp0, $4  }
0xa: {  	_ =	strace $0x80000047;
	s8 =	sadd.s32 s4, s5;
	s6 =	sadd.s32 $0x1, s6  }
0xb: {  	s13 =	smov.u32 s2;
	s5 =	simm.s32 $0x1;
	s6 =	smul.u32 s8, s6  }
0xc: {  	s12 =	smov.u32 s3;
	s4 =	sadd.s32 $0x824800, s7;
	[sflag:s5] =	ssyncpa.u1 $0x0  }
0xd: {  	s7 =	sadd.s32 $0x5C200, s7;
	[sflag:s31] =	ssyncpa.u1 $0x0;
	s8 =	sadd.s32 $0x1, s6  }
.LBB1_4:
0xe: {  	s21 =	sshra.s32 s21, $0x2;
	s22 =	sshll.u32 s10, $0x8  }
0xf: {  	s23 =	sshll.u32 s11, $0x3;
	s24 =	sshll.u32 s10, $0x7;
	s27 =	sand.u32 $0x78, s11  }
0x10: {  	p1 =	sgt.s32 s10, $0x29790;
	s22 =	sand.u32 $0xFFFFF800, s22;
	s23 =	sand.u32 $0xFFFFFC00, s23  }
0x11: {  	s20 =	sadd.s32 s21, s20;
	s26 =	sand.u32 $0x300, s24;
	s28 =	sand.u32 $0x80, s24  }
0x12: {  	v5 =	vld [tilespmem:s18+$0xFFFFFFD0];
	[tilespmem:s19+$0x2040 ss:$0x81] =	vst.msk $0xffff, v4;
	s25 =	sadd.s32 s23, s22;
	s22 =	sor.u32 s27, s28;
	s23 =	smov.u32 s10  }
0x13: {  	v58 =	vld [tilespmem:s18+$0xFFFFFFE0];
	[tilespmem:s19+$0x2850 ss:$0x81] =	vst.msk $0xffff, v3;
	s21 =	sor.u32 s26, s25;
	s23 =	simm.s32 @!p1 $0x29790;
	s25 =	sshra.s32 s10, $0x1F  }
0x14: {  	v59 =	vld [tilespmem:s18+$0xFFFFFFF0];
	[tilespmem:s19+$0x3060 ss:$0x81] =	vst.msk $0xffff, v2;
	p1 =	sgt.s32 s11, $0x80;
	s26 =	sshra.s32 s11, $0x1F;
	s21 =	sshrl.u32 s21, $0x8  }
0x15: {  	v60 =	vld [tilespmem:s18+$0x0];
	[tilespmem:s19+$0x0 ss:$0x81] =	vst.msk $0xffff, v1;
	s30 =	sand.u32 s25, s10;
	s25 =	smov.u32 s11;
	s31 =	sand.u32 s26, s11  }
0x16: {  	v61 =	vld [tilespmem:s18+$0x10];
	[tilespmem:s20+$0x3870 ss:$0x81] =	vst.msk $0xffff, v0;
	s29 =	smulhi.u32 $0xC56107, s21;
	s19 =	ssub.s32 s23, s30;
	s25 =	simm.s32 @!p1 $0x80  }
0x17: {  	v62 =	vld [tilespmem:s18+$0x20];
	[tilespmem:s20+$0x810 ss:$0x81] =	vst.msk $0xffff, v5;
	s23 =	ssub.s32 s25, s31;
	s26 =	sadd.s32 $0xFFFD6870, s19;
	s19 =	ssub.s32 $0x29810, s19  }
0x18: {  	v63 =	vld [tilespmem:s18+$0xFFFFFFC0];
	[tilespmem:s20+$0x1020 ss:$0x81] =	vst.msk $0xffff, v58;
	s24 =	sshrl.u32 s29, $0x9;
	p1 =	sgt.s32 s26, $0x7F;
	s28 =	sadd.s32 $0xFFFFFF80, s23  }
0x19: {  	[tilespmem:s20+$0x1830 ss:$0x81] =	vst.msk $0xffff, v59;
	s23 =	ssub.s32 $0x100, s23;
	s27 =	smul.u32 $0x29810, s24;
	p2 =	sgt.s32 s28, $0x7F  }
0x1a: {  	[tilespmem:s20+$0x2040 ss:$0x81] =	vst.msk $0xffff, v60;
	s30 =	sand.u32 $0x7, s11;
	s19 =	simm.s32 @p1 $0x0;
	s23 =	simm.s32 @p2 $0x0  }
0x1b: {  	[tilespmem:s20+$0x2850 ss:$0x81] =	vst.msk $0xffff, v61;
	s29 =	sshrl.u32 s22, $0x3;
	s18 =	ssub.s32 s21, s27;
	s19 =	smul.u32 s23, s19  }
0x1c: {  	[tilespmem:s20+$0x3060 ss:$0x81] =	vst.msk $0xffff, v62;
	s22 =	sshll.u32 s30, $0x12;
	s21 =	sadd.s32 s7, s29;
	s18 =	sshll.u32 s18, $0x5  }
0x1d: {  	[tilespmem:s20+$0x0 ss:$0x81] =	vst.msk $0xffff, v63;
	s31 =	sor.u32 $0x400, s22;
	s19 =	sand.u32 $0x3FFFFFFF, s19;
	s18 =	sadd.s32 s18, s21  }
0x1e: {  	[hbm4b:s18+s31] =	stream.strided.scatter [tilespmem:s17], [sflag:$0x2], s19, s9, s31, $0x20;
	[tilespmem:$0x10100] =	vst v63  }
.LBB1_5:
0x1f: {  	p1 =	slt.u32 s14, $0x2  }
0x20: {  	s18 =	smov.u32 s16;
	p2 =	sgt.s32 @!p1 s16, $0x29790;
	s17 =	sshra.s32 @!p1 s16, $0x1F  }
0x21: {  	p3 =	sgt.s32 @!p1 s15, $0x80;
	s19 =	sshra.s32 @!p1 s15, $0x1F;
	p2 =	por !p2, p1  }
0x22: {  	s16 =	sand.u32 @!p1 s17, s16;
	p3 =	por !p3, p1;
	s17 =	smov.u32 s15  }
0x23: {  	s15 =	sand.u32 @!p1 s19, s15;
	s18 =	simm.s32 @p2 $0x29790;
	s17 =	simm.s32 @p3 $0x80  }
0x24: {  	s16 =	ssub.s32 @!p1 s18, s16;
	s15 =	ssub.s32 @!p1 s17, s15  }
0x25: {  	s19 =	smov.u32 s13;
	s17 =	sadd.s32 @!p1 $0xFFFD6870, s16;
	s18 =	sadd.s32 @!p1 $0xFFFFFF80, s15  }
0x26: {  	s16 =	ssub.s32 @!p1 $0x29810, s16;
	p2 =	sgt.s32 @!p1 s17, $0x7F;
	p3 =	sgt.s32 @!p1 s18, $0x7F  }
0x27: {  	s15 =	ssub.s32 @!p1 $0x100, s15;
	p2 =	por !p2, p1;
	p3 =	por !p3, p1  }
0x28: {  	s17 =	sadd.s32 $0x800, s12;
	s16 =	simm.s32 @!p2 $0x0;
	s15 =	simm.s32 @!p3 $0x0  }
0x29: {  	p2 =	sgt.s32 s17, $0x2980F;
	s15 =	smul.u32 @!p1 s15, s16;
	s16 =	sadd.s32 $0x100, s13  }
0x2a: {  	s19 =	smov.u32 @p2 s16  }
0x2b: {  	s17 =	smov.u32 @p2 s3;
	p2 =	sgt.s32 s19, $0xFF  }
0x2c: {  	s19 =	smov.u32 @p2 s2;
	p2 =	sne.s32 s14, s8  }
.Ltmp1:
0x2d: {  	p0 =	por !p0, !p0;
	s18 =	simm.s32 @!p1 $0x2;
	(pc) =	sbr.rel @!p2 .LBB1_6-.Ltmp1, $4  }
0x2e: {  	s16 =	smov.u32 s10;
	s10 =	smov.u32 s12;
	s15 =	sand.u32 @!p1 $0x3FFFFFFF, s15  }
0x2f: {  	s12 =	smov.u32 s17;
	_ =	swait.ge @!p1 [sflag:s18], s15;
	s20 =	ssub.s32 @!p1 $0x0, s15  }
0x30: {  	s15 =	smov.u32 s11;
	s14 =	sadd.s32 $0x1, s14;
	[sflag:s18] =	ssyncset.done @!p1 $0x0  }
0x31: {  	s11 =	smov.u32 s13;
	s13 =	smov.u32 s19;
	[sflag:s18] =	ssyncadd.s32 @!p1 s20  }
.LBB1_1:
0x32: {  	p1 =	sge.u32 s14, s6  }
0x33: {  	s17 =	sshrl.u32 @!p1 s13, $0x3  }
0x34: {  	s18 =	sshll.u32 @!p1 s12, $0x3;
	s17 =	smul.u32 @!p1 $0x14C400, s17  }
0x35: {  	s19 =	sshll.u32 @!p1 s13, $0x7;
	s18 =	sand.u32 @!p1 $0xFFFFFC00, s18  }
0x36: {  	s17 =	sadd.s32 @!p1 s17, s18;
	s18 =	sand.u32 @!p1 $0x380, s19  }
0x37: {  	s17 =	sor.u32 @!p1 s18, s17  }
0x38: {  	s18 =	sshrl.u32 @!p1 s17, $0x7  }
0x39: {  	s18 =	smulhi.u32 @!p1 $0x18A7F85, s18;
	_ =	sdelay $0x1  }
0x3a: {  	s18 =	sshrl.u32 @!p1 s18, $0x3  }
0x3b: {  	s19 =	sand.u32 @!p1 $0x7F, s12;
	s20 =	smul.u32 @!p1 $0x29880, s18  }
0x3c: {  	s31 =	sadd.s32 $0xFFFFFFFF, s14;
	s17 =	sor.u32 @!p1 s19, s17;
	s19 =	sxor.u32 @!p1 $0xFFFFFFFF, s14  }
0x3d: {  	s19 =	sshll.u32 @!p1 s19, $0xE;
	s18 =	sand.u32 @!p1 $0xFF, s18;
	s17 =	ssub.s32 @!p1 s17, s20  }
0x3e: {  	s18 =	smul.u32 @!p1 $0x5310, s18;
	s20 =	sshrl.u32 @!p1 s17, $0x3;
	s17 =	sand.u32 @!p1 $0x7, s17  }
0x3f: {  	s19 =	sand.u32 @!p1 $0x4000, s19;
	s20 =	sadd.s32 @!p1 s4, s20;
	s17 =	sshll.u32 @!p1 s17, $0x12  }
0x40: {  	s18 =	sadd.s32 @!p1 s18, s20;
	s17 =	sor.u32 @!p1 $0x400, s17;
	s20 =	simm.s32 @!p1 $0x14C400  }
0x41: {  	[tilespmem:s19], [sflag:$0x1] =	stream.strided.gather @!p1 [hbm4b:s18+s17], $0x4000, s20, s17, $0x38;
	[tilespmem:$0x10100] =	vst v63  }
0x42: {  	p1 =	sge.u32 s31, s6  }
.Ltmp2:
0x43: {  	_ = 	snop;
	(pc) =	sbr.rel @p1 .LBB1_5-.Ltmp2, $1  }
0x44: {  	_ =	sdelay $0x3  }
0x45: {  	s17 =	simm.s32 $0x1  }
0x46: {  	_ =	swait.ge [sflag:s5], $0x4000;
	s17 =	simm.s32 @!p0 $0x0  }
0x47: {  	[sflag:s5] =	ssyncset.done $0x0;
	s18 =	sshll.u32 s17, $0xE  }
0x48: {  	[sflag:s5] =	ssyncadd.s32 $0xFFFFC000;
	s18 =	sor.u32 $0x40, s18  }
0x49: {  	s17 =	smul.u32 $0x10200, s17;
	v0 =	vld [tilespmem:s18+$0x30]  }
0x4a: {  	v1 =	vld [tilespmem:s18+$0xFFFFFFD0]  }
0x4b: {  	s17 =	sshrl.u32 s17, $0x2;
	v5 =	vld [tilespmem:s18+$0xFFFFFFE0]  }
0x4c: {  	v6 =	vld [tilespmem:s18+$0xFFFFFFF0];
	s20 =	sor.u32 $0x8000, s17  }
0x4d: {  	s31 =	sand.u32 $0x1, s14;
	v4 =	vld [tilespmem:s18+$0x0];
	s19 =	sadd.s32 $0x0, s20  }
0x4e: {  	v3 =	vld [tilespmem:s18+$0x10];
	s17 =	smul.u32 $0x10200, s31;
	[tilespmem:s19+$0x3870 ss:$0x81] =	vst.msk $0xffff, v0  }
0x4f: {  	v2 =	vld [tilespmem:s18+$0x20];
	[tilespmem:s19+$0x810 ss:$0x81] =	vst.msk $0xffff, v1  }
0x50: {  	s17 =	sshrl.u32 s17, $0x2;
	v1 =	vld [tilespmem:s18+$0xFFFFFFC0];
	[tilespmem:s19+$0x1020 ss:$0x81] =	vst.msk $0xffff, v5;
	s18 =	sadd.s32 $0x80, s18  }
0x51: {  	s21 =	simm.s32 $0x4;
	s22 =	simm.s32 $0x8;
	s17 =	sor.u32 $0x8000, s17;
	[tilespmem:s19+$0x1830 ss:$0x81] =	vst.msk $0xffff, v6;
	v0 =	vld [tilespmem:s18+$0x30]  }
.LBB1_3:
0x52: {  	p1 =	sne.s32 s22, $0x1FC;
	v5 =	vld [tilespmem:s18+$0xFFFFFFD0];
	[tilespmem:s19+$0x2040 ss:$0x81] =	vst.msk $0xffff, v4  }
0x53: {  	v6 =	vld [tilespmem:s18+$0xFFFFFFE0];
	[tilespmem:s19+$0x2850 ss:$0x81] =	vst.msk $0xffff, v3  }
0x54: {  	s23 =	sshra.s32 s21, $0x2;
	s21 =	smov.u32 s22;
	v7 =	vld [tilespmem:s18+$0xFFFFFFF0];
	[tilespmem:s19+$0x3060 ss:$0x81] =	vst.msk $0xffff, v2  }
.Ltmp3:
0x55: {  	v4 =	vld [tilespmem:s18+$0x0];
	[tilespmem:s19+$0x0 ss:$0x81] =	vst.msk $0xffff, v1;
	s19 =	sadd.s32 s23, s20;
	(pc) =	sbr.rel @p1 .LBB1_3-.Ltmp3, $4  }
0x56: {  	v3 =	vld [tilespmem:s18+$0x10];
	[tilespmem:s19+$0x3870 ss:$0x81] =	vst.msk $0xffff, v0  }
0x57: {  	[tilespmem:s19+$0x810 ss:$0x81] =	vst.msk $0xffff, v5;
	v2 =	vld [tilespmem:s18+$0x20]  }
0x58: {  	v1 =	vld [tilespmem:s18+$0xFFFFFFC0];
	[tilespmem:s19+$0x1020 ss:$0x81] =	vst.msk $0xffff, v6;
	s18 =	sadd.s32 $0x80, s18  }
0x59: {  	s22 =	sadd.s32 $0x4, s22;
	v0 =	vld [tilespmem:s18+$0x30];
	[tilespmem:s19+$0x1830 ss:$0x81] =	vst.msk $0xffff, v7  }
.Ltmp4:
0x5a: {  	_ = 	snop;
	(pc) =	sbr.rel .LBB1_4-.Ltmp4, $1  }
0x5b: {  	_ =	sdelay $0x3  }
.LBB1_6:
0x5c: {  	_ =	sfence.sel $0x180000  }
0x5d: {  	s2 =	simm.s32 $0x1;
	[bflag:$0x0] =	sbarrier.arrive $0xFFFF  }
0x5e: {  	s31 =	simm.s32 $0x2;
	[sflag:s2] =	ssyncpa.u1 $0x1  }
0x5f: {  	[sflag:s31] =	ssyncpa.u1 $0x1  }
0x60: {  	p0 =	sne.s32 s0, $0x0;
	_ =	strace $0x90000047  }
0x61: {  	s0 =	sadd.s32 @!p0 $0x100000, s1;
	[bflag:$0x2] =	sbarrier.arrive $0xFFFF  }
0x62: {  	[sflag:s0] =	ssyncadd.tile.s32 @!p0 $0x1;
	_ =	shalt  }
.Lfunc_end1:
_tile_overlayer_lowered:
.L_overlay_start_2:
0x63: {  	(tag) =	ssettag $0x2  }
0x64: {  	s0 =	rddreg [dreg:$0x0];
	s2 =	stileid.u32  }
0x65: {  	s1 =	rddreg [dreg:$0x1];
	p0 =	sne.s32 s2, $0x0  }
0x66: {  	s3 =	rddreg [dreg:$0x2];
	[bflag:$0x3] =	sbarrier.arrive $0xFFFF;
	s2 =	simm.s32 @!p0 $0x1C01  }
0x67: {  	[timem:s3], [sflag:s2] =	dma.local @!p0 [hbm:s0], s1  }
0x68: {  	s0 =	simm.s32 @!p0 $0x1  }
0x69: {  	_ =	swait.ge @!p0 [sflag:s0], s1  }
0x6a: {  	s1 =	ssub.s32 @!p0 $0x0, s1;
	[sflag:s0] =	ssyncset.done @!p0 $0x0  }
0x6b: {  	[sflag:s0] =	ssyncadd.s32 @!p0 s1  }
0x6c: {  	[bflag:$0x3] =	sbarrier.arrive $0xFFFF  }
0x6d: {  	_ =	shalt  }

// kernel: sparse-core-data-format-call.cloned.1.call-start
scs
called_computation.4_lowered:
.L_overlay_start_0:
0x0: {  	s1 =	sld [smem:$0x3FD9]  }
0x1: {  	s2 =	sld [smem:$0x3FFE];
	_ =	sdelay $0x1  }
0x2: {  	s3 =	srdreg.scid  }
0x3: {  	s0 =	sand.u32 $0x1, s3  }
0x4: {  	s17 =	sshll.u32 s0, $0xA;
	s1 =	sadd.s32 s2, s1  }
0x5: {  	s1 =	sadd.s32 s1, s17  }
0x6: {  	[smem:$0x3FBE] =	sst s1  }
0x7: {  	_ = 	snop  }
0x8: {  	(tm) =	ssettm $0x1  }
0x9: {  	s18 =	sld [smem:$0x3FFB];
	_ =	sdelay $0x3  }
0xa: {  	_ =	strace s18  }
0xb: {  	s1 =	sld [smem:$0x3FFC];
	_ =	sdelay $0x3  }
0xc: {  	_ =	strace s1  }
0xd: {  	s1 =	sld [smem:$0x3FFD];
	_ =	sdelay $0x3  }
0xe: {  	_ =	strace s1  }
0xf: {  	_ =	strace $0x8FFFFFFF  }
0x10: {  	s19 =	sld [smem:$0x3FDB];
	_ =	sdelay $0x1  }
0x11: {  	s20 =	simm.s32 $_scs_section_size  }
0x12: {  	s4 =	simm.s32 $_size__tile_overlayer_lowered;
	s5 =	simm.s32 $_tile_overlayer_lowered  }
0x13: {  	s23 =	simm.s32 $0x1BFF;
	s22 =	sshll.u32 s5, $0x1;
	s1 =	sadd.s32 s20, s19  }
0x14: {  	s6 =	simm.s32 $0x0;
	s21 =	sshll.u32 s4, $0x1;
	s4 =	sadd.s32 s22, s1  }
0x15: {  	[timem:s6], [sflag:s23] =	dma.local [hbm:s4], s21  }
0x16: {  	_ =	swait.ge [sflag:s23], s21  }
0x17: {  	s2 =	ssub.s32 $0x0, s21;
	[sflag:s23] =	ssyncset.done $0x0  }
0x18: {  	[sflag:s23] =	ssyncadd.s32 s2;
	_ =	sdelay $0x1  }
0x19: {  	s24 =	simm.s32 $0x1B8B  }
0x1a: {  	_ =	swait.ge [sflag:s24], $0x1  }
0x1b: {  	[sflag:s24] =	ssyncset.done $0x0  }
0x1c: {  	s26 =	simm.s32 $0x1B8E;
	s25 =	sld [smem:$0x3FFE];
	[sflag:s24] =	ssyncadd.s32 $0xFFFFFFFF  }
0x1d: {  	s27 =	simm.s32 $execute0_lowered;
	[smem:$0x3FD2] =	sst s26  }
0x1e: {  	s4 =	sshll.u32 s27, $0x1;
	_ =	strace $0x80000055;
	[dreg:$0x1] =	wrdreg $0xFFFFFFFF  }
0x1f: {  	s28 =	simm.s32 $_size_execute0_lowered;
	s1 =	sadd.s32 s1, s4;
	[dreg:$0x0] =	wrdreg $0x0  }
0x20: {  	s4 =	sshll.u32 s28, $0x1;
	[dreg:$0x2] =	wrdreg s1  }
0x21: {  	[dreg:$0x3] =	wrdreg s4  }
0x22: {  	[dreg:$0x4] =	wrdreg $0xC0  }
0x23: {  	_ =	task [dreg:s6], $0x5FFFF  }
0x24: {  	[dreg:$0x1] =	wrdreg $0xFFFFFFFF  }
0x25: {  	[dreg:$0x0] =	wrdreg $0x60  }
0x26: {  	[dreg:$0x2] =	wrdreg s25  }
0x27: {  	[dreg:$0x3] =	wrdreg $0xA  }
0x28: {  	_ =	task.clear_ibuf [dreg:s6], $0x4FFFF;
	_ =	strace $0x90000055  }
0x29: {  	s29 =	simm.s32 $0xA;
	_ =	strace $0x80000057  }
0x2a: {  	_ =	swait.ge [sflag:s29], $0x1  }
0x2b: {  	[sflag:s29] =	ssyncadd.s32 $0xFFFFFFFF  }
0x2c: {  	_ =	strace $0x90000057  }
0x2d: {  	_ =	sfence  }
0x2e: {  	s30 =	sld [smem:$0x0];
	_ =	sdelay $0x2  }
0x2f: {  	s31 =	sshll.u32 s3, $0xD;
	s3 =	sshrl.u32 s3, $0x2  }
0x30: {  	s2 =	sand.u32 $0x4000, s31;
	s1 =	sadd.s32 s3, s30  }
0x31: {  	s0 =	sor.u32 s2, s0;
	s1 =	sshll.u32 s1, $0x11  }
0x32: {  	s0 =	sor.u32 s1, s0  }
0x33: {  	s0 =	sadd.s32 $0x8F2B, s0  }
0x34: {  	[sflag:s0] =	ssyncadd.remote.s32 $0x1  }
0x35: {  	_ =	sfence.sel $0xFFFF  }
0x36: {  	[dreg:$0x0] =	wrdreg $0xFFFFFFFF;
	(pc) =	sbr.abs _section_cstart, $3  }
0x37: {  	[dreg:$0x1] =	wrdreg $0xFFFFFFFF  }
0x38: {  	_ =	task.clear_ibuf [dreg:s6], $0x2FFFF;
	_ =	strace $0x9FFFFFFF  }
0x39: {  	(tm) =	ssettm $0x7FFFFFFF  }
tec
execute0_lowered:
.L_overlay_start_1:
0x0: {  	(tag) =	ssettag $0x1  }
0x1: {  	s0 =	stileid.u32  }
0x2: {  	s1 =	srdreg.scid;
	s7 =	rddreg [dreg:$0x0];
	s31 =	simm.s32 $0x2  }
0x3: {  	s16 =	simm.s32 $0x0;
	p0 =	por $0x0, $0x0;
	s9 =	simm.s32 $0x800  }
0x4: {  	s15 =	simm.s32 $0x0;
	s10 =	simm.s32 $0x0;
	s11 =	simm.s32 $0x0  }
0x5: {  	s2 =	sshll.u32 s0, $0x7;
	s3 =	sshll.u32 s0, $0x6;
	s1 =	sshll.u32 s1, $0xA  }
0x6: {  	s14 =	simm.s32 $0x0;
	s2 =	sand.u32 $0x80, s2;
	s1 =	sor.u32 s3, s1  }
0x7: {  	s3 =	sand.u32 $0x780, s1;
	s4 =	ssub.s32 $0x100, s2;
	s1 =	rddreg [dreg:$0x1]  }
0x8: {  	s5 =	sshrl.u32 s4, $0x7;
	s6 =	ssub.s32 $0x29800, s3;
	s4 =	sshrl.u32 s4, $0x8  }
.Ltmp0:
0x9: {  	s5 =	sand.u32 $0x1, s5;
	s6 =	sshrl.u32 s6, $0xB;
	(pc) =	sbr.rel .LBB1_1-.Ltmp0, $4  }
0xa: {  	_ =	strace $0x80000056;
	s8 =	sadd.s32 s4, s5;
	s6 =	sadd.s32 $0x1, s6  }
0xb: {  	s13 =	smov.u32 s2;
	s5 =	simm.s32 $0x1;
	s6 =	smul.u32 s8, s6  }
0xc: {  	s12 =	smov.u32 s3;
	s4 =	sadd.s32 $0xD60000, s7;
	[sflag:s5] =	ssyncpa.u1 $0x0  }
0xd: {  	s7 =	sadd.s32 $0x1291000, s7;
	[sflag:s31] =	ssyncpa.u1 $0x0;
	s8 =	sadd.s32 $0x1, s6  }
.LBB1_4:
0xe: {  	s21 =	sshra.s32 s21, $0x2;
	s22 =	sshll.u32 s10, $0x8  }
0xf: {  	s23 =	sshll.u32 s11, $0x3;
	s24 =	sshll.u32 s10, $0x7;
	s27 =	sand.u32 $0x78, s11  }
0x10: {  	p1 =	sgt.s32 s10, $0x29790;
	s22 =	sand.u32 $0xFFFFF800, s22;
	s23 =	sand.u32 $0xFFFFFC00, s23  }
0x11: {  	s20 =	sadd.s32 s21, s20;
	s26 =	sand.u32 $0x300, s24;
	s28 =	sand.u32 $0x80, s24  }
0x12: {  	v5 =	vld [tilespmem:s18+$0xFFFFFFD0];
	[tilespmem:s19+$0x2040 ss:$0x81] =	vst.msk $0xffff, v4;
	s25 =	sadd.s32 s23, s22;
	s22 =	sor.u32 s27, s28;
	s23 =	smov.u32 s10  }
0x13: {  	v58 =	vld [tilespmem:s18+$0xFFFFFFE0];
	[tilespmem:s19+$0x2850 ss:$0x81] =	vst.msk $0xffff, v3;
	s21 =	sor.u32 s26, s25;
	s23 =	simm.s32 @!p1 $0x29790;
	s25 =	sshra.s32 s10, $0x1F  }
0x14: {  	v59 =	vld [tilespmem:s18+$0xFFFFFFF0];
	[tilespmem:s19+$0x3060 ss:$0x81] =	vst.msk $0xffff, v2;
	p1 =	sgt.s32 s11, $0x80;
	s26 =	sshra.s32 s11, $0x1F;
	s21 =	sshrl.u32 s21, $0x8  }
0x15: {  	v60 =	vld [tilespmem:s18+$0x0];
	[tilespmem:s19+$0x0 ss:$0x81] =	vst.msk $0xffff, v1;
	s30 =	sand.u32 s25, s10;
	s25 =	smov.u32 s11;
	s31 =	sand.u32 s26, s11  }
0x16: {  	v61 =	vld [tilespmem:s18+$0x10];
	[tilespmem:s20+$0x3870 ss:$0x81] =	vst.msk $0xffff, v0;
	s29 =	smulhi.u32 $0xC56107, s21;
	s19 =	ssub.s32 s23, s30;
	s25 =	simm.s32 @!p1 $0x80  }
0x17: {  	v62 =	vld [tilespmem:s18+$0x20];
	[tilespmem:s20+$0x810 ss:$0x81] =	vst.msk $0xffff, v5;
	s23 =	ssub.s32 s25, s31;
	s26 =	sadd.s32 $0xFFFD6870, s19;
	s19 =	ssub.s32 $0x29810, s19  }
0x18: {  	v63 =	vld [tilespmem:s18+$0xFFFFFFC0];
	[tilespmem:s20+$0x1020 ss:$0x81] =	vst.msk $0xffff, v58;
	s24 =	sshrl.u32 s29, $0x9;
	p1 =	sgt.s32 s26, $0x7F;
	s28 =	sadd.s32 $0xFFFFFF80, s23  }
0x19: {  	[tilespmem:s20+$0x1830 ss:$0x81] =	vst.msk $0xffff, v59;
	s23 =	ssub.s32 $0x100, s23;
	s27 =	smul.u32 $0x29810, s24;
	p2 =	sgt.s32 s28, $0x7F  }
0x1a: {  	[tilespmem:s20+$0x2040 ss:$0x81] =	vst.msk $0xffff, v60;
	s30 =	sand.u32 $0x7, s11;
	s19 =	simm.s32 @p1 $0x0;
	s23 =	simm.s32 @p2 $0x0  }
0x1b: {  	[tilespmem:s20+$0x2850 ss:$0x81] =	vst.msk $0xffff, v61;
	s29 =	sshrl.u32 s22, $0x3;
	s18 =	ssub.s32 s21, s27;
	s19 =	smul.u32 s23, s19  }
0x1c: {  	[tilespmem:s20+$0x3060 ss:$0x81] =	vst.msk $0xffff, v62;
	s22 =	sshll.u32 s30, $0x12;
	s21 =	sadd.s32 s7, s29;
	s18 =	sshll.u32 s18, $0x5  }
0x1d: {  	[tilespmem:s20+$0x0 ss:$0x81] =	vst.msk $0xffff, v63;
	s31 =	sor.u32 $0x400, s22;
	s19 =	sand.u32 $0x3FFFFFFF, s19;
	s18 =	sadd.s32 s18, s21  }
0x1e: {  	[hbm4b:s18+s31] =	stream.strided.scatter [tilespmem:s17], [sflag:$0x2], s19, s9, s31, $0x20;
	[tilespmem:$0x10100] =	vst v63  }
.LBB1_5:
0x1f: {  	p1 =	slt.u32 s14, $0x2  }
0x20: {  	s18 =	smov.u32 s16;
	p2 =	sgt.s32 @!p1 s16, $0x29790;
	s17 =	sshra.s32 @!p1 s16, $0x1F  }
0x21: {  	p3 =	sgt.s32 @!p1 s15, $0x80;
	s19 =	sshra.s32 @!p1 s15, $0x1F;
	p2 =	por !p2, p1  }
0x22: {  	s16 =	sand.u32 @!p1 s17, s16;
	p3 =	por !p3, p1;
	s17 =	smov.u32 s15  }
0x23: {  	s15 =	sand.u32 @!p1 s19, s15;
	s18 =	simm.s32 @p2 $0x29790;
	s17 =	simm.s32 @p3 $0x80  }
0x24: {  	s16 =	ssub.s32 @!p1 s18, s16;
	s15 =	ssub.s32 @!p1 s17, s15  }
0x25: {  	s19 =	smov.u32 s13;
	s17 =	sadd.s32 @!p1 $0xFFFD6870, s16;
	s18 =	sadd.s32 @!p1 $0xFFFFFF80, s15  }
0x26: {  	s16 =	ssub.s32 @!p1 $0x29810, s16;
	p2 =	sgt.s32 @!p1 s17, $0x7F;
	p3 =	sgt.s32 @!p1 s18, $0x7F  }
0x27: {  	s15 =	ssub.s32 @!p1 $0x100, s15;
	p2 =	por !p2, p1;
	p3 =	por !p3, p1  }
0x28: {  	s17 =	sadd.s32 $0x800, s12;
	s16 =	simm.s32 @!p2 $0x0;
	s15 =	simm.s32 @!p3 $0x0  }
0x29: {  	p2 =	sgt.s32 s17, $0x2980F;
	s15 =	smul.u32 @!p1 s15, s16;
	s16 =	sadd.s32 $0x100, s13  }
0x2a: {  	s19 =	smov.u32 @p2 s16  }
0x2b: {  	s17 =	smov.u32 @p2 s3;
	p2 =	sgt.s32 s19, $0xFF  }
0x2c: {  	s19 =	smov.u32 @p2 s2;
	p2 =	sne.s32 s14, s8  }
.Ltmp1:
0x2d: {  	p0 =	por !p0, !p0;
	s18 =	simm.s32 @!p1 $0x2;
	(pc) =	sbr.rel @!p2 .LBB1_6-.Ltmp1, $4  }
0x2e: {  	s16 =	smov.u32 s10;
	s10 =	smov.u32 s12;
	s15 =	sand.u32 @!p1 $0x3FFFFFFF, s15  }
0x2f: {  	s12 =	smov.u32 s17;
	_ =	swait.ge @!p1 [sflag:s18], s15;
	s20 =	ssub.s32 @!p1 $0x0, s15  }
0x30: {  	s15 =	smov.u32 s11;
	s14 =	sadd.s32 $0x1, s14;
	[sflag:s18] =	ssyncset.done @!p1 $0x0  }
0x31: {  	s11 =	smov.u32 s13;
	s13 =	smov.u32 s19;
	[sflag:s18] =	ssyncadd.s32 @!p1 s20  }
.LBB1_1:
0x32: {  	p1 =	sge.u32 s14, s6  }
0x33: {  	s17 =	sshrl.u32 @!p1 s13, $0x3  }
0x34: {  	s18 =	sshll.u32 @!p1 s12, $0x3;
	s17 =	smul.u32 @!p1 $0x14C400, s17  }
0x35: {  	s19 =	sshll.u32 @!p1 s13, $0x7;
	s18 =	sand.u32 @!p1 $0xFFFFFC00, s18  }
0x36: {  	s17 =	sadd.s32 @!p1 s17, s18;
	s18 =	sand.u32 @!p1 $0x380, s19  }
0x37: {  	s17 =	sor.u32 @!p1 s18, s17  }
0x38: {  	s18 =	sshrl.u32 @!p1 s17, $0x7  }
0x39: {  	s18 =	smulhi.u32 @!p1 $0x18A7F85, s18;
	_ =	sdelay $0x1  }
0x3a: {  	s18 =	sshrl.u32 @!p1 s18, $0x3  }
0x3b: {  	s19 =	sand.u32 @!p1 $0x7F, s12;
	s20 =	smul.u32 @!p1 $0x29880, s18  }
0x3c: {  	s31 =	sadd.s32 $0xFFFFFFFF, s14;
	s17 =	sor.u32 @!p1 s19, s17;
	s19 =	sxor.u32 @!p1 $0xFFFFFFFF, s14  }
0x3d: {  	s19 =	sshll.u32 @!p1 s19, $0xE;
	s18 =	sand.u32 @!p1 $0xFF, s18;
	s17 =	ssub.s32 @!p1 s17, s20  }
0x3e: {  	s18 =	smul.u32 @!p1 $0x5310, s18;
	s20 =	sshrl.u32 @!p1 s17, $0x3;
	s17 =	sand.u32 @!p1 $0x7, s17  }
0x3f: {  	s19 =	sand.u32 @!p1 $0x4000, s19;
	s20 =	sadd.s32 @!p1 s4, s20;
	s17 =	sshll.u32 @!p1 s17, $0x12  }
0x40: {  	s18 =	sadd.s32 @!p1 s18, s20;
	s17 =	sor.u32 @!p1 $0x400, s17;
	s20 =	simm.s32 @!p1 $0x14C400  }
0x41: {  	[tilespmem:s19], [sflag:$0x1] =	stream.strided.gather @!p1 [hbm4b:s18+s17], $0x4000, s20, s17, $0x38;
	[tilespmem:$0x10100] =	vst v63  }
0x42: {  	p1 =	sge.u32 s31, s6  }
.Ltmp2:
0x43: {  	_ = 	snop;
	(pc) =	sbr.rel @p1 .LBB1_5-.Ltmp2, $1  }
0x44: {  	_ =	sdelay $0x3  }
0x45: {  	s17 =	simm.s32 $0x1  }
0x46: {  	_ =	swait.ge [sflag:s5], $0x4000;
	s17 =	simm.s32 @!p0 $0x0  }
0x47: {  	[sflag:s5] =	ssyncset.done $0x0;
	s18 =	sshll.u32 s17, $0xE  }
0x48: {  	[sflag:s5] =	ssyncadd.s32 $0xFFFFC000;
	s18 =	sor.u32 $0x40, s18  }
0x49: {  	s17 =	smul.u32 $0x10200, s17;
	v0 =	vld [tilespmem:s18+$0x30]  }
0x4a: {  	v1 =	vld [tilespmem:s18+$0xFFFFFFD0]  }
0x4b: {  	s17 =	sshrl.u32 s17, $0x2;
	v5 =	vld [tilespmem:s18+$0xFFFFFFE0]  }
0x4c: {  	v6 =	vld [tilespmem:s18+$0xFFFFFFF0];
	s20 =	sor.u32 $0x8000, s17  }
0x4d: {  	s31 =	sand.u32 $0x1, s14;
	v4 =	vld [tilespmem:s18+$0x0];
	s19 =	sadd.s32 $0x0, s20  }
0x4e: {  	v3 =	vld [tilespmem:s18+$0x10];
	s17 =	smul.u32 $0x10200, s31;
	[tilespmem:s19+$0x3870 ss:$0x81] =	vst.msk $0xffff, v0  }
0x4f: {  	v2 =	vld [tilespmem:s18+$0x20];
	[tilespmem:s19+$0x810 ss:$0x81] =	vst.msk $0xffff, v1  }
0x50: {  	s17 =	sshrl.u32 s17, $0x2;
	v1 =	vld [tilespmem:s18+$0xFFFFFFC0];
	[tilespmem:s19+$0x1020 ss:$0x81] =	vst.msk $0xffff, v5;
	s18 =	sadd.s32 $0x80, s18  }
0x51: {  	s21 =	simm.s32 $0x4;
	s22 =	simm.s32 $0x8;
	s17 =	sor.u32 $0x8000, s17;
	[tilespmem:s19+$0x1830 ss:$0x81] =	vst.msk $0xffff, v6;
	v0 =	vld [tilespmem:s18+$0x30]  }
.LBB1_3:
0x52: {  	p1 =	sne.s32 s22, $0x1FC;
	v5 =	vld [tilespmem:s18+$0xFFFFFFD0];
	[tilespmem:s19+$0x2040 ss:$0x81] =	vst.msk $0xffff, v4  }
0x53: {  	v6 =	vld [tilespmem:s18+$0xFFFFFFE0];
	[tilespmem:s19+$0x2850 ss:$0x81] =	vst.msk $0xffff, v3  }
0x54: {  	s23 =	sshra.s32 s21, $0x2;
	s21 =	smov.u32 s22;
	v7 =	vld [tilespmem:s18+$0xFFFFFFF0];
	[tilespmem:s19+$0x3060 ss:$0x81] =	vst.msk $0xffff, v2  }
.Ltmp3:
0x55: {  	v4 =	vld [tilespmem:s18+$0x0];
	[tilespmem:s19+$0x0 ss:$0x81] =	vst.msk $0xffff, v1;
	s19 =	sadd.s32 s23, s20;
	(pc) =	sbr.rel @p1 .LBB1_3-.Ltmp3, $4  }
0x56: {  	v3 =	vld [tilespmem:s18+$0x10];
	[tilespmem:s19+$0x3870 ss:$0x81] =	vst.msk $0xffff, v0  }
0x57: {  	[tilespmem:s19+$0x810 ss:$0x81] =	vst.msk $0xffff, v5;
	v2 =	vld [tilespmem:s18+$0x20]  }
0x58: {  	v1 =	vld [tilespmem:s18+$0xFFFFFFC0];
	[tilespmem:s19+$0x1020 ss:$0x81] =	vst.msk $0xffff, v6;
	s18 =	sadd.s32 $0x80, s18  }
0x59: {  	s22 =	sadd.s32 $0x4, s22;
	v0 =	vld [tilespmem:s18+$0x30];
	[tilespmem:s19+$0x1830 ss:$0x81] =	vst.msk $0xffff, v7  }
.Ltmp4:
0x5a: {  	_ = 	snop;
	(pc) =	sbr.rel .LBB1_4-.Ltmp4, $1  }
0x5b: {  	_ =	sdelay $0x3  }
.LBB1_6:
0x5c: {  	_ =	sfence.sel $0x180000  }
0x5d: {  	s2 =	simm.s32 $0x1;
	[bflag:$0x0] =	sbarrier.arrive $0xFFFF  }
0x5e: {  	s31 =	simm.s32 $0x2;
	[sflag:s2] =	ssyncpa.u1 $0x1  }
0x5f: {  	[sflag:s31] =	ssyncpa.u1 $0x1  }
0x60: {  	p0 =	sne.s32 s0, $0x0;
	_ =	strace $0x90000056  }
0x61: {  	s0 =	sadd.s32 @!p0 $0x100000, s1;
	[bflag:$0x2] =	sbarrier.arrive $0xFFFF  }
0x62: {  	[sflag:s0] =	ssyncadd.tile.s32 @!p0 $0x1;
	_ =	shalt  }
.Lfunc_end1:
_tile_overlayer_lowered:
.L_overlay_start_2:
0x63: {  	(tag) =	ssettag $0x2  }
0x64: {  	s0 =	rddreg [dreg:$0x0];
	s2 =	stileid.u32  }
0x65: {  	s1 =	rddreg [dreg:$0x1];
	p0 =	sne.s32 s2, $0x0  }
0x66: {  	s3 =	rddreg [dreg:$0x2];
	[bflag:$0x3] =	sbarrier.arrive $0xFFFF;
	s2 =	simm.s32 @!p0 $0x1C01  }
0x67: {  	[timem:s3], [sflag:s2] =	dma.local @!p0 [hbm:s0], s1  }
0x68: {  	s0 =	simm.s32 @!p0 $0x1  }
0x69: {  	_ =	swait.ge @!p0 [sflag:s0], s1  }
0x6a: {  	s1 =	ssub.s32 @!p0 $0x0, s1;
	[sflag:s0] =	ssyncset.done @!p0 $0x0  }
0x6b: {  	[sflag:s0] =	ssyncadd.s32 @!p0 s1  }
0x6c: {  	[bflag:$0x3] =	sbarrier.arrive $0xFFFF  }
0x6d: {  	_ =	shalt  }

</sc_bundles>
